<compile_context>
chip_gen: v7x
topology: tpu7x:2x2x1
jax: 0.10.2.dev20260603
libtpu: 0.0.44.dev20260713+nightly
codegen_flags: <defaults>
</compile_context>

<pallas_src>
import functools

import jax
import jax.numpy as jnp
from jax import lax
from jax.experimental import pallas as pl
from jax.experimental.pallas import tpu as pltpu
from jax.experimental.pallas import tpu_sc as plsc

NU, NI, E, D, H, OUTD = 10000, 10000, 320000, 128, 128, 16
NA = NU + NI
NC, NS = 2, 16
EW = E // NS
CHUNK = 128
NCH = 156
TAILE = EW - NCH * CHUNK
RPT = 624
TAIL0 = NS * RPT


def _agg_body(*refs, gather):
    if gather:
        (h_hbm, src_hbm, dst_hbm, out_sum,
         src_a, src_b, dst_a, dst_b, src_t, dst_t, rows_a, rows_b, acc_sh,
         sem_ga, sem_gb, sem_sa, sem_sb, sem_ia, sem_ib) = refs
    else:
        (dst_hbm, out_sum,
         dst_a, dst_b, dst_t, rows_a, ones_v, acc_sh,
         sem_sa, sem_sb, sem_ia, sem_ib) = refs
    c = lax.axis_index("c")
    s = lax.axis_index("s")
    r0 = pl.multiple_of(s * RPT, 8)
    tb = pl.multiple_of(TAIL0 + (s % 2) * 8, 8)

    z16 = jnp.zeros((16,), jnp.float32)
    one16 = jnp.ones((16,), jnp.float32)

    def fill(i, carry):
        for j in range(H // 16):
            rows_a[i, pl.ds(j * 16, 16)] = z16
            if not gather:
                ones_v[i, pl.ds(j * 16, 16)] = one16
        return carry
    lax.fori_loop(0, CHUNK, fill, None)

    for t in range(4):
        pltpu.sync_copy(rows_a, acc_sh.at[pl.ds(r0 + t * CHUNK, CHUNK)])
    pltpu.sync_copy(rows_a.at[pl.ds(0, 112)], acc_sh.at[pl.ds(r0 + 512, 112)])
    pltpu.sync_copy(rows_a.at[pl.ds(0, 8)], acc_sh.at[pl.ds(tb, 8)])
    plsc.subcore_barrier()

    ebase = (c * NS + s) * EW

    def ia_start(k):
        base = pl.multiple_of(ebase + k * CHUNK, 8)
        if gather:
            pltpu.async_copy(src_hbm.at[pl.ds(base, CHUNK)], src_a, sem_ia)
        pltpu.async_copy(dst_hbm.at[pl.ds(base, CHUNK)], dst_a, sem_ia)

    def ib_start(k):
        base = pl.multiple_of(ebase + k * CHUNK, 8)
        if gather:
            pltpu.async_copy(src_hbm.at[pl.ds(base, CHUNK)], src_b, sem_ib)
        pltpu.async_copy(dst_hbm.at[pl.ds(base, CHUNK)], dst_b, sem_ib)

    def ia_wait():
        if gather:
            pltpu.make_async_copy(src_hbm.at[pl.ds(0, CHUNK)], src_a,
                                  sem_ia).wait()
        pltpu.make_async_copy(dst_hbm.at[pl.ds(0, CHUNK)], dst_a,
                              sem_ia).wait()

    def ib_wait():
        if gather:
            pltpu.make_async_copy(src_hbm.at[pl.ds(0, CHUNK)], src_b,
                                  sem_ib).wait()
        pltpu.make_async_copy(dst_hbm.at[pl.ds(0, CHUNK)], dst_b,
                              sem_ib).wait()

    ga_start = lambda: pltpu.async_copy(h_hbm.at[src_a], rows_a, sem_ga)
    gb_start = lambda: pltpu.async_copy(h_hbm.at[src_b], rows_b, sem_gb)
    ga_wait = lambda: pltpu.make_async_copy(h_hbm.at[src_a], rows_a,
                                            sem_ga).wait()
    gb_wait = lambda: pltpu.make_async_copy(h_hbm.at[src_b], rows_b,
                                            sem_gb).wait()
    upd_a = rows_a if gather else ones_v
    upd_b = rows_b if gather else ones_v
    sa_start = lambda: pltpu.async_copy(upd_a, acc_sh.at[dst_a], sem_sa,
                                        add=True)
    sb_start = lambda: pltpu.async_copy(upd_b, acc_sh.at[dst_b], sem_sb,
                                        add=True)
    sa_wait = lambda: pltpu.make_async_copy(upd_a, acc_sh.at[dst_a],
                                            sem_sa).wait()
    sb_wait = lambda: pltpu.make_async_copy(upd_b, acc_sh.at[dst_b],
                                            sem_sb).wait()

    ia_start(0)
    ib_start(1)
    ia_wait()
    if gather:
        ga_start()
        ga_wait()
    sa_start()
    ib_wait()
    if gather:
        gb_start()
    sa_wait()
    ia_start(2)
    if gather:
        gb_wait()
    sb_start()

    def pair(g, carry):
        k = 2 * g
        ia_wait()
        if gather:
            ga_start()
            ga_wait()
        sb_wait()
        sa_start()
        ib_start(k + 1)
        ib_wait()
        if gather:
            gb_start()
        sa_wait()
        ia_start(k + 2)
        if gather:
            gb_wait()
        sb_start()
        return carry
    lax.fori_loop(1, NCH // 2 - 1, pair, None)

    ia_wait()
    if gather:
        ga_start()
        ga_wait()
    sb_wait()
    sa_start()
    ib_start(NCH - 1)
    ib_wait()
    if gather:
        gb_start()
    sa_wait()
    tbase = pl.multiple_of(ebase + NCH * CHUNK, 8)
    if gather:
        pltpu.sync_copy(src_hbm.at[pl.ds(tbase, TAILE)], src_t)
    pltpu.sync_copy(dst_hbm.at[pl.ds(tbase, TAILE)], dst_t)
    if gather:
        pltpu.sync_copy(h_hbm.at[src_t], rows_a.at[pl.ds(0, TAILE)])
        gb_wait()
    sb_start()
    upd_t = rows_a.at[pl.ds(0, TAILE)] if gather else ones_v.at[pl.ds(0, TAILE)]
    pltpu.sync_copy(upd_t, acc_sh.at[dst_t], add=True)
    sb_wait()
    plsc.subcore_barrier()

    for t in range(4):
        o = pl.multiple_of(r0 + t * CHUNK, 8)
        pltpu.sync_copy(acc_sh.at[pl.ds(o, CHUNK)], rows_a)
        pltpu.sync_copy(rows_a, out_sum.at[c, pl.ds(o, CHUNK)])
    o = pl.multiple_of(r0 + 512, 8)
    pltpu.sync_copy(acc_sh.at[pl.ds(o, 112)], rows_a.at[pl.ds(0, 112)])
    pltpu.sync_copy(rows_a.at[pl.ds(0, 112)], out_sum.at[c, pl.ds(o, 112)])
    pltpu.sync_copy(acc_sh.at[pl.ds(tb, 8)], rows_a.at[pl.ds(0, 8)])
    pltpu.sync_copy(rows_a.at[pl.ds(0, 8)], out_sum.at[c, pl.ds(tb, 8)])


def _merged_body(h_hbm, src_hbm, dst_hbm, out_cnt, out_sum,
                 src_a, src_b, dst_a, dst_b, src_t, dst_t,
                 rows_a, rows_b, ones_v, acc_sh,
                 sem_ga, sem_gb, sem_sa, sem_sb, sem_ia, sem_ib):
    _agg_body(dst_hbm, out_cnt, dst_a, dst_b, dst_t, rows_a, ones_v, acc_sh,
              sem_sa, sem_sb, sem_ia, sem_ib, gather=False)
    plsc.subcore_barrier()
    _agg_body(h_hbm, src_hbm, dst_hbm, out_sum,
              src_a, src_b, dst_a, dst_b, src_t, dst_t, rows_a, rows_b,
              acc_sh, sem_ga, sem_gb, sem_sa, sem_sb, sem_ia, sem_ib,
              gather=True)


def _make_merged():
    mesh = plsc.VectorSubcoreMesh(core_axis_name="c", subcore_axis_name="s")
    scratch = [
        pltpu.VMEM((CHUNK,), jnp.int32),
        pltpu.VMEM((CHUNK,), jnp.int32),
        pltpu.VMEM((CHUNK,), jnp.int32),
        pltpu.VMEM((CHUNK,), jnp.int32),
        pltpu.VMEM((TAILE,), jnp.int32),
        pltpu.VMEM((TAILE,), jnp.int32),
        pltpu.VMEM((CHUNK, H), jnp.float32),
        pltpu.VMEM((CHUNK, H), jnp.float32),
        pltpu.VMEM((CHUNK, H), jnp.float32),
        pltpu.VMEM_SHARED((NU, H), jnp.float32),
        pltpu.SemaphoreType.DMA,
        pltpu.SemaphoreType.DMA,
        pltpu.SemaphoreType.DMA,
        pltpu.SemaphoreType.DMA,
        pltpu.SemaphoreType.DMA,
        pltpu.SemaphoreType.DMA,
    ]
    return pl.kernel(
        _merged_body,
        mesh=mesh,
        out_type=(jax.ShapeDtypeStruct((NC, NU, H), jnp.float32),
                  jax.ShapeDtypeStruct((NC, NU, H), jnp.float32)),
        scratch_types=scratch,
    )


def _make_agg(gather):
    mesh = plsc.VectorSubcoreMesh(core_axis_name="c", subcore_axis_name="s")
    if gather:
        scratch = [
            pltpu.VMEM((CHUNK,), jnp.int32),
            pltpu.VMEM((CHUNK,), jnp.int32),
            pltpu.VMEM((CHUNK,), jnp.int32),
            pltpu.VMEM((CHUNK,), jnp.int32),
            pltpu.VMEM((TAILE,), jnp.int32),
            pltpu.VMEM((TAILE,), jnp.int32),
            pltpu.VMEM((CHUNK, H), jnp.float32),
            pltpu.VMEM((CHUNK, H), jnp.float32),
            pltpu.VMEM_SHARED((NU, H), jnp.float32),
            pltpu.SemaphoreType.DMA,
            pltpu.SemaphoreType.DMA,
            pltpu.SemaphoreType.DMA,
            pltpu.SemaphoreType.DMA,
            pltpu.SemaphoreType.DMA,
            pltpu.SemaphoreType.DMA,
        ]
    else:
        scratch = [
            pltpu.VMEM((CHUNK,), jnp.int32),
            pltpu.VMEM((CHUNK,), jnp.int32),
            pltpu.VMEM((TAILE,), jnp.int32),
            pltpu.VMEM((CHUNK, H), jnp.float32),
            pltpu.VMEM((CHUNK, H), jnp.float32),
            pltpu.VMEM_SHARED((NU, H), jnp.float32),
            pltpu.SemaphoreType.DMA,
            pltpu.SemaphoreType.DMA,
            pltpu.SemaphoreType.DMA,
            pltpu.SemaphoreType.DMA,
        ]
    return pl.kernel(
        functools.partial(_agg_body, gather=gather),
        mesh=mesh,
        out_type=jax.ShapeDtypeStruct((NC, NU, H), jnp.float32),
        scratch_types=scratch,
    )



_RB = 1000
_NBU = NU // _RB


def _enc_kernel(x_ref, w_ref, b_ref, o_ref):
    o_ref[...] = jnp.maximum(
        jnp.dot(x_ref[...], w_ref[0], preferred_element_type=jnp.float32)
        + b_ref[0], 0.0)


def _encode(x_all, w_st, b_st):
    return pl.pallas_call(
        _enc_kernel,
        grid=(NA // _RB,),
        in_specs=[
            pl.BlockSpec((_RB, D), lambda i: (i, 0)),
            pl.BlockSpec((1, D, H), lambda i: (i // _NBU, 0, 0)),
            pl.BlockSpec((1, 1, H), lambda i: (i // _NBU, 0, 0)),
        ],
        out_specs=pl.BlockSpec((_RB, H), lambda i: (i, 0)),
        out_shape=jax.ShapeDtypeStruct((NA, H), jnp.float32),
    )(x_all, w_st, b_st)


def _sage_common(sum_ref, cnt_ref, hall_ref, wl_ref, bl_ref, wr_ref):
    cblk = cnt_ref[0, :, 0:1]
    mean = sum_ref[0] / jnp.maximum(cblk, 1.0)
    hall = hall_ref[...]
    out = (jnp.dot(mean, wl_ref[0], preferred_element_type=jnp.float32)
           + bl_ref[0]
           + jnp.dot(hall, wr_ref[0], preferred_element_type=jnp.float32))
    nrm = jnp.sqrt(jnp.sum(out * out, axis=-1, keepdims=True))
    out = out / jnp.maximum(nrm, 1e-12)
    return jnp.maximum(out, 0.0) + hall


def _sage_kernel(sum_ref, cnt_ref, hall_ref, wl_ref, bl_ref, wr_ref, o_ref):
    o_ref[...] = _sage_common(sum_ref, cnt_ref, hall_ref, wl_ref, bl_ref,
                              wr_ref)


def _sage_finish(sums, cnts, h_all, wl_st, bl_st, wr_st):
    return pl.pallas_call(
        _sage_kernel,
        grid=(NA // _RB,),
        in_specs=[
            pl.BlockSpec((1, _RB, H), lambda i: (i // _NBU, i % _NBU, 0)),
            pl.BlockSpec((1, _RB, H), lambda i: (i // _NBU, i % _NBU, 0)),
            pl.BlockSpec((_RB, H), lambda i: (i, 0)),
            pl.BlockSpec((1, H, H), lambda i: (i // _NBU, 0, 0)),
            pl.BlockSpec((1, 1, H), lambda i: (i // _NBU, 0, 0)),
            pl.BlockSpec((1, H, H), lambda i: (i // _NBU, 0, 0)),
        ],
        out_specs=pl.BlockSpec((_RB, H), lambda i: (i, 0)),
        out_shape=jax.ShapeDtypeStruct((NA, H), jnp.float32),
    )(sums, cnts, h_all, wl_st, bl_st, wr_st)


def _sage_head_kernel(sum_ref, cnt_ref, hall_ref, wl_ref, bl_ref, wr_ref,
                      w1_ref, b1_ref, w2_ref, b2_ref, o_ref):
    h_new = _sage_common(sum_ref, cnt_ref, hall_ref, wl_ref, bl_ref, wr_ref)
    z = jnp.maximum(
        jnp.dot(h_new, w1_ref[...], preferred_element_type=jnp.float32)
        + b1_ref[...], 0.0)
    o_ref[...] = (jnp.dot(z, w2_ref[...], preferred_element_type=jnp.float32)
                  + b2_ref[...])


def _sage_head(sums, cnts, h_all, wl_st, bl_st, wr_st, w1, b1, w2, b2):
    hh = w1.shape[1]
    return pl.pallas_call(
        _sage_head_kernel,
        grid=(NA // _RB,),
        in_specs=[
            pl.BlockSpec((1, _RB, H), lambda i: (i // _NBU, i % _NBU, 0)),
            pl.BlockSpec((1, _RB, H), lambda i: (i // _NBU, i % _NBU, 0)),
            pl.BlockSpec((_RB, H), lambda i: (i, 0)),
            pl.BlockSpec((1, H, H), lambda i: (i // _NBU, 0, 0)),
            pl.BlockSpec((1, 1, H), lambda i: (i // _NBU, 0, 0)),
            pl.BlockSpec((1, H, H), lambda i: (i // _NBU, 0, 0)),
            pl.BlockSpec((H, hh), lambda i: (0, 0)),
            pl.BlockSpec((1, hh), lambda i: (0, 0)),
            pl.BlockSpec((hh, OUTD), lambda i: (0, 0)),
            pl.BlockSpec((1, OUTD), lambda i: (0, 0)),
        ],
        out_specs=pl.BlockSpec((_RB, OUTD), lambda i: (i, 0)),
        out_shape=jax.ShapeDtypeStruct((NA, OUTD), jnp.float32),
    )(sums, cnts, h_all, wl_st, bl_st, wr_st,
      w1, b1.reshape(1, hh), w2, b2.reshape(1, OUTD))[:NU]


def kernel(x_user, x_item, edge_index_user_to_item, edge_index_item_to_user,
           enc_user_w, enc_user_b, enc_item_w, enc_item_b,
           u2i_wl0, u2i_bl0, u2i_wr0, i2u_wl0, i2u_bl0, i2u_wr0,
           u2i_wl1, u2i_bl1, u2i_wr1, i2u_wl1, i2u_bl1, i2u_wr1,
           head_w1, head_b1, head_w2, head_b2):
    agg = _make_agg(gather=True)
    merged = _make_merged()

    src_st = jnp.concatenate(
        [edge_index_item_to_user[0] + NU, edge_index_user_to_item[0]])
    dst_st = jnp.concatenate(
        [edge_index_item_to_user[1], edge_index_user_to_item[1]])

    x_all = jnp.concatenate([x_user, x_item])
    enc_w = jnp.stack([enc_user_w, enc_item_w])
    enc_b = jnp.stack([enc_user_b.reshape(1, H), enc_item_b.reshape(1, H)])
    h_all = _encode(x_all, enc_w, enc_b)


    wl0 = jnp.stack([i2u_wl0, u2i_wl0])
    bl0 = jnp.stack([i2u_bl0.reshape(1, H), u2i_bl0.reshape(1, H)])
    wr0 = jnp.stack([i2u_wr0, u2i_wr0])
    wl1 = jnp.stack([i2u_wl1, u2i_wl1])
    bl1 = jnp.stack([i2u_bl1.reshape(1, H), u2i_bl1.reshape(1, H)])
    wr1 = jnp.stack([i2u_wr1, u2i_wr1])

    cnt, sums0 = merged(h_all, src_st, dst_st)
    h_all = _sage_finish(sums0, cnt, h_all, wl0, bl0, wr0)
    sums1 = agg(h_all, src_st, dst_st)
    return _sage_head(sums1, cnt, h_all, wl1, bl1, wr1,
                      head_w1, head_b1, head_w2, head_b2)

# --- scband reference (transcript-rebuilt; emitter-appended) ---
"""Pipeline reference for scband-hetero-gnnmodel-89026082111551 (READ-ONLY COPY).

The authoritative reference and input builder live on the scoring server;
editing this copy changes nothing except your own understanding.
"""

import jax, jax.numpy as jnp
import numpy as np

NU, NI, E, D, H, OUT = 10000, 10000, 320000, 128, 128, 16

def _lin_init(k, fi, fo):
    return (jax.random.normal(k, (fi, fo), dtype=jnp.float32) / np.sqrt(fi)).astype(jnp.float32)

def setup_inputs(seed: int = 0):
    key = jax.random.key(seed)
    ks = jax.random.split(key, 32)
    inp = {}
    inp["x_user"] = jax.random.normal(ks[0], (NU, D), dtype=jnp.float32)
    inp["x_item"] = jax.random.normal(ks[1], (NI, D), dtype=jnp.float32)
    inp["edge_index_user_to_item"] = jax.random.randint(ks[2], (2, E), 0, NI, dtype=jnp.int32)
    inp["edge_index_item_to_user"] = jax.random.randint(ks[3], (2, E), 0, NU, dtype=jnp.int32)
    inp["enc_user_w"] = _lin_init(ks[4], D, H)
    inp["enc_user_b"] = jnp.zeros((H,), jnp.float32)
    inp["enc_item_w"] = _lin_init(ks[5], D, H)
    inp["enc_item_b"] = jnp.zeros((H,), jnp.float32)
    ki = 6
    for l in range(2):
        for et in ("u2i", "i2u"):
            inp[et + "_wl" + str(l)] = _lin_init(ks[ki], H, H); ki += 1
            inp[et + "_bl" + str(l)] = jnp.zeros((H,), jnp.float32)
            inp[et + "_wr" + str(l)] = _lin_init(ks[ki], H, H); ki += 1
    inp["head_w1"] = _lin_init(ks[ki], H, H // 2); ki += 1
    inp["head_b1"] = jnp.zeros((H // 2,), jnp.float32)
    inp["head_w2"] = _lin_init(ks[ki], H // 2, OUT); ki += 1
    inp["head_b2"] = jnp.zeros((OUT,), jnp.float32)
    return inp

def _sage(h_src, h_dst, src, dst, n_dst, wl, bl, wr):
    # PyG SAGEConv(mean aggr, normalize=True): lin_l(mean_j x_j) + lin_r(x_i), then L2-normalize
    msg = jnp.take(h_src, src, axis=0)
    s = jax.ops.segment_sum(msg, dst, num_segments=n_dst)
    c = jax.ops.segment_sum(jnp.ones((dst.shape[0], 1), jnp.float32), dst, num_segments=n_dst)
    mean = s / jnp.maximum(c, 1.0)
    out = mean @ wl + bl + h_dst @ wr
    n = jnp.linalg.norm(out, axis=-1, keepdims=True)
    return out / jnp.maximum(n, 1e-12)

def _forward(p, ei_u2i, ei_i2u):
    hu = jax.nn.relu(p["x_user"] @ p["enc_user_w"] + p["enc_user_b"])
    hi = jax.nn.relu(p["x_item"] @ p["enc_item_w"] + p["enc_item_b"])
    for l in range(2):
        oi = _sage(hu, hi, ei_u2i[0], ei_u2i[1], NI, p["u2i_wl" + str(l)], p["u2i_bl" + str(l)], p["u2i_wr" + str(l)])
        ou = _sage(hi, hu, ei_i2u[0], ei_i2u[1], NU, p["i2u_wl" + str(l)], p["i2u_bl" + str(l)], p["i2u_wr" + str(l)])
        hu = jax.nn.relu(ou) + hu
        hi = jax.nn.relu(oi) + hi
    # head (dropout = identity in eval mode)
    z = jax.nn.relu(hu @ p["head_w1"] + p["head_b1"])
    return z @ p["head_w2"] + p["head_b2"]

def reference(x_user, x_item, edge_index_user_to_item, edge_index_item_to_user,
              enc_user_w, enc_user_b, enc_item_w, enc_item_b,
              u2i_wl0, u2i_bl0, u2i_wr0, i2u_wl0, i2u_bl0, i2u_wr0,
              u2i_wl1, u2i_bl1, u2i_wr1, i2u_wl1, i2u_bl1, i2u_wr1,
              head_w1, head_b1, head_w2, head_b2):
    p = {
        "x_user": x_user, "x_item": x_item,
        "enc_user_w": enc_user_w, "enc_user_b": enc_user_b,
        "enc_item_w": enc_item_w, "enc_item_b": enc_item_b,
        "u2i_wl0": u2i_wl0, "u2i_bl0": u2i_bl0, "u2i_wr0": u2i_wr0,
        "i2u_wl0": i2u_wl0, "i2u_bl0": i2u_bl0, "i2u_wr0": i2u_wr0,
        "u2i_wl1": u2i_wl1, "u2i_bl1": u2i_bl1, "u2i_wr1": u2i_wr1,
        "i2u_wl1": i2u_wl1, "i2u_bl1": i2u_bl1, "i2u_wr1": i2u_wr1,
        "head_w1": head_w1, "head_b1": head_b1,
        "head_w2": head_w2, "head_b2": head_b2,
    }
    return _forward(p, edge_index_user_to_item, edge_index_item_to_user)

if __name__ == "__main__":
    import jax
    _d = setup_inputs()
    print(jax.jit(kernel)(*tuple(_d.values())))

</pallas_src>

<mosaic_0001>
#map = affine_map<(d0, d1) -> (0, 0)>
#map1 = affine_map<(d0, d1) -> (0)>
#map2 = affine_map<(d0, d1) -> (0, 0, 0)>
module attributes {stable_mosaic.version = 14 : i64} {
  func.func @_merged_body(%arg0: i32, %arg1: i32, %arg2: memref<20000x128xf32, #tpu.memory_space<hbm>>, %arg3: memref<640000xi32, #tpu.memory_space<hbm>>, %arg4: memref<640000xi32, #tpu.memory_space<hbm>>, %arg5: memref<2x10000x128xf32, #tpu.memory_space<hbm>>, %arg6: memref<2x10000x128xf32, #tpu.memory_space<hbm>>, %arg7: memref<128xi32, #tpu.memory_space<vmem>>, %arg8: memref<128xi32, #tpu.memory_space<vmem>>, %arg9: memref<128xi32, #tpu.memory_space<vmem>>, %arg10: memref<128xi32, #tpu.memory_space<vmem>>, %arg11: memref<32xi32, #tpu.memory_space<vmem>>, %arg12: memref<32xi32, #tpu.memory_space<vmem>>, %arg13: memref<128x128xf32, #tpu.memory_space<vmem>>, %arg14: memref<128x128xf32, #tpu.memory_space<vmem>>, %arg15: memref<128x128xf32, #tpu.memory_space<vmem>>, %arg16: memref<10000x128xf32, #tpu.memory_space<vmem_shared>>, %arg17: memref<!tpu.dma_semaphore, #tpu.memory_space<semaphore_mem>>, %arg18: memref<!tpu.dma_semaphore, #tpu.memory_space<semaphore_mem>>, %arg19: memref<!tpu.dma_semaphore, #tpu.memory_space<semaphore_mem>>, %arg20: memref<!tpu.dma_semaphore, #tpu.memory_space<semaphore_mem>>, %arg21: memref<!tpu.dma_semaphore, #tpu.memory_space<semaphore_mem>>, %arg22: memref<!tpu.dma_semaphore, #tpu.memory_space<semaphore_mem>>) attributes {dimension_semantics = [#tpu.dimension_semantics<core_parallel>, #tpu.dimension_semantics<subcore_parallel>], iteration_bounds = array<i64: 2, 16>, scalar_prefetch = 0 : i64, scratch_operands = 16 : i64, tpu.core_type = #tpu.core_type<sc_vector_subcore>, window_params = [{transform_indices = #map}, {transform_indices = #map1}, {transform_indices = #map1}, {transform_indices = #map2}, {transform_indices = #map2}]} {
    %mul3A = arith.constant 624 : i32
    %mul3A_0 = arith.muli %arg1, %mul3A : i32
    %multiple_of3A = tpu.assume_multiple %mul3A_0, 8 : i32
    %jit3A = arith.constant 2 : i32
    %eq3A = arith.constant 0 : i32
    %eq3A_1 = arith.cmpi eq, %jit3A, %eq3A : i32
    %jit3A_2 = arith.constant 1 : i32
    %select_n3A = arith.select %eq3A_1, %jit3A_2, %jit3A : i32
    %rem3A = arith.remsi %arg1, %select_n3A : i32
    %ne3A = arith.constant 0 : i32
    %ne3A_3 = arith.cmpi ne, %rem3A, %ne3A : i32
    %lt3A = arith.constant 0 : i32
    %lt3A_4 = arith.cmpi slt, %rem3A, %lt3A : i32
    %lt3A_5 = arith.constant 0 : i32
    %lt3A_6 = arith.cmpi slt, %select_n3A, %lt3A_5 : i32
    %ne3A_7 = arith.xori %lt3A_4, %lt3A_6 : i1
    %and3A = arith.andi %ne3A_7, %ne3A_3 : i1
    %add3A = arith.addi %rem3A, %select_n3A : i32
    %select_n3A_8 = arith.select %and3A, %add3A, %rem3A : i32
    %mul3A_9 = arith.constant 8 : i32
    %mul3A_10 = arith.muli %select_n3A_8, %mul3A_9 : i32
    %add3A_11 = arith.constant 9984 : i32
    %add3A_12 = arith.addi %add3A_11, %mul3A_10 : i32
    %multiple_of3A_13 = tpu.assume_multiple %add3A_12, 8 : i32
    %broadcast_in_dim3A = arith.constant 0.000000e+00 : f32
    %broadcast_in_dim3A_14 = vector.broadcast %broadcast_in_dim3A : f32 to vector<16xf32>
    %broadcast_in_dim3A_15 = arith.constant 1.000000e+00 : f32
    %broadcast_in_dim3A_16 = vector.broadcast %broadcast_in_dim3A_15 : f32 to vector<16xf32>
    %scan3A = arith.constant 0 : i32
    %scan3A_17 = arith.constant 128 : i32
    %scan3A_18 = arith.addi %scan3A, %scan3A_17 : i32
    %scan3A_19 = arith.constant 1 : i32
    scf.for %scan3A_300 = %scan3A to %scan3A_18 step %scan3A_19  : i32 {
      %swap3A = arith.index_cast %scan3A_300 : i32 to index
      %swap3A_301 = arith.constant 0 : index
      %swap3A_302 = tpu.vector_load %arg13[%swap3A, %swap3A_301] {strides = array<i32>} : memref<128x128xf32, #tpu.memory_space<vmem>>, vector<1x16xf32>,
      %swap3A_303 = vector.shape_cast %swap3A_302 : vector<1x16xf32> to vector<16xf32>
      %swap3A_304 = vector.shape_cast %broadcast_in_dim3A_14 : vector<16xf32> to vector<1x16xf32>
      tpu.vector_store %arg13[%swap3A, %swap3A_301], %swap3A_304 {strides = array<i32>} : memref<128x128xf32, #tpu.memory_space<vmem>>, vector<1x16xf32>,
      %swap3A_305 = arith.index_cast %scan3A_300 : i32 to index
      %swap3A_306 = arith.constant 0 : index
      %swap3A_307 = tpu.vector_load %arg15[%swap3A_305, %swap3A_306] {strides = array<i32>} : memref<128x128xf32, #tpu.memory_space<vmem>>, vector<1x16xf32>,
      %swap3A_308 = vector.shape_cast %swap3A_307 : vector<1x16xf32> to vector<16xf32>
      %swap3A_309 = vector.shape_cast %broadcast_in_dim3A_16 : vector<16xf32> to vector<1x16xf32>
      tpu.vector_store %arg15[%swap3A_305, %swap3A_306], %swap3A_309 {strides = array<i32>} : memref<128x128xf32, #tpu.memory_space<vmem>>, vector<1x16xf32>,
      %swap3A_310 = arith.index_cast %scan3A_300 : i32 to index
      %swap3A_311 = arith.constant 16 : index
      %swap3A_312 = tpu.vector_load %arg13[%swap3A_310, %swap3A_311] {strides = array<i32>} : memref<128x128xf32, #tpu.memory_space<vmem>>, vector<1x16xf32>,
      %swap3A_313 = vector.shape_cast %swap3A_312 : vector<1x16xf32> to vector<16xf32>
      %swap3A_314 = vector.shape_cast %broadcast_in_dim3A_14 : vector<16xf32> to vector<1x16xf32>
      tpu.vector_store %arg13[%swap3A_310, %swap3A_311], %swap3A_314 {strides = array<i32>} : memref<128x128xf32, #tpu.memory_space<vmem>>, vector<1x16xf32>,
      %swap3A_315 = arith.index_cast %scan3A_300 : i32 to index
      %swap3A_316 = arith.constant 16 : index
      %swap3A_317 = tpu.vector_load %arg15[%swap3A_315, %swap3A_316] {strides = array<i32>} : memref<128x128xf32, #tpu.memory_space<vmem>>, vector<1x16xf32>,
      %swap3A_318 = vector.shape_cast %swap3A_317 : vector<1x16xf32> to vector<16xf32>
      %swap3A_319 = vector.shape_cast %broadcast_in_dim3A_16 : vector<16xf32> to vector<1x16xf32>
      tpu.vector_store %arg15[%swap3A_315, %swap3A_316], %swap3A_319 {strides = array<i32>} : memref<128x128xf32, #tpu.memory_space<vmem>>, vector<1x16xf32>,
      %swap3A_320 = arith.index_cast %scan3A_300 : i32 to index
      %swap3A_321 = arith.constant 32 : index
      %swap3A_322 = tpu.vector_load %arg13[%swap3A_320, %swap3A_321] {strides = array<i32>} : memref<128x128xf32, #tpu.memory_space<vmem>>, vector<1x16xf32>,
      %swap3A_323 = vector.shape_cast %swap3A_322 : vector<1x16xf32> to vector<16xf32>
      %swap3A_324 = vector.shape_cast %broadcast_in_dim3A_14 : vector<16xf32> to vector<1x16xf32>
      tpu.vector_store %arg13[%swap3A_320, %swap3A_321], %swap3A_324 {strides = array<i32>} : memref<128x128xf32, #tpu.memory_space<vmem>>, vector<1x16xf32>,
      %swap3A_325 = arith.index_cast %scan3A_300 : i32 to index
      %swap3A_326 = arith.constant 32 : index
      %swap3A_327 = tpu.vector_load %arg15[%swap3A_325, %swap3A_326] {strides = array<i32>} : memref<128x128xf32, #tpu.memory_space<vmem>>, vector<1x16xf32>,
      %swap3A_328 = vector.shape_cast %swap3A_327 : vector<1x16xf32> to vector<16xf32>
      %swap3A_329 = vector.shape_cast %broadcast_in_dim3A_16 : vector<16xf32> to vector<1x16xf32>
      tpu.vector_store %arg15[%swap3A_325, %swap3A_326], %swap3A_329 {strides = array<i32>} : memref<128x128xf32, #tpu.memory_space<vmem>>, vector<1x16xf32>,
      %swap3A_330 = arith.index_cast %scan3A_300 : i32 to index
      %swap3A_331 = arith.constant 48 : index
      %swap3A_332 = tpu.vector_load %arg13[%swap3A_330, %swap3A_331] {strides = array<i32>} : memref<128x128xf32, #tpu.memory_space<vmem>>, vector<1x16xf32>,
      %swap3A_333 = vector.shape_cast %swap3A_332 : vector<1x16xf32> to vector<16xf32>
      %swap3A_334 = vector.shape_cast %broadcast_in_dim3A_14 : vector<16xf32> to vector<1x16xf32>
      tpu.vector_store %arg13[%swap3A_330, %swap3A_331], %swap3A_334 {strides = array<i32>} : memref<128x128xf32, #tpu.memory_space<vmem>>, vector<1x16xf32>,
      %swap3A_335 = arith.index_cast %scan3A_300 : i32 to index
      %swap3A_336 = arith.constant 48 : index
      %swap3A_337 = tpu.vector_load %arg15[%swap3A_335, %swap3A_336] {strides = array<i32>} : memref<128x128xf32, #tpu.memory_space<vmem>>, vector<1x16xf32>,
      %swap3A_338 = vector.shape_cast %swap3A_337 : vector<1x16xf32> to vector<16xf32>
      %swap3A_339 = vector.shape_cast %broadcast_in_dim3A_16 : vector<16xf32> to vector<1x16xf32>
      tpu.vector_store %arg15[%swap3A_335, %swap3A_336], %swap3A_339 {strides = array<i32>} : memref<128x128xf32, #tpu.memory_space<vmem>>, vector<1x16xf32>,
      %swap3A_340 = arith.index_cast %scan3A_300 : i32 to index
      %swap3A_341 = arith.constant 64 : index
      %swap3A_342 = tpu.vector_load %arg13[%swap3A_340, %swap3A_341] {strides = array<i32>} : memref<128x128xf32, #tpu.memory_space<vmem>>, vector<1x16xf32>,
      %swap3A_343 = vector.shape_cast %swap3A_342 : vector<1x16xf32> to vector<16xf32>
      %swap3A_344 = vector.shape_cast %broadcast_in_dim3A_14 : vector<16xf32> to vector<1x16xf32>
      tpu.vector_store %arg13[%swap3A_340, %swap3A_341], %swap3A_344 {strides = array<i32>} : memref<128x128xf32, #tpu.memory_space<vmem>>, vector<1x16xf32>,
      %swap3A_345 = arith.index_cast %scan3A_300 : i32 to index
      %swap3A_346 = arith.constant 64 : index
      %swap3A_347 = tpu.vector_load %arg15[%swap3A_345, %swap3A_346] {strides = array<i32>} : memref<128x128xf32, #tpu.memory_space<vmem>>, vector<1x16xf32>,
      %swap3A_348 = vector.shape_cast %swap3A_347 : vector<1x16xf32> to vector<16xf32>
      %swap3A_349 = vector.shape_cast %broadcast_in_dim3A_16 : vector<16xf32> to vector<1x16xf32>
      tpu.vector_store %arg15[%swap3A_345, %swap3A_346], %swap3A_349 {strides = array<i32>} : memref<128x128xf32, #tpu.memory_space<vmem>>, vector<1x16xf32>,
      %swap3A_350 = arith.index_cast %scan3A_300 : i32 to index
      %swap3A_351 = arith.constant 80 : index
      %swap3A_352 = tpu.vector_load %arg13[%swap3A_350, %swap3A_351] {strides = array<i32>} : memref<128x128xf32, #tpu.memory_space<vmem>>, vector<1x16xf32>,
      %swap3A_353 = vector.shape_cast %swap3A_352 : vector<1x16xf32> to vector<16xf32>
      %swap3A_354 = vector.shape_cast %broadcast_in_dim3A_14 : vector<16xf32> to vector<1x16xf32>
      tpu.vector_store %arg13[%swap3A_350, %swap3A_351], %swap3A_354 {strides = array<i32>} : memref<128x128xf32, #tpu.memory_space<vmem>>, vector<1x16xf32>,
      %swap3A_355 = arith.index_cast %scan3A_300 : i32 to index
      %swap3A_356 = arith.constant 80 : index
      %swap3A_357 = tpu.vector_load %arg15[%swap3A_355, %swap3A_356] {strides = array<i32>} : memref<128x128xf32, #tpu.memory_space<vmem>>, vector<1x16xf32>,
      %swap3A_358 = vector.shape_cast %swap3A_357 : vector<1x16xf32> to vector<16xf32>
      %swap3A_359 = vector.shape_cast %broadcast_in_dim3A_16 : vector<16xf32> to vector<1x16xf32>
      tpu.vector_store %arg15[%swap3A_355, %swap3A_356], %swap3A_359 {strides = array<i32>} : memref<128x128xf32, #tpu.memory_space<vmem>>, vector<1x16xf32>,
      %swap3A_360 = arith.index_cast %scan3A_300 : i32 to index
      %swap3A_361 = arith.constant 96 : index
      %swap3A_362 = tpu.vector_load %arg13[%swap3A_360, %swap3A_361] {strides = array<i32>} : memref<128x128xf32, #tpu.memory_space<vmem>>, vector<1x16xf32>,
      %swap3A_363 = vector.shape_cast %swap3A_362 : vector<1x16xf32> to vector<16xf32>
      %swap3A_364 = vector.shape_cast %broadcast_in_dim3A_14 : vector<16xf32> to vector<1x16xf32>
      tpu.vector_store %arg13[%swap3A_360, %swap3A_361], %swap3A_364 {strides = array<i32>} : memref<128x128xf32, #tpu.memory_space<vmem>>, vector<1x16xf32>,
      %swap3A_365 = arith.index_cast %scan3A_300 : i32 to index
      %swap3A_366 = arith.constant 96 : index
      %swap3A_367 = tpu.vector_load %arg15[%swap3A_365, %swap3A_366] {strides = array<i32>} : memref<128x128xf32, #tpu.memory_space<vmem>>, vector<1x16xf32>,
      %swap3A_368 = vector.shape_cast %swap3A_367 : vector<1x16xf32> to vector<16xf32>
      %swap3A_369 = vector.shape_cast %broadcast_in_dim3A_16 : vector<16xf32> to vector<1x16xf32>
      tpu.vector_store %arg15[%swap3A_365, %swap3A_366], %swap3A_369 {strides = array<i32>} : memref<128x128xf32, #tpu.memory_space<vmem>>, vector<1x16xf32>,
      %swap3A_370 = arith.index_cast %scan3A_300 : i32 to index
      %swap3A_371 = arith.constant 112 : index
      %swap3A_372 = tpu.vector_load %arg13[%swap3A_370, %swap3A_371] {strides = array<i32>} : memref<128x128xf32, #tpu.memory_space<vmem>>, vector<1x16xf32>,
      %swap3A_373 = vector.shape_cast %swap3A_372 : vector<1x16xf32> to vector<16xf32>
      %swap3A_374 = vector.shape_cast %broadcast_in_dim3A_14 : vector<16xf32> to vector<1x16xf32>
      tpu.vector_store %arg13[%swap3A_370, %swap3A_371], %swap3A_374 {strides = array<i32>} : memref<128x128xf32, #tpu.memory_space<vmem>>, vector<1x16xf32>,
      %swap3A_375 = arith.index_cast %scan3A_300 : i32 to index
      %swap3A_376 = arith.constant 112 : index
      %swap3A_377 = tpu.vector_load %arg15[%swap3A_375, %swap3A_376] {strides = array<i32>} : memref<128x128xf32, #tpu.memory_space<vmem>>, vector<1x16xf32>,
      %swap3A_378 = vector.shape_cast %swap3A_377 : vector<1x16xf32> to vector<16xf32>
      %swap3A_379 = vector.shape_cast %broadcast_in_dim3A_16 : vector<16xf32> to vector<1x16xf32>
      tpu.vector_store %arg15[%swap3A_375, %swap3A_376], %swap3A_379 {strides = array<i32>} : memref<128x128xf32, #tpu.memory_space<vmem>>, vector<1x16xf32>,
    }
    %scan3A_20 = arith.constant 128 : i32
    %add3A_21 = arith.constant 0 : i32
    %add3A_22 = arith.addi %multiple_of3A, %add3A_21 : i32
    "tpu.region"() ({
      %run_scoped3A = tpu.sem_alloc : memref<!tpu.dma_semaphore, #tpu.memory_space<semaphore_mem>>
      %dma_start3A_300 = arith.constant 0 : i32
      %dma_start3A_301 = tpu.memref_slice %arg16[%add3A_22, %dma_start3A_300] : memref<10000x128xf32, #tpu.memory_space<vmem_shared>> -> memref<128x128xf32, #tpu.memory_space<vmem_shared>>
      %dma_start3A_302 = arith.constant 0 : i32
      %dma_start3A_303 = tpu.memref_slice %arg16[%add3A_22, %dma_start3A_302] : memref<10000x128xf32, #tpu.memory_space<vmem_shared>> -> memref<128x128xf32, #tpu.memory_space<vmem_shared>>
      tpu.enqueue_dma source(%arg13 : memref<128x128xf32, #tpu.memory_space<vmem>>) target(%dma_start3A_303 : memref<128x128xf32, #tpu.memory_space<vmem_shared>>) target_semaphore(%run_scoped3A : memref<!tpu.dma_semaphore, #tpu.memory_space<semaphore_mem>>)
      %dma_wait3A_304 = arith.constant 0 : i32
      %dma_wait3A_305 = tpu.memref_slice %arg16[%add3A_22, %dma_wait3A_304] : memref<10000x128xf32, #tpu.memory_space<vmem_shared>> -> memref<128x128xf32, #tpu.memory_space<vmem_shared>>
      %dma_wait3A_306 = arith.constant 0 : i32
      %dma_wait3A_307 = tpu.memref_slice %arg16[%add3A_22, %dma_wait3A_306] : memref<10000x128xf32, #tpu.memory_space<vmem_shared>> -> memref<128x128xf32, #tpu.memory_space<vmem_shared>>
      tpu.wait_dma2 semaphore(%run_scoped3A : memref<!tpu.dma_semaphore, #tpu.memory_space<semaphore_mem>>) src(%arg13 : memref<128x128xf32, #tpu.memory_space<vmem>>) dst(%dma_wait3A_307 : memref<128x128xf32, #tpu.memory_space<vmem_shared>>)
      tpu.yield
    }) : () -> ()
    %add3A_23 = arith.constant 128 : i32
    %add3A_24 = arith.addi %multiple_of3A, %add3A_23 : i32
    "tpu.region"() ({
      %run_scoped3A = tpu.sem_alloc : memref<!tpu.dma_semaphore, #tpu.memory_space<semaphore_mem>>
      %dma_start3A_300 = arith.constant 0 : i32
      %dma_start3A_301 = tpu.memref_slice %arg16[%add3A_24, %dma_start3A_300] : memref<10000x128xf32, #tpu.memory_space<vmem_shared>> -> memref<128x128xf32, #tpu.memory_space<vmem_shared>>
      %dma_start3A_302 = arith.constant 0 : i32
      %dma_start3A_303 = tpu.memref_slice %arg16[%add3A_24, %dma_start3A_302] : memref<10000x128xf32, #tpu.memory_space<vmem_shared>> -> memref<128x128xf32, #tpu.memory_space<vmem_shared>>
      tpu.enqueue_dma source(%arg13 : memref<128x128xf32, #tpu.memory_space<vmem>>) target(%dma_start3A_303 : memref<128x128xf32, #tpu.memory_space<vmem_shared>>) target_semaphore(%run_scoped3A : memref<!tpu.dma_semaphore, #tpu.memory_space<semaphore_mem>>)
      %dma_wait3A_304 = arith.constant 0 : i32
      %dma_wait3A_305 = tpu.memref_slice %arg16[%add3A_24, %dma_wait3A_304] : memref<10000x128xf32, #tpu.memory_space<vmem_shared>> -> memref<128x128xf32, #tpu.memory_space<vmem_shared>>
      %dma_wait3A_306 = arith.constant 0 : i32
      %dma_wait3A_307 = tpu.memref_slice %arg16[%add3A_24, %dma_wait3A_306] : memref<10000x128xf32, #tpu.memory_space<vmem_shared>> -> memref<128x128xf32, #tpu.memory_space<vmem_shared>>
      tpu.wait_dma2 semaphore(%run_scoped3A : memref<!tpu.dma_semaphore, #tpu.memory_space<semaphore_mem>>) src(%arg13 : memref<128x128xf32, #tpu.memory_space<vmem>>) dst(%dma_wait3A_307 : memref<128x128xf32, #tpu.memory_space<vmem_shared>>)
      tpu.yield
    }) : () -> ()
    %add3A_25 = arith.constant 256 : i32
    %add3A_26 = arith.addi %multiple_of3A, %add3A_25 : i32
    "tpu.region"() ({
      %run_scoped3A = tpu.sem_alloc : memref<!tpu.dma_semaphore, #tpu.memory_space<semaphore_mem>>
      %dma_start3A_300 = arith.constant 0 : i32
      %dma_start3A_301 = tpu.memref_slice %arg16[%add3A_26, %dma_start3A_300] : memref<10000x128xf32, #tpu.memory_space<vmem_shared>> -> memref<128x128xf32, #tpu.memory_space<vmem_shared>>
      %dma_start3A_302 = arith.constant 0 : i32
      %dma_start3A_303 = tpu.memref_slice %arg16[%add3A_26, %dma_start3A_302] : memref<10000x128xf32, #tpu.memory_space<vmem_shared>> -> memref<128x128xf32, #tpu.memory_space<vmem_shared>>
      tpu.enqueue_dma source(%arg13 : memref<128x128xf32, #tpu.memory_space<vmem>>) target(%dma_start3A_303 : memref<128x128xf32, #tpu.memory_space<vmem_shared>>) target_semaphore(%run_scoped3A : memref<!tpu.dma_semaphore, #tpu.memory_space<semaphore_mem>>)
      %dma_wait3A_304 = arith.constant 0 : i32
      %dma_wait3A_305 = tpu.memref_slice %arg16[%add3A_26, %dma_wait3A_304] : memref<10000x128xf32, #tpu.memory_space<vmem_shared>> -> memref<128x128xf32, #tpu.memory_space<vmem_shared>>
      %dma_wait3A_306 = arith.constant 0 : i32
      %dma_wait3A_307 = tpu.memref_slice %arg16[%add3A_26, %dma_wait3A_306] : memref<10000x128xf32, #tpu.memory_space<vmem_shared>> -> memref<128x128xf32, #tpu.memory_space<vmem_shared>>
      tpu.wait_dma2 semaphore(%run_scoped3A : memref<!tpu.dma_semaphore, #tpu.memory_space<semaphore_mem>>) src(%arg13 : memref<128x128xf32, #tpu.memory_space<vmem>>) dst(%dma_wait3A_307 : memref<128x128xf32, #tpu.memory_space<vmem_shared>>)
      tpu.yield
    }) : () -> ()
    %add3A_27 = arith.constant 384 : i32
    %add3A_28 = arith.addi %multiple_of3A, %add3A_27 : i32
    "tpu.region"() ({
      %run_scoped3A = tpu.sem_alloc : memref<!tpu.dma_semaphore, #tpu.memory_space<semaphore_mem>>
      %dma_start3A_300 = arith.constant 0 : i32
      %dma_start3A_301 = tpu.memref_slice %arg16[%add3A_28, %dma_start3A_300] : memref<10000x128xf32, #tpu.memory_space<vmem_shared>> -> memref<128x128xf32, #tpu.memory_space<vmem_shared>>
      %dma_start3A_302 = arith.constant 0 : i32
      %dma_start3A_303 = tpu.memref_slice %arg16[%add3A_28, %dma_start3A_302] : memref<10000x128xf32, #tpu.memory_space<vmem_shared>> -> memref<128x128xf32, #tpu.memory_space<vmem_shared>>
      tpu.enqueue_dma source(%arg13 : memref<128x128xf32, #tpu.memory_space<vmem>>) target(%dma_start3A_303 : memref<128x128xf32, #tpu.memory_space<vmem_shared>>) target_semaphore(%run_scoped3A : memref<!tpu.dma_semaphore, #tpu.memory_space<semaphore_mem>>)
      %dma_wait3A_304 = arith.constant 0 : i32
      %dma_wait3A_305 = tpu.memref_slice %arg16[%add3A_28, %dma_wait3A_304] : memref<10000x128xf32, #tpu.memory_space<vmem_shared>> -> memref<128x128xf32, #tpu.memory_space<vmem_shared>>
      %dma_wait3A_306 = arith.constant 0 : i32
      %dma_wait3A_307 = tpu.memref_slice %arg16[%add3A_28, %dma_wait3A_306] : memref<10000x128xf32, #tpu.memory_space<vmem_shared>> -> memref<128x128xf32, #tpu.memory_space<vmem_shared>>
      tpu.wait_dma2 semaphore(%run_scoped3A : memref<!tpu.dma_semaphore, #tpu.memory_space<semaphore_mem>>) src(%arg13 : memref<128x128xf32, #tpu.memory_space<vmem>>) dst(%dma_wait3A_307 : memref<128x128xf32, #tpu.memory_space<vmem_shared>>)
      tpu.yield
    }) : () -> ()
    %add3A_29 = arith.constant 512 : i32
    %add3A_30 = arith.addi %multiple_of3A, %add3A_29 : i32
    "tpu.region"() ({
      %run_scoped3A = tpu.sem_alloc : memref<!tpu.dma_semaphore, #tpu.memory_space<semaphore_mem>>
      %dma_start3A_300 = arith.constant 0 : i32
      %dma_start3A_301 = arith.constant 0 : i32
      %dma_start3A_302 = tpu.memref_slice %arg13[%dma_start3A_300, %dma_start3A_301] : memref<128x128xf32, #tpu.memory_space<vmem>> -> memref<112x128xf32, #tpu.memory_space<vmem>>
      %dma_start3A_303 = arith.constant 0 : i32
      %dma_start3A_304 = tpu.memref_slice %arg16[%add3A_30, %dma_start3A_303] : memref<10000x128xf32, #tpu.memory_space<vmem_shared>> -> memref<112x128xf32, #tpu.memory_space<vmem_shared>>
      %dma_start3A_305 = arith.constant 0 : i32
      %dma_start3A_306 = tpu.memref_slice %arg16[%add3A_30, %dma_start3A_305] : memref<10000x128xf32, #tpu.memory_space<vmem_shared>> -> memref<112x128xf32, #tpu.memory_space<vmem_shared>>
      %dma_start3A_307 = arith.constant 0 : i32
      %dma_start3A_308 = arith.constant 0 : i32
      %dma_start3A_309 = tpu.memref_slice %arg13[%dma_start3A_307, %dma_start3A_308] : memref<128x128xf32, #tpu.memory_space<vmem>> -> memref<112x128xf32, #tpu.memory_space<vmem>>
      tpu.enqueue_dma source(%dma_start3A_309 : memref<112x128xf32, #tpu.memory_space<vmem>>) target(%dma_start3A_306 : memref<112x128xf32, #tpu.memory_space<vmem_shared>>) target_semaphore(%run_scoped3A : memref<!tpu.dma_semaphore, #tpu.memory_space<semaphore_mem>>)
      %dma_wait3A_310 = arith.constant 0 : i32
      %dma_wait3A_311 = arith.constant 0 : i32
      %dma_wait3A_312 = tpu.memref_slice %arg13[%dma_wait3A_310, %dma_wait3A_311] : memref<128x128xf32, #tpu.memory_space<vmem>> -> memref<112x128xf32, #tpu.memory_space<vmem>>
      %dma_wait3A_313 = arith.constant 0 : i32
      %dma_wait3A_314 = tpu.memref_slice %arg16[%add3A_30, %dma_wait3A_313] : memref<10000x128xf32, #tpu.memory_space<vmem_shared>> -> memref<112x128xf32, #tpu.memory_space<vmem_shared>>
      %dma_wait3A_315 = arith.constant 0 : i32
      %dma_wait3A_316 = tpu.memref_slice %arg16[%add3A_30, %dma_wait3A_315] : memref<10000x128xf32, #tpu.memory_space<vmem_shared>> -> memref<112x128xf32, #tpu.memory_space<vmem_shared>>
      %dma_wait3A_317 = arith.constant 0 : i32
      %dma_wait3A_318 = arith.constant 0 : i32
      %dma_wait3A_319 = tpu.memref_slice %arg13[%dma_wait3A_317, %dma_wait3A_318] : memref<128x128xf32, #tpu.memory_space<vmem>> -> memref<112x128xf32, #tpu.memory_space<vmem>>
      tpu.wait_dma2 semaphore(%run_scoped3A : memref<!tpu.dma_semaphore, #tpu.memory_space<semaphore_mem>>) src(%dma_wait3A_319 : memref<112x128xf32, #tpu.memory_space<vmem>>) dst(%dma_wait3A_316 : memref<112x128xf32, #tpu.memory_space<vmem_shared>>)
      tpu.yield
    }) : () -> ()
    "tpu.region"() ({
      %run_scoped3A = tpu.sem_alloc : memref<!tpu.dma_semaphore, #tpu.memory_space<semaphore_mem>>
      %dma_start3A_300 = arith.constant 0 : i32
      %dma_start3A_301 = arith.constant 0 : i32
      %dma_start3A_302 = tpu.memref_slice %arg13[%dma_start3A_300, %dma_start3A_301] : memref<128x128xf32, #tpu.memory_space<vmem>> -> memref<8x128xf32, #tpu.memory_space<vmem>>
      %dma_start3A_303 = arith.constant 0 : i32
      %dma_start3A_304 = tpu.memref_slice %arg16[%multiple_of3A_13, %dma_start3A_303] : memref<10000x128xf32, #tpu.memory_space<vmem_shared>> -> memref<8x128xf32, #tpu.memory_space<vmem_shared>>
      %dma_start3A_305 = arith.constant 0 : i32
      %dma_start3A_306 = tpu.memref_slice %arg16[%multiple_of3A_13, %dma_start3A_305] : memref<10000x128xf32, #tpu.memory_space<vmem_shared>> -> memref<8x128xf32, #tpu.memory_space<vmem_shared>>
      %dma_start3A_307 = arith.constant 0 : i32
      %dma_start3A_308 = arith.constant 0 : i32
      %dma_start3A_309 = tpu.memref_slice %arg13[%dma_start3A_307, %dma_start3A_308] : memref<128x128xf32, #tpu.memory_space<vmem>> -> memref<8x128xf32, #tpu.memory_space<vmem>>
      tpu.enqueue_dma source(%dma_start3A_309 : memref<8x128xf32, #tpu.memory_space<vmem>>) target(%dma_start3A_306 : memref<8x128xf32, #tpu.memory_space<vmem_shared>>) target_semaphore(%run_scoped3A : memref<!tpu.dma_semaphore, #tpu.memory_space<semaphore_mem>>)
      %dma_wait3A_310 = arith.constant 0 : i32
      %dma_wait3A_311 = arith.constant 0 : i32
      %dma_wait3A_312 = tpu.memref_slice %arg13[%dma_wait3A_310, %dma_wait3A_311] : memref<128x128xf32, #tpu.memory_space<vmem>> -> memref<8x128xf32, #tpu.memory_space<vmem>>
      %dma_wait3A_313 = arith.constant 0 : i32
      %dma_wait3A_314 = tpu.memref_slice %arg16[%multiple_of3A_13, %dma_wait3A_313] : memref<10000x128xf32, #tpu.memory_space<vmem_shared>> -> memref<8x128xf32, #tpu.memory_space<vmem_shared>>
      %dma_wait3A_315 = arith.constant 0 : i32
      %dma_wait3A_316 = tpu.memref_slice %arg16[%multiple_of3A_13, %dma_wait3A_315] : memref<10000x128xf32, #tpu.memory_space<vmem_shared>> -> memref<8x128xf32, #tpu.memory_space<vmem_shared>>
      %dma_wait3A_317 = arith.constant 0 : i32
      %dma_wait3A_318 = arith.constant 0 : i32
      %dma_wait3A_319 = tpu.memref_slice %arg13[%dma_wait3A_317, %dma_wait3A_318] : memref<128x128xf32, #tpu.memory_space<vmem>> -> memref<8x128xf32, #tpu.memory_space<vmem>>
      tpu.wait_dma2 semaphore(%run_scoped3A : memref<!tpu.dma_semaphore, #tpu.memory_space<semaphore_mem>>) src(%dma_wait3A_319 : memref<8x128xf32, #tpu.memory_space<vmem>>) dst(%dma_wait3A_316 : memref<8x128xf32, #tpu.memory_space<vmem_shared>>)
      tpu.yield
    }) : () -> ()
    %barrier3A = arith.constant 0 : index
    tpu.barrier barrier_id(%barrier3A)
    %mul3A_31 = arith.constant 16 : i32
    %mul3A_32 = arith.muli %arg0, %mul3A_31 : i32
    %add3A_33 = arith.addi %mul3A_32, %arg1 : i32
    %mul3A_34 = arith.constant 20000 : i32
    %mul3A_35 = arith.muli %add3A_33, %mul3A_34 : i32
    %add3A_36 = arith.constant 0 : i32
    %add3A_37 = arith.addi %mul3A_35, %add3A_36 : i32
    %multiple_of3A_38 = tpu.assume_multiple %add3A_37, 8 : i32
    %dma_start3A = tpu.memref_slice %arg4[%multiple_of3A_38] : memref<640000xi32, #tpu.memory_space<hbm>> -> memref<128xi32, #tpu.memory_space<hbm>>
    %dma_start3A_39 = tpu.memref_slice %arg4[%multiple_of3A_38] : memref<640000xi32, #tpu.memory_space<hbm>> -> memref<128xi32, #tpu.memory_space<hbm>>
    tpu.enqueue_dma source(%dma_start3A_39 : memref<128xi32, #tpu.memory_space<hbm>>) target(%arg9 : memref<128xi32, #tpu.memory_space<vmem>>) target_semaphore(%arg21 : memref<!tpu.dma_semaphore, #tpu.memory_space<semaphore_mem>>)
    %add3A_40 = arith.constant 128 : i32
    %add3A_41 = arith.addi %mul3A_35, %add3A_40 : i32
    %multiple_of3A_42 = tpu.assume_multiple %add3A_41, 8 : i32
    %dma_start3A_43 = tpu.memref_slice %arg4[%multiple_of3A_42] : memref<640000xi32, #tpu.memory_space<hbm>> -> memref<128xi32, #tpu.memory_space<hbm>>
    %dma_start3A_44 = tpu.memref_slice %arg4[%multiple_of3A_42] : memref<640000xi32, #tpu.memory_space<hbm>> -> memref<128xi32, #tpu.memory_space<hbm>>
    tpu.enqueue_dma source(%dma_start3A_44 : memref<128xi32, #tpu.memory_space<hbm>>) target(%arg10 : memref<128xi32, #tpu.memory_space<vmem>>) target_semaphore(%arg22 : memref<!tpu.dma_semaphore, #tpu.memory_space<semaphore_mem>>)
    %dma_wait3A = arith.constant 0 : i32
    %dma_wait3A_45 = tpu.memref_slice %arg4[%dma_wait3A] : memref<640000xi32, #tpu.memory_space<hbm>> -> memref<128xi32, #tpu.memory_space<hbm>>
    %dma_wait3A_46 = arith.constant 0 : i32
    %dma_wait3A_47 = tpu.memref_slice %arg4[%dma_wait3A_46] : memref<640000xi32, #tpu.memory_space<hbm>> -> memref<128xi32, #tpu.memory_space<hbm>>
    tpu.wait_dma2 semaphore(%arg21 : memref<!tpu.dma_semaphore, #tpu.memory_space<semaphore_mem>>) src(%dma_wait3A_47 : memref<128xi32, #tpu.memory_space<hbm>>) dst(%arg9 : memref<128xi32, #tpu.memory_space<vmem>>)
    %dma_start3A_48 = arith.constant 0 : i32
    %dma_start3A_49 = arith.constant 0 : i32
    %dma_start3A_50 = tpu.memref_slice %arg16[%dma_start3A_48, %dma_start3A_49] : memref<10000x128xf32, #tpu.memory_space<vmem_shared>> -> memref<10000x128xf32, #tpu.memory_space<vmem_shared>>
    tpu.enqueue_indirect_dma source(%arg15 : memref<128x128xf32, #tpu.memory_space<vmem>>) target(%dma_start3A_50 : memref<10000x128xf32, #tpu.memory_space<vmem_shared>>) offsets(%arg9 : memref<128xi32, #tpu.memory_space<vmem>>) semaphore(%arg19 : memref<!tpu.dma_semaphore, #tpu.memory_space<semaphore_mem>>) {add = true}
    %dma_wait3A_51 = arith.constant 0 : i32
    %dma_wait3A_52 = tpu.memref_slice %arg4[%dma_wait3A_51] : memref<640000xi32, #tpu.memory_space<hbm>> -> memref<128xi32, #tpu.memory_space<hbm>>
    %dma_wait3A_53 = arith.constant 0 : i32
    %dma_wait3A_54 = tpu.memref_slice %arg4[%dma_wait3A_53] : memref<640000xi32, #tpu.memory_space<hbm>> -> memref<128xi32, #tpu.memory_space<hbm>>
    tpu.wait_dma2 semaphore(%arg22 : memref<!tpu.dma_semaphore, #tpu.memory_space<semaphore_mem>>) src(%dma_wait3A_54 : memref<128xi32, #tpu.memory_space<hbm>>) dst(%arg10 : memref<128xi32, #tpu.memory_space<vmem>>)
    %dma_wait3A_55 = arith.constant 0 : i32
    %dma_wait3A_56 = arith.constant 0 : i32
    %dma_wait3A_57 = tpu.memref_slice %arg16[%dma_wait3A_55, %dma_wait3A_56] : memref<10000x128xf32, #tpu.memory_space<vmem_shared>> -> memref<10000x128xf32, #tpu.memory_space<vmem_shared>>
    tpu.wait_indirect_dma semaphore(%arg19 : memref<!tpu.dma_semaphore, #tpu.memory_space<semaphore_mem>>) src(%arg15 : memref<128x128xf32, #tpu.memory_space<vmem>>) dst(%dma_wait3A_57 : memref<10000x128xf32, #tpu.memory_space<vmem_shared>>)
    %add3A_58 = arith.constant 256 : i32
    %add3A_59 = arith.addi %mul3A_35, %add3A_58 : i32
    %multiple_of3A_60 = tpu.assume_multiple %add3A_59, 8 : i32
    %dma_start3A_61 = tpu.memref_slice %arg4[%multiple_of3A_60] : memref<640000xi32, #tpu.memory_space<hbm>> -> memref<128xi32, #tpu.memory_space<hbm>>
    %dma_start3A_62 = tpu.memref_slice %arg4[%multiple_of3A_60] : memref<640000xi32, #tpu.memory_space<hbm>> -> memref<128xi32, #tpu.memory_space<hbm>>
    tpu.enqueue_dma source(%dma_start3A_62 : memref<128xi32, #tpu.memory_space<hbm>>) target(%arg9 : memref<128xi32, #tpu.memory_space<vmem>>) target_semaphore(%arg21 : memref<!tpu.dma_semaphore, #tpu.memory_space<semaphore_mem>>)
    %dma_start3A_63 = arith.constant 0 : i32
    %dma_start3A_64 = arith.constant 0 : i32
    %dma_start3A_65 = tpu.memref_slice %arg16[%dma_start3A_63, %dma_start3A_64] : memref<10000x128xf32, #tpu.memory_space<vmem_shared>> -> memref<10000x128xf32, #tpu.memory_space<vmem_shared>>
    tpu.enqueue_indirect_dma source(%arg15 : memref<128x128xf32, #tpu.memory_space<vmem>>) target(%dma_start3A_65 : memref<10000x128xf32, #tpu.memory_space<vmem_shared>>) offsets(%arg10 : memref<128xi32, #tpu.memory_space<vmem>>) semaphore(%arg20 : memref<!tpu.dma_semaphore, #tpu.memory_space<semaphore_mem>>) {add = true}
    %scan3A_66 = arith.constant 1 : i32
    %scan3A_67 = arith.constant 76 : i32
    %scan3A_68 = arith.addi %scan3A_66, %scan3A_67 : i32
    %scan3A_69 = arith.constant 1 : i32
    scf.for %scan3A_300 = %scan3A_66 to %scan3A_68 step %scan3A_69  : i32 {
      %mul3A_301 = arith.constant 2 : i32
      %mul3A_302 = arith.muli %mul3A_301, %scan3A_300 : i32
      %dma_wait3A_303 = arith.constant 0 : i32
      %dma_wait3A_304 = tpu.memref_slice %arg4[%dma_wait3A_303] : memref<640000xi32, #tpu.memory_space<hbm>> -> memref<128xi32, #tpu.memory_space<hbm>>
      %dma_wait3A_305 = arith.constant 0 : i32
      %dma_wait3A_306 = tpu.memref_slice %arg4[%dma_wait3A_305] : memref<640000xi32, #tpu.memory_space<hbm>> -> memref<128xi32, #tpu.memory_space<hbm>>
      tpu.wait_dma2 semaphore(%arg21 : memref<!tpu.dma_semaphore, #tpu.memory_space<semaphore_mem>>) src(%dma_wait3A_306 : memref<128xi32, #tpu.memory_space<hbm>>) dst(%arg9 : memref<128xi32, #tpu.memory_space<vmem>>)
      %dma_wait3A_307 = arith.constant 0 : i32
      %dma_wait3A_308 = arith.constant 0 : i32
      %dma_wait3A_309 = tpu.memref_slice %arg16[%dma_wait3A_307, %dma_wait3A_308] : memref<10000x128xf32, #tpu.memory_space<vmem_shared>> -> memref<10000x128xf32, #tpu.memory_space<vmem_shared>>
      tpu.wait_indirect_dma semaphore(%arg20 : memref<!tpu.dma_semaphore, #tpu.memory_space<semaphore_mem>>) src(%arg15 : memref<128x128xf32, #tpu.memory_space<vmem>>) dst(%dma_wait3A_309 : memref<10000x128xf32, #tpu.memory_space<vmem_shared>>)
      %dma_start3A_310 = arith.constant 0 : i32
      %dma_start3A_311 = arith.constant 0 : i32
      %dma_start3A_312 = tpu.memref_slice %arg16[%dma_start3A_310, %dma_start3A_311] : memref<10000x128xf32, #tpu.memory_space<vmem_shared>> -> memref<10000x128xf32, #tpu.memory_space<vmem_shared>>
      tpu.enqueue_indirect_dma source(%arg15 : memref<128x128xf32, #tpu.memory_space<vmem>>) target(%dma_start3A_312 : memref<10000x128xf32, #tpu.memory_space<vmem_shared>>) offsets(%arg9 : memref<128xi32, #tpu.memory_space<vmem>>) semaphore(%arg19 : memref<!tpu.dma_semaphore, #tpu.memory_space<semaphore_mem>>) {add = true}
      %add3A_313 = arith.constant 1 : i32
      %add3A_314 = arith.addi %mul3A_302, %add3A_313 : i32
      %mul3A_315 = arith.constant 128 : i32
      %mul3A_316 = arith.muli %add3A_314, %mul3A_315 : i32
      %add3A_317 = arith.addi %mul3A_35, %mul3A_316 : i32
      %multiple_of3A_318 = tpu.assume_multiple %add3A_317, 8 : i32
      %dma_start3A_319 = tpu.memref_slice %arg4[%multiple_of3A_318] : memref<640000xi32, #tpu.memory_space<hbm>> -> memref<128xi32, #tpu.memory_space<hbm>>
      %dma_start3A_320 = tpu.memref_slice %arg4[%multiple_of3A_318] : memref<640000xi32, #tpu.memory_space<hbm>> -> memref<128xi32, #tpu.memory_space<hbm>>
      tpu.enqueue_dma source(%dma_start3A_320 : memref<128xi32, #tpu.memory_space<hbm>>) target(%arg10 : memref<128xi32, #tpu.memory_space<vmem>>) target_semaphore(%arg22 : memref<!tpu.dma_semaphore, #tpu.memory_space<semaphore_mem>>)
      %dma_wait3A_321 = arith.constant 0 : i32
      %dma_wait3A_322 = tpu.memref_slice %arg4[%dma_wait3A_321] : memref<640000xi32, #tpu.memory_space<hbm>> -> memref<128xi32, #tpu.memory_space<hbm>>
      %dma_wait3A_323 = arith.constant 0 : i32
      %dma_wait3A_324 = tpu.memref_slice %arg4[%dma_wait3A_323] : memref<640000xi32, #tpu.memory_space<hbm>> -> memref<128xi32, #tpu.memory_space<hbm>>
      tpu.wait_dma2 semaphore(%arg22 : memref<!tpu.dma_semaphore, #tpu.memory_space<semaphore_mem>>) src(%dma_wait3A_324 : memref<128xi32, #tpu.memory_space<hbm>>) dst(%arg10 : memref<128xi32, #tpu.memory_space<vmem>>)
      %dma_wait3A_325 = arith.constant 0 : i32
      %dma_wait3A_326 = arith.constant 0 : i32
      %dma_wait3A_327 = tpu.memref_slice %arg16[%dma_wait3A_325, %dma_wait3A_326] : memref<10000x128xf32, #tpu.memory_space<vmem_shared>> -> memref<10000x128xf32, #tpu.memory_space<vmem_shared>>
      tpu.wait_indirect_dma semaphore(%arg19 : memref<!tpu.dma_semaphore, #tpu.memory_space<semaphore_mem>>) src(%arg15 : memref<128x128xf32, #tpu.memory_space<vmem>>) dst(%dma_wait3A_327 : memref<10000x128xf32, #tpu.memory_space<vmem_shared>>)
      %add3A_328 = arith.constant 2 : i32
      %add3A_329 = arith.addi %mul3A_302, %add3A_328 : i32
      %mul3A_330 = arith.constant 128 : i32
      %mul3A_331 = arith.muli %add3A_329, %mul3A_330 : i32
      %add3A_332 = arith.addi %mul3A_35, %mul3A_331 : i32
      %multiple_of3A_333 = tpu.assume_multiple %add3A_332, 8 : i32
      %dma_start3A_334 = tpu.memref_slice %arg4[%multiple_of3A_333] : memref<640000xi32, #tpu.memory_space<hbm>> -> memref<128xi32, #tpu.memory_space<hbm>>
      %dma_start3A_335 = tpu.memref_slice %arg4[%multiple_of3A_333] : memref<640000xi32, #tpu.memory_space<hbm>> -> memref<128xi32, #tpu.memory_space<hbm>>
      tpu.enqueue_dma source(%dma_start3A_335 : memref<128xi32, #tpu.memory_space<hbm>>) target(%arg9 : memref<128xi32, #tpu.memory_space<vmem>>) target_semaphore(%arg21 : memref<!tpu.dma_semaphore, #tpu.memory_space<semaphore_mem>>)
      %dma_start3A_336 = arith.constant 0 : i32
      %dma_start3A_337 = arith.constant 0 : i32
      %dma_start3A_338 = tpu.memref_slice %arg16[%dma_start3A_336, %dma_start3A_337] : memref<10000x128xf32, #tpu.memory_space<vmem_shared>> -> memref<10000x128xf32, #tpu.memory_space<vmem_shared>>
      tpu.enqueue_indirect_dma source(%arg15 : memref<128x128xf32, #tpu.memory_space<vmem>>) target(%dma_start3A_338 : memref<10000x128xf32, #tpu.memory_space<vmem_shared>>) offsets(%arg10 : memref<128xi32, #tpu.memory_space<vmem>>) semaphore(%arg20 : memref<!tpu.dma_semaphore, #tpu.memory_space<semaphore_mem>>) {add = true}
    }
    %scan3A_70 = arith.constant 76 : i32
    %dma_wait3A_71 = arith.constant 0 : i32
    %dma_wait3A_72 = tpu.memref_slice %arg4[%dma_wait3A_71] : memref<640000xi32, #tpu.memory_space<hbm>> -> memref<128xi32, #tpu.memory_space<hbm>>
    %dma_wait3A_73 = arith.constant 0 : i32
    %dma_wait3A_74 = tpu.memref_slice %arg4[%dma_wait3A_73] : memref<640000xi32, #tpu.memory_space<hbm>> -> memref<128xi32, #tpu.memory_space<hbm>>
    tpu.wait_dma2 semaphore(%arg21 : memref<!tpu.dma_semaphore, #tpu.memory_space<semaphore_mem>>) src(%dma_wait3A_74 : memref<128xi32, #tpu.memory_space<hbm>>) dst(%arg9 : memref<128xi32, #tpu.memory_space<vmem>>)
    %dma_wait3A_75 = arith.constant 0 : i32
    %dma_wait3A_76 = arith.constant 0 : i32
    %dma_wait3A_77 = tpu.memref_slice %arg16[%dma_wait3A_75, %dma_wait3A_76] : memref<10000x128xf32, #tpu.memory_space<vmem_shared>> -> memref<10000x128xf32, #tpu.memory_space<vmem_shared>>
    tpu.wait_indirect_dma semaphore(%arg20 : memref<!tpu.dma_semaphore, #tpu.memory_space<semaphore_mem>>) src(%arg15 : memref<128x128xf32, #tpu.memory_space<vmem>>) dst(%dma_wait3A_77 : memref<10000x128xf32, #tpu.memory_space<vmem_shared>>)
    %dma_start3A_78 = arith.constant 0 : i32
    %dma_start3A_79 = arith.constant 0 : i32
    %dma_start3A_80 = tpu.memref_slice %arg16[%dma_start3A_78, %dma_start3A_79] : memref<10000x128xf32, #tpu.memory_space<vmem_shared>> -> memref<10000x128xf32, #tpu.memory_space<vmem_shared>>
    tpu.enqueue_indirect_dma source(%arg15 : memref<128x128xf32, #tpu.memory_space<vmem>>) target(%dma_start3A_80 : memref<10000x128xf32, #tpu.memory_space<vmem_shared>>) offsets(%arg9 : memref<128xi32, #tpu.memory_space<vmem>>) semaphore(%arg19 : memref<!tpu.dma_semaphore, #tpu.memory_space<semaphore_mem>>) {add = true}
    %add3A_81 = arith.constant 19840 : i32
    %add3A_82 = arith.addi %mul3A_35, %add3A_81 : i32
    %multiple_of3A_83 = tpu.assume_multiple %add3A_82, 8 : i32
    %dma_start3A_84 = tpu.memref_slice %arg4[%multiple_of3A_83] : memref<640000xi32, #tpu.memory_space<hbm>> -> memref<128xi32, #tpu.memory_space<hbm>>
    %dma_start3A_85 = tpu.memref_slice %arg4[%multiple_of3A_83] : memref<640000xi32, #tpu.memory_space<hbm>> -> memref<128xi32, #tpu.memory_space<hbm>>
    tpu.enqueue_dma source(%dma_start3A_85 : memref<128xi32, #tpu.memory_space<hbm>>) target(%arg10 : memref<128xi32, #tpu.memory_space<vmem>>) target_semaphore(%arg22 : memref<!tpu.dma_semaphore, #tpu.memory_space<semaphore_mem>>)
    %dma_wait3A_86 = arith.constant 0 : i32
    %dma_wait3A_87 = tpu.memref_slice %arg4[%dma_wait3A_86] : memref<640000xi32, #tpu.memory_space<hbm>> -> memref<128xi32, #tpu.memory_space<hbm>>
    %dma_wait3A_88 = arith.constant 0 : i32
    %dma_wait3A_89 = tpu.memref_slice %arg4[%dma_wait3A_88] : memref<640000xi32, #tpu.memory_space<hbm>> -> memref<128xi32, #tpu.memory_space<hbm>>
    tpu.wait_dma2 semaphore(%arg22 : memref<!tpu.dma_semaphore, #tpu.memory_space<semaphore_mem>>) src(%dma_wait3A_89 : memref<128xi32, #tpu.memory_space<hbm>>) dst(%arg10 : memref<128xi32, #tpu.memory_space<vmem>>)
    %dma_wait3A_90 = arith.constant 0 : i32
    %dma_wait3A_91 = arith.constant 0 : i32
    %dma_wait3A_92 = tpu.memref_slice %arg16[%dma_wait3A_90, %dma_wait3A_91] : memref<10000x128xf32, #tpu.memory_space<vmem_shared>> -> memref<10000x128xf32, #tpu.memory_space<vmem_shared>>
    tpu.wait_indirect_dma semaphore(%arg19 : memref<!tpu.dma_semaphore, #tpu.memory_space<semaphore_mem>>) src(%arg15 : memref<128x128xf32, #tpu.memory_space<vmem>>) dst(%dma_wait3A_92 : memref<10000x128xf32, #tpu.memory_space<vmem_shared>>)
    %add3A_93 = arith.constant 19968 : i32
    %add3A_94 = arith.addi %mul3A_35, %add3A_93 : i32
    %multiple_of3A_95 = tpu.assume_multiple %add3A_94, 8 : i32
    "tpu.region"() ({
      %run_scoped3A = tpu.sem_alloc : memref<!tpu.dma_semaphore, #tpu.memory_space<semaphore_mem>>
      %dma_start3A_300 = tpu.memref_slice %arg4[%multiple_of3A_95] : memref<640000xi32, #tpu.memory_space<hbm>> -> memref<32xi32, #tpu.memory_space<hbm>>
      %dma_start3A_301 = tpu.memref_slice %arg4[%multiple_of3A_95] : memref<640000xi32, #tpu.memory_space<hbm>> -> memref<32xi32, #tpu.memory_space<hbm>>
      tpu.enqueue_dma source(%dma_start3A_301 : memref<32xi32, #tpu.memory_space<hbm>>) target(%arg12 : memref<32xi32, #tpu.memory_space<vmem>>) target_semaphore(%run_scoped3A : memref<!tpu.dma_semaphore, #tpu.memory_space<semaphore_mem>>)
      %dma_wait3A_302 = tpu.memref_slice %arg4[%multiple_of3A_95] : memref<640000xi32, #tpu.memory_space<hbm>> -> memref<32xi32, #tpu.memory_space<hbm>>
      %dma_wait3A_303 = tpu.memref_slice %arg4[%multiple_of3A_95] : memref<640000xi32, #tpu.memory_space<hbm>> -> memref<32xi32, #tpu.memory_space<hbm>>
      tpu.wait_dma2 semaphore(%run_scoped3A : memref<!tpu.dma_semaphore, #tpu.memory_space<semaphore_mem>>) src(%dma_wait3A_303 : memref<32xi32, #tpu.memory_space<hbm>>) dst(%arg12 : memref<32xi32, #tpu.memory_space<vmem>>)
      tpu.yield
    }) : () -> ()
    %dma_start3A_96 = arith.constant 0 : i32
    %dma_start3A_97 = arith.constant 0 : i32
    %dma_start3A_98 = tpu.memref_slice %arg16[%dma_start3A_96, %dma_start3A_97] : memref<10000x128xf32, #tpu.memory_space<vmem_shared>> -> memref<10000x128xf32, #tpu.memory_space<vmem_shared>>
    tpu.enqueue_indirect_dma source(%arg15 : memref<128x128xf32, #tpu.memory_space<vmem>>) target(%dma_start3A_98 : memref<10000x128xf32, #tpu.memory_space<vmem_shared>>) offsets(%arg10 : memref<128xi32, #tpu.memory_space<vmem>>) semaphore(%arg20 : memref<!tpu.dma_semaphore, #tpu.memory_space<semaphore_mem>>) {add = true}
    "tpu.region"() ({
      %run_scoped3A = tpu.sem_alloc : memref<!tpu.dma_semaphore, #tpu.memory_space<semaphore_mem>>
      %dma_start3A_300 = arith.constant 0 : i32
      %dma_start3A_301 = arith.constant 0 : i32
      %dma_start3A_302 = tpu.memref_slice %arg15[%dma_start3A_300, %dma_start3A_301] : memref<128x128xf32, #tpu.memory_space<vmem>> -> memref<32x128xf32, #tpu.memory_space<vmem>>
      %dma_start3A_303 = arith.constant 0 : i32
      %dma_start3A_304 = arith.constant 0 : i32
      %dma_start3A_305 = tpu.memref_slice %arg16[%dma_start3A_303, %dma_start3A_304] : memref<10000x128xf32, #tpu.memory_space<vmem_shared>> -> memref<10000x128xf32, #tpu.memory_space<vmem_shared>>
      tpu.enqueue_indirect_dma source(%dma_start3A_302 : memref<32x128xf32, #tpu.memory_space<vmem>>) target(%dma_start3A_305 : memref<10000x128xf32, #tpu.memory_space<vmem_shared>>) offsets(%arg12 : memref<32xi32, #tpu.memory_space<vmem>>) semaphore(%run_scoped3A : memref<!tpu.dma_semaphore, #tpu.memory_space<semaphore_mem>>) {add = true}
      %dma_wait3A_306 = arith.constant 0 : i32
      %dma_wait3A_307 = arith.constant 0 : i32
      %dma_wait3A_308 = tpu.memref_slice %arg15[%dma_wait3A_306, %dma_wait3A_307] : memref<128x128xf32, #tpu.memory_space<vmem>> -> memref<32x128xf32, #tpu.memory_space<vmem>>
      %dma_wait3A_309 = arith.constant 0 : i32
      %dma_wait3A_310 = arith.constant 0 : i32
      %dma_wait3A_311 = tpu.memref_slice %arg16[%dma_wait3A_309, %dma_wait3A_310] : memref<10000x128xf32, #tpu.memory_space<vmem_shared>> -> memref<10000x128xf32, #tpu.memory_space<vmem_shared>>
      tpu.wait_indirect_dma semaphore(%run_scoped3A : memref<!tpu.dma_semaphore, #tpu.memory_space<semaphore_mem>>) src(%dma_wait3A_308 : memref<32x128xf32, #tpu.memory_space<vmem>>) dst(%dma_wait3A_311 : memref<10000x128xf32, #tpu.memory_space<vmem_shared>>)
      tpu.yield
    }) : () -> ()
    %dma_wait3A_99 = arith.constant 0 : i32
    %dma_wait3A_100 = arith.constant 0 : i32
    %dma_wait3A_101 = tpu.memref_slice %arg16[%dma_wait3A_99, %dma_wait3A_100] : memref<10000x128xf32, #tpu.memory_space<vmem_shared>> -> memref<10000x128xf32, #tpu.memory_space<vmem_shared>>
    tpu.wait_indirect_dma semaphore(%arg20 : memref<!tpu.dma_semaphore, #tpu.memory_space<semaphore_mem>>) src(%arg15 : memref<128x128xf32, #tpu.memory_space<vmem>>) dst(%dma_wait3A_101 : memref<10000x128xf32, #tpu.memory_space<vmem_shared>>)
    %barrier3A_102 = arith.constant 0 : index
    tpu.barrier barrier_id(%barrier3A_102)
    %add3A_103 = arith.constant 0 : i32
    %add3A_104 = arith.addi %multiple_of3A, %add3A_103 : i32
    %multiple_of3A_105 = tpu.assume_multiple %add3A_104, 8 : i32
    "tpu.region"() ({
      %run_scoped3A = tpu.sem_alloc : memref<!tpu.dma_semaphore, #tpu.memory_space<semaphore_mem>>
      %dma_start3A_300 = arith.constant 0 : i32
      %dma_start3A_301 = tpu.memref_slice %arg16[%multiple_of3A_105, %dma_start3A_300] : memref<10000x128xf32, #tpu.memory_space<vmem_shared>> -> memref<128x128xf32, #tpu.memory_space<vmem_shared>>
      %dma_start3A_302 = arith.constant 0 : i32
      %dma_start3A_303 = tpu.memref_slice %arg16[%multiple_of3A_105, %dma_start3A_302] : memref<10000x128xf32, #tpu.memory_space<vmem_shared>> -> memref<128x128xf32, #tpu.memory_space<vmem_shared>>
      tpu.enqueue_dma source(%dma_start3A_303 : memref<128x128xf32, #tpu.memory_space<vmem_shared>>) target(%arg13 : memref<128x128xf32, #tpu.memory_space<vmem>>) target_semaphore(%run_scoped3A : memref<!tpu.dma_semaphore, #tpu.memory_space<semaphore_mem>>)
      %dma_wait3A_304 = arith.constant 0 : i32
      %dma_wait3A_305 = tpu.memref_slice %arg16[%multiple_of3A_105, %dma_wait3A_304] : memref<10000x128xf32, #tpu.memory_space<vmem_shared>> -> memref<128x128xf32, #tpu.memory_space<vmem_shared>>
      %dma_wait3A_306 = arith.constant 0 : i32
      %dma_wait3A_307 = tpu.memref_slice %arg16[%multiple_of3A_105, %dma_wait3A_306] : memref<10000x128xf32, #tpu.memory_space<vmem_shared>> -> memref<128x128xf32, #tpu.memory_space<vmem_shared>>
      tpu.wait_dma2 semaphore(%run_scoped3A : memref<!tpu.dma_semaphore, #tpu.memory_space<semaphore_mem>>) src(%dma_wait3A_307 : memref<128x128xf32, #tpu.memory_space<vmem_shared>>) dst(%arg13 : memref<128x128xf32, #tpu.memory_space<vmem>>)
      tpu.yield
    }) : () -> ()
    "tpu.region"() ({
      %run_scoped3A = tpu.sem_alloc : memref<!tpu.dma_semaphore, #tpu.memory_space<semaphore_mem>>
      %dma_start3A_300 = arith.constant 0 : i32
      %dma_start3A_301 = tpu.memref_slice %arg5[%arg0, %multiple_of3A_105, %dma_start3A_300] : memref<2x10000x128xf32, #tpu.memory_space<hbm>> -> memref<1x128x128xf32, #tpu.memory_space<hbm>>
      %dma_start3A_302 = tpu.memref_squeeze %dma_start3A_301 : memref<1x128x128xf32, #tpu.memory_space<hbm>> -> memref<128x128xf32, #tpu.memory_space<hbm>>
      %dma_start3A_303 = arith.constant 0 : i32
      %dma_start3A_304 = tpu.memref_slice %arg5[%arg0, %multiple_of3A_105, %dma_start3A_303] : memref<2x10000x128xf32, #tpu.memory_space<hbm>> -> memref<1x128x128xf32, #tpu.memory_space<hbm>>
      %dma_start3A_305 = tpu.memref_squeeze %dma_start3A_304 : memref<1x128x128xf32, #tpu.memory_space<hbm>> -> memref<128x128xf32, #tpu.memory_space<hbm>>
      tpu.enqueue_dma source(%arg13 : memref<128x128xf32, #tpu.memory_space<vmem>>) target(%dma_start3A_305 : memref<128x128xf32, #tpu.memory_space<hbm>>) target_semaphore(%run_scoped3A : memref<!tpu.dma_semaphore, #tpu.memory_space<semaphore_mem>>)
      %dma_wait3A_306 = arith.constant 0 : i32
      %dma_wait3A_307 = tpu.memref_slice %arg5[%arg0, %multiple_of3A_105, %dma_wait3A_306] : memref<2x10000x128xf32, #tpu.memory_space<hbm>> -> memref<1x128x128xf32, #tpu.memory_space<hbm>>
      %dma_wait3A_308 = tpu.memref_squeeze %dma_wait3A_307 : memref<1x128x128xf32, #tpu.memory_space<hbm>> -> memref<128x128xf32, #tpu.memory_space<hbm>>
      %dma_wait3A_309 = arith.constant 0 : i32
      %dma_wait3A_310 = tpu.memref_slice %arg5[%arg0, %multiple_of3A_105, %dma_wait3A_309] : memref<2x10000x128xf32, #tpu.memory_space<hbm>> -> memref<1x128x128xf32, #tpu.memory_space<hbm>>
      %dma_wait3A_311 = tpu.memref_squeeze %dma_wait3A_310 : memref<1x128x128xf32, #tpu.memory_space<hbm>> -> memref<128x128xf32, #tpu.memory_space<hbm>>
      tpu.wait_dma2 semaphore(%run_scoped3A : memref<!tpu.dma_semaphore, #tpu.memory_space<semaphore_mem>>) src(%arg13 : memref<128x128xf32, #tpu.memory_space<vmem>>) dst(%dma_wait3A_311 : memref<128x128xf32, #tpu.memory_space<hbm>>)
      tpu.yield
    }) : () -> ()
    %add3A_106 = arith.constant 128 : i32
    %add3A_107 = arith.addi %multiple_of3A, %add3A_106 : i32
    %multiple_of3A_108 = tpu.assume_multiple %add3A_107, 8 : i32
    "tpu.region"() ({
      %run_scoped3A = tpu.sem_alloc : memref<!tpu.dma_semaphore, #tpu.memory_space<semaphore_mem>>
      %dma_start3A_300 = arith.constant 0 : i32
      %dma_start3A_301 = tpu.memref_slice %arg16[%multiple_of3A_108, %dma_start3A_300] : memref<10000x128xf32, #tpu.memory_space<vmem_shared>> -> memref<128x128xf32, #tpu.memory_space<vmem_shared>>
      %dma_start3A_302 = arith.constant 0 : i32
      %dma_start3A_303 = tpu.memref_slice %arg16[%multiple_of3A_108, %dma_start3A_302] : memref<10000x128xf32, #tpu.memory_space<vmem_shared>> -> memref<128x128xf32, #tpu.memory_space<vmem_shared>>
      tpu.enqueue_dma source(%dma_start3A_303 : memref<128x128xf32, #tpu.memory_space<vmem_shared>>) target(%arg13 : memref<128x128xf32, #tpu.memory_space<vmem>>) target_semaphore(%run_scoped3A : memref<!tpu.dma_semaphore, #tpu.memory_space<semaphore_mem>>)
      %dma_wait3A_304 = arith.constant 0 : i32
      %dma_wait3A_305 = tpu.memref_slice %arg16[%multiple_of3A_108, %dma_wait3A_304] : memref<10000x128xf32, #tpu.memory_space<vmem_shared>> -> memref<128x128xf32, #tpu.memory_space<vmem_shared>>
      %dma_wait3A_306 = arith.constant 0 : i32
      %dma_wait3A_307 = tpu.memref_slice %arg16[%multiple_of3A_108, %dma_wait3A_306] : memref<10000x128xf32, #tpu.memory_space<vmem_shared>> -> memref<128x128xf32, #tpu.memory_space<vmem_shared>>
      tpu.wait_dma2 semaphore(%run_scoped3A : memref<!tpu.dma_semaphore, #tpu.memory_space<semaphore_mem>>) src(%dma_wait3A_307 : memref<128x128xf32, #tpu.memory_space<vmem_shared>>) dst(%arg13 : memref<128x128xf32, #tpu.memory_space<vmem>>)
      tpu.yield
    }) : () -> ()
    "tpu.region"() ({
      %run_scoped3A = tpu.sem_alloc : memref<!tpu.dma_semaphore, #tpu.memory_space<semaphore_mem>>
      %dma_start3A_300 = arith.constant 0 : i32
      %dma_start3A_301 = tpu.memref_slice %arg5[%arg0, %multiple_of3A_108, %dma_start3A_300] : memref<2x10000x128xf32, #tpu.memory_space<hbm>> -> memref<1x128x128xf32, #tpu.memory_space<hbm>>
      %dma_start3A_302 = tpu.memref_squeeze %dma_start3A_301 : memref<1x128x128xf32, #tpu.memory_space<hbm>> -> memref<128x128xf32, #tpu.memory_space<hbm>>
      %dma_start3A_303 = arith.constant 0 : i32
      %dma_start3A_304 = tpu.memref_slice %arg5[%arg0, %multiple_of3A_108, %dma_start3A_303] : memref<2x10000x128xf32, #tpu.memory_space<hbm>> -> memref<1x128x128xf32, #tpu.memory_space<hbm>>
      %dma_start3A_305 = tpu.memref_squeeze %dma_start3A_304 : memref<1x128x128xf32, #tpu.memory_space<hbm>> -> memref<128x128xf32, #tpu.memory_space<hbm>>
      tpu.enqueue_dma source(%arg13 : memref<128x128xf32, #tpu.memory_space<vmem>>) target(%dma_start3A_305 : memref<128x128xf32, #tpu.memory_space<hbm>>) target_semaphore(%run_scoped3A : memref<!tpu.dma_semaphore, #tpu.memory_space<semaphore_mem>>)
      %dma_wait3A_306 = arith.constant 0 : i32
      %dma_wait3A_307 = tpu.memref_slice %arg5[%arg0, %multiple_of3A_108, %dma_wait3A_306] : memref<2x10000x128xf32, #tpu.memory_space<hbm>> -> memref<1x128x128xf32, #tpu.memory_space<hbm>>
      %dma_wait3A_308 = tpu.memref_squeeze %dma_wait3A_307 : memref<1x128x128xf32, #tpu.memory_space<hbm>> -> memref<128x128xf32, #tpu.memory_space<hbm>>
      %dma_wait3A_309 = arith.constant 0 : i32
      %dma_wait3A_310 = tpu.memref_slice %arg5[%arg0, %multiple_of3A_108, %dma_wait3A_309] : memref<2x10000x128xf32, #tpu.memory_space<hbm>> -> memref<1x128x128xf32, #tpu.memory_space<hbm>>
      %dma_wait3A_311 = tpu.memref_squeeze %dma_wait3A_310 : memref<1x128x128xf32, #tpu.memory_space<hbm>> -> memref<128x128xf32, #tpu.memory_space<hbm>>
      tpu.wait_dma2 semaphore(%run_scoped3A : memref<!tpu.dma_semaphore, #tpu.memory_space<semaphore_mem>>) src(%arg13 : memref<128x128xf32, #tpu.memory_space<vmem>>) dst(%dma_wait3A_311 : memref<128x128xf32, #tpu.memory_space<hbm>>)
      tpu.yield
    }) : () -> ()
    %add3A_109 = arith.constant 256 : i32
    %add3A_110 = arith.addi %multiple_of3A, %add3A_109 : i32
    %multiple_of3A_111 = tpu.assume_multiple %add3A_110, 8 : i32
    "tpu.region"() ({
      %run_scoped3A = tpu.sem_alloc : memref<!tpu.dma_semaphore, #tpu.memory_space<semaphore_mem>>
      %dma_start3A_300 = arith.constant 0 : i32
      %dma_start3A_301 = tpu.memref_slice %arg16[%multiple_of3A_111, %dma_start3A_300] : memref<10000x128xf32, #tpu.memory_space<vmem_shared>> -> memref<128x128xf32, #tpu.memory_space<vmem_shared>>
      %dma_start3A_302 = arith.constant 0 : i32
      %dma_start3A_303 = tpu.memref_slice %arg16[%multiple_of3A_111, %dma_start3A_302] : memref<10000x128xf32, #tpu.memory_space<vmem_shared>> -> memref<128x128xf32, #tpu.memory_space<vmem_shared>>
      tpu.enqueue_dma source(%dma_start3A_303 : memref<128x128xf32, #tpu.memory_space<vmem_shared>>) target(%arg13 : memref<128x128xf32, #tpu.memory_space<vmem>>) target_semaphore(%run_scoped3A : memref<!tpu.dma_semaphore, #tpu.memory_space<semaphore_mem>>)
      %dma_wait3A_304 = arith.constant 0 : i32
      %dma_wait3A_305 = tpu.memref_slice %arg16[%multiple_of3A_111, %dma_wait3A_304] : memref<10000x128xf32, #tpu.memory_space<vmem_shared>> -> memref<128x128xf32, #tpu.memory_space<vmem_shared>>
      %dma_wait3A_306 = arith.constant 0 : i32
      %dma_wait3A_307 = tpu.memref_slice %arg16[%multiple_of3A_111, %dma_wait3A_306] : memref<10000x128xf32, #tpu.memory_space<vmem_shared>> -> memref<128x128xf32, #tpu.memory_space<vmem_shared>>
      tpu.wait_dma2 semaphore(%run_scoped3A : memref<!tpu.dma_semaphore, #tpu.memory_space<semaphore_mem>>) src(%dma_wait3A_307 : memref<128x128xf32, #tpu.memory_space<vmem_shared>>) dst(%arg13 : memref<128x128xf32, #tpu.memory_space<vmem>>)
      tpu.yield
    }) : () -> ()
    "tpu.region"() ({
      %run_scoped3A = tpu.sem_alloc : memref<!tpu.dma_semaphore, #tpu.memory_space<semaphore_mem>>
      %dma_start3A_300 = arith.constant 0 : i32
      %dma_start3A_301 = tpu.memref_slice %arg5[%arg0, %multiple_of3A_111, %dma_start3A_300] : memref<2x10000x128xf32, #tpu.memory_space<hbm>> -> memref<1x128x128xf32, #tpu.memory_space<hbm>>
      %dma_start3A_302 = tpu.memref_squeeze %dma_start3A_301 : memref<1x128x128xf32, #tpu.memory_space<hbm>> -> memref<128x128xf32, #tpu.memory_space<hbm>>
      %dma_start3A_303 = arith.constant 0 : i32
      %dma_start3A_304 = tpu.memref_slice %arg5[%arg0, %multiple_of3A_111, %dma_start3A_303] : memref<2x10000x128xf32, #tpu.memory_space<hbm>> -> memref<1x128x128xf32, #tpu.memory_space<hbm>>
      %dma_start3A_305 = tpu.memref_squeeze %dma_start3A_304 : memref<1x128x128xf32, #tpu.memory_space<hbm>> -> memref<128x128xf32, #tpu.memory_space<hbm>>
      tpu.enqueue_dma source(%arg13 : memref<128x128xf32, #tpu.memory_space<vmem>>) target(%dma_start3A_305 : memref<128x128xf32, #tpu.memory_space<hbm>>) target_semaphore(%run_scoped3A : memref<!tpu.dma_semaphore, #tpu.memory_space<semaphore_mem>>)
      %dma_wait3A_306 = arith.constant 0 : i32
      %dma_wait3A_307 = tpu.memref_slice %arg5[%arg0, %multiple_of3A_111, %dma_wait3A_306] : memref<2x10000x128xf32, #tpu.memory_space<hbm>> -> memref<1x128x128xf32, #tpu.memory_space<hbm>>
      %dma_wait3A_308 = tpu.memref_squeeze %dma_wait3A_307 : memref<1x128x128xf32, #tpu.memory_space<hbm>> -> memref<128x128xf32, #tpu.memory_space<hbm>>
      %dma_wait3A_309 = arith.constant 0 : i32
      %dma_wait3A_310 = tpu.memref_slice %arg5[%arg0, %multiple_of3A_111, %dma_wait3A_309] : memref<2x10000x128xf32, #tpu.memory_space<hbm>> -> memref<1x128x128xf32, #tpu.memory_space<hbm>>
      %dma_wait3A_311 = tpu.memref_squeeze %dma_wait3A_310 : memref<1x128x128xf32, #tpu.memory_space<hbm>> -> memref<128x128xf32, #tpu.memory_space<hbm>>
      tpu.wait_dma2 semaphore(%run_scoped3A : memref<!tpu.dma_semaphore, #tpu.memory_space<semaphore_mem>>) src(%arg13 : memref<128x128xf32, #tpu.memory_space<vmem>>) dst(%dma_wait3A_311 : memref<128x128xf32, #tpu.memory_space<hbm>>)
      tpu.yield
    }) : () -> ()
    %add3A_112 = arith.constant 384 : i32
    %add3A_113 = arith.addi %multiple_of3A, %add3A_112 : i32
    %multiple_of3A_114 = tpu.assume_multiple %add3A_113, 8 : i32
    "tpu.region"() ({
      %run_scoped3A = tpu.sem_alloc : memref<!tpu.dma_semaphore, #tpu.memory_space<semaphore_mem>>
      %dma_start3A_300 = arith.constant 0 : i32
      %dma_start3A_301 = tpu.memref_slice %arg16[%multiple_of3A_114, %dma_start3A_300] : memref<10000x128xf32, #tpu.memory_space<vmem_shared>> -> memref<128x128xf32, #tpu.memory_space<vmem_shared>>
      %dma_start3A_302 = arith.constant 0 : i32
      %dma_start3A_303 = tpu.memref_slice %arg16[%multiple_of3A_114, %dma_start3A_302] : memref<10000x128xf32, #tpu.memory_space<vmem_shared>> -> memref<128x128xf32, #tpu.memory_space<vmem_shared>>
      tpu.enqueue_dma source(%dma_start3A_303 : memref<128x128xf32, #tpu.memory_space<vmem_shared>>) target(%arg13 : memref<128x128xf32, #tpu.memory_space<vmem>>) target_semaphore(%run_scoped3A : memref<!tpu.dma_semaphore, #tpu.memory_space<semaphore_mem>>)
      %dma_wait3A_304 = arith.constant 0 : i32
      %dma_wait3A_305 = tpu.memref_slice %arg16[%multiple_of3A_114, %dma_wait3A_304] : memref<10000x128xf32, #tpu.memory_space<vmem_shared>> -> memref<128x128xf32, #tpu.memory_space<vmem_shared>>
      %dma_wait3A_306 = arith.constant 0 : i32
      %dma_wait3A_307 = tpu.memref_slice %arg16[%multiple_of3A_114, %dma_wait3A_306] : memref<10000x128xf32, #tpu.memory_space<vmem_shared>> -> memref<128x128xf32, #tpu.memory_space<vmem_shared>>
      tpu.wait_dma2 semaphore(%run_scoped3A : memref<!tpu.dma_semaphore, #tpu.memory_space<semaphore_mem>>) src(%dma_wait3A_307 : memref<128x128xf32, #tpu.memory_space<vmem_shared>>) dst(%arg13 : memref<128x128xf32, #tpu.memory_space<vmem>>)
      tpu.yield
    }) : () -> ()
    "tpu.region"() ({
      %run_scoped3A = tpu.sem_alloc : memref<!tpu.dma_semaphore, #tpu.memory_space<semaphore_mem>>
      %dma_start3A_300 = arith.constant 0 : i32
      %dma_start3A_301 = tpu.memref_slice %arg5[%arg0, %multiple_of3A_114, %dma_start3A_300] : memref<2x10000x128xf32, #tpu.memory_space<hbm>> -> memref<1x128x128xf32, #tpu.memory_space<hbm>>
      %dma_start3A_302 = tpu.memref_squeeze %dma_start3A_301 : memref<1x128x128xf32, #tpu.memory_space<hbm>> -> memref<128x128xf32, #tpu.memory_space<hbm>>
      %dma_start3A_303 = arith.constant 0 : i32
      %dma_start3A_304 = tpu.memref_slice %arg5[%arg0, %multiple_of3A_114, %dma_start3A_303] : memref<2x10000x128xf32, #tpu.memory_space<hbm>> -> memref<1x128x128xf32, #tpu.memory_space<hbm>>
      %dma_start3A_305 = tpu.memref_squeeze %dma_start3A_304 : memref<1x128x128xf32, #tpu.memory_space<hbm>> -> memref<128x128xf32, #tpu.memory_space<hbm>>
      tpu.enqueue_dma source(%arg13 : memref<128x128xf32, #tpu.memory_space<vmem>>) target(%dma_start3A_305 : memref<128x128xf32, #tpu.memory_space<hbm>>) target_semaphore(%run_scoped3A : memref<!tpu.dma_semaphore, #tpu.memory_space<semaphore_mem>>)
      %dma_wait3A_306 = arith.constant 0 : i32
      %dma_wait3A_307 = tpu.memref_slice %arg5[%arg0, %multiple_of3A_114, %dma_wait3A_306] : memref<2x10000x128xf32, #tpu.memory_space<hbm>> -> memref<1x128x128xf32, #tpu.memory_space<hbm>>
      %dma_wait3A_308 = tpu.memref_squeeze %dma_wait3A_307 : memref<1x128x128xf32, #tpu.memory_space<hbm>> -> memref<128x128xf32, #tpu.memory_space<hbm>>
      %dma_wait3A_309 = arith.constant 0 : i32
      %dma_wait3A_310 = tpu.memref_slice %arg5[%arg0, %multiple_of3A_114, %dma_wait3A_309] : memref<2x10000x128xf32, #tpu.memory_space<hbm>> -> memref<1x128x128xf32, #tpu.memory_space<hbm>>
      %dma_wait3A_311 = tpu.memref_squeeze %dma_wait3A_310 : memref<1x128x128xf32, #tpu.memory_space<hbm>> -> memref<128x128xf32, #tpu.memory_space<hbm>>
      tpu.wait_dma2 semaphore(%run_scoped3A : memref<!tpu.dma_semaphore, #tpu.memory_space<semaphore_mem>>) src(%arg13 : memref<128x128xf32, #tpu.memory_space<vmem>>) dst(%dma_wait3A_311 : memref<128x128xf32, #tpu.memory_space<hbm>>)
      tpu.yield
    }) : () -> ()
    %add3A_115 = arith.constant 512 : i32
    %add3A_116 = arith.addi %multiple_of3A, %add3A_115 : i32
    %multiple_of3A_117 = tpu.assume_multiple %add3A_116, 8 : i32
    "tpu.region"() ({
      %run_scoped3A = tpu.sem_alloc : memref<!tpu.dma_semaphore, #tpu.memory_space<semaphore_mem>>
      %dma_start3A_300 = arith.constant 0 : i32
      %dma_start3A_301 = arith.constant 0 : i32
      %dma_start3A_302 = tpu.memref_slice %arg13[%dma_start3A_300, %dma_start3A_301] : memref<128x128xf32, #tpu.memory_space<vmem>> -> memref<112x128xf32, #tpu.memory_space<vmem>>
      %dma_start3A_303 = arith.constant 0 : i32
      %dma_start3A_304 = tpu.memref_slice %arg16[%multiple_of3A_117, %dma_start3A_303] : memref<10000x128xf32, #tpu.memory_space<vmem_shared>> -> memref<112x128xf32, #tpu.memory_space<vmem_shared>>
      %dma_start3A_305 = arith.constant 0 : i32
      %dma_start3A_306 = arith.constant 0 : i32
      %dma_start3A_307 = tpu.memref_slice %arg13[%dma_start3A_305, %dma_start3A_306] : memref<128x128xf32, #tpu.memory_space<vmem>> -> memref<112x128xf32, #tpu.memory_space<vmem>>
      %dma_start3A_308 = arith.constant 0 : i32
      %dma_start3A_309 = tpu.memref_slice %arg16[%multiple_of3A_117, %dma_start3A_308] : memref<10000x128xf32, #tpu.memory_space<vmem_shared>> -> memref<112x128xf32, #tpu.memory_space<vmem_shared>>
      tpu.enqueue_dma source(%dma_start3A_309 : memref<112x128xf32, #tpu.memory_space<vmem_shared>>) target(%dma_start3A_307 : memref<112x128xf32, #tpu.memory_space<vmem>>) target_semaphore(%run_scoped3A : memref<!tpu.dma_semaphore, #tpu.memory_space<semaphore_mem>>)
      %dma_wait3A_310 = arith.constant 0 : i32
      %dma_wait3A_311 = arith.constant 0 : i32
      %dma_wait3A_312 = tpu.memref_slice %arg13[%dma_wait3A_310, %dma_wait3A_311] : memref<128x128xf32, #tpu.memory_space<vmem>> -> memref<112x128xf32, #tpu.memory_space<vmem>>
      %dma_wait3A_313 = arith.constant 0 : i32
      %dma_wait3A_314 = tpu.memref_slice %arg16[%multiple_of3A_117, %dma_wait3A_313] : memref<10000x128xf32, #tpu.memory_space<vmem_shared>> -> memref<112x128xf32, #tpu.memory_space<vmem_shared>>
      %dma_wait3A_315 = arith.constant 0 : i32
      %dma_wait3A_316 = arith.constant 0 : i32
      %dma_wait3A_317 = tpu.memref_slice %arg13[%dma_wait3A_315, %dma_wait3A_316] : memref<128x128xf32, #tpu.memory_space<vmem>> -> memref<112x128xf32, #tpu.memory_space<vmem>>
      %dma_wait3A_318 = arith.constant 0 : i32
      %dma_wait3A_319 = tpu.memref_slice %arg16[%multiple_of3A_117, %dma_wait3A_318] : memref<10000x128xf32, #tpu.memory_space<vmem_shared>> -> memref<112x128xf32, #tpu.memory_space<vmem_shared>>
      tpu.wait_dma2 semaphore(%run_scoped3A : memref<!tpu.dma_semaphore, #tpu.memory_space<semaphore_mem>>) src(%dma_wait3A_319 : memref<112x128xf32, #tpu.memory_space<vmem_shared>>) dst(%dma_wait3A_317 : memref<112x128xf32, #tpu.memory_space<vmem>>)
      tpu.yield
    }) : () -> ()
    "tpu.region"() ({
      %run_scoped3A = tpu.sem_alloc : memref<!tpu.dma_semaphore, #tpu.memory_space<semaphore_mem>>
      %dma_start3A_300 = arith.constant 0 : i32
      %dma_start3A_301 = arith.constant 0 : i32
      %dma_start3A_302 = tpu.memref_slice %arg13[%dma_start3A_300, %dma_start3A_301] : memref<128x128xf32, #tpu.memory_space<vmem>> -> memref<112x128xf32, #tpu.memory_space<vmem>>
      %dma_start3A_303 = arith.constant 0 : i32
      %dma_start3A_304 = tpu.memref_slice %arg5[%arg0, %multiple_of3A_117, %dma_start3A_303] : memref<2x10000x128xf32, #tpu.memory_space<hbm>> -> memref<1x112x128xf32, #tpu.memory_space<hbm>>
      %dma_start3A_305 = tpu.memref_squeeze %dma_start3A_304 : memref<1x112x128xf32, #tpu.memory_space<hbm>> -> memref<112x128xf32, #tpu.memory_space<hbm>>
      %dma_start3A_306 = arith.constant 0 : i32
      %dma_start3A_307 = tpu.memref_slice %arg5[%arg0, %multiple_of3A_117, %dma_start3A_306] : memref<2x10000x128xf32, #tpu.memory_space<hbm>> -> memref<1x112x128xf32, #tpu.memory_space<hbm>>
      %dma_start3A_308 = tpu.memref_squeeze %dma_start3A_307 : memref<1x112x128xf32, #tpu.memory_space<hbm>> -> memref<112x128xf32, #tpu.memory_space<hbm>>
      %dma_start3A_309 = arith.constant 0 : i32
      %dma_start3A_310 = arith.constant 0 : i32
      %dma_start3A_311 = tpu.memref_slice %arg13[%dma_start3A_309, %dma_start3A_310] : memref<128x128xf32, #tpu.memory_space<vmem>> -> memref<112x128xf32, #tpu.memory_space<vmem>>
      tpu.enqueue_dma source(%dma_start3A_311 : memref<112x128xf32, #tpu.memory_space<vmem>>) target(%dma_start3A_308 : memref<112x128xf32, #tpu.memory_space<hbm>>) target_semaphore(%run_scoped3A : memref<!tpu.dma_semaphore, #tpu.memory_space<semaphore_mem>>)
      %dma_wait3A_312 = arith.constant 0 : i32
      %dma_wait3A_313 = arith.constant 0 : i32
      %dma_wait3A_314 = tpu.memref_slice %arg13[%dma_wait3A_312, %dma_wait3A_313] : memref<128x128xf32, #tpu.memory_space<vmem>> -> memref<112x128xf32, #tpu.memory_space<vmem>>
      %dma_wait3A_315 = arith.constant 0 : i32
      %dma_wait3A_316 = tpu.memref_slice %arg5[%arg0, %multiple_of3A_117, %dma_wait3A_315] : memref<2x10000x128xf32, #tpu.memory_space<hbm>> -> memref<1x112x128xf32, #tpu.memory_space<hbm>>
      %dma_wait3A_317 = tpu.memref_squeeze %dma_wait3A_316 : memref<1x112x128xf32, #tpu.memory_space<hbm>> -> memref<112x128xf32, #tpu.memory_space<hbm>>
      %dma_wait3A_318 = arith.constant 0 : i32
      %dma_wait3A_319 = tpu.memref_slice %arg5[%arg0, %multiple_of3A_117, %dma_wait3A_318] : memref<2x10000x128xf32, #tpu.memory_space<hbm>> -> memref<1x112x128xf32, #tpu.memory_space<hbm>>
      %dma_wait3A_320 = tpu.memref_squeeze %dma_wait3A_319 : memref<1x112x128xf32, #tpu.memory_space<hbm>> -> memref<112x128xf32, #tpu.memory_space<hbm>>
      %dma_wait3A_321 = arith.constant 0 : i32
      %dma_wait3A_322 = arith.constant 0 : i32
      %dma_wait3A_323 = tpu.memref_slice %arg13[%dma_wait3A_321, %dma_wait3A_322] : memref<128x128xf32, #tpu.memory_space<vmem>> -> memref<112x128xf32, #tpu.memory_space<vmem>>
      tpu.wait_dma2 semaphore(%run_scoped3A : memref<!tpu.dma_semaphore, #tpu.memory_space<semaphore_mem>>) src(%dma_wait3A_323 : memref<112x128xf32, #tpu.memory_space<vmem>>) dst(%dma_wait3A_320 : memref<112x128xf32, #tpu.memory_space<hbm>>)
      tpu.yield
    }) : () -> ()
    "tpu.region"() ({
      %run_scoped3A = tpu.sem_alloc : memref<!tpu.dma_semaphore, #tpu.memory_space<semaphore_mem>>
      %dma_start3A_300 = arith.constant 0 : i32
      %dma_start3A_301 = arith.constant 0 : i32
      %dma_start3A_302 = tpu.memref_slice %arg13[%dma_start3A_300, %dma_start3A_301] : memref<128x128xf32, #tpu.memory_space<vmem>> -> memref<8x128xf32, #tpu.memory_space<vmem>>
      %dma_start3A_303 = arith.constant 0 : i32
      %dma_start3A_304 = tpu.memref_slice %arg16[%multiple_of3A_13, %dma_start3A_303] : memref<10000x128xf32, #tpu.memory_space<vmem_shared>> -> memref<8x128xf32, #tpu.memory_space<vmem_shared>>
      %dma_start3A_305 = arith.constant 0 : i32
      %dma_start3A_306 = arith.constant 0 : i32
      %dma_start3A_307 = tpu.memref_slice %arg13[%dma_start3A_305, %dma_start3A_306] : memref<128x128xf32, #tpu.memory_space<vmem>> -> memref<8x128xf32, #tpu.memory_space<vmem>>
      %dma_start3A_308 = arith.constant 0 : i32
      %dma_start3A_309 = tpu.memref_slice %arg16[%multiple_of3A_13, %dma_start3A_308] : memref<10000x128xf32, #tpu.memory_space<vmem_shared>> -> memref<8x128xf32, #tpu.memory_space<vmem_shared>>
      tpu.enqueue_dma source(%dma_start3A_309 : memref<8x128xf32, #tpu.memory_space<vmem_shared>>) target(%dma_start3A_307 : memref<8x128xf32, #tpu.memory_space<vmem>>) target_semaphore(%run_scoped3A : memref<!tpu.dma_semaphore, #tpu.memory_space<semaphore_mem>>)
      %dma_wait3A_310 = arith.constant 0 : i32
      %dma_wait3A_311 = arith.constant 0 : i32
      %dma_wait3A_312 = tpu.memref_slice %arg13[%dma_wait3A_310, %dma_wait3A_311] : memref<128x128xf32, #tpu.memory_space<vmem>> -> memref<8x128xf32, #tpu.memory_space<vmem>>
      %dma_wait3A_313 = arith.constant 0 : i32
      %dma_wait3A_314 = tpu.memref_slice %arg16[%multiple_of3A_13, %dma_wait3A_313] : memref<10000x128xf32, #tpu.memory_space<vmem_shared>> -> memref<8x128xf32, #tpu.memory_space<vmem_shared>>
      %dma_wait3A_315 = arith.constant 0 : i32
      %dma_wait3A_316 = arith.constant 0 : i32
      %dma_wait3A_317 = tpu.memref_slice %arg13[%dma_wait3A_315, %dma_wait3A_316] : memref<128x128xf32, #tpu.memory_space<vmem>> -> memref<8x128xf32, #tpu.memory_space<vmem>>
      %dma_wait3A_318 = arith.constant 0 : i32
      %dma_wait3A_319 = tpu.memref_slice %arg16[%multiple_of3A_13, %dma_wait3A_318] : memref<10000x128xf32, #tpu.memory_space<vmem_shared>> -> memref<8x128xf32, #tpu.memory_space<vmem_shared>>
      tpu.wait_dma2 semaphore(%run_scoped3A : memref<!tpu.dma_semaphore, #tpu.memory_space<semaphore_mem>>) src(%dma_wait3A_319 : memref<8x128xf32, #tpu.memory_space<vmem_shared>>) dst(%dma_wait3A_317 : memref<8x128xf32, #tpu.memory_space<vmem>>)
      tpu.yield
    }) : () -> ()
    "tpu.region"() ({
      %run_scoped3A = tpu.sem_alloc : memref<!tpu.dma_semaphore, #tpu.memory_space<semaphore_mem>>
      %dma_start3A_300 = arith.constant 0 : i32
      %dma_start3A_301 = arith.constant 0 : i32
      %dma_start3A_302 = tpu.memref_slice %arg13[%dma_start3A_300, %dma_start3A_301] : memref<128x128xf32, #tpu.memory_space<vmem>> -> memref<8x128xf32, #tpu.memory_space<vmem>>
      %dma_start3A_303 = arith.constant 0 : i32
      %dma_start3A_304 = tpu.memref_slice %arg5[%arg0, %multiple_of3A_13, %dma_start3A_303] : memref<2x10000x128xf32, #tpu.memory_space<hbm>> -> memref<1x8x128xf32, #tpu.memory_space<hbm>>
      %dma_start3A_305 = tpu.memref_squeeze %dma_start3A_304 : memref<1x8x128xf32, #tpu.memory_space<hbm>> -> memref<8x128xf32, #tpu.memory_space<hbm>>
      %dma_start3A_306 = arith.constant 0 : i32
      %dma_start3A_307 = tpu.memref_slice %arg5[%arg0, %multiple_of3A_13, %dma_start3A_306] : memref<2x10000x128xf32, #tpu.memory_space<hbm>> -> memref<1x8x128xf32, #tpu.memory_space<hbm>>
      %dma_start3A_308 = tpu.memref_squeeze %dma_start3A_307 : memref<1x8x128xf32, #tpu.memory_space<hbm>> -> memref<8x128xf32, #tpu.memory_space<hbm>>
      %dma_start3A_309 = arith.constant 0 : i32
      %dma_start3A_310 = arith.constant 0 : i32
      %dma_start3A_311 = tpu.memref_slice %arg13[%dma_start3A_309, %dma_start3A_310] : memref<128x128xf32, #tpu.memory_space<vmem>> -> memref<8x128xf32, #tpu.memory_space<vmem>>
      tpu.enqueue_dma source(%dma_start3A_311 : memref<8x128xf32, #tpu.memory_space<vmem>>) target(%dma_start3A_308 : memref<8x128xf32, #tpu.memory_space<hbm>>) target_semaphore(%run_scoped3A : memref<!tpu.dma_semaphore, #tpu.memory_space<semaphore_mem>>)
      %dma_wait3A_312 = arith.constant 0 : i32
      %dma_wait3A_313 = arith.constant 0 : i32
      %dma_wait3A_314 = tpu.memref_slice %arg13[%dma_wait3A_312, %dma_wait3A_313] : memref<128x128xf32, #tpu.memory_space<vmem>> -> memref<8x128xf32, #tpu.memory_space<vmem>>
      %dma_wait3A_315 = arith.constant 0 : i32
      %dma_wait3A_316 = tpu.memref_slice %arg5[%arg0, %multiple_of3A_13, %dma_wait3A_315] : memref<2x10000x128xf32, #tpu.memory_space<hbm>> -> memref<1x8x128xf32, #tpu.memory_space<hbm>>
      %dma_wait3A_317 = tpu.memref_squeeze %dma_wait3A_316 : memref<1x8x128xf32, #tpu.memory_space<hbm>> -> memref<8x128xf32, #tpu.memory_space<hbm>>
      %dma_wait3A_318 = arith.constant 0 : i32
      %dma_wait3A_319 = tpu.memref_slice %arg5[%arg0, %multiple_of3A_13, %dma_wait3A_318] : memref<2x10000x128xf32, #tpu.memory_space<hbm>> -> memref<1x8x128xf32, #tpu.memory_space<hbm>>
      %dma_wait3A_320 = tpu.memref_squeeze %dma_wait3A_319 : memref<1x8x128xf32, #tpu.memory_space<hbm>> -> memref<8x128xf32, #tpu.memory_space<hbm>>
      %dma_wait3A_321 = arith.constant 0 : i32
      %dma_wait3A_322 = arith.constant 0 : i32
      %dma_wait3A_323 = tpu.memref_slice %arg13[%dma_wait3A_321, %dma_wait3A_322] : memref<128x128xf32, #tpu.memory_space<vmem>> -> memref<8x128xf32, #tpu.memory_space<vmem>>
      tpu.wait_dma2 semaphore(%run_scoped3A : memref<!tpu.dma_semaphore, #tpu.memory_space<semaphore_mem>>) src(%dma_wait3A_323 : memref<8x128xf32, #tpu.memory_space<vmem>>) dst(%dma_wait3A_320 : memref<8x128xf32, #tpu.memory_space<hbm>>)
      tpu.yield
    }) : () -> ()
    %barrier3A_118 = arith.constant 0 : index
    tpu.barrier barrier_id(%barrier3A_118)
    %mul3A_119 = arith.constant 624 : i32
    %mul3A_120 = arith.muli %arg1, %mul3A_119 : i32
    %multiple_of3A_121 = tpu.assume_multiple %mul3A_120, 8 : i32
    %jit3A_122 = arith.constant 2 : i32
    %eq3A_123 = arith.constant 0 : i32
    %eq3A_124 = arith.cmpi eq, %jit3A_122, %eq3A_123 : i32
    %jit3A_125 = arith.constant 1 : i32
    %select_n3A_126 = arith.select %eq3A_124, %jit3A_125, %jit3A_122 : i32
    %rem3A_127 = arith.remsi %arg1, %select_n3A_126 : i32
    %ne3A_128 = arith.constant 0 : i32
    %ne3A_129 = arith.cmpi ne, %rem3A_127, %ne3A_128 : i32
    %lt3A_130 = arith.constant 0 : i32
    %lt3A_131 = arith.cmpi slt, %rem3A_127, %lt3A_130 : i32
    %lt3A_132 = arith.constant 0 : i32
    %lt3A_133 = arith.cmpi slt, %select_n3A_126, %lt3A_132 : i32
    %ne3A_134 = arith.xori %lt3A_131, %lt3A_133 : i1
    %and3A_135 = arith.andi %ne3A_134, %ne3A_129 : i1
    %add3A_136 = arith.addi %rem3A_127, %select_n3A_126 : i32
    %select_n3A_137 = arith.select %and3A_135, %add3A_136, %rem3A_127 : i32
    %mul3A_138 = arith.constant 8 : i32
    %mul3A_139 = arith.muli %select_n3A_137, %mul3A_138 : i32
    %add3A_140 = arith.constant 9984 : i32
    %add3A_141 = arith.addi %add3A_140, %mul3A_139 : i32
    %multiple_of3A_142 = tpu.assume_multiple %add3A_141, 8 : i32
    %broadcast_in_dim3A_143 = arith.constant 0.000000e+00 : f32
    %broadcast_in_dim3A_144 = vector.broadcast %broadcast_in_dim3A_143 : f32 to vector<16xf32>
    %broadcast_in_dim3A_145 = arith.constant 1.000000e+00 : f32
    %broadcast_in_dim3A_146 = vector.broadcast %broadcast_in_dim3A_145 : f32 to vector<16xf32>
    %scan3A_147 = arith.constant 0 : i32
    %scan3A_148 = arith.constant 128 : i32
    %scan3A_149 = arith.addi %scan3A_147, %scan3A_148 : i32
    %scan3A_150 = arith.constant 1 : i32
    scf.for %scan3A_300 = %scan3A_147 to %scan3A_149 step %scan3A_150  : i32 {
      %swap3A = arith.index_cast %scan3A_300 : i32 to index
      %swap3A_301 = arith.constant 0 : index
      %swap3A_302 = tpu.vector_load %arg13[%swap3A, %swap3A_301] {strides = array<i32>} : memref<128x128xf32, #tpu.memory_space<vmem>>, vector<1x16xf32>,
      %swap3A_303 = vector.shape_cast %swap3A_302 : vector<1x16xf32> to vector<16xf32>
      %swap3A_304 = vector.shape_cast %broadcast_in_dim3A_144 : vector<16xf32> to vector<1x16xf32>
      tpu.vector_store %arg13[%swap3A, %swap3A_301], %swap3A_304 {strides = array<i32>} : memref<128x128xf32, #tpu.memory_space<vmem>>, vector<1x16xf32>,
      %swap3A_305 = arith.index_cast %scan3A_300 : i32 to index
      %swap3A_306 = arith.constant 16 : index
      %swap3A_307 = tpu.vector_load %arg13[%swap3A_305, %swap3A_306] {strides = array<i32>} : memref<128x128xf32, #tpu.memory_space<vmem>>, vector<1x16xf32>,
      %swap3A_308 = vector.shape_cast %swap3A_307 : vector<1x16xf32> to vector<16xf32>
      %swap3A_309 = vector.shape_cast %broadcast_in_dim3A_144 : vector<16xf32> to vector<1x16xf32>
      tpu.vector_store %arg13[%swap3A_305, %swap3A_306], %swap3A_309 {strides = array<i32>} : memref<128x128xf32, #tpu.memory_space<vmem>>, vector<1x16xf32>,
      %swap3A_310 = arith.index_cast %scan3A_300 : i32 to index
      %swap3A_311 = arith.constant 32 : index
      %swap3A_312 = tpu.vector_load %arg13[%swap3A_310, %swap3A_311] {strides = array<i32>} : memref<128x128xf32, #tpu.memory_space<vmem>>, vector<1x16xf32>,
      %swap3A_313 = vector.shape_cast %swap3A_312 : vector<1x16xf32> to vector<16xf32>
      %swap3A_314 = vector.shape_cast %broadcast_in_dim3A_144 : vector<16xf32> to vector<1x16xf32>
      tpu.vector_store %arg13[%swap3A_310, %swap3A_311], %swap3A_314 {strides = array<i32>} : memref<128x128xf32, #tpu.memory_space<vmem>>, vector<1x16xf32>,
      %swap3A_315 = arith.index_cast %scan3A_300 : i32 to index
      %swap3A_316 = arith.constant 48 : index
      %swap3A_317 = tpu.vector_load %arg13[%swap3A_315, %swap3A_316] {strides = array<i32>} : memref<128x128xf32, #tpu.memory_space<vmem>>, vector<1x16xf32>,
      %swap3A_318 = vector.shape_cast %swap3A_317 : vector<1x16xf32> to vector<16xf32>
      %swap3A_319 = vector.shape_cast %broadcast_in_dim3A_144 : vector<16xf32> to vector<1x16xf32>
      tpu.vector_store %arg13[%swap3A_315, %swap3A_316], %swap3A_319 {strides = array<i32>} : memref<128x128xf32, #tpu.memory_space<vmem>>, vector<1x16xf32>,
      %swap3A_320 = arith.index_cast %scan3A_300 : i32 to index
      %swap3A_321 = arith.constant 64 : index
      %swap3A_322 = tpu.vector_load %arg13[%swap3A_320, %swap3A_321] {strides = array<i32>} : memref<128x128xf32, #tpu.memory_space<vmem>>, vector<1x16xf32>,
      %swap3A_323 = vector.shape_cast %swap3A_322 : vector<1x16xf32> to vector<16xf32>
      %swap3A_324 = vector.shape_cast %broadcast_in_dim3A_144 : vector<16xf32> to vector<1x16xf32>
      tpu.vector_store %arg13[%swap3A_320, %swap3A_321], %swap3A_324 {strides = array<i32>} : memref<128x128xf32, #tpu.memory_space<vmem>>, vector<1x16xf32>,
      %swap3A_325 = arith.index_cast %scan3A_300 : i32 to index
      %swap3A_326 = arith.constant 80 : index
      %swap3A_327 = tpu.vector_load %arg13[%swap3A_325, %swap3A_326] {strides = array<i32>} : memref<128x128xf32, #tpu.memory_space<vmem>>, vector<1x16xf32>,
      %swap3A_328 = vector.shape_cast %swap3A_327 : vector<1x16xf32> to vector<16xf32>
      %swap3A_329 = vector.shape_cast %broadcast_in_dim3A_144 : vector<16xf32> to vector<1x16xf32>
      tpu.vector_store %arg13[%swap3A_325, %swap3A_326], %swap3A_329 {strides = array<i32>} : memref<128x128xf32, #tpu.memory_space<vmem>>, vector<1x16xf32>,
      %swap3A_330 = arith.index_cast %scan3A_300 : i32 to index
      %swap3A_331 = arith.constant 96 : index
      %swap3A_332 = tpu.vector_load %arg13[%swap3A_330, %swap3A_331] {strides = array<i32>} : memref<128x128xf32, #tpu.memory_space<vmem>>, vector<1x16xf32>,
      %swap3A_333 = vector.shape_cast %swap3A_332 : vector<1x16xf32> to vector<16xf32>
      %swap3A_334 = vector.shape_cast %broadcast_in_dim3A_144 : vector<16xf32> to vector<1x16xf32>
      tpu.vector_store %arg13[%swap3A_330, %swap3A_331], %swap3A_334 {strides = array<i32>} : memref<128x128xf32, #tpu.memory_space<vmem>>, vector<1x16xf32>,
      %swap3A_335 = arith.index_cast %scan3A_300 : i32 to index
      %swap3A_336 = arith.constant 112 : index
      %swap3A_337 = tpu.vector_load %arg13[%swap3A_335, %swap3A_336] {strides = array<i32>} : memref<128x128xf32, #tpu.memory_space<vmem>>, vector<1x16xf32>,
      %swap3A_338 = vector.shape_cast %swap3A_337 : vector<1x16xf32> to vector<16xf32>
      %swap3A_339 = vector.shape_cast %broadcast_in_dim3A_144 : vector<16xf32> to vector<1x16xf32>
      tpu.vector_store %arg13[%swap3A_335, %swap3A_336], %swap3A_339 {strides = array<i32>} : memref<128x128xf32, #tpu.memory_space<vmem>>, vector<1x16xf32>,
    }
    %scan3A_151 = arith.constant 128 : i32
    %add3A_152 = arith.constant 0 : i32
    %add3A_153 = arith.addi %multiple_of3A_121, %add3A_152 : i32
    "tpu.region"() ({
      %run_scoped3A = tpu.sem_alloc : memref<!tpu.dma_semaphore, #tpu.memory_space<semaphore_mem>>
      %dma_start3A_300 = arith.constant 0 : i32
      %dma_start3A_301 = tpu.memref_slice %arg16[%add3A_153, %dma_start3A_300] : memref<10000x128xf32, #tpu.memory_space<vmem_shared>> -> memref<128x128xf32, #tpu.memory_space<vmem_shared>>
      %dma_start3A_302 = arith.constant 0 : i32
      %dma_start3A_303 = tpu.memref_slice %arg16[%add3A_153, %dma_start3A_302] : memref<10000x128xf32, #tpu.memory_space<vmem_shared>> -> memref<128x128xf32, #tpu.memory_space<vmem_shared>>
      tpu.enqueue_dma source(%arg13 : memref<128x128xf32, #tpu.memory_space<vmem>>) target(%dma_start3A_303 : memref<128x128xf32, #tpu.memory_space<vmem_shared>>) target_semaphore(%run_scoped3A : memref<!tpu.dma_semaphore, #tpu.memory_space<semaphore_mem>>)
      %dma_wait3A_304 = arith.constant 0 : i32
      %dma_wait3A_305 = tpu.memref_slice %arg16[%add3A_153, %dma_wait3A_304] : memref<10000x128xf32, #tpu.memory_space<vmem_shared>> -> memref<128x128xf32, #tpu.memory_space<vmem_shared>>
      %dma_wait3A_306 = arith.constant 0 : i32
      %dma_wait3A_307 = tpu.memref_slice %arg16[%add3A_153, %dma_wait3A_306] : memref<10000x128xf32, #tpu.memory_space<vmem_shared>> -> memref<128x128xf32, #tpu.memory_space<vmem_shared>>
      tpu.wait_dma2 semaphore(%run_scoped3A : memref<!tpu.dma_semaphore, #tpu.memory_space<semaphore_mem>>) src(%arg13 : memref<128x128xf32, #tpu.memory_space<vmem>>) dst(%dma_wait3A_307 : memref<128x128xf32, #tpu.memory_space<vmem_shared>>)
      tpu.yield
    }) : () -> ()
    %add3A_154 = arith.constant 128 : i32
    %add3A_155 = arith.addi %multiple_of3A_121, %add3A_154 : i32
    "tpu.region"() ({
      %run_scoped3A = tpu.sem_alloc : memref<!tpu.dma_semaphore, #tpu.memory_space<semaphore_mem>>
      %dma_start3A_300 = arith.constant 0 : i32
      %dma_start3A_301 = tpu.memref_slice %arg16[%add3A_155, %dma_start3A_300] : memref<10000x128xf32, #tpu.memory_space<vmem_shared>> -> memref<128x128xf32, #tpu.memory_space<vmem_shared>>
      %dma_start3A_302 = arith.constant 0 : i32
      %dma_start3A_303 = tpu.memref_slice %arg16[%add3A_155, %dma_start3A_302] : memref<10000x128xf32, #tpu.memory_space<vmem_shared>> -> memref<128x128xf32, #tpu.memory_space<vmem_shared>>
      tpu.enqueue_dma source(%arg13 : memref<128x128xf32, #tpu.memory_space<vmem>>) target(%dma_start3A_303 : memref<128x128xf32, #tpu.memory_space<vmem_shared>>) target_semaphore(%run_scoped3A : memref<!tpu.dma_semaphore, #tpu.memory_space<semaphore_mem>>)
      %dma_wait3A_304 = arith.constant 0 : i32
      %dma_wait3A_305 = tpu.memref_slice %arg16[%add3A_155, %dma_wait3A_304] : memref<10000x128xf32, #tpu.memory_space<vmem_shared>> -> memref<128x128xf32, #tpu.memory_space<vmem_shared>>
      %dma_wait3A_306 = arith.constant 0 : i32
      %dma_wait3A_307 = tpu.memref_slice %arg16[%add3A_155, %dma_wait3A_306] : memref<10000x128xf32, #tpu.memory_space<vmem_shared>> -> memref<128x128xf32, #tpu.memory_space<vmem_shared>>
      tpu.wait_dma2 semaphore(%run_scoped3A : memref<!tpu.dma_semaphore, #tpu.memory_space<semaphore_mem>>) src(%arg13 : memref<128x128xf32, #tpu.memory_space<vmem>>) dst(%dma_wait3A_307 : memref<128x128xf32, #tpu.memory_space<vmem_shared>>)
      tpu.yield
    }) : () -> ()
    %add3A_156 = arith.constant 256 : i32
    %add3A_157 = arith.addi %multiple_of3A_121, %add3A_156 : i32
    "tpu.region"() ({
      %run_scoped3A = tpu.sem_alloc : memref<!tpu.dma_semaphore, #tpu.memory_space<semaphore_mem>>
      %dma_start3A_300 = arith.constant 0 : i32
      %dma_start3A_301 = tpu.memref_slice %arg16[%add3A_157, %dma_start3A_300] : memref<10000x128xf32, #tpu.memory_space<vmem_shared>> -> memref<128x128xf32, #tpu.memory_space<vmem_shared>>
      %dma_start3A_302 = arith.constant 0 : i32
      %dma_start3A_303 = tpu.memref_slice %arg16[%add3A_157, %dma_start3A_302] : memref<10000x128xf32, #tpu.memory_space<vmem_shared>> -> memref<128x128xf32, #tpu.memory_space<vmem_shared>>
      tpu.enqueue_dma source(%arg13 : memref<128x128xf32, #tpu.memory_space<vmem>>) target(%dma_start3A_303 : memref<128x128xf32, #tpu.memory_space<vmem_shared>>) target_semaphore(%run_scoped3A : memref<!tpu.dma_semaphore, #tpu.memory_space<semaphore_mem>>)
      %dma_wait3A_304 = arith.constant 0 : i32
      %dma_wait3A_305 = tpu.memref_slice %arg16[%add3A_157, %dma_wait3A_304] : memref<10000x128xf32, #tpu.memory_space<vmem_shared>> -> memref<128x128xf32, #tpu.memory_space<vmem_shared>>
      %dma_wait3A_306 = arith.constant 0 : i32
      %dma_wait3A_307 = tpu.memref_slice %arg16[%add3A_157, %dma_wait3A_306] : memref<10000x128xf32, #tpu.memory_space<vmem_shared>> -> memref<128x128xf32, #tpu.memory_space<vmem_shared>>
      tpu.wait_dma2 semaphore(%run_scoped3A : memref<!tpu.dma_semaphore, #tpu.memory_space<semaphore_mem>>) src(%arg13 : memref<128x128xf32, #tpu.memory_space<vmem>>) dst(%dma_wait3A_307 : memref<128x128xf32, #tpu.memory_space<vmem_shared>>)
      tpu.yield
    }) : () -> ()
    %add3A_158 = arith.constant 384 : i32
    %add3A_159 = arith.addi %multiple_of3A_121, %add3A_158 : i32
    "tpu.region"() ({
      %run_scoped3A = tpu.sem_alloc : memref<!tpu.dma_semaphore, #tpu.memory_space<semaphore_mem>>
      %dma_start3A_300 = arith.constant 0 : i32
      %dma_start3A_301 = tpu.memref_slice %arg16[%add3A_159, %dma_start3A_300] : memref<10000x128xf32, #tpu.memory_space<vmem_shared>> -> memref<128x128xf32, #tpu.memory_space<vmem_shared>>
      %dma_start3A_302 = arith.constant 0 : i32
      %dma_start3A_303 = tpu.memref_slice %arg16[%add3A_159, %dma_start3A_302] : memref<10000x128xf32, #tpu.memory_space<vmem_shared>> -> memref<128x128xf32, #tpu.memory_space<vmem_shared>>
      tpu.enqueue_dma source(%arg13 : memref<128x128xf32, #tpu.memory_space<vmem>>) target(%dma_start3A_303 : memref<128x128xf32, #tpu.memory_space<vmem_shared>>) target_semaphore(%run_scoped3A : memref<!tpu.dma_semaphore, #tpu.memory_space<semaphore_mem>>)
      %dma_wait3A_304 = arith.constant 0 : i32
      %dma_wait3A_305 = tpu.memref_slice %arg16[%add3A_159, %dma_wait3A_304] : memref<10000x128xf32, #tpu.memory_space<vmem_shared>> -> memref<128x128xf32, #tpu.memory_space<vmem_shared>>
      %dma_wait3A_306 = arith.constant 0 : i32
      %dma_wait3A_307 = tpu.memref_slice %arg16[%add3A_159, %dma_wait3A_306] : memref<10000x128xf32, #tpu.memory_space<vmem_shared>> -> memref<128x128xf32, #tpu.memory_space<vmem_shared>>
      tpu.wait_dma2 semaphore(%run_scoped3A : memref<!tpu.dma_semaphore, #tpu.memory_space<semaphore_mem>>) src(%arg13 : memref<128x128xf32, #tpu.memory_space<vmem>>) dst(%dma_wait3A_307 : memref<128x128xf32, #tpu.memory_space<vmem_shared>>)
      tpu.yield
    }) : () -> ()
    %add3A_160 = arith.constant 512 : i32
    %add3A_161 = arith.addi %multiple_of3A_121, %add3A_160 : i32
    "tpu.region"() ({
      %run_scoped3A = tpu.sem_alloc : memref<!tpu.dma_semaphore, #tpu.memory_space<semaphore_mem>>
      %dma_start3A_300 = arith.constant 0 : i32
      %dma_start3A_301 = arith.constant 0 : i32
      %dma_start3A_302 = tpu.memref_slice %arg13[%dma_start3A_300, %dma_start3A_301] : memref<128x128xf32, #tpu.memory_space<vmem>> -> memref<112x128xf32, #tpu.memory_space<vmem>>
      %dma_start3A_303 = arith.constant 0 : i32
      %dma_start3A_304 = tpu.memref_slice %arg16[%add3A_161, %dma_start3A_303] : memref<10000x128xf32, #tpu.memory_space<vmem_shared>> -> memref<112x128xf32, #tpu.memory_space<vmem_shared>>
      %dma_start3A_305 = arith.constant 0 : i32
      %dma_start3A_306 = tpu.memref_slice %arg16[%add3A_161, %dma_start3A_305] : memref<10000x128xf32, #tpu.memory_space<vmem_shared>> -> memref<112x128xf32, #tpu.memory_space<vmem_shared>>
      %dma_start3A_307 = arith.constant 0 : i32
      %dma_start3A_308 = arith.constant 0 : i32
      %dma_start3A_309 = tpu.memref_slice %arg13[%dma_start3A_307, %dma_start3A_308] : memref<128x128xf32, #tpu.memory_space<vmem>> -> memref<112x128xf32, #tpu.memory_space<vmem>>
      tpu.enqueue_dma source(%dma_start3A_309 : memref<112x128xf32, #tpu.memory_space<vmem>>) target(%dma_start3A_306 : memref<112x128xf32, #tpu.memory_space<vmem_shared>>) target_semaphore(%run_scoped3A : memref<!tpu.dma_semaphore, #tpu.memory_space<semaphore_mem>>)
      %dma_wait3A_310 = arith.constant 0 : i32
      %dma_wait3A_311 = arith.constant 0 : i32
      %dma_wait3A_312 = tpu.memref_slice %arg13[%dma_wait3A_310, %dma_wait3A_311] : memref<128x128xf32, #tpu.memory_space<vmem>> -> memref<112x128xf32, #tpu.memory_space<vmem>>
      %dma_wait3A_313 = arith.constant 0 : i32
      %dma_wait3A_314 = tpu.memref_slice %arg16[%add3A_161, %dma_wait3A_313] : memref<10000x128xf32, #tpu.memory_space<vmem_shared>> -> memref<112x128xf32, #tpu.memory_space<vmem_shared>>
      %dma_wait3A_315 = arith.constant 0 : i32
      %dma_wait3A_316 = tpu.memref_slice %arg16[%add3A_161, %dma_wait3A_315] : memref<10000x128xf32, #tpu.memory_space<vmem_shared>> -> memref<112x128xf32, #tpu.memory_space<vmem_shared>>
      %dma_wait3A_317 = arith.constant 0 : i32
      %dma_wait3A_318 = arith.constant 0 : i32
      %dma_wait3A_319 = tpu.memref_slice %arg13[%dma_wait3A_317, %dma_wait3A_318] : memref<128x128xf32, #tpu.memory_space<vmem>> -> memref<112x128xf32, #tpu.memory_space<vmem>>
      tpu.wait_dma2 semaphore(%run_scoped3A : memref<!tpu.dma_semaphore, #tpu.memory_space<semaphore_mem>>) src(%dma_wait3A_319 : memref<112x128xf32, #tpu.memory_space<vmem>>) dst(%dma_wait3A_316 : memref<112x128xf32, #tpu.memory_space<vmem_shared>>)
      tpu.yield
    }) : () -> ()
    "tpu.region"() ({
      %run_scoped3A = tpu.sem_alloc : memref<!tpu.dma_semaphore, #tpu.memory_space<semaphore_mem>>
      %dma_start3A_300 = arith.constant 0 : i32
      %dma_start3A_301 = arith.constant 0 : i32
      %dma_start3A_302 = tpu.memref_slice %arg13[%dma_start3A_300, %dma_start3A_301] : memref<128x128xf32, #tpu.memory_space<vmem>> -> memref<8x128xf32, #tpu.memory_space<vmem>>
      %dma_start3A_303 = arith.constant 0 : i32
      %dma_start3A_304 = tpu.memref_slice %arg16[%multiple_of3A_142, %dma_start3A_303] : memref<10000x128xf32, #tpu.memory_space<vmem_shared>> -> memref<8x128xf32, #tpu.memory_space<vmem_shared>>
      %dma_start3A_305 = arith.constant 0 : i32
      %dma_start3A_306 = tpu.memref_slice %arg16[%multiple_of3A_142, %dma_start3A_305] : memref<10000x128xf32, #tpu.memory_space<vmem_shared>> -> memref<8x128xf32, #tpu.memory_space<vmem_shared>>
      %dma_start3A_307 = arith.constant 0 : i32
      %dma_start3A_308 = arith.constant 0 : i32
      %dma_start3A_309 = tpu.memref_slice %arg13[%dma_start3A_307, %dma_start3A_308] : memref<128x128xf32, #tpu.memory_space<vmem>> -> memref<8x128xf32, #tpu.memory_space<vmem>>
      tpu.enqueue_dma source(%dma_start3A_309 : memref<8x128xf32, #tpu.memory_space<vmem>>) target(%dma_start3A_306 : memref<8x128xf32, #tpu.memory_space<vmem_shared>>) target_semaphore(%run_scoped3A : memref<!tpu.dma_semaphore, #tpu.memory_space<semaphore_mem>>)
      %dma_wait3A_310 = arith.constant 0 : i32
      %dma_wait3A_311 = arith.constant 0 : i32
      %dma_wait3A_312 = tpu.memref_slice %arg13[%dma_wait3A_310, %dma_wait3A_311] : memref<128x128xf32, #tpu.memory_space<vmem>> -> memref<8x128xf32, #tpu.memory_space<vmem>>
      %dma_wait3A_313 = arith.constant 0 : i32
      %dma_wait3A_314 = tpu.memref_slice %arg16[%multiple_of3A_142, %dma_wait3A_313] : memref<10000x128xf32, #tpu.memory_space<vmem_shared>> -> memref<8x128xf32, #tpu.memory_space<vmem_shared>>
      %dma_wait3A_315 = arith.constant 0 : i32
      %dma_wait3A_316 = tpu.memref_slice %arg16[%multiple_of3A_142, %dma_wait3A_315] : memref<10000x128xf32, #tpu.memory_space<vmem_shared>> -> memref<8x128xf32, #tpu.memory_space<vmem_shared>>
      %dma_wait3A_317 = arith.constant 0 : i32
      %dma_wait3A_318 = arith.constant 0 : i32
      %dma_wait3A_319 = tpu.memref_slice %arg13[%dma_wait3A_317, %dma_wait3A_318] : memref<128x128xf32, #tpu.memory_space<vmem>> -> memref<8x128xf32, #tpu.memory_space<vmem>>
      tpu.wait_dma2 semaphore(%run_scoped3A : memref<!tpu.dma_semaphore, #tpu.memory_space<semaphore_mem>>) src(%dma_wait3A_319 : memref<8x128xf32, #tpu.memory_space<vmem>>) dst(%dma_wait3A_316 : memref<8x128xf32, #tpu.memory_space<vmem_shared>>)
      tpu.yield
    }) : () -> ()
    %barrier3A_162 = arith.constant 0 : index
    tpu.barrier barrier_id(%barrier3A_162)
    %mul3A_163 = arith.constant 16 : i32
    %mul3A_164 = arith.muli %arg0, %mul3A_163 : i32
    %add3A_165 = arith.addi %mul3A_164, %arg1 : i32
    %mul3A_166 = arith.constant 20000 : i32
    %mul3A_167 = arith.muli %add3A_165, %mul3A_166 : i32
    %add3A_168 = arith.constant 0 : i32
    %add3A_169 = arith.addi %mul3A_167, %add3A_168 : i32
    %multiple_of3A_170 = tpu.assume_multiple %add3A_169, 8 : i32
    %dma_start3A_171 = tpu.memref_slice %arg3[%multiple_of3A_170] : memref<640000xi32, #tpu.memory_space<hbm>> -> memref<128xi32, #tpu.memory_space<hbm>>
    %dma_start3A_172 = tpu.memref_slice %arg3[%multiple_of3A_170] : memref<640000xi32, #tpu.memory_space<hbm>> -> memref<128xi32, #tpu.memory_space<hbm>>
    tpu.enqueue_dma source(%dma_start3A_172 : memref<128xi32, #tpu.memory_space<hbm>>) target(%arg7 : memref<128xi32, #tpu.memory_space<vmem>>) target_semaphore(%arg21 : memref<!tpu.dma_semaphore, #tpu.memory_space<semaphore_mem>>)
    %dma_start3A_173 = tpu.memref_slice %arg4[%multiple_of3A_170] : memref<640000xi32, #tpu.memory_space<hbm>> -> memref<128xi32, #tpu.memory_space<hbm>>
    %dma_start3A_174 = tpu.memref_slice %arg4[%multiple_of3A_170] : memref<640000xi32, #tpu.memory_space<hbm>> -> memref<128xi32, #tpu.memory_space<hbm>>
    tpu.enqueue_dma source(%dma_start3A_174 : memref<128xi32, #tpu.memory_space<hbm>>) target(%arg9 : memref<128xi32, #tpu.memory_space<vmem>>) target_semaphore(%arg21 : memref<!tpu.dma_semaphore, #tpu.memory_space<semaphore_mem>>)
    %add3A_175 = arith.constant 128 : i32
    %add3A_176 = arith.addi %mul3A_167, %add3A_175 : i32
    %multiple_of3A_177 = tpu.assume_multiple %add3A_176, 8 : i32
    %dma_start3A_178 = tpu.memref_slice %arg3[%multiple_of3A_177] : memref<640000xi32, #tpu.memory_space<hbm>> -> memref<128xi32, #tpu.memory_space<hbm>>
    %dma_start3A_179 = tpu.memref_slice %arg3[%multiple_of3A_177] : memref<640000xi32, #tpu.memory_space<hbm>> -> memref<128xi32, #tpu.memory_space<hbm>>
    tpu.enqueue_dma source(%dma_start3A_179 : memref<128xi32, #tpu.memory_space<hbm>>) target(%arg8 : memref<128xi32, #tpu.memory_space<vmem>>) target_semaphore(%arg22 : memref<!tpu.dma_semaphore, #tpu.memory_space<semaphore_mem>>)
    %dma_start3A_180 = tpu.memref_slice %arg4[%multiple_of3A_177] : memref<640000xi32, #tpu.memory_space<hbm>> -> memref<128xi32, #tpu.memory_space<hbm>>
    %dma_start3A_181 = tpu.memref_slice %arg4[%multiple_of3A_177] : memref<640000xi32, #tpu.memory_space<hbm>> -> memref<128xi32, #tpu.memory_space<hbm>>
    tpu.enqueue_dma source(%dma_start3A_181 : memref<128xi32, #tpu.memory_space<hbm>>) target(%arg10 : memref<128xi32, #tpu.memory_space<vmem>>) target_semaphore(%arg22 : memref<!tpu.dma_semaphore, #tpu.memory_space<semaphore_mem>>)
    %dma_wait3A_182 = arith.constant 0 : i32
    %dma_wait3A_183 = tpu.memref_slice %arg3[%dma_wait3A_182] : memref<640000xi32, #tpu.memory_space<hbm>> -> memref<128xi32, #tpu.memory_space<hbm>>
    %dma_wait3A_184 = arith.constant 0 : i32
    %dma_wait3A_185 = tpu.memref_slice %arg3[%dma_wait3A_184] : memref<640000xi32, #tpu.memory_space<hbm>> -> memref<128xi32, #tpu.memory_space<hbm>>
    tpu.wait_dma2 semaphore(%arg21 : memref<!tpu.dma_semaphore, #tpu.memory_space<semaphore_mem>>) src(%dma_wait3A_185 : memref<128xi32, #tpu.memory_space<hbm>>) dst(%arg7 : memref<128xi32, #tpu.memory_space<vmem>>)
    %dma_wait3A_186 = arith.constant 0 : i32
    %dma_wait3A_187 = tpu.memref_slice %arg4[%dma_wait3A_186] : memref<640000xi32, #tpu.memory_space<hbm>> -> memref<128xi32, #tpu.memory_space<hbm>>
    %dma_wait3A_188 = arith.constant 0 : i32
    %dma_wait3A_189 = tpu.memref_slice %arg4[%dma_wait3A_188] : memref<640000xi32, #tpu.memory_space<hbm>> -> memref<128xi32, #tpu.memory_space<hbm>>
    tpu.wait_dma2 semaphore(%arg21 : memref<!tpu.dma_semaphore, #tpu.memory_space<semaphore_mem>>) src(%dma_wait3A_189 : memref<128xi32, #tpu.memory_space<hbm>>) dst(%arg9 : memref<128xi32, #tpu.memory_space<vmem>>)
    %dma_start3A_190 = arith.constant 0 : i32
    %dma_start3A_191 = arith.constant 0 : i32
    %dma_start3A_192 = tpu.memref_slice %arg2[%dma_start3A_190, %dma_start3A_191] : memref<20000x128xf32, #tpu.memory_space<hbm>> -> memref<20000x128xf32, #tpu.memory_space<hbm>>
    tpu.enqueue_indirect_dma source(%dma_start3A_192 : memref<20000x128xf32, #tpu.memory_space<hbm>>) target(%arg13 : memref<128x128xf32, #tpu.memory_space<vmem>>) offsets(%arg7 : memref<128xi32, #tpu.memory_space<vmem>>) semaphore(%arg17 : memref<!tpu.dma_semaphore, #tpu.memory_space<semaphore_mem>>)
    %dma_wait3A_193 = arith.constant 0 : i32
    %dma_wait3A_194 = arith.constant 0 : i32
    %dma_wait3A_195 = tpu.memref_slice %arg2[%dma_wait3A_193, %dma_wait3A_194] : memref<20000x128xf32, #tpu.memory_space<hbm>> -> memref<20000x128xf32, #tpu.memory_space<hbm>>
    tpu.wait_indirect_dma semaphore(%arg17 : memref<!tpu.dma_semaphore, #tpu.memory_space<semaphore_mem>>) src(%dma_wait3A_195 : memref<20000x128xf32, #tpu.memory_space<hbm>>) dst(%arg13 : memref<128x128xf32, #tpu.memory_space<vmem>>)
    %dma_start3A_196 = arith.constant 0 : i32
    %dma_start3A_197 = arith.constant 0 : i32
    %dma_start3A_198 = tpu.memref_slice %arg16[%dma_start3A_196, %dma_start3A_197] : memref<10000x128xf32, #tpu.memory_space<vmem_shared>> -> memref<10000x128xf32, #tpu.memory_space<vmem_shared>>
    tpu.enqueue_indirect_dma source(%arg13 : memref<128x128xf32, #tpu.memory_space<vmem>>) target(%dma_start3A_198 : memref<10000x128xf32, #tpu.memory_space<vmem_shared>>) offsets(%arg9 : memref<128xi32, #tpu.memory_space<vmem>>) semaphore(%arg19 : memref<!tpu.dma_semaphore, #tpu.memory_space<semaphore_mem>>) {add = true}
    %dma_wait3A_199 = arith.constant 0 : i32
    %dma_wait3A_200 = tpu.memref_slice %arg3[%dma_wait3A_199] : memref<640000xi32, #tpu.memory_space<hbm>> -> memref<128xi32, #tpu.memory_space<hbm>>
    %dma_wait3A_201 = arith.constant 0 : i32
    %dma_wait3A_202 = tpu.memref_slice %arg3[%dma_wait3A_201] : memref<640000xi32, #tpu.memory_space<hbm>> -> memref<128xi32, #tpu.memory_space<hbm>>
    tpu.wait_dma2 semaphore(%arg22 : memref<!tpu.dma_semaphore, #tpu.memory_space<semaphore_mem>>) src(%dma_wait3A_202 : memref<128xi32, #tpu.memory_space<hbm>>) dst(%arg8 : memref<128xi32, #tpu.memory_space<vmem>>)
    %dma_wait3A_203 = arith.constant 0 : i32
    %dma_wait3A_204 = tpu.memref_slice %arg4[%dma_wait3A_203] : memref<640000xi32, #tpu.memory_space<hbm>> -> memref<128xi32, #tpu.memory_space<hbm>>
    %dma_wait3A_205 = arith.constant 0 : i32
    %dma_wait3A_206 = tpu.memref_slice %arg4[%dma_wait3A_205] : memref<640000xi32, #tpu.memory_space<hbm>> -> memref<128xi32, #tpu.memory_space<hbm>>
    tpu.wait_dma2 semaphore(%arg22 : memref<!tpu.dma_semaphore, #tpu.memory_space<semaphore_mem>>) src(%dma_wait3A_206 : memref<128xi32, #tpu.memory_space<hbm>>) dst(%arg10 : memref<128xi32, #tpu.memory_space<vmem>>)
    %dma_start3A_207 = arith.constant 0 : i32
    %dma_start3A_208 = arith.constant 0 : i32
    %dma_start3A_209 = tpu.memref_slice %arg2[%dma_start3A_207, %dma_start3A_208] : memref<20000x128xf32, #tpu.memory_space<hbm>> -> memref<20000x128xf32, #tpu.memory_space<hbm>>
    tpu.enqueue_indirect_dma source(%dma_start3A_209 : memref<20000x128xf32, #tpu.memory_space<hbm>>) target(%arg14 : memref<128x128xf32, #tpu.memory_space<vmem>>) offsets(%arg8 : memref<128xi32, #tpu.memory_space<vmem>>) semaphore(%arg18 : memref<!tpu.dma_semaphore, #tpu.memory_space<semaphore_mem>>)
    %dma_wait3A_210 = arith.constant 0 : i32
    %dma_wait3A_211 = arith.constant 0 : i32
    %dma_wait3A_212 = tpu.memref_slice %arg16[%dma_wait3A_210, %dma_wait3A_211] : memref<10000x128xf32, #tpu.memory_space<vmem_shared>> -> memref<10000x128xf32, #tpu.memory_space<vmem_shared>>
    tpu.wait_indirect_dma semaphore(%arg19 : memref<!tpu.dma_semaphore, #tpu.memory_space<semaphore_mem>>) src(%arg13 : memref<128x128xf32, #tpu.memory_space<vmem>>) dst(%dma_wait3A_212 : memref<10000x128xf32, #tpu.memory_space<vmem_shared>>)
    %add3A_213 = arith.constant 256 : i32
    %add3A_214 = arith.addi %mul3A_167, %add3A_213 : i32
    %multiple_of3A_215 = tpu.assume_multiple %add3A_214, 8 : i32
    %dma_start3A_216 = tpu.memref_slice %arg3[%multiple_of3A_215] : memref<640000xi32, #tpu.memory_space<hbm>> -> memref<128xi32, #tpu.memory_space<hbm>>
    %dma_start3A_217 = tpu.memref_slice %arg3[%multiple_of3A_215] : memref<640000xi32, #tpu.memory_space<hbm>> -> memref<128xi32, #tpu.memory_space<hbm>>
    tpu.enqueue_dma source(%dma_start3A_217 : memref<128xi32, #tpu.memory_space<hbm>>) target(%arg7 : memref<128xi32, #tpu.memory_space<vmem>>) target_semaphore(%arg21 : memref<!tpu.dma_semaphore, #tpu.memory_space<semaphore_mem>>)
    %dma_start3A_218 = tpu.memref_slice %arg4[%multiple_of3A_215] : memref<640000xi32, #tpu.memory_space<hbm>> -> memref<128xi32, #tpu.memory_space<hbm>>
    %dma_start3A_219 = tpu.memref_slice %arg4[%multiple_of3A_215] : memref<640000xi32, #tpu.memory_space<hbm>> -> memref<128xi32, #tpu.memory_space<hbm>>
    tpu.enqueue_dma source(%dma_start3A_219 : memref<128xi32, #tpu.memory_space<hbm>>) target(%arg9 : memref<128xi32, #tpu.memory_space<vmem>>) target_semaphore(%arg21 : memref<!tpu.dma_semaphore, #tpu.memory_space<semaphore_mem>>)
    %dma_wait3A_220 = arith.constant 0 : i32
    %dma_wait3A_221 = arith.constant 0 : i32
    %dma_wait3A_222 = tpu.memref_slice %arg2[%dma_wait3A_220, %dma_wait3A_221] : memref<20000x128xf32, #tpu.memory_space<hbm>> -> memref<20000x128xf32, #tpu.memory_space<hbm>>
    tpu.wait_indirect_dma semaphore(%arg18 : memref<!tpu.dma_semaphore, #tpu.memory_space<semaphore_mem>>) src(%dma_wait3A_222 : memref<20000x128xf32, #tpu.memory_space<hbm>>) dst(%arg14 : memref<128x128xf32, #tpu.memory_space<vmem>>)
    %dma_start3A_223 = arith.constant 0 : i32
    %dma_start3A_224 = arith.constant 0 : i32
    %dma_start3A_225 = tpu.memref_slice %arg16[%dma_start3A_223, %dma_start3A_224] : memref<10000x128xf32, #tpu.memory_space<vmem_shared>> -> memref<10000x128xf32, #tpu.memory_space<vmem_shared>>
    tpu.enqueue_indirect_dma source(%arg14 : memref<128x128xf32, #tpu.memory_space<vmem>>) target(%dma_start3A_225 : memref<10000x128xf32, #tpu.memory_space<vmem_shared>>) offsets(%arg10 : memref<128xi32, #tpu.memory_space<vmem>>) semaphore(%arg20 : memref<!tpu.dma_semaphore, #tpu.memory_space<semaphore_mem>>) {add = true}
    %scan3A_226 = arith.constant 1 : i32
    %scan3A_227 = arith.constant 76 : i32
    %scan3A_228 = arith.addi %scan3A_226, %scan3A_227 : i32
    %scan3A_229 = arith.constant 1 : i32
    scf.for %scan3A_300 = %scan3A_226 to %scan3A_228 step %scan3A_229  : i32 {
      %mul3A_301 = arith.constant 2 : i32
      %mul3A_302 = arith.muli %mul3A_301, %scan3A_300 : i32
      %dma_wait3A_303 = arith.constant 0 : i32
      %dma_wait3A_304 = tpu.memref_slice %arg3[%dma_wait3A_303] : memref<640000xi32, #tpu.memory_space<hbm>> -> memref<128xi32, #tpu.memory_space<hbm>>
      %dma_wait3A_305 = arith.constant 0 : i32
      %dma_wait3A_306 = tpu.memref_slice %arg3[%dma_wait3A_305] : memref<640000xi32, #tpu.memory_space<hbm>> -> memref<128xi32, #tpu.memory_space<hbm>>
      tpu.wait_dma2 semaphore(%arg21 : memref<!tpu.dma_semaphore, #tpu.memory_space<semaphore_mem>>) src(%dma_wait3A_306 : memref<128xi32, #tpu.memory_space<hbm>>) dst(%arg7 : memref<128xi32, #tpu.memory_space<vmem>>)
      %dma_wait3A_307 = arith.constant 0 : i32
      %dma_wait3A_308 = tpu.memref_slice %arg4[%dma_wait3A_307] : memref<640000xi32, #tpu.memory_space<hbm>> -> memref<128xi32, #tpu.memory_space<hbm>>
      %dma_wait3A_309 = arith.constant 0 : i32
      %dma_wait3A_310 = tpu.memref_slice %arg4[%dma_wait3A_309] : memref<640000xi32, #tpu.memory_space<hbm>> -> memref<128xi32, #tpu.memory_space<hbm>>
      tpu.wait_dma2 semaphore(%arg21 : memref<!tpu.dma_semaphore, #tpu.memory_space<semaphore_mem>>) src(%dma_wait3A_310 : memref<128xi32, #tpu.memory_space<hbm>>) dst(%arg9 : memref<128xi32, #tpu.memory_space<vmem>>)
      %dma_start3A_311 = arith.constant 0 : i32
      %dma_start3A_312 = arith.constant 0 : i32
      %dma_start3A_313 = tpu.memref_slice %arg2[%dma_start3A_311, %dma_start3A_312] : memref<20000x128xf32, #tpu.memory_space<hbm>> -> memref<20000x128xf32, #tpu.memory_space<hbm>>
      tpu.enqueue_indirect_dma source(%dma_start3A_313 : memref<20000x128xf32, #tpu.memory_space<hbm>>) target(%arg13 : memref<128x128xf32, #tpu.memory_space<vmem>>) offsets(%arg7 : memref<128xi32, #tpu.memory_space<vmem>>) semaphore(%arg17 : memref<!tpu.dma_semaphore, #tpu.memory_space<semaphore_mem>>)
      %dma_wait3A_314 = arith.constant 0 : i32
      %dma_wait3A_315 = arith.constant 0 : i32
      %dma_wait3A_316 = tpu.memref_slice %arg2[%dma_wait3A_314, %dma_wait3A_315] : memref<20000x128xf32, #tpu.memory_space<hbm>> -> memref<20000x128xf32, #tpu.memory_space<hbm>>
      tpu.wait_indirect_dma semaphore(%arg17 : memref<!tpu.dma_semaphore, #tpu.memory_space<semaphore_mem>>) src(%dma_wait3A_316 : memref<20000x128xf32, #tpu.memory_space<hbm>>) dst(%arg13 : memref<128x128xf32, #tpu.memory_space<vmem>>)
      %dma_wait3A_317 = arith.constant 0 : i32
      %dma_wait3A_318 = arith.constant 0 : i32
      %dma_wait3A_319 = tpu.memref_slice %arg16[%dma_wait3A_317, %dma_wait3A_318] : memref<10000x128xf32, #tpu.memory_space<vmem_shared>> -> memref<10000x128xf32, #tpu.memory_space<vmem_shared>>
      tpu.wait_indirect_dma semaphore(%arg20 : memref<!tpu.dma_semaphore, #tpu.memory_space<semaphore_mem>>) src(%arg14 : memref<128x128xf32, #tpu.memory_space<vmem>>) dst(%dma_wait3A_319 : memref<10000x128xf32, #tpu.memory_space<vmem_shared>>)
      %dma_start3A_320 = arith.constant 0 : i32
      %dma_start3A_321 = arith.constant 0 : i32
      %dma_start3A_322 = tpu.memref_slice %arg16[%dma_start3A_320, %dma_start3A_321] : memref<10000x128xf32, #tpu.memory_space<vmem_shared>> -> memref<10000x128xf32, #tpu.memory_space<vmem_shared>>
      tpu.enqueue_indirect_dma source(%arg13 : memref<128x128xf32, #tpu.memory_space<vmem>>) target(%dma_start3A_322 : memref<10000x128xf32, #tpu.memory_space<vmem_shared>>) offsets(%arg9 : memref<128xi32, #tpu.memory_space<vmem>>) semaphore(%arg19 : memref<!tpu.dma_semaphore, #tpu.memory_space<semaphore_mem>>) {add = true}
      %add3A_323 = arith.constant 1 : i32
      %add3A_324 = arith.addi %mul3A_302, %add3A_323 : i32
      %mul3A_325 = arith.constant 128 : i32
      %mul3A_326 = arith.muli %add3A_324, %mul3A_325 : i32
      %add3A_327 = arith.addi %mul3A_167, %mul3A_326 : i32
      %multiple_of3A_328 = tpu.assume_multiple %add3A_327, 8 : i32
      %dma_start3A_329 = tpu.memref_slice %arg3[%multiple_of3A_328] : memref<640000xi32, #tpu.memory_space<hbm>> -> memref<128xi32, #tpu.memory_space<hbm>>
      %dma_start3A_330 = tpu.memref_slice %arg3[%multiple_of3A_328] : memref<640000xi32, #tpu.memory_space<hbm>> -> memref<128xi32, #tpu.memory_space<hbm>>
      tpu.enqueue_dma source(%dma_start3A_330 : memref<128xi32, #tpu.memory_space<hbm>>) target(%arg8 : memref<128xi32, #tpu.memory_space<vmem>>) target_semaphore(%arg22 : memref<!tpu.dma_semaphore, #tpu.memory_space<semaphore_mem>>)
      %dma_start3A_331 = tpu.memref_slice %arg4[%multiple_of3A_328] : memref<640000xi32, #tpu.memory_space<hbm>> -> memref<128xi32, #tpu.memory_space<hbm>>
      %dma_start3A_332 = tpu.memref_slice %arg4[%multiple_of3A_328] : memref<640000xi32, #tpu.memory_space<hbm>> -> memref<128xi32, #tpu.memory_space<hbm>>
      tpu.enqueue_dma source(%dma_start3A_332 : memref<128xi32, #tpu.memory_space<hbm>>) target(%arg10 : memref<128xi32, #tpu.memory_space<vmem>>) target_semaphore(%arg22 : memref<!tpu.dma_semaphore, #tpu.memory_space<semaphore_mem>>)
      %dma_wait3A_333 = arith.constant 0 : i32
      %dma_wait3A_334 = tpu.memref_slice %arg3[%dma_wait3A_333] : memref<640000xi32, #tpu.memory_space<hbm>> -> memref<128xi32, #tpu.memory_space<hbm>>
      %dma_wait3A_335 = arith.constant 0 : i32
      %dma_wait3A_336 = tpu.memref_slice %arg3[%dma_wait3A_335] : memref<640000xi32, #tpu.memory_space<hbm>> -> memref<128xi32, #tpu.memory_space<hbm>>
      tpu.wait_dma2 semaphore(%arg22 : memref<!tpu.dma_semaphore, #tpu.memory_space<semaphore_mem>>) src(%dma_wait3A_336 : memref<128xi32, #tpu.memory_space<hbm>>) dst(%arg8 : memref<128xi32, #tpu.memory_space<vmem>>)
      %dma_wait3A_337 = arith.constant 0 : i32
      %dma_wait3A_338 = tpu.memref_slice %arg4[%dma_wait3A_337] : memref<640000xi32, #tpu.memory_space<hbm>> -> memref<128xi32, #tpu.memory_space<hbm>>
      %dma_wait3A_339 = arith.constant 0 : i32
      %dma_wait3A_340 = tpu.memref_slice %arg4[%dma_wait3A_339] : memref<640000xi32, #tpu.memory_space<hbm>> -> memref<128xi32, #tpu.memory_space<hbm>>
      tpu.wait_dma2 semaphore(%arg22 : memref<!tpu.dma_semaphore, #tpu.memory_space<semaphore_mem>>) src(%dma_wait3A_340 : memref<128xi32, #tpu.memory_space<hbm>>) dst(%arg10 : memref<128xi32, #tpu.memory_space<vmem>>)
      %dma_start3A_341 = arith.constant 0 : i32
      %dma_start3A_342 = arith.constant 0 : i32
      %dma_start3A_343 = tpu.memref_slice %arg2[%dma_start3A_341, %dma_start3A_342] : memref<20000x128xf32, #tpu.memory_space<hbm>> -> memref<20000x128xf32, #tpu.memory_space<hbm>>
      tpu.enqueue_indirect_dma source(%dma_start3A_343 : memref<20000x128xf32, #tpu.memory_space<hbm>>) target(%arg14 : memref<128x128xf32, #tpu.memory_space<vmem>>) offsets(%arg8 : memref<128xi32, #tpu.memory_space<vmem>>) semaphore(%arg18 : memref<!tpu.dma_semaphore, #tpu.memory_space<semaphore_mem>>)
      %dma_wait3A_344 = arith.constant 0 : i32
      %dma_wait3A_345 = arith.constant 0 : i32
      %dma_wait3A_346 = tpu.memref_slice %arg16[%dma_wait3A_344, %dma_wait3A_345] : memref<10000x128xf32, #tpu.memory_space<vmem_shared>> -> memref<10000x128xf32, #tpu.memory_space<vmem_shared>>
      tpu.wait_indirect_dma semaphore(%arg19 : memref<!tpu.dma_semaphore, #tpu.memory_space<semaphore_mem>>) src(%arg13 : memref<128x128xf32, #tpu.memory_space<vmem>>) dst(%dma_wait3A_346 : memref<10000x128xf32, #tpu.memory_space<vmem_shared>>)
      %add3A_347 = arith.constant 2 : i32
      %add3A_348 = arith.addi %mul3A_302, %add3A_347 : i32
      %mul3A_349 = arith.constant 128 : i32
      %mul3A_350 = arith.muli %add3A_348, %mul3A_349 : i32
      %add3A_351 = arith.addi %mul3A_167, %mul3A_350 : i32
      %multiple_of3A_352 = tpu.assume_multiple %add3A_351, 8 : i32
      %dma_start3A_353 = tpu.memref_slice %arg3[%multiple_of3A_352] : memref<640000xi32, #tpu.memory_space<hbm>> -> memref<128xi32, #tpu.memory_space<hbm>>
      %dma_start3A_354 = tpu.memref_slice %arg3[%multiple_of3A_352] : memref<640000xi32, #tpu.memory_space<hbm>> -> memref<128xi32, #tpu.memory_space<hbm>>
      tpu.enqueue_dma source(%dma_start3A_354 : memref<128xi32, #tpu.memory_space<hbm>>) target(%arg7 : memref<128xi32, #tpu.memory_space<vmem>>) target_semaphore(%arg21 : memref<!tpu.dma_semaphore, #tpu.memory_space<semaphore_mem>>)
      %dma_start3A_355 = tpu.memref_slice %arg4[%multiple_of3A_352] : memref<640000xi32, #tpu.memory_space<hbm>> -> memref<128xi32, #tpu.memory_space<hbm>>
      %dma_start3A_356 = tpu.memref_slice %arg4[%multiple_of3A_352] : memref<640000xi32, #tpu.memory_space<hbm>> -> memref<128xi32, #tpu.memory_space<hbm>>
      tpu.enqueue_dma source(%dma_start3A_356 : memref<128xi32, #tpu.memory_space<hbm>>) target(%arg9 : memref<128xi32, #tpu.memory_space<vmem>>) target_semaphore(%arg21 : memref<!tpu.dma_semaphore, #tpu.memory_space<semaphore_mem>>)
      %dma_wait3A_357 = arith.constant 0 : i32
      %dma_wait3A_358 = arith.constant 0 : i32
      %dma_wait3A_359 = tpu.memref_slice %arg2[%dma_wait3A_357, %dma_wait3A_358] : memref<20000x128xf32, #tpu.memory_space<hbm>> -> memref<20000x128xf32, #tpu.memory_space<hbm>>
      tpu.wait_indirect_dma semaphore(%arg18 : memref<!tpu.dma_semaphore, #tpu.memory_space<semaphore_mem>>) src(%dma_wait3A_359 : memref<20000x128xf32, #tpu.memory_space<hbm>>) dst(%arg14 : memref<128x128xf32, #tpu.memory_space<vmem>>)
      %dma_start3A_360 = arith.constant 0 : i32
      %dma_start3A_361 = arith.constant 0 : i32
      %dma_start3A_362 = tpu.memref_slice %arg16[%dma_start3A_360, %dma_start3A_361] : memref<10000x128xf32, #tpu.memory_space<vmem_shared>> -> memref<10000x128xf32, #tpu.memory_space<vmem_shared>>
      tpu.enqueue_indirect_dma source(%arg14 : memref<128x128xf32, #tpu.memory_space<vmem>>) target(%dma_start3A_362 : memref<10000x128xf32, #tpu.memory_space<vmem_shared>>) offsets(%arg10 : memref<128xi32, #tpu.memory_space<vmem>>) semaphore(%arg20 : memref<!tpu.dma_semaphore, #tpu.memory_space<semaphore_mem>>) {add = true}
    }
    %scan3A_230 = arith.constant 76 : i32
    %dma_wait3A_231 = arith.constant 0 : i32
    %dma_wait3A_232 = tpu.memref_slice %arg3[%dma_wait3A_231] : memref<640000xi32, #tpu.memory_space<hbm>> -> memref<128xi32, #tpu.memory_space<hbm>>
    %dma_wait3A_233 = arith.constant 0 : i32
    %dma_wait3A_234 = tpu.memref_slice %arg3[%dma_wait3A_233] : memref<640000xi32, #tpu.memory_space<hbm>> -> memref<128xi32, #tpu.memory_space<hbm>>
    tpu.wait_dma2 semaphore(%arg21 : memref<!tpu.dma_semaphore, #tpu.memory_space<semaphore_mem>>) src(%dma_wait3A_234 : memref<128xi32, #tpu.memory_space<hbm>>) dst(%arg7 : memref<128xi32, #tpu.memory_space<vmem>>)
    %dma_wait3A_235 = arith.constant 0 : i32
    %dma_wait3A_236 = tpu.memref_slice %arg4[%dma_wait3A_235] : memref<640000xi32, #tpu.memory_space<hbm>> -> memref<128xi32, #tpu.memory_space<hbm>>
    %dma_wait3A_237 = arith.constant 0 : i32
    %dma_wait3A_238 = tpu.memref_slice %arg4[%dma_wait3A_237] : memref<640000xi32, #tpu.memory_space<hbm>> -> memref<128xi32, #tpu.memory_space<hbm>>
    tpu.wait_dma2 semaphore(%arg21 : memref<!tpu.dma_semaphore, #tpu.memory_space<semaphore_mem>>) src(%dma_wait3A_238 : memref<128xi32, #tpu.memory_space<hbm>>) dst(%arg9 : memref<128xi32, #tpu.memory_space<vmem>>)
    %dma_start3A_239 = arith.constant 0 : i32
    %dma_start3A_240 = arith.constant 0 : i32
    %dma_start3A_241 = tpu.memref_slice %arg2[%dma_start3A_239, %dma_start3A_240] : memref<20000x128xf32, #tpu.memory_space<hbm>> -> memref<20000x128xf32, #tpu.memory_space<hbm>>
    tpu.enqueue_indirect_dma source(%dma_start3A_241 : memref<20000x128xf32, #tpu.memory_space<hbm>>) target(%arg13 : memref<128x128xf32, #tpu.memory_space<vmem>>) offsets(%arg7 : memref<128xi32, #tpu.memory_space<vmem>>) semaphore(%arg17 : memref<!tpu.dma_semaphore, #tpu.memory_space<semaphore_mem>>)
    %dma_wait3A_242 = arith.constant 0 : i32
    %dma_wait3A_243 = arith.constant 0 : i32
    %dma_wait3A_244 = tpu.memref_slice %arg2[%dma_wait3A_242, %dma_wait3A_243] : memref<20000x128xf32, #tpu.memory_space<hbm>> -> memref<20000x128xf32, #tpu.memory_space<hbm>>
    tpu.wait_indirect_dma semaphore(%arg17 : memref<!tpu.dma_semaphore, #tpu.memory_space<semaphore_mem>>) src(%dma_wait3A_244 : memref<20000x128xf32, #tpu.memory_space<hbm>>) dst(%arg13 : memref<128x128xf32, #tpu.memory_space<vmem>>)
    %dma_wait3A_245 = arith.constant 0 : i32
    %dma_wait3A_246 = arith.constant 0 : i32
    %dma_wait3A_247 = tpu.memref_slice %arg16[%dma_wait3A_245, %dma_wait3A_246] : memref<10000x128xf32, #tpu.memory_space<vmem_shared>> -> memref<10000x128xf32, #tpu.memory_space<vmem_shared>>
    tpu.wait_indirect_dma semaphore(%arg20 : memref<!tpu.dma_semaphore, #tpu.memory_space<semaphore_mem>>) src(%arg14 : memref<128x128xf32, #tpu.memory_space<vmem>>) dst(%dma_wait3A_247 : memref<10000x128xf32, #tpu.memory_space<vmem_shared>>)
    %dma_start3A_248 = arith.constant 0 : i32
    %dma_start3A_249 = arith.constant 0 : i32
    %dma_start3A_250 = tpu.memref_slice %arg16[%dma_start3A_248, %dma_start3A_249] : memref<10000x128xf32, #tpu.memory_space<vmem_shared>> -> memref<10000x128xf32, #tpu.memory_space<vmem_shared>>
    tpu.enqueue_indirect_dma source(%arg13 : memref<128x128xf32, #tpu.memory_space<vmem>>) target(%dma_start3A_250 : memref<10000x128xf32, #tpu.memory_space<vmem_shared>>) offsets(%arg9 : memref<128xi32, #tpu.memory_space<vmem>>) semaphore(%arg19 : memref<!tpu.dma_semaphore, #tpu.memory_space<semaphore_mem>>) {add = true}
    %add3A_251 = arith.constant 19840 : i32
    %add3A_252 = arith.addi %mul3A_167, %add3A_251 : i32
    %multiple_of3A_253 = tpu.assume_multiple %add3A_252, 8 : i32
    %dma_start3A_254 = tpu.memref_slice %arg3[%multiple_of3A_253] : memref<640000xi32, #tpu.memory_space<hbm>> -> memref<128xi32, #tpu.memory_space<hbm>>
    %dma_start3A_255 = tpu.memref_slice %arg3[%multiple_of3A_253] : memref<640000xi32, #tpu.memory_space<hbm>> -> memref<128xi32, #tpu.memory_space<hbm>>
    tpu.enqueue_dma source(%dma_start3A_255 : memref<128xi32, #tpu.memory_space<hbm>>) target(%arg8 : memref<128xi32, #tpu.memory_space<vmem>>) target_semaphore(%arg22 : memref<!tpu.dma_semaphore, #tpu.memory_space<semaphore_mem>>)
    %dma_start3A_256 = tpu.memref_slice %arg4[%multiple_of3A_253] : memref<640000xi32, #tpu.memory_space<hbm>> -> memref<128xi32, #tpu.memory_space<hbm>>
    %dma_start3A_257 = tpu.memref_slice %arg4[%multiple_of3A_253] : memref<640000xi32, #tpu.memory_space<hbm>> -> memref<128xi32, #tpu.memory_space<hbm>>
    tpu.enqueue_dma source(%dma_start3A_257 : memref<128xi32, #tpu.memory_space<hbm>>) target(%arg10 : memref<128xi32, #tpu.memory_space<vmem>>) target_semaphore(%arg22 : memref<!tpu.dma_semaphore, #tpu.memory_space<semaphore_mem>>)
    %dma_wait3A_258 = arith.constant 0 : i32
    %dma_wait3A_259 = tpu.memref_slice %arg3[%dma_wait3A_258] : memref<640000xi32, #tpu.memory_space<hbm>> -> memref<128xi32, #tpu.memory_space<hbm>>
    %dma_wait3A_260 = arith.constant 0 : i32
    %dma_wait3A_261 = tpu.memref_slice %arg3[%dma_wait3A_260] : memref<640000xi32, #tpu.memory_space<hbm>> -> memref<128xi32, #tpu.memory_space<hbm>>
    tpu.wait_dma2 semaphore(%arg22 : memref<!tpu.dma_semaphore, #tpu.memory_space<semaphore_mem>>) src(%dma_wait3A_261 : memref<128xi32, #tpu.memory_space<hbm>>) dst(%arg8 : memref<128xi32, #tpu.memory_space<vmem>>)
    %dma_wait3A_262 = arith.constant 0 : i32
    %dma_wait3A_263 = tpu.memref_slice %arg4[%dma_wait3A_262] : memref<640000xi32, #tpu.memory_space<hbm>> -> memref<128xi32, #tpu.memory_space<hbm>>
    %dma_wait3A_264 = arith.constant 0 : i32
    %dma_wait3A_265 = tpu.memref_slice %arg4[%dma_wait3A_264] : memref<640000xi32, #tpu.memory_space<hbm>> -> memref<128xi32, #tpu.memory_space<hbm>>
    tpu.wait_dma2 semaphore(%arg22 : memref<!tpu.dma_semaphore, #tpu.memory_space<semaphore_mem>>) src(%dma_wait3A_265 : memref<128xi32, #tpu.memory_space<hbm>>) dst(%arg10 : memref<128xi32, #tpu.memory_space<vmem>>)
    %dma_start3A_266 = arith.constant 0 : i32
    %dma_start3A_267 = arith.constant 0 : i32
    %dma_start3A_268 = tpu.memref_slice %arg2[%dma_start3A_266, %dma_start3A_267] : memref<20000x128xf32, #tpu.memory_space<hbm>> -> memref<20000x128xf32, #tpu.memory_space<hbm>>
    tpu.enqueue_indirect_dma source(%dma_start3A_268 : memref<20000x128xf32, #tpu.memory_space<hbm>>) target(%arg14 : memref<128x128xf32, #tpu.memory_space<vmem>>) offsets(%arg8 : memref<128xi32, #tpu.memory_space<vmem>>) semaphore(%arg18 : memref<!tpu.dma_semaphore, #tpu.memory_space<semaphore_mem>>)
    %dma_wait3A_269 = arith.constant 0 : i32
    %dma_wait3A_270 = arith.constant 0 : i32
    %dma_wait3A_271 = tpu.memref_slice %arg16[%dma_wait3A_269, %dma_wait3A_270] : memref<10000x128xf32, #tpu.memory_space<vmem_shared>> -> memref<10000x128xf32, #tpu.memory_space<vmem_shared>>
    tpu.wait_indirect_dma semaphore(%arg19 : memref<!tpu.dma_semaphore, #tpu.memory_space<semaphore_mem>>) src(%arg13 : memref<128x128xf32, #tpu.memory_space<vmem>>) dst(%dma_wait3A_271 : memref<10000x128xf32, #tpu.memory_space<vmem_shared>>)
    %add3A_272 = arith.constant 19968 : i32
    %add3A_273 = arith.addi %mul3A_167, %add3A_272 : i32
    %multiple_of3A_274 = tpu.assume_multiple %add3A_273, 8 : i32
    "tpu.region"() ({
      %run_scoped3A = tpu.sem_alloc : memref<!tpu.dma_semaphore, #tpu.memory_space<semaphore_mem>>
      %dma_start3A_300 = tpu.memref_slice %arg3[%multiple_of3A_274] : memref<640000xi32, #tpu.memory_space<hbm>> -> memref<32xi32, #tpu.memory_space<hbm>>
      %dma_start3A_301 = tpu.memref_slice %arg3[%multiple_of3A_274] : memref<640000xi32, #tpu.memory_space<hbm>> -> memref<32xi32, #tpu.memory_space<hbm>>
      tpu.enqueue_dma source(%dma_start3A_301 : memref<32xi32, #tpu.memory_space<hbm>>) target(%arg11 : memref<32xi32, #tpu.memory_space<vmem>>) target_semaphore(%run_scoped3A : memref<!tpu.dma_semaphore, #tpu.memory_space<semaphore_mem>>)
      %dma_wait3A_302 = tpu.memref_slice %arg3[%multiple_of3A_274] : memref<640000xi32, #tpu.memory_space<hbm>> -> memref<32xi32, #tpu.memory_space<hbm>>
      %dma_wait3A_303 = tpu.memref_slice %arg3[%multiple_of3A_274] : memref<640000xi32, #tpu.memory_space<hbm>> -> memref<32xi32, #tpu.memory_space<hbm>>
      tpu.wait_dma2 semaphore(%run_scoped3A : memref<!tpu.dma_semaphore, #tpu.memory_space<semaphore_mem>>) src(%dma_wait3A_303 : memref<32xi32, #tpu.memory_space<hbm>>) dst(%arg11 : memref<32xi32, #tpu.memory_space<vmem>>)
      tpu.yield
    }) : () -> ()
    "tpu.region"() ({
      %run_scoped3A = tpu.sem_alloc : memref<!tpu.dma_semaphore, #tpu.memory_space<semaphore_mem>>
      %dma_start3A_300 = tpu.memref_slice %arg4[%multiple_of3A_274] : memref<640000xi32, #tpu.memory_space<hbm>> -> memref<32xi32, #tpu.memory_space<hbm>>
      %dma_start3A_301 = tpu.memref_slice %arg4[%multiple_of3A_274] : memref<640000xi32, #tpu.memory_space<hbm>> -> memref<32xi32, #tpu.memory_space<hbm>>
      tpu.enqueue_dma source(%dma_start3A_301 : memref<32xi32, #tpu.memory_space<hbm>>) target(%arg12 : memref<32xi32, #tpu.memory_space<vmem>>) target_semaphore(%run_scoped3A : memref<!tpu.dma_semaphore, #tpu.memory_space<semaphore_mem>>)
      %dma_wait3A_302 = tpu.memref_slice %arg4[%multiple_of3A_274] : memref<640000xi32, #tpu.memory_space<hbm>> -> memref<32xi32, #tpu.memory_space<hbm>>
      %dma_wait3A_303 = tpu.memref_slice %arg4[%multiple_of3A_274] : memref<640000xi32, #tpu.memory_space<hbm>> -> memref<32xi32, #tpu.memory_space<hbm>>
      tpu.wait_dma2 semaphore(%run_scoped3A : memref<!tpu.dma_semaphore, #tpu.memory_space<semaphore_mem>>) src(%dma_wait3A_303 : memref<32xi32, #tpu.memory_space<hbm>>) dst(%arg12 : memref<32xi32, #tpu.memory_space<vmem>>)
      tpu.yield
    }) : () -> ()
    "tpu.region"() ({
      %run_scoped3A = tpu.sem_alloc : memref<!tpu.dma_semaphore, #tpu.memory_space<semaphore_mem>>
      %dma_start3A_300 = arith.constant 0 : i32
      %dma_start3A_301 = arith.constant 0 : i32
      %dma_start3A_302 = tpu.memref_slice %arg13[%dma_start3A_300, %dma_start3A_301] : memref<128x128xf32, #tpu.memory_space<vmem>> -> memref<32x128xf32, #tpu.memory_space<vmem>>
      %dma_start3A_303 = arith.constant 0 : i32
      %dma_start3A_304 = arith.constant 0 : i32
      %dma_start3A_305 = tpu.memref_slice %arg2[%dma_start3A_303, %dma_start3A_304] : memref<20000x128xf32, #tpu.memory_space<hbm>> -> memref<20000x128xf32, #tpu.memory_space<hbm>>
      tpu.enqueue_indirect_dma source(%dma_start3A_305 : memref<20000x128xf32, #tpu.memory_space<hbm>>) target(%dma_start3A_302 : memref<32x128xf32, #tpu.memory_space<vmem>>) offsets(%arg11 : memref<32xi32, #tpu.memory_space<vmem>>) semaphore(%run_scoped3A : memref<!tpu.dma_semaphore, #tpu.memory_space<semaphore_mem>>)
      %dma_wait3A_306 = arith.constant 0 : i32
      %dma_wait3A_307 = arith.constant 0 : i32
      %dma_wait3A_308 = tpu.memref_slice %arg13[%dma_wait3A_306, %dma_wait3A_307] : memref<128x128xf32, #tpu.memory_space<vmem>> -> memref<32x128xf32, #tpu.memory_space<vmem>>
      %dma_wait3A_309 = arith.constant 0 : i32
      %dma_wait3A_310 = arith.constant 0 : i32
      %dma_wait3A_311 = tpu.memref_slice %arg2[%dma_wait3A_309, %dma_wait3A_310] : memref<20000x128xf32, #tpu.memory_space<hbm>> -> memref<20000x128xf32, #tpu.memory_space<hbm>>
      tpu.wait_indirect_dma semaphore(%run_scoped3A : memref<!tpu.dma_semaphore, #tpu.memory_space<semaphore_mem>>) src(%dma_wait3A_311 : memref<20000x128xf32, #tpu.memory_space<hbm>>) dst(%dma_wait3A_308 : memref<32x128xf32, #tpu.memory_space<vmem>>)
      tpu.yield
    }) : () -> ()
    %dma_wait3A_275 = arith.constant 0 : i32
    %dma_wait3A_276 = arith.constant 0 : i32
    %dma_wait3A_277 = tpu.memref_slice %arg2[%dma_wait3A_275, %dma_wait3A_276] : memref<20000x128xf32, #tpu.memory_space<hbm>> -> memref<20000x128xf32, #tpu.memory_space<hbm>>
    tpu.wait_indirect_dma semaphore(%arg18 : memref<!tpu.dma_semaphore, #tpu.memory_space<semaphore_mem>>) src(%dma_wait3A_277 : memref<20000x128xf32, #tpu.memory_space<hbm>>) dst(%arg14 : memref<128x128xf32, #tpu.memory_space<vmem>>)
    %dma_start3A_278 = arith.constant 0 : i32
    %dma_start3A_279 = arith.constant 0 : i32
    %dma_start3A_280 = tpu.memref_slice %arg16[%dma_start3A_278, %dma_start3A_279] : memref<10000x128xf32, #tpu.memory_space<vmem_shared>> -> memref<10000x128xf32, #tpu.memory_space<vmem_shared>>
    tpu.enqueue_indirect_dma source(%arg14 : memref<128x128xf32, #tpu.memory_space<vmem>>) target(%dma_start3A_280 : memref<10000x128xf32, #tpu.memory_space<vmem_shared>>) offsets(%arg10 : memref<128xi32, #tpu.memory_space<vmem>>) semaphore(%arg20 : memref<!tpu.dma_semaphore, #tpu.memory_space<semaphore_mem>>) {add = true}
    "tpu.region"() ({
      %run_scoped3A = tpu.sem_alloc : memref<!tpu.dma_semaphore, #tpu.memory_space<semaphore_mem>>
      %dma_start3A_300 = arith.constant 0 : i32
      %dma_start3A_301 = arith.constant 0 : i32
      %dma_start3A_302 = tpu.memref_slice %arg13[%dma_start3A_300, %dma_start3A_301] : memref<128x128xf32, #tpu.memory_space<vmem>> -> memref<32x128xf32, #tpu.memory_space<vmem>>
      %dma_start3A_303 = arith.constant 0 : i32
      %dma_start3A_304 = arith.constant 0 : i32
      %dma_start3A_305 = tpu.memref_slice %arg16[%dma_start3A_303, %dma_start3A_304] : memref<10000x128xf32, #tpu.memory_space<vmem_shared>> -> memref<10000x128xf32, #tpu.memory_space<vmem_shared>>
      tpu.enqueue_indirect_dma source(%dma_start3A_302 : memref<32x128xf32, #tpu.memory_space<vmem>>) target(%dma_start3A_305 : memref<10000x128xf32, #tpu.memory_space<vmem_shared>>) offsets(%arg12 : memref<32xi32, #tpu.memory_space<vmem>>) semaphore(%run_scoped3A : memref<!tpu.dma_semaphore, #tpu.memory_space<semaphore_mem>>) {add = true}
      %dma_wait3A_306 = arith.constant 0 : i32
      %dma_wait3A_307 = arith.constant 0 : i32
      %dma_wait3A_308 = tpu.memref_slice %arg13[%dma_wait3A_306, %dma_wait3A_307] : memref<128x128xf32, #tpu.memory_space<vmem>> -> memref<32x128xf32, #tpu.memory_space<vmem>>
      %dma_wait3A_309 = arith.constant 0 : i32
      %dma_wait3A_310 = arith.constant 0 : i32
      %dma_wait3A_311 = tpu.memref_slice %arg16[%dma_wait3A_309, %dma_wait3A_310] : memref<10000x128xf32, #tpu.memory_space<vmem_shared>> -> memref<10000x128xf32, #tpu.memory_space<vmem_shared>>
      tpu.wait_indirect_dma semaphore(%run_scoped3A : memref<!tpu.dma_semaphore, #tpu.memory_space<semaphore_mem>>) src(%dma_wait3A_308 : memref<32x128xf32, #tpu.memory_space<vmem>>) dst(%dma_wait3A_311 : memref<10000x128xf32, #tpu.memory_space<vmem_shared>>)
      tpu.yield
    }) : () -> ()
    %dma_wait3A_281 = arith.constant 0 : i32
    %dma_wait3A_282 = arith.constant 0 : i32
    %dma_wait3A_283 = tpu.memref_slice %arg16[%dma_wait3A_281, %dma_wait3A_282] : memref<10000x128xf32, #tpu.memory_space<vmem_shared>> -> memref<10000x128xf32, #tpu.memory_space<vmem_shared>>
    tpu.wait_indirect_dma semaphore(%arg20 : memref<!tpu.dma_semaphore, #tpu.memory_space<semaphore_mem>>) src(%arg14 : memref<128x128xf32, #tpu.memory_space<vmem>>) dst(%dma_wait3A_283 : memref<10000x128xf32, #tpu.memory_space<vmem_shared>>)
    %barrier3A_284 = arith.constant 0 : index
    tpu.barrier barrier_id(%barrier3A_284)
    %add3A_285 = arith.constant 0 : i32
    %add3A_286 = arith.addi %multiple_of3A_121, %add3A_285 : i32
    %multiple_of3A_287 = tpu.assume_multiple %add3A_286, 8 : i32
    "tpu.region"() ({
      %run_scoped3A = tpu.sem_alloc : memref<!tpu.dma_semaphore, #tpu.memory_space<semaphore_mem>>
      %dma_start3A_300 = arith.constant 0 : i32
      %dma_start3A_301 = tpu.memref_slice %arg16[%multiple_of3A_287, %dma_start3A_300] : memref<10000x128xf32, #tpu.memory_space<vmem_shared>> -> memref<128x128xf32, #tpu.memory_space<vmem_shared>>
      %dma_start3A_302 = arith.constant 0 : i32
      %dma_start3A_303 = tpu.memref_slice %arg16[%multiple_of3A_287, %dma_start3A_302] : memref<10000x128xf32, #tpu.memory_space<vmem_shared>> -> memref<128x128xf32, #tpu.memory_space<vmem_shared>>
      tpu.enqueue_dma source(%dma_start3A_303 : memref<128x128xf32, #tpu.memory_space<vmem_shared>>) target(%arg13 : memref<128x128xf32, #tpu.memory_space<vmem>>) target_semaphore(%run_scoped3A : memref<!tpu.dma_semaphore, #tpu.memory_space<semaphore_mem>>)
      %dma_wait3A_304 = arith.constant 0 : i32
      %dma_wait3A_305 = tpu.memref_slice %arg16[%multiple_of3A_287, %dma_wait3A_304] : memref<10000x128xf32, #tpu.memory_space<vmem_shared>> -> memref<128x128xf32, #tpu.memory_space<vmem_shared>>
      %dma_wait3A_306 = arith.constant 0 : i32
      %dma_wait3A_307 = tpu.memref_slice %arg16[%multiple_of3A_287, %dma_wait3A_306] : memref<10000x128xf32, #tpu.memory_space<vmem_shared>> -> memref<128x128xf32, #tpu.memory_space<vmem_shared>>
      tpu.wait_dma2 semaphore(%run_scoped3A : memref<!tpu.dma_semaphore, #tpu.memory_space<semaphore_mem>>) src(%dma_wait3A_307 : memref<128x128xf32, #tpu.memory_space<vmem_shared>>) dst(%arg13 : memref<128x128xf32, #tpu.memory_space<vmem>>)
      tpu.yield
    }) : () -> ()
    "tpu.region"() ({
      %run_scoped3A = tpu.sem_alloc : memref<!tpu.dma_semaphore, #tpu.memory_space<semaphore_mem>>
      %dma_start3A_300 = arith.constant 0 : i32
      %dma_start3A_301 = tpu.memref_slice %arg6[%arg0, %multiple_of3A_287, %dma_start3A_300] : memref<2x10000x128xf32, #tpu.memory_space<hbm>> -> memref<1x128x128xf32, #tpu.memory_space<hbm>>
      %dma_start3A_302 = tpu.memref_squeeze %dma_start3A_301 : memref<1x128x128xf32, #tpu.memory_space<hbm>> -> memref<128x128xf32, #tpu.memory_space<hbm>>
      %dma_start3A_303 = arith.constant 0 : i32
      %dma_start3A_304 = tpu.memref_slice %arg6[%arg0, %multiple_of3A_287, %dma_start3A_303] : memref<2x10000x128xf32, #tpu.memory_space<hbm>> -> memref<1x128x128xf32, #tpu.memory_space<hbm>>
      %dma_start3A_305 = tpu.memref_squeeze %dma_start3A_304 : memref<1x128x128xf32, #tpu.memory_space<hbm>> -> memref<128x128xf32, #tpu.memory_space<hbm>>
      tpu.enqueue_dma source(%arg13 : memref<128x128xf32, #tpu.memory_space<vmem>>) target(%dma_start3A_305 : memref<128x128xf32, #tpu.memory_space<hbm>>) target_semaphore(%run_scoped3A : memref<!tpu.dma_semaphore, #tpu.memory_space<semaphore_mem>>)
      %dma_wait3A_306 = arith.constant 0 : i32
      %dma_wait3A_307 = tpu.memref_slice %arg6[%arg0, %multiple_of3A_287, %dma_wait3A_306] : memref<2x10000x128xf32, #tpu.memory_space<hbm>> -> memref<1x128x128xf32, #tpu.memory_space<hbm>>
      %dma_wait3A_308 = tpu.memref_squeeze %dma_wait3A_307 : memref<1x128x128xf32, #tpu.memory_space<hbm>> -> memref<128x128xf32, #tpu.memory_space<hbm>>
      %dma_wait3A_309 = arith.constant 0 : i32
      %dma_wait3A_310 = tpu.memref_slice %arg6[%arg0, %multiple_of3A_287, %dma_wait3A_309] : memref<2x10000x128xf32, #tpu.memory_space<hbm>> -> memref<1x128x128xf32, #tpu.memory_space<hbm>>
      %dma_wait3A_311 = tpu.memref_squeeze %dma_wait3A_310 : memref<1x128x128xf32, #tpu.memory_space<hbm>> -> memref<128x128xf32, #tpu.memory_space<hbm>>
      tpu.wait_dma2 semaphore(%run_scoped3A : memref<!tpu.dma_semaphore, #tpu.memory_space<semaphore_mem>>) src(%arg13 : memref<128x128xf32, #tpu.memory_space<vmem>>) dst(%dma_wait3A_311 : memref<128x128xf32, #tpu.memory_space<hbm>>)
      tpu.yield
    }) : () -> ()
    %add3A_288 = arith.constant 128 : i32
    %add3A_289 = arith.addi %multiple_of3A_121, %add3A_288 : i32
    %multiple_of3A_290 = tpu.assume_multiple %add3A_289, 8 : i32
    "tpu.region"() ({
      %run_scoped3A = tpu.sem_alloc : memref<!tpu.dma_semaphore, #tpu.memory_space<semaphore_mem>>
      %dma_start3A_300 = arith.constant 0 : i32
      %dma_start3A_301 = tpu.memref_slice %arg16[%multiple_of3A_290, %dma_start3A_300] : memref<10000x128xf32, #tpu.memory_space<vmem_shared>> -> memref<128x128xf32, #tpu.memory_space<vmem_shared>>
      %dma_start3A_302 = arith.constant 0 : i32
      %dma_start3A_303 = tpu.memref_slice %arg16[%multiple_of3A_290, %dma_start3A_302] : memref<10000x128xf32, #tpu.memory_space<vmem_shared>> -> memref<128x128xf32, #tpu.memory_space<vmem_shared>>
      tpu.enqueue_dma source(%dma_start3A_303 : memref<128x128xf32, #tpu.memory_space<vmem_shared>>) target(%arg13 : memref<128x128xf32, #tpu.memory_space<vmem>>) target_semaphore(%run_scoped3A : memref<!tpu.dma_semaphore, #tpu.memory_space<semaphore_mem>>)
      %dma_wait3A_304 = arith.constant 0 : i32
      %dma_wait3A_305 = tpu.memref_slice %arg16[%multiple_of3A_290, %dma_wait3A_304] : memref<10000x128xf32, #tpu.memory_space<vmem_shared>> -> memref<128x128xf32, #tpu.memory_space<vmem_shared>>
      %dma_wait3A_306 = arith.constant 0 : i32
      %dma_wait3A_307 = tpu.memref_slice %arg16[%multiple_of3A_290, %dma_wait3A_306] : memref<10000x128xf32, #tpu.memory_space<vmem_shared>> -> memref<128x128xf32, #tpu.memory_space<vmem_shared>>
      tpu.wait_dma2 semaphore(%run_scoped3A : memref<!tpu.dma_semaphore, #tpu.memory_space<semaphore_mem>>) src(%dma_wait3A_307 : memref<128x128xf32, #tpu.memory_space<vmem_shared>>) dst(%arg13 : memref<128x128xf32, #tpu.memory_space<vmem>>)
      tpu.yield
    }) : () -> ()
    "tpu.region"() ({
      %run_scoped3A = tpu.sem_alloc : memref<!tpu.dma_semaphore, #tpu.memory_space<semaphore_mem>>
      %dma_start3A_300 = arith.constant 0 : i32
      %dma_start3A_301 = tpu.memref_slice %arg6[%arg0, %multiple_of3A_290, %dma_start3A_300] : memref<2x10000x128xf32, #tpu.memory_space<hbm>> -> memref<1x128x128xf32, #tpu.memory_space<hbm>>
      %dma_start3A_302 = tpu.memref_squeeze %dma_start3A_301 : memref<1x128x128xf32, #tpu.memory_space<hbm>> -> memref<128x128xf32, #tpu.memory_space<hbm>>
      %dma_start3A_303 = arith.constant 0 : i32
      %dma_start3A_304 = tpu.memref_slice %arg6[%arg0, %multiple_of3A_290, %dma_start3A_303] : memref<2x10000x128xf32, #tpu.memory_space<hbm>> -> memref<1x128x128xf32, #tpu.memory_space<hbm>>
      %dma_start3A_305 = tpu.memref_squeeze %dma_start3A_304 : memref<1x128x128xf32, #tpu.memory_space<hbm>> -> memref<128x128xf32, #tpu.memory_space<hbm>>
      tpu.enqueue_dma source(%arg13 : memref<128x128xf32, #tpu.memory_space<vmem>>) target(%dma_start3A_305 : memref<128x128xf32, #tpu.memory_space<hbm>>) target_semaphore(%run_scoped3A : memref<!tpu.dma_semaphore, #tpu.memory_space<semaphore_mem>>)
      %dma_wait3A_306 = arith.constant 0 : i32
      %dma_wait3A_307 = tpu.memref_slice %arg6[%arg0, %multiple_of3A_290, %dma_wait3A_306] : memref<2x10000x128xf32, #tpu.memory_space<hbm>> -> memref<1x128x128xf32, #tpu.memory_space<hbm>>
      %dma_wait3A_308 = tpu.memref_squeeze %dma_wait3A_307 : memref<1x128x128xf32, #tpu.memory_space<hbm>> -> memref<128x128xf32, #tpu.memory_space<hbm>>
      %dma_wait3A_309 = arith.constant 0 : i32
      %dma_wait3A_310 = tpu.memref_slice %arg6[%arg0, %multiple_of3A_290, %dma_wait3A_309] : memref<2x10000x128xf32, #tpu.memory_space<hbm>> -> memref<1x128x128xf32, #tpu.memory_space<hbm>>
      %dma_wait3A_311 = tpu.memref_squeeze %dma_wait3A_310 : memref<1x128x128xf32, #tpu.memory_space<hbm>> -> memref<128x128xf32, #tpu.memory_space<hbm>>
      tpu.wait_dma2 semaphore(%run_scoped3A : memref<!tpu.dma_semaphore, #tpu.memory_space<semaphore_mem>>) src(%arg13 : memref<128x128xf32, #tpu.memory_space<vmem>>) dst(%dma_wait3A_311 : memref<128x128xf32, #tpu.memory_space<hbm>>)
      tpu.yield
    }) : () -> ()
    %add3A_291 = arith.constant 256 : i32
    %add3A_292 = arith.addi %multiple_of3A_121, %add3A_291 : i32
    %multiple_of3A_293 = tpu.assume_multiple %add3A_292, 8 : i32
    "tpu.region"() ({
      %run_scoped3A = tpu.sem_alloc : memref<!tpu.dma_semaphore, #tpu.memory_space<semaphore_mem>>
      %dma_start3A_300 = arith.constant 0 : i32
      %dma_start3A_301 = tpu.memref_slice %arg16[%multiple_of3A_293, %dma_start3A_300] : memref<10000x128xf32, #tpu.memory_space<vmem_shared>> -> memref<128x128xf32, #tpu.memory_space<vmem_shared>>
      %dma_start3A_302 = arith.constant 0 : i32
      %dma_start3A_303 = tpu.memref_slice %arg16[%multiple_of3A_293, %dma_start3A_302] : memref<10000x128xf32, #tpu.memory_space<vmem_shared>> -> memref<128x128xf32, #tpu.memory_space<vmem_shared>>
      tpu.enqueue_dma source(%dma_start3A_303 : memref<128x128xf32, #tpu.memory_space<vmem_shared>>) target(%arg13 : memref<128x128xf32, #tpu.memory_space<vmem>>) target_semaphore(%run_scoped3A : memref<!tpu.dma_semaphore, #tpu.memory_space<semaphore_mem>>)
      %dma_wait3A_304 = arith.constant 0 : i32
      %dma_wait3A_305 = tpu.memref_slice %arg16[%multiple_of3A_293, %dma_wait3A_304] : memref<10000x128xf32, #tpu.memory_space<vmem_shared>> -> memref<128x128xf32, #tpu.memory_space<vmem_shared>>
      %dma_wait3A_306 = arith.constant 0 : i32
      %dma_wait3A_307 = tpu.memref_slice %arg16[%multiple_of3A_293, %dma_wait3A_306] : memref<10000x128xf32, #tpu.memory_space<vmem_shared>> -> memref<128x128xf32, #tpu.memory_space<vmem_shared>>
      tpu.wait_dma2 semaphore(%run_scoped3A : memref<!tpu.dma_semaphore, #tpu.memory_space<semaphore_mem>>) src(%dma_wait3A_307 : memref<128x128xf32, #tpu.memory_space<vmem_shared>>) dst(%arg13 : memref<128x128xf32, #tpu.memory_space<vmem>>)
      tpu.yield
    }) : () -> ()
    "tpu.region"() ({
      %run_scoped3A = tpu.sem_alloc : memref<!tpu.dma_semaphore, #tpu.memory_space<semaphore_mem>>
      %dma_start3A_300 = arith.constant 0 : i32
      %dma_start3A_301 = tpu.memref_slice %arg6[%arg0, %multiple_of3A_293, %dma_start3A_300] : memref<2x10000x128xf32, #tpu.memory_space<hbm>> -> memref<1x128x128xf32, #tpu.memory_space<hbm>>
      %dma_start3A_302 = tpu.memref_squeeze %dma_start3A_301 : memref<1x128x128xf32, #tpu.memory_space<hbm>> -> memref<128x128xf32, #tpu.memory_space<hbm>>
      %dma_start3A_303 = arith.constant 0 : i32
      %dma_start3A_304 = tpu.memref_slice %arg6[%arg0, %multiple_of3A_293, %dma_start3A_303] : memref<2x10000x128xf32, #tpu.memory_space<hbm>> -> memref<1x128x128xf32, #tpu.memory_space<hbm>>
      %dma_start3A_305 = tpu.memref_squeeze %dma_start3A_304 : memref<1x128x128xf32, #tpu.memory_space<hbm>> -> memref<128x128xf32, #tpu.memory_space<hbm>>
      tpu.enqueue_dma source(%arg13 : memref<128x128xf32, #tpu.memory_space<vmem>>) target(%dma_start3A_305 : memref<128x128xf32, #tpu.memory_space<hbm>>) target_semaphore(%run_scoped3A : memref<!tpu.dma_semaphore, #tpu.memory_space<semaphore_mem>>)
      %dma_wait3A_306 = arith.constant 0 : i32
      %dma_wait3A_307 = tpu.memref_slice %arg6[%arg0, %multiple_of3A_293, %dma_wait3A_306] : memref<2x10000x128xf32, #tpu.memory_space<hbm>> -> memref<1x128x128xf32, #tpu.memory_space<hbm>>
      %dma_wait3A_308 = tpu.memref_squeeze %dma_wait3A_307 : memref<1x128x128xf32, #tpu.memory_space<hbm>> -> memref<128x128xf32, #tpu.memory_space<hbm>>
      %dma_wait3A_309 = arith.constant 0 : i32
      %dma_wait3A_310 = tpu.memref_slice %arg6[%arg0, %multiple_of3A_293, %dma_wait3A_309] : memref<2x10000x128xf32, #tpu.memory_space<hbm>> -> memref<1x128x128xf32, #tpu.memory_space<hbm>>
      %dma_wait3A_311 = tpu.memref_squeeze %dma_wait3A_310 : memref<1x128x128xf32, #tpu.memory_space<hbm>> -> memref<128x128xf32, #tpu.memory_space<hbm>>
      tpu.wait_dma2 semaphore(%run_scoped3A : memref<!tpu.dma_semaphore, #tpu.memory_space<semaphore_mem>>) src(%arg13 : memref<128x128xf32, #tpu.memory_space<vmem>>) dst(%dma_wait3A_311 : memref<128x128xf32, #tpu.memory_space<hbm>>)
      tpu.yield
    }) : () -> ()
    %add3A_294 = arith.constant 384 : i32
    %add3A_295 = arith.addi %multiple_of3A_121, %add3A_294 : i32
    %multiple_of3A_296 = tpu.assume_multiple %add3A_295, 8 : i32
    "tpu.region"() ({
      %run_scoped3A = tpu.sem_alloc : memref<!tpu.dma_semaphore, #tpu.memory_space<semaphore_mem>>
      %dma_start3A_300 = arith.constant 0 : i32
      %dma_start3A_301 = tpu.memref_slice %arg16[%multiple_of3A_296, %dma_start3A_300] : memref<10000x128xf32, #tpu.memory_space<vmem_shared>> -> memref<128x128xf32, #tpu.memory_space<vmem_shared>>
      %dma_start3A_302 = arith.constant 0 : i32
      %dma_start3A_303 = tpu.memref_slice %arg16[%multiple_of3A_296, %dma_start3A_302] : memref<10000x128xf32, #tpu.memory_space<vmem_shared>> -> memref<128x128xf32, #tpu.memory_space<vmem_shared>>
      tpu.enqueue_dma source(%dma_start3A_303 : memref<128x128xf32, #tpu.memory_space<vmem_shared>>) target(%arg13 : memref<128x128xf32, #tpu.memory_space<vmem>>) target_semaphore(%run_scoped3A : memref<!tpu.dma_semaphore, #tpu.memory_space<semaphore_mem>>)
      %dma_wait3A_304 = arith.constant 0 : i32
      %dma_wait3A_305 = tpu.memref_slice %arg16[%multiple_of3A_296, %dma_wait3A_304] : memref<10000x128xf32, #tpu.memory_space<vmem_shared>> -> memref<128x128xf32, #tpu.memory_space<vmem_shared>>
      %dma_wait3A_306 = arith.constant 0 : i32
      %dma_wait3A_307 = tpu.memref_slice %arg16[%multiple_of3A_296, %dma_wait3A_306] : memref<10000x128xf32, #tpu.memory_space<vmem_shared>> -> memref<128x128xf32, #tpu.memory_space<vmem_shared>>
      tpu.wait_dma2 semaphore(%run_scoped3A : memref<!tpu.dma_semaphore, #tpu.memory_space<semaphore_mem>>) src(%dma_wait3A_307 : memref<128x128xf32, #tpu.memory_space<vmem_shared>>) dst(%arg13 : memref<128x128xf32, #tpu.memory_space<vmem>>)
      tpu.yield
    }) : () -> ()
    "tpu.region"() ({
      %run_scoped3A = tpu.sem_alloc : memref<!tpu.dma_semaphore, #tpu.memory_space<semaphore_mem>>
      %dma_start3A_300 = arith.constant 0 : i32
      %dma_start3A_301 = tpu.memref_slice %arg6[%arg0, %multiple_of3A_296, %dma_start3A_300] : memref<2x10000x128xf32, #tpu.memory_space<hbm>> -> memref<1x128x128xf32, #tpu.memory_space<hbm>>
      %dma_start3A_302 = tpu.memref_squeeze %dma_start3A_301 : memref<1x128x128xf32, #tpu.memory_space<hbm>> -> memref<128x128xf32, #tpu.memory_space<hbm>>
      %dma_start3A_303 = arith.constant 0 : i32
      %dma_start3A_304 = tpu.memref_slice %arg6[%arg0, %multiple_of3A_296, %dma_start3A_303] : memref<2x10000x128xf32, #tpu.memory_space<hbm>> -> memref<1x128x128xf32, #tpu.memory_space<hbm>>
      %dma_start3A_305 = tpu.memref_squeeze %dma_start3A_304 : memref<1x128x128xf32, #tpu.memory_space<hbm>> -> memref<128x128xf32, #tpu.memory_space<hbm>>
      tpu.enqueue_dma source(%arg13 : memref<128x128xf32, #tpu.memory_space<vmem>>) target(%dma_start3A_305 : memref<128x128xf32, #tpu.memory_space<hbm>>) target_semaphore(%run_scoped3A : memref<!tpu.dma_semaphore, #tpu.memory_space<semaphore_mem>>)
      %dma_wait3A_306 = arith.constant 0 : i32
      %dma_wait3A_307 = tpu.memref_slice %arg6[%arg0, %multiple_of3A_296, %dma_wait3A_306] : memref<2x10000x128xf32, #tpu.memory_space<hbm>> -> memref<1x128x128xf32, #tpu.memory_space<hbm>>
      %dma_wait3A_308 = tpu.memref_squeeze %dma_wait3A_307 : memref<1x128x128xf32, #tpu.memory_space<hbm>> -> memref<128x128xf32, #tpu.memory_space<hbm>>
      %dma_wait3A_309 = arith.constant 0 : i32
      %dma_wait3A_310 = tpu.memref_slice %arg6[%arg0, %multiple_of3A_296, %dma_wait3A_309] : memref<2x10000x128xf32, #tpu.memory_space<hbm>> -> memref<1x128x128xf32, #tpu.memory_space<hbm>>
      %dma_wait3A_311 = tpu.memref_squeeze %dma_wait3A_310 : memref<1x128x128xf32, #tpu.memory_space<hbm>> -> memref<128x128xf32, #tpu.memory_space<hbm>>
      tpu.wait_dma2 semaphore(%run_scoped3A : memref<!tpu.dma_semaphore, #tpu.memory_space<semaphore_mem>>) src(%arg13 : memref<128x128xf32, #tpu.memory_space<vmem>>) dst(%dma_wait3A_311 : memref<128x128xf32, #tpu.memory_space<hbm>>)
      tpu.yield
    }) : () -> ()
    %add3A_297 = arith.constant 512 : i32
    %add3A_298 = arith.addi %multiple_of3A_121, %add3A_297 : i32
    %multiple_of3A_299 = tpu.assume_multiple %add3A_298, 8 : i32
    "tpu.region"() ({
      %run_scoped3A = tpu.sem_alloc : memref<!tpu.dma_semaphore, #tpu.memory_space<semaphore_mem>>
      %dma_start3A_300 = arith.constant 0 : i32
      %dma_start3A_301 = arith.constant 0 : i32
      %dma_start3A_302 = tpu.memref_slice %arg13[%dma_start3A_300, %dma_start3A_301] : memref<128x128xf32, #tpu.memory_space<vmem>> -> memref<112x128xf32, #tpu.memory_space<vmem>>
      %dma_start3A_303 = arith.constant 0 : i32
      %dma_start3A_304 = tpu.memref_slice %arg16[%multiple_of3A_299, %dma_start3A_303] : memref<10000x128xf32, #tpu.memory_space<vmem_shared>> -> memref<112x128xf32, #tpu.memory_space<vmem_shared>>
      %dma_start3A_305 = arith.constant 0 : i32
      %dma_start3A_306 = arith.constant 0 : i32
      %dma_start3A_307 = tpu.memref_slice %arg13[%dma_start3A_305, %dma_start3A_306] : memref<128x128xf32, #tpu.memory_space<vmem>> -> memref<112x128xf32, #tpu.memory_space<vmem>>
      %dma_start3A_308 = arith.constant 0 : i32
      %dma_start3A_309 = tpu.memref_slice %arg16[%multiple_of3A_299, %dma_start3A_308] : memref<10000x128xf32, #tpu.memory_space<vmem_shared>> -> memref<112x128xf32, #tpu.memory_space<vmem_shared>>
      tpu.enqueue_dma source(%dma_start3A_309 : memref<112x128xf32, #tpu.memory_space<vmem_shared>>) target(%dma_start3A_307 : memref<112x128xf32, #tpu.memory_space<vmem>>) target_semaphore(%run_scoped3A : memref<!tpu.dma_semaphore, #tpu.memory_space<semaphore_mem>>)
      %dma_wait3A_310 = arith.constant 0 : i32
      %dma_wait3A_311 = arith.constant 0 : i32
      %dma_wait3A_312 = tpu.memref_slice %arg13[%dma_wait3A_310, %dma_wait3A_311] : memref<128x128xf32, #tpu.memory_space<vmem>> -> memref<112x128xf32, #tpu.memory_space<vmem>>
      %dma_wait3A_313 = arith.constant 0 : i32
      %dma_wait3A_314 = tpu.memref_slice %arg16[%multiple_of3A_299, %dma_wait3A_313] : memref<10000x128xf32, #tpu.memory_space<vmem_shared>> -> memref<112x128xf32, #tpu.memory_space<vmem_shared>>
      %dma_wait3A_315 = arith.constant 0 : i32
      %dma_wait3A_316 = arith.constant 0 : i32
      %dma_wait3A_317 = tpu.memref_slice %arg13[%dma_wait3A_315, %dma_wait3A_316] : memref<128x128xf32, #tpu.memory_space<vmem>> -> memref<112x128xf32, #tpu.memory_space<vmem>>
      %dma_wait3A_318 = arith.constant 0 : i32
      %dma_wait3A_319 = tpu.memref_slice %arg16[%multiple_of3A_299, %dma_wait3A_318] : memref<10000x128xf32, #tpu.memory_space<vmem_shared>> -> memref<112x128xf32, #tpu.memory_space<vmem_shared>>
      tpu.wait_dma2 semaphore(%run_scoped3A : memref<!tpu.dma_semaphore, #tpu.memory_space<semaphore_mem>>) src(%dma_wait3A_319 : memref<112x128xf32, #tpu.memory_space<vmem_shared>>) dst(%dma_wait3A_317 : memref<112x128xf32, #tpu.memory_space<vmem>>)
      tpu.yield
    }) : () -> ()
    "tpu.region"() ({
      %run_scoped3A = tpu.sem_alloc : memref<!tpu.dma_semaphore, #tpu.memory_space<semaphore_mem>>
      %dma_start3A_300 = arith.constant 0 : i32
      %dma_start3A_301 = arith.constant 0 : i32
      %dma_start3A_302 = tpu.memref_slice %arg13[%dma_start3A_300, %dma_start3A_301] : memref<128x128xf32, #tpu.memory_space<vmem>> -> memref<112x128xf32, #tpu.memory_space<vmem>>
      %dma_start3A_303 = arith.constant 0 : i32
      %dma_start3A_304 = tpu.memref_slice %arg6[%arg0, %multiple_of3A_299, %dma_start3A_303] : memref<2x10000x128xf32, #tpu.memory_space<hbm>> -> memref<1x112x128xf32, #tpu.memory_space<hbm>>
      %dma_start3A_305 = tpu.memref_squeeze %dma_start3A_304 : memref<1x112x128xf32, #tpu.memory_space<hbm>> -> memref<112x128xf32, #tpu.memory_space<hbm>>
      %dma_start3A_306 = arith.constant 0 : i32
      %dma_start3A_307 = tpu.memref_slice %arg6[%arg0, %multiple_of3A_299, %dma_start3A_306] : memref<2x10000x128xf32, #tpu.memory_space<hbm>> -> memref<1x112x128xf32, #tpu.memory_space<hbm>>
      %dma_start3A_308 = tpu.memref_squeeze %dma_start3A_307 : memref<1x112x128xf32, #tpu.memory_space<hbm>> -> memref<112x128xf32, #tpu.memory_space<hbm>>
      %dma_start3A_309 = arith.constant 0 : i32
      %dma_start3A_310 = arith.constant 0 : i32
      %dma_start3A_311 = tpu.memref_slice %arg13[%dma_start3A_309, %dma_start3A_310] : memref<128x128xf32, #tpu.memory_space<vmem>> -> memref<112x128xf32, #tpu.memory_space<vmem>>
      tpu.enqueue_dma source(%dma_start3A_311 : memref<112x128xf32, #tpu.memory_space<vmem>>) target(%dma_start3A_308 : memref<112x128xf32, #tpu.memory_space<hbm>>) target_semaphore(%run_scoped3A : memref<!tpu.dma_semaphore, #tpu.memory_space<semaphore_mem>>)
      %dma_wait3A_312 = arith.constant 0 : i32
      %dma_wait3A_313 = arith.constant 0 : i32
      %dma_wait3A_314 = tpu.memref_slice %arg13[%dma_wait3A_312, %dma_wait3A_313] : memref<128x128xf32, #tpu.memory_space<vmem>> -> memref<112x128xf32, #tpu.memory_space<vmem>>
      %dma_wait3A_315 = arith.constant 0 : i32
      %dma_wait3A_316 = tpu.memref_slice %arg6[%arg0, %multiple_of3A_299, %dma_wait3A_315] : memref<2x10000x128xf32, #tpu.memory_space<hbm>> -> memref<1x112x128xf32, #tpu.memory_space<hbm>>
      %dma_wait3A_317 = tpu.memref_squeeze %dma_wait3A_316 : memref<1x112x128xf32, #tpu.memory_space<hbm>> -> memref<112x128xf32, #tpu.memory_space<hbm>>
      %dma_wait3A_318 = arith.constant 0 : i32
      %dma_wait3A_319 = tpu.memref_slice %arg6[%arg0, %multiple_of3A_299, %dma_wait3A_318] : memref<2x10000x128xf32, #tpu.memory_space<hbm>> -> memref<1x112x128xf32, #tpu.memory_space<hbm>>
      %dma_wait3A_320 = tpu.memref_squeeze %dma_wait3A_319 : memref<1x112x128xf32, #tpu.memory_space<hbm>> -> memref<112x128xf32, #tpu.memory_space<hbm>>
      %dma_wait3A_321 = arith.constant 0 : i32
      %dma_wait3A_322 = arith.constant 0 : i32
      %dma_wait3A_323 = tpu.memref_slice %arg13[%dma_wait3A_321, %dma_wait3A_322] : memref<128x128xf32, #tpu.memory_space<vmem>> -> memref<112x128xf32, #tpu.memory_space<vmem>>
      tpu.wait_dma2 semaphore(%run_scoped3A : memref<!tpu.dma_semaphore, #tpu.memory_space<semaphore_mem>>) src(%dma_wait3A_323 : memref<112x128xf32, #tpu.memory_space<vmem>>) dst(%dma_wait3A_320 : memref<112x128xf32, #tpu.memory_space<hbm>>)
      tpu.yield
    }) : () -> ()
    "tpu.region"() ({
      %run_scoped3A = tpu.sem_alloc : memref<!tpu.dma_semaphore, #tpu.memory_space<semaphore_mem>>
      %dma_start3A_300 = arith.constant 0 : i32
      %dma_start3A_301 = arith.constant 0 : i32
      %dma_start3A_302 = tpu.memref_slice %arg13[%dma_start3A_300, %dma_start3A_301] : memref<128x128xf32, #tpu.memory_space<vmem>> -> memref<8x128xf32, #tpu.memory_space<vmem>>
      %dma_start3A_303 = arith.constant 0 : i32
      %dma_start3A_304 = tpu.memref_slice %arg16[%multiple_of3A_142, %dma_start3A_303] : memref<10000x128xf32, #tpu.memory_space<vmem_shared>> -> memref<8x128xf32, #tpu.memory_space<vmem_shared>>
      %dma_start3A_305 = arith.constant 0 : i32
      %dma_start3A_306 = arith.constant 0 : i32
      %dma_start3A_307 = tpu.memref_slice %arg13[%dma_start3A_305, %dma_start3A_306] : memref<128x128xf32, #tpu.memory_space<vmem>> -> memref<8x128xf32, #tpu.memory_space<vmem>>
      %dma_start3A_308 = arith.constant 0 : i32
      %dma_start3A_309 = tpu.memref_slice %arg16[%multiple_of3A_142, %dma_start3A_308] : memref<10000x128xf32, #tpu.memory_space<vmem_shared>> -> memref<8x128xf32, #tpu.memory_space<vmem_shared>>
      tpu.enqueue_dma source(%dma_start3A_309 : memref<8x128xf32, #tpu.memory_space<vmem_shared>>) target(%dma_start3A_307 : memref<8x128xf32, #tpu.memory_space<vmem>>) target_semaphore(%run_scoped3A : memref<!tpu.dma_semaphore, #tpu.memory_space<semaphore_mem>>)
      %dma_wait3A_310 = arith.constant 0 : i32
      %dma_wait3A_311 = arith.constant 0 : i32
      %dma_wait3A_312 = tpu.memref_slice %arg13[%dma_wait3A_310, %dma_wait3A_311] : memref<128x128xf32, #tpu.memory_space<vmem>> -> memref<8x128xf32, #tpu.memory_space<vmem>>
      %dma_wait3A_313 = arith.constant 0 : i32
      %dma_wait3A_314 = tpu.memref_slice %arg16[%multiple_of3A_142, %dma_wait3A_313] : memref<10000x128xf32, #tpu.memory_space<vmem_shared>> -> memref<8x128xf32, #tpu.memory_space<vmem_shared>>
      %dma_wait3A_315 = arith.constant 0 : i32
      %dma_wait3A_316 = arith.constant 0 : i32
      %dma_wait3A_317 = tpu.memref_slice %arg13[%dma_wait3A_315, %dma_wait3A_316] : memref<128x128xf32, #tpu.memory_space<vmem>> -> memref<8x128xf32, #tpu.memory_space<vmem>>
      %dma_wait3A_318 = arith.constant 0 : i32
      %dma_wait3A_319 = tpu.memref_slice %arg16[%multiple_of3A_142, %dma_wait3A_318] : memref<10000x128xf32, #tpu.memory_space<vmem_shared>> -> memref<8x128xf32, #tpu.memory_space<vmem_shared>>
      tpu.wait_dma2 semaphore(%run_scoped3A : memref<!tpu.dma_semaphore, #tpu.memory_space<semaphore_mem>>) src(%dma_wait3A_319 : memref<8x128xf32, #tpu.memory_space<vmem_shared>>) dst(%dma_wait3A_317 : memref<8x128xf32, #tpu.memory_space<vmem>>)
      tpu.yield
    }) : () -> ()
    "tpu.region"() ({
      %run_scoped3A = tpu.sem_alloc : memref<!tpu.dma_semaphore, #tpu.memory_space<semaphore_mem>>
      %dma_start3A_300 = arith.constant 0 : i32
      %dma_start3A_301 = arith.constant 0 : i32
      %dma_start3A_302 = tpu.memref_slice %arg13[%dma_start3A_300, %dma_start3A_301] : memref<128x128xf32, #tpu.memory_space<vmem>> -> memref<8x128xf32, #tpu.memory_space<vmem>>
      %dma_start3A_303 = arith.constant 0 : i32
      %dma_start3A_304 = tpu.memref_slice %arg6[%arg0, %multiple_of3A_142, %dma_start3A_303] : memref<2x10000x128xf32, #tpu.memory_space<hbm>> -> memref<1x8x128xf32, #tpu.memory_space<hbm>>
      %dma_start3A_305 = tpu.memref_squeeze %dma_start3A_304 : memref<1x8x128xf32, #tpu.memory_space<hbm>> -> memref<8x128xf32, #tpu.memory_space<hbm>>
      %dma_start3A_306 = arith.constant 0 : i32
      %dma_start3A_307 = tpu.memref_slice %arg6[%arg0, %multiple_of3A_142, %dma_start3A_306] : memref<2x10000x128xf32, #tpu.memory_space<hbm>> -> memref<1x8x128xf32, #tpu.memory_space<hbm>>
      %dma_start3A_308 = tpu.memref_squeeze %dma_start3A_307 : memref<1x8x128xf32, #tpu.memory_space<hbm>> -> memref<8x128xf32, #tpu.memory_space<hbm>>
      %dma_start3A_309 = arith.constant 0 : i32
      %dma_start3A_310 = arith.constant 0 : i32
      %dma_start3A_311 = tpu.memref_slice %arg13[%dma_start3A_309, %dma_start3A_310] : memref<128x128xf32, #tpu.memory_space<vmem>> -> memref<8x128xf32, #tpu.memory_space<vmem>>
      tpu.enqueue_dma source(%dma_start3A_311 : memref<8x128xf32, #tpu.memory_space<vmem>>) target(%dma_start3A_308 : memref<8x128xf32, #tpu.memory_space<hbm>>) target_semaphore(%run_scoped3A : memref<!tpu.dma_semaphore, #tpu.memory_space<semaphore_mem>>)
      %dma_wait3A_312 = arith.constant 0 : i32
      %dma_wait3A_313 = arith.constant 0 : i32
      %dma_wait3A_314 = tpu.memref_slice %arg13[%dma_wait3A_312, %dma_wait3A_313] : memref<128x128xf32, #tpu.memory_space<vmem>> -> memref<8x128xf32, #tpu.memory_space<vmem>>
      %dma_wait3A_315 = arith.constant 0 : i32
      %dma_wait3A_316 = tpu.memref_slice %arg6[%arg0, %multiple_of3A_142, %dma_wait3A_315] : memref<2x10000x128xf32, #tpu.memory_space<hbm>> -> memref<1x8x128xf32, #tpu.memory_space<hbm>>
      %dma_wait3A_317 = tpu.memref_squeeze %dma_wait3A_316 : memref<1x8x128xf32, #tpu.memory_space<hbm>> -> memref<8x128xf32, #tpu.memory_space<hbm>>
      %dma_wait3A_318 = arith.constant 0 : i32
      %dma_wait3A_319 = tpu.memref_slice %arg6[%arg0, %multiple_of3A_142, %dma_wait3A_318] : memref<2x10000x128xf32, #tpu.memory_space<hbm>> -> memref<1x8x128xf32, #tpu.memory_space<hbm>>
      %dma_wait3A_320 = tpu.memref_squeeze %dma_wait3A_319 : memref<1x8x128xf32, #tpu.memory_space<hbm>> -> memref<8x128xf32, #tpu.memory_space<hbm>>
      %dma_wait3A_321 = arith.constant 0 : i32
      %dma_wait3A_322 = arith.constant 0 : i32
      %dma_wait3A_323 = tpu.memref_slice %arg13[%dma_wait3A_321, %dma_wait3A_322] : memref<128x128xf32, #tpu.memory_space<vmem>> -> memref<8x128xf32, #tpu.memory_space<vmem>>
      tpu.wait_dma2 semaphore(%run_scoped3A : memref<!tpu.dma_semaphore, #tpu.memory_space<semaphore_mem>>) src(%dma_wait3A_323 : memref<8x128xf32, #tpu.memory_space<vmem>>) dst(%dma_wait3A_320 : memref<8x128xf32, #tpu.memory_space<hbm>>)
      tpu.yield
    }) : () -> ()
    return
  }
}

#map = affine_map<(d0, d1) -> (0, 0)>
#map1 = affine_map<(d0, d1) -> (0)>
#map2 = affine_map<(d0, d1) -> (0, 0, 0)>
module attributes {stable_mosaic.version = 14 : i64} {
  func.func @_agg_body(%arg0: i32, %arg1: i32, %arg2: memref<20000x128xf32, #tpu.memory_space<hbm>>, %arg3: memref<640000xi32, #tpu.memory_space<hbm>>, %arg4: memref<640000xi32, #tpu.memory_space<hbm>>, %arg5: memref<2x10000x128xf32, #tpu.memory_space<hbm>>, %arg6: memref<128xi32, #tpu.memory_space<vmem>>, %arg7: memref<128xi32, #tpu.memory_space<vmem>>, %arg8: memref<128xi32, #tpu.memory_space<vmem>>, %arg9: memref<128xi32, #tpu.memory_space<vmem>>, %arg10: memref<32xi32, #tpu.memory_space<vmem>>, %arg11: memref<32xi32, #tpu.memory_space<vmem>>, %arg12: memref<128x128xf32, #tpu.memory_space<vmem>>, %arg13: memref<128x128xf32, #tpu.memory_space<vmem>>, %arg14: memref<10000x128xf32, #tpu.memory_space<vmem_shared>>, %arg15: memref<!tpu.dma_semaphore, #tpu.memory_space<semaphore_mem>>, %arg16: memref<!tpu.dma_semaphore, #tpu.memory_space<semaphore_mem>>, %arg17: memref<!tpu.dma_semaphore, #tpu.memory_space<semaphore_mem>>, %arg18: memref<!tpu.dma_semaphore, #tpu.memory_space<semaphore_mem>>, %arg19: memref<!tpu.dma_semaphore, #tpu.memory_space<semaphore_mem>>, %arg20: memref<!tpu.dma_semaphore, #tpu.memory_space<semaphore_mem>>) attributes {dimension_semantics = [#tpu.dimension_semantics<core_parallel>, #tpu.dimension_semantics<subcore_parallel>], iteration_bounds = array<i64: 2, 16>, scalar_prefetch = 0 : i64, scratch_operands = 15 : i64, tpu.core_type = #tpu.core_type<sc_vector_subcore>, window_params = [{transform_indices = #map}, {transform_indices = #map1}, {transform_indices = #map1}, {transform_indices = #map2}]} {
    %mul3A = arith.constant 624 : i32
    %mul3A_0 = arith.muli %arg1, %mul3A : i32
    %multiple_of3A = tpu.assume_multiple %mul3A_0, 8 : i32
    %jit3A = arith.constant 2 : i32
    %eq3A = arith.constant 0 : i32
    %eq3A_1 = arith.cmpi eq, %jit3A, %eq3A : i32
    %jit3A_2 = arith.constant 1 : i32
    %select_n3A = arith.select %eq3A_1, %jit3A_2, %jit3A : i32
    %rem3A = arith.remsi %arg1, %select_n3A : i32
    %ne3A = arith.constant 0 : i32
    %ne3A_3 = arith.cmpi ne, %rem3A, %ne3A : i32
    %lt3A = arith.constant 0 : i32
    %lt3A_4 = arith.cmpi slt, %rem3A, %lt3A : i32
    %lt3A_5 = arith.constant 0 : i32
    %lt3A_6 = arith.cmpi slt, %select_n3A, %lt3A_5 : i32
    %ne3A_7 = arith.xori %lt3A_4, %lt3A_6 : i1
    %and3A = arith.andi %ne3A_7, %ne3A_3 : i1
    %add3A = arith.addi %rem3A, %select_n3A : i32
    %select_n3A_8 = arith.select %and3A, %add3A, %rem3A : i32
    %mul3A_9 = arith.constant 8 : i32
    %mul3A_10 = arith.muli %select_n3A_8, %mul3A_9 : i32
    %add3A_11 = arith.constant 9984 : i32
    %add3A_12 = arith.addi %add3A_11, %mul3A_10 : i32
    %multiple_of3A_13 = tpu.assume_multiple %add3A_12, 8 : i32
    %broadcast_in_dim3A = arith.constant 0.000000e+00 : f32
    %broadcast_in_dim3A_14 = vector.broadcast %broadcast_in_dim3A : f32 to vector<16xf32>
    %broadcast_in_dim3A_15 = arith.constant 1.000000e+00 : f32
    %broadcast_in_dim3A_16 = vector.broadcast %broadcast_in_dim3A_15 : f32 to vector<16xf32>
    %scan3A = arith.constant 0 : i32
    %scan3A_17 = arith.constant 128 : i32
    %scan3A_18 = arith.addi %scan3A, %scan3A_17 : i32
    %scan3A_19 = arith.constant 1 : i32
    scf.for %scan3A_166 = %scan3A to %scan3A_18 step %scan3A_19  : i32 {
      %swap3A = arith.index_cast %scan3A_166 : i32 to index
      %swap3A_167 = arith.constant 0 : index
      %swap3A_168 = tpu.vector_load %arg12[%swap3A, %swap3A_167] {strides = array<i32>} : memref<128x128xf32, #tpu.memory_space<vmem>>, vector<1x16xf32>,
      %swap3A_169 = vector.shape_cast %swap3A_168 : vector<1x16xf32> to vector<16xf32>
      %swap3A_170 = vector.shape_cast %broadcast_in_dim3A_14 : vector<16xf32> to vector<1x16xf32>
      tpu.vector_store %arg12[%swap3A, %swap3A_167], %swap3A_170 {strides = array<i32>} : memref<128x128xf32, #tpu.memory_space<vmem>>, vector<1x16xf32>,
      %swap3A_171 = arith.index_cast %scan3A_166 : i32 to index
      %swap3A_172 = arith.constant 16 : index
      %swap3A_173 = tpu.vector_load %arg12[%swap3A_171, %swap3A_172] {strides = array<i32>} : memref<128x128xf32, #tpu.memory_space<vmem>>, vector<1x16xf32>,
      %swap3A_174 = vector.shape_cast %swap3A_173 : vector<1x16xf32> to vector<16xf32>
      %swap3A_175 = vector.shape_cast %broadcast_in_dim3A_14 : vector<16xf32> to vector<1x16xf32>
      tpu.vector_store %arg12[%swap3A_171, %swap3A_172], %swap3A_175 {strides = array<i32>} : memref<128x128xf32, #tpu.memory_space<vmem>>, vector<1x16xf32>,
      %swap3A_176 = arith.index_cast %scan3A_166 : i32 to index
      %swap3A_177 = arith.constant 32 : index
      %swap3A_178 = tpu.vector_load %arg12[%swap3A_176, %swap3A_177] {strides = array<i32>} : memref<128x128xf32, #tpu.memory_space<vmem>>, vector<1x16xf32>,
      %swap3A_179 = vector.shape_cast %swap3A_178 : vector<1x16xf32> to vector<16xf32>
      %swap3A_180 = vector.shape_cast %broadcast_in_dim3A_14 : vector<16xf32> to vector<1x16xf32>
      tpu.vector_store %arg12[%swap3A_176, %swap3A_177], %swap3A_180 {strides = array<i32>} : memref<128x128xf32, #tpu.memory_space<vmem>>, vector<1x16xf32>,
      %swap3A_181 = arith.index_cast %scan3A_166 : i32 to index
      %swap3A_182 = arith.constant 48 : index
      %swap3A_183 = tpu.vector_load %arg12[%swap3A_181, %swap3A_182] {strides = array<i32>} : memref<128x128xf32, #tpu.memory_space<vmem>>, vector<1x16xf32>,
      %swap3A_184 = vector.shape_cast %swap3A_183 : vector<1x16xf32> to vector<16xf32>
      %swap3A_185 = vector.shape_cast %broadcast_in_dim3A_14 : vector<16xf32> to vector<1x16xf32>
      tpu.vector_store %arg12[%swap3A_181, %swap3A_182], %swap3A_185 {strides = array<i32>} : memref<128x128xf32, #tpu.memory_space<vmem>>, vector<1x16xf32>,
      %swap3A_186 = arith.index_cast %scan3A_166 : i32 to index
      %swap3A_187 = arith.constant 64 : index
      %swap3A_188 = tpu.vector_load %arg12[%swap3A_186, %swap3A_187] {strides = array<i32>} : memref<128x128xf32, #tpu.memory_space<vmem>>, vector<1x16xf32>,
      %swap3A_189 = vector.shape_cast %swap3A_188 : vector<1x16xf32> to vector<16xf32>
      %swap3A_190 = vector.shape_cast %broadcast_in_dim3A_14 : vector<16xf32> to vector<1x16xf32>
      tpu.vector_store %arg12[%swap3A_186, %swap3A_187], %swap3A_190 {strides = array<i32>} : memref<128x128xf32, #tpu.memory_space<vmem>>, vector<1x16xf32>,
      %swap3A_191 = arith.index_cast %scan3A_166 : i32 to index
      %swap3A_192 = arith.constant 80 : index
      %swap3A_193 = tpu.vector_load %arg12[%swap3A_191, %swap3A_192] {strides = array<i32>} : memref<128x128xf32, #tpu.memory_space<vmem>>, vector<1x16xf32>,
      %swap3A_194 = vector.shape_cast %swap3A_193 : vector<1x16xf32> to vector<16xf32>
      %swap3A_195 = vector.shape_cast %broadcast_in_dim3A_14 : vector<16xf32> to vector<1x16xf32>
      tpu.vector_store %arg12[%swap3A_191, %swap3A_192], %swap3A_195 {strides = array<i32>} : memref<128x128xf32, #tpu.memory_space<vmem>>, vector<1x16xf32>,
      %swap3A_196 = arith.index_cast %scan3A_166 : i32 to index
      %swap3A_197 = arith.constant 96 : index
      %swap3A_198 = tpu.vector_load %arg12[%swap3A_196, %swap3A_197] {strides = array<i32>} : memref<128x128xf32, #tpu.memory_space<vmem>>, vector<1x16xf32>,
      %swap3A_199 = vector.shape_cast %swap3A_198 : vector<1x16xf32> to vector<16xf32>
      %swap3A_200 = vector.shape_cast %broadcast_in_dim3A_14 : vector<16xf32> to vector<1x16xf32>
      tpu.vector_store %arg12[%swap3A_196, %swap3A_197], %swap3A_200 {strides = array<i32>} : memref<128x128xf32, #tpu.memory_space<vmem>>, vector<1x16xf32>,
      %swap3A_201 = arith.index_cast %scan3A_166 : i32 to index
      %swap3A_202 = arith.constant 112 : index
      %swap3A_203 = tpu.vector_load %arg12[%swap3A_201, %swap3A_202] {strides = array<i32>} : memref<128x128xf32, #tpu.memory_space<vmem>>, vector<1x16xf32>,
      %swap3A_204 = vector.shape_cast %swap3A_203 : vector<1x16xf32> to vector<16xf32>
      %swap3A_205 = vector.shape_cast %broadcast_in_dim3A_14 : vector<16xf32> to vector<1x16xf32>
      tpu.vector_store %arg12[%swap3A_201, %swap3A_202], %swap3A_205 {strides = array<i32>} : memref<128x128xf32, #tpu.memory_space<vmem>>, vector<1x16xf32>,
    }
    %scan3A_20 = arith.constant 128 : i32
    %add3A_21 = arith.constant 0 : i32
    %add3A_22 = arith.addi %multiple_of3A, %add3A_21 : i32
    "tpu.region"() ({
      %run_scoped3A = tpu.sem_alloc : memref<!tpu.dma_semaphore, #tpu.memory_space<semaphore_mem>>
      %dma_start3A_166 = arith.constant 0 : i32
      %dma_start3A_167 = tpu.memref_slice %arg14[%add3A_22, %dma_start3A_166] : memref<10000x128xf32, #tpu.memory_space<vmem_shared>> -> memref<128x128xf32, #tpu.memory_space<vmem_shared>>
      %dma_start3A_168 = arith.constant 0 : i32
      %dma_start3A_169 = tpu.memref_slice %arg14[%add3A_22, %dma_start3A_168] : memref<10000x128xf32, #tpu.memory_space<vmem_shared>> -> memref<128x128xf32, #tpu.memory_space<vmem_shared>>
      tpu.enqueue_dma source(%arg12 : memref<128x128xf32, #tpu.memory_space<vmem>>) target(%dma_start3A_169 : memref<128x128xf32, #tpu.memory_space<vmem_shared>>) target_semaphore(%run_scoped3A : memref<!tpu.dma_semaphore, #tpu.memory_space<semaphore_mem>>)
      %dma_wait3A_170 = arith.constant 0 : i32
      %dma_wait3A_171 = tpu.memref_slice %arg14[%add3A_22, %dma_wait3A_170] : memref<10000x128xf32, #tpu.memory_space<vmem_shared>> -> memref<128x128xf32, #tpu.memory_space<vmem_shared>>
      %dma_wait3A_172 = arith.constant 0 : i32
      %dma_wait3A_173 = tpu.memref_slice %arg14[%add3A_22, %dma_wait3A_172] : memref<10000x128xf32, #tpu.memory_space<vmem_shared>> -> memref<128x128xf32, #tpu.memory_space<vmem_shared>>
      tpu.wait_dma2 semaphore(%run_scoped3A : memref<!tpu.dma_semaphore, #tpu.memory_space<semaphore_mem>>) src(%arg12 : memref<128x128xf32, #tpu.memory_space<vmem>>) dst(%dma_wait3A_173 : memref<128x128xf32, #tpu.memory_space<vmem_shared>>)
      tpu.yield
    }) : () -> ()
    %add3A_23 = arith.constant 128 : i32
    %add3A_24 = arith.addi %multiple_of3A, %add3A_23 : i32
    "tpu.region"() ({
      %run_scoped3A = tpu.sem_alloc : memref<!tpu.dma_semaphore, #tpu.memory_space<semaphore_mem>>
      %dma_start3A_166 = arith.constant 0 : i32
      %dma_start3A_167 = tpu.memref_slice %arg14[%add3A_24, %dma_start3A_166] : memref<10000x128xf32, #tpu.memory_space<vmem_shared>> -> memref<128x128xf32, #tpu.memory_space<vmem_shared>>
      %dma_start3A_168 = arith.constant 0 : i32
      %dma_start3A_169 = tpu.memref_slice %arg14[%add3A_24, %dma_start3A_168] : memref<10000x128xf32, #tpu.memory_space<vmem_shared>> -> memref<128x128xf32, #tpu.memory_space<vmem_shared>>
      tpu.enqueue_dma source(%arg12 : memref<128x128xf32, #tpu.memory_space<vmem>>) target(%dma_start3A_169 : memref<128x128xf32, #tpu.memory_space<vmem_shared>>) target_semaphore(%run_scoped3A : memref<!tpu.dma_semaphore, #tpu.memory_space<semaphore_mem>>)
      %dma_wait3A_170 = arith.constant 0 : i32
      %dma_wait3A_171 = tpu.memref_slice %arg14[%add3A_24, %dma_wait3A_170] : memref<10000x128xf32, #tpu.memory_space<vmem_shared>> -> memref<128x128xf32, #tpu.memory_space<vmem_shared>>
      %dma_wait3A_172 = arith.constant 0 : i32
      %dma_wait3A_173 = tpu.memref_slice %arg14[%add3A_24, %dma_wait3A_172] : memref<10000x128xf32, #tpu.memory_space<vmem_shared>> -> memref<128x128xf32, #tpu.memory_space<vmem_shared>>
      tpu.wait_dma2 semaphore(%run_scoped3A : memref<!tpu.dma_semaphore, #tpu.memory_space<semaphore_mem>>) src(%arg12 : memref<128x128xf32, #tpu.memory_space<vmem>>) dst(%dma_wait3A_173 : memref<128x128xf32, #tpu.memory_space<vmem_shared>>)
      tpu.yield
    }) : () -> ()
    %add3A_25 = arith.constant 256 : i32
    %add3A_26 = arith.addi %multiple_of3A, %add3A_25 : i32
    "tpu.region"() ({
      %run_scoped3A = tpu.sem_alloc : memref<!tpu.dma_semaphore, #tpu.memory_space<semaphore_mem>>
      %dma_start3A_166 = arith.constant 0 : i32
      %dma_start3A_167 = tpu.memref_slice %arg14[%add3A_26, %dma_start3A_166] : memref<10000x128xf32, #tpu.memory_space<vmem_shared>> -> memref<128x128xf32, #tpu.memory_space<vmem_shared>>
      %dma_start3A_168 = arith.constant 0 : i32
      %dma_start3A_169 = tpu.memref_slice %arg14[%add3A_26, %dma_start3A_168] : memref<10000x128xf32, #tpu.memory_space<vmem_shared>> -> memref<128x128xf32, #tpu.memory_space<vmem_shared>>
      tpu.enqueue_dma source(%arg12 : memref<128x128xf32, #tpu.memory_space<vmem>>) target(%dma_start3A_169 : memref<128x128xf32, #tpu.memory_space<vmem_shared>>) target_semaphore(%run_scoped3A : memref<!tpu.dma_semaphore, #tpu.memory_space<semaphore_mem>>)
      %dma_wait3A_170 = arith.constant 0 : i32
      %dma_wait3A_171 = tpu.memref_slice %arg14[%add3A_26, %dma_wait3A_170] : memref<10000x128xf32, #tpu.memory_space<vmem_shared>> -> memref<128x128xf32, #tpu.memory_space<vmem_shared>>
      %dma_wait3A_172 = arith.constant 0 : i32
      %dma_wait3A_173 = tpu.memref_slice %arg14[%add3A_26, %dma_wait3A_172] : memref<10000x128xf32, #tpu.memory_space<vmem_shared>> -> memref<128x128xf32, #tpu.memory_space<vmem_shared>>
      tpu.wait_dma2 semaphore(%run_scoped3A : memref<!tpu.dma_semaphore, #tpu.memory_space<semaphore_mem>>) src(%arg12 : memref<128x128xf32, #tpu.memory_space<vmem>>) dst(%dma_wait3A_173 : memref<128x128xf32, #tpu.memory_space<vmem_shared>>)
      tpu.yield
    }) : () -> ()
    %add3A_27 = arith.constant 384 : i32
    %add3A_28 = arith.addi %multiple_of3A, %add3A_27 : i32
    "tpu.region"() ({
      %run_scoped3A = tpu.sem_alloc : memref<!tpu.dma_semaphore, #tpu.memory_space<semaphore_mem>>
      %dma_start3A_166 = arith.constant 0 : i32
      %dma_start3A_167 = tpu.memref_slice %arg14[%add3A_28, %dma_start3A_166] : memref<10000x128xf32, #tpu.memory_space<vmem_shared>> -> memref<128x128xf32, #tpu.memory_space<vmem_shared>>
      %dma_start3A_168 = arith.constant 0 : i32
      %dma_start3A_169 = tpu.memref_slice %arg14[%add3A_28, %dma_start3A_168] : memref<10000x128xf32, #tpu.memory_space<vmem_shared>> -> memref<128x128xf32, #tpu.memory_space<vmem_shared>>
      tpu.enqueue_dma source(%arg12 : memref<128x128xf32, #tpu.memory_space<vmem>>) target(%dma_start3A_169 : memref<128x128xf32, #tpu.memory_space<vmem_shared>>) target_semaphore(%run_scoped3A : memref<!tpu.dma_semaphore, #tpu.memory_space<semaphore_mem>>)
      %dma_wait3A_170 = arith.constant 0 : i32
      %dma_wait3A_171 = tpu.memref_slice %arg14[%add3A_28, %dma_wait3A_170] : memref<10000x128xf32, #tpu.memory_space<vmem_shared>> -> memref<128x128xf32, #tpu.memory_space<vmem_shared>>
      %dma_wait3A_172 = arith.constant 0 : i32
      %dma_wait3A_173 = tpu.memref_slice %arg14[%add3A_28, %dma_wait3A_172] : memref<10000x128xf32, #tpu.memory_space<vmem_shared>> -> memref<128x128xf32, #tpu.memory_space<vmem_shared>>
      tpu.wait_dma2 semaphore(%run_scoped3A : memref<!tpu.dma_semaphore, #tpu.memory_space<semaphore_mem>>) src(%arg12 : memref<128x128xf32, #tpu.memory_space<vmem>>) dst(%dma_wait3A_173 : memref<128x128xf32, #tpu.memory_space<vmem_shared>>)
      tpu.yield
    }) : () -> ()
    %add3A_29 = arith.constant 512 : i32
    %add3A_30 = arith.addi %multiple_of3A, %add3A_29 : i32
    "tpu.region"() ({
      %run_scoped3A = tpu.sem_alloc : memref<!tpu.dma_semaphore, #tpu.memory_space<semaphore_mem>>
      %dma_start3A_166 = arith.constant 0 : i32
      %dma_start3A_167 = arith.constant 0 : i32
      %dma_start3A_168 = tpu.memref_slice %arg12[%dma_start3A_166, %dma_start3A_167] : memref<128x128xf32, #tpu.memory_space<vmem>> -> memref<112x128xf32, #tpu.memory_space<vmem>>
      %dma_start3A_169 = arith.constant 0 : i32
      %dma_start3A_170 = tpu.memref_slice %arg14[%add3A_30, %dma_start3A_169] : memref<10000x128xf32, #tpu.memory_space<vmem_shared>> -> memref<112x128xf32, #tpu.memory_space<vmem_shared>>
      %dma_start3A_171 = arith.constant 0 : i32
      %dma_start3A_172 = tpu.memref_slice %arg14[%add3A_30, %dma_start3A_171] : memref<10000x128xf32, #tpu.memory_space<vmem_shared>> -> memref<112x128xf32, #tpu.memory_space<vmem_shared>>
      %dma_start3A_173 = arith.constant 0 : i32
      %dma_start3A_174 = arith.constant 0 : i32
      %dma_start3A_175 = tpu.memref_slice %arg12[%dma_start3A_173, %dma_start3A_174] : memref<128x128xf32, #tpu.memory_space<vmem>> -> memref<112x128xf32, #tpu.memory_space<vmem>>
      tpu.enqueue_dma source(%dma_start3A_175 : memref<112x128xf32, #tpu.memory_space<vmem>>) target(%dma_start3A_172 : memref<112x128xf32, #tpu.memory_space<vmem_shared>>) target_semaphore(%run_scoped3A : memref<!tpu.dma_semaphore, #tpu.memory_space<semaphore_mem>>)
      %dma_wait3A_176 = arith.constant 0 : i32
      %dma_wait3A_177 = arith.constant 0 : i32
      %dma_wait3A_178 = tpu.memref_slice %arg12[%dma_wait3A_176, %dma_wait3A_177] : memref<128x128xf32, #tpu.memory_space<vmem>> -> memref<112x128xf32, #tpu.memory_space<vmem>>
      %dma_wait3A_179 = arith.constant 0 : i32
      %dma_wait3A_180 = tpu.memref_slice %arg14[%add3A_30, %dma_wait3A_179] : memref<10000x128xf32, #tpu.memory_space<vmem_shared>> -> memref<112x128xf32, #tpu.memory_space<vmem_shared>>
      %dma_wait3A_181 = arith.constant 0 : i32
      %dma_wait3A_182 = tpu.memref_slice %arg14[%add3A_30, %dma_wait3A_181] : memref<10000x128xf32, #tpu.memory_space<vmem_shared>> -> memref<112x128xf32, #tpu.memory_space<vmem_shared>>
      %dma_wait3A_183 = arith.constant 0 : i32
      %dma_wait3A_184 = arith.constant 0 : i32
      %dma_wait3A_185 = tpu.memref_slice %arg12[%dma_wait3A_183, %dma_wait3A_184] : memref<128x128xf32, #tpu.memory_space<vmem>> -> memref<112x128xf32, #tpu.memory_space<vmem>>
      tpu.wait_dma2 semaphore(%run_scoped3A : memref<!tpu.dma_semaphore, #tpu.memory_space<semaphore_mem>>) src(%dma_wait3A_185 : memref<112x128xf32, #tpu.memory_space<vmem>>) dst(%dma_wait3A_182 : memref<112x128xf32, #tpu.memory_space<vmem_shared>>)
      tpu.yield
    }) : () -> ()
    "tpu.region"() ({
      %run_scoped3A = tpu.sem_alloc : memref<!tpu.dma_semaphore, #tpu.memory_space<semaphore_mem>>
      %dma_start3A_166 = arith.constant 0 : i32
      %dma_start3A_167 = arith.constant 0 : i32
      %dma_start3A_168 = tpu.memref_slice %arg12[%dma_start3A_166, %dma_start3A_167] : memref<128x128xf32, #tpu.memory_space<vmem>> -> memref<8x128xf32, #tpu.memory_space<vmem>>
      %dma_start3A_169 = arith.constant 0 : i32
      %dma_start3A_170 = tpu.memref_slice %arg14[%multiple_of3A_13, %dma_start3A_169] : memref<10000x128xf32, #tpu.memory_space<vmem_shared>> -> memref<8x128xf32, #tpu.memory_space<vmem_shared>>
      %dma_start3A_171 = arith.constant 0 : i32
      %dma_start3A_172 = tpu.memref_slice %arg14[%multiple_of3A_13, %dma_start3A_171] : memref<10000x128xf32, #tpu.memory_space<vmem_shared>> -> memref<8x128xf32, #tpu.memory_space<vmem_shared>>
      %dma_start3A_173 = arith.constant 0 : i32
      %dma_start3A_174 = arith.constant 0 : i32
      %dma_start3A_175 = tpu.memref_slice %arg12[%dma_start3A_173, %dma_start3A_174] : memref<128x128xf32, #tpu.memory_space<vmem>> -> memref<8x128xf32, #tpu.memory_space<vmem>>
      tpu.enqueue_dma source(%dma_start3A_175 : memref<8x128xf32, #tpu.memory_space<vmem>>) target(%dma_start3A_172 : memref<8x128xf32, #tpu.memory_space<vmem_shared>>) target_semaphore(%run_scoped3A : memref<!tpu.dma_semaphore, #tpu.memory_space<semaphore_mem>>)
      %dma_wait3A_176 = arith.constant 0 : i32
      %dma_wait3A_177 = arith.constant 0 : i32
      %dma_wait3A_178 = tpu.memref_slice %arg12[%dma_wait3A_176, %dma_wait3A_177] : memref<128x128xf32, #tpu.memory_space<vmem>> -> memref<8x128xf32, #tpu.memory_space<vmem>>
      %dma_wait3A_179 = arith.constant 0 : i32
      %dma_wait3A_180 = tpu.memref_slice %arg14[%multiple_of3A_13, %dma_wait3A_179] : memref<10000x128xf32, #tpu.memory_space<vmem_shared>> -> memref<8x128xf32, #tpu.memory_space<vmem_shared>>
      %dma_wait3A_181 = arith.constant 0 : i32
      %dma_wait3A_182 = tpu.memref_slice %arg14[%multiple_of3A_13, %dma_wait3A_181] : memref<10000x128xf32, #tpu.memory_space<vmem_shared>> -> memref<8x128xf32, #tpu.memory_space<vmem_shared>>
      %dma_wait3A_183 = arith.constant 0 : i32
      %dma_wait3A_184 = arith.constant 0 : i32
      %dma_wait3A_185 = tpu.memref_slice %arg12[%dma_wait3A_183, %dma_wait3A_184] : memref<128x128xf32, #tpu.memory_space<vmem>> -> memref<8x128xf32, #tpu.memory_space<vmem>>
      tpu.wait_dma2 semaphore(%run_scoped3A : memref<!tpu.dma_semaphore, #tpu.memory_space<semaphore_mem>>) src(%dma_wait3A_185 : memref<8x128xf32, #tpu.memory_space<vmem>>) dst(%dma_wait3A_182 : memref<8x128xf32, #tpu.memory_space<vmem_shared>>)
      tpu.yield
    }) : () -> ()
    %barrier3A = arith.constant 0 : index
    tpu.barrier barrier_id(%barrier3A)
    %mul3A_31 = arith.constant 16 : i32
    %mul3A_32 = arith.muli %arg0, %mul3A_31 : i32
    %add3A_33 = arith.addi %mul3A_32, %arg1 : i32
    %mul3A_34 = arith.constant 20000 : i32
    %mul3A_35 = arith.muli %add3A_33, %mul3A_34 : i32
    %add3A_36 = arith.constant 0 : i32
    %add3A_37 = arith.addi %mul3A_35, %add3A_36 : i32
    %multiple_of3A_38 = tpu.assume_multiple %add3A_37, 8 : i32
    %dma_start3A = tpu.memref_slice %arg3[%multiple_of3A_38] : memref<640000xi32, #tpu.memory_space<hbm>> -> memref<128xi32, #tpu.memory_space<hbm>>
    %dma_start3A_39 = tpu.memref_slice %arg3[%multiple_of3A_38] : memref<640000xi32, #tpu.memory_space<hbm>> -> memref<128xi32, #tpu.memory_space<hbm>>
    tpu.enqueue_dma source(%dma_start3A_39 : memref<128xi32, #tpu.memory_space<hbm>>) target(%arg6 : memref<128xi32, #tpu.memory_space<vmem>>) target_semaphore(%arg19 : memref<!tpu.dma_semaphore, #tpu.memory_space<semaphore_mem>>)
    %dma_start3A_40 = tpu.memref_slice %arg4[%multiple_of3A_38] : memref<640000xi32, #tpu.memory_space<hbm>> -> memref<128xi32, #tpu.memory_space<hbm>>
    %dma_start3A_41 = tpu.memref_slice %arg4[%multiple_of3A_38] : memref<640000xi32, #tpu.memory_space<hbm>> -> memref<128xi32, #tpu.memory_space<hbm>>
    tpu.enqueue_dma source(%dma_start3A_41 : memref<128xi32, #tpu.memory_space<hbm>>) target(%arg8 : memref<128xi32, #tpu.memory_space<vmem>>) target_semaphore(%arg19 : memref<!tpu.dma_semaphore, #tpu.memory_space<semaphore_mem>>)
    %add3A_42 = arith.constant 128 : i32
    %add3A_43 = arith.addi %mul3A_35, %add3A_42 : i32
    %multiple_of3A_44 = tpu.assume_multiple %add3A_43, 8 : i32
    %dma_start3A_45 = tpu.memref_slice %arg3[%multiple_of3A_44] : memref<640000xi32, #tpu.memory_space<hbm>> -> memref<128xi32, #tpu.memory_space<hbm>>
    %dma_start3A_46 = tpu.memref_slice %arg3[%multiple_of3A_44] : memref<640000xi32, #tpu.memory_space<hbm>> -> memref<128xi32, #tpu.memory_space<hbm>>
    tpu.enqueue_dma source(%dma_start3A_46 : memref<128xi32, #tpu.memory_space<hbm>>) target(%arg7 : memref<128xi32, #tpu.memory_space<vmem>>) target_semaphore(%arg20 : memref<!tpu.dma_semaphore, #tpu.memory_space<semaphore_mem>>)
    %dma_start3A_47 = tpu.memref_slice %arg4[%multiple_of3A_44] : memref<640000xi32, #tpu.memory_space<hbm>> -> memref<128xi32, #tpu.memory_space<hbm>>
    %dma_start3A_48 = tpu.memref_slice %arg4[%multiple_of3A_44] : memref<640000xi32, #tpu.memory_space<hbm>> -> memref<128xi32, #tpu.memory_space<hbm>>
    tpu.enqueue_dma source(%dma_start3A_48 : memref<128xi32, #tpu.memory_space<hbm>>) target(%arg9 : memref<128xi32, #tpu.memory_space<vmem>>) target_semaphore(%arg20 : memref<!tpu.dma_semaphore, #tpu.memory_space<semaphore_mem>>)
    %dma_wait3A = arith.constant 0 : i32
    %dma_wait3A_49 = tpu.memref_slice %arg3[%dma_wait3A] : memref<640000xi32, #tpu.memory_space<hbm>> -> memref<128xi32, #tpu.memory_space<hbm>>
    %dma_wait3A_50 = arith.constant 0 : i32
    %dma_wait3A_51 = tpu.memref_slice %arg3[%dma_wait3A_50] : memref<640000xi32, #tpu.memory_space<hbm>> -> memref<128xi32, #tpu.memory_space<hbm>>
    tpu.wait_dma2 semaphore(%arg19 : memref<!tpu.dma_semaphore, #tpu.memory_space<semaphore_mem>>) src(%dma_wait3A_51 : memref<128xi32, #tpu.memory_space<hbm>>) dst(%arg6 : memref<128xi32, #tpu.memory_space<vmem>>)
    %dma_wait3A_52 = arith.constant 0 : i32
    %dma_wait3A_53 = tpu.memref_slice %arg4[%dma_wait3A_52] : memref<640000xi32, #tpu.memory_space<hbm>> -> memref<128xi32, #tpu.memory_space<hbm>>
    %dma_wait3A_54 = arith.constant 0 : i32
    %dma_wait3A_55 = tpu.memref_slice %arg4[%dma_wait3A_54] : memref<640000xi32, #tpu.memory_space<hbm>> -> memref<128xi32, #tpu.memory_space<hbm>>
    tpu.wait_dma2 semaphore(%arg19 : memref<!tpu.dma_semaphore, #tpu.memory_space<semaphore_mem>>) src(%dma_wait3A_55 : memref<128xi32, #tpu.memory_space<hbm>>) dst(%arg8 : memref<128xi32, #tpu.memory_space<vmem>>)
    %dma_start3A_56 = arith.constant 0 : i32
    %dma_start3A_57 = arith.constant 0 : i32
    %dma_start3A_58 = tpu.memref_slice %arg2[%dma_start3A_56, %dma_start3A_57] : memref<20000x128xf32, #tpu.memory_space<hbm>> -> memref<20000x128xf32, #tpu.memory_space<hbm>>
    tpu.enqueue_indirect_dma source(%dma_start3A_58 : memref<20000x128xf32, #tpu.memory_space<hbm>>) target(%arg12 : memref<128x128xf32, #tpu.memory_space<vmem>>) offsets(%arg6 : memref<128xi32, #tpu.memory_space<vmem>>) semaphore(%arg15 : memref<!tpu.dma_semaphore, #tpu.memory_space<semaphore_mem>>)
    %dma_wait3A_59 = arith.constant 0 : i32
    %dma_wait3A_60 = arith.constant 0 : i32
    %dma_wait3A_61 = tpu.memref_slice %arg2[%dma_wait3A_59, %dma_wait3A_60] : memref<20000x128xf32, #tpu.memory_space<hbm>> -> memref<20000x128xf32, #tpu.memory_space<hbm>>
    tpu.wait_indirect_dma semaphore(%arg15 : memref<!tpu.dma_semaphore, #tpu.memory_space<semaphore_mem>>) src(%dma_wait3A_61 : memref<20000x128xf32, #tpu.memory_space<hbm>>) dst(%arg12 : memref<128x128xf32, #tpu.memory_space<vmem>>)
    %dma_start3A_62 = arith.constant 0 : i32
    %dma_start3A_63 = arith.constant 0 : i32
    %dma_start3A_64 = tpu.memref_slice %arg14[%dma_start3A_62, %dma_start3A_63] : memref<10000x128xf32, #tpu.memory_space<vmem_shared>> -> memref<10000x128xf32, #tpu.memory_space<vmem_shared>>
    tpu.enqueue_indirect_dma source(%arg12 : memref<128x128xf32, #tpu.memory_space<vmem>>) target(%dma_start3A_64 : memref<10000x128xf32, #tpu.memory_space<vmem_shared>>) offsets(%arg8 : memref<128xi32, #tpu.memory_space<vmem>>) semaphore(%arg17 : memref<!tpu.dma_semaphore, #tpu.memory_space<semaphore_mem>>) {add = true}
    %dma_wait3A_65 = arith.constant 0 : i32
    %dma_wait3A_66 = tpu.memref_slice %arg3[%dma_wait3A_65] : memref<640000xi32, #tpu.memory_space<hbm>> -> memref<128xi32, #tpu.memory_space<hbm>>
    %dma_wait3A_67 = arith.constant 0 : i32
    %dma_wait3A_68 = tpu.memref_slice %arg3[%dma_wait3A_67] : memref<640000xi32, #tpu.memory_space<hbm>> -> memref<128xi32, #tpu.memory_space<hbm>>
    tpu.wait_dma2 semaphore(%arg20 : memref<!tpu.dma_semaphore, #tpu.memory_space<semaphore_mem>>) src(%dma_wait3A_68 : memref<128xi32, #tpu.memory_space<hbm>>) dst(%arg7 : memref<128xi32, #tpu.memory_space<vmem>>)
    %dma_wait3A_69 = arith.constant 0 : i32
    %dma_wait3A_70 = tpu.memref_slice %arg4[%dma_wait3A_69] : memref<640000xi32, #tpu.memory_space<hbm>> -> memref<128xi32, #tpu.memory_space<hbm>>
    %dma_wait3A_71 = arith.constant 0 : i32
    %dma_wait3A_72 = tpu.memref_slice %arg4[%dma_wait3A_71] : memref<640000xi32, #tpu.memory_space<hbm>> -> memref<128xi32, #tpu.memory_space<hbm>>
    tpu.wait_dma2 semaphore(%arg20 : memref<!tpu.dma_semaphore, #tpu.memory_space<semaphore_mem>>) src(%dma_wait3A_72 : memref<128xi32, #tpu.memory_space<hbm>>) dst(%arg9 : memref<128xi32, #tpu.memory_space<vmem>>)
    %dma_start3A_73 = arith.constant 0 : i32
    %dma_start3A_74 = arith.constant 0 : i32
    %dma_start3A_75 = tpu.memref_slice %arg2[%dma_start3A_73, %dma_start3A_74] : memref<20000x128xf32, #tpu.memory_space<hbm>> -> memref<20000x128xf32, #tpu.memory_space<hbm>>
    tpu.enqueue_indirect_dma source(%dma_start3A_75 : memref<20000x128xf32, #tpu.memory_space<hbm>>) target(%arg13 : memref<128x128xf32, #tpu.memory_space<vmem>>) offsets(%arg7 : memref<128xi32, #tpu.memory_space<vmem>>) semaphore(%arg16 : memref<!tpu.dma_semaphore, #tpu.memory_space<semaphore_mem>>)
    %dma_wait3A_76 = arith.constant 0 : i32
    %dma_wait3A_77 = arith.constant 0 : i32
    %dma_wait3A_78 = tpu.memref_slice %arg14[%dma_wait3A_76, %dma_wait3A_77] : memref<10000x128xf32, #tpu.memory_space<vmem_shared>> -> memref<10000x128xf32, #tpu.memory_space<vmem_shared>>
    tpu.wait_indirect_dma semaphore(%arg17 : memref<!tpu.dma_semaphore, #tpu.memory_space<semaphore_mem>>) src(%arg12 : memref<128x128xf32, #tpu.memory_space<vmem>>) dst(%dma_wait3A_78 : memref<10000x128xf32, #tpu.memory_space<vmem_shared>>)
    %add3A_79 = arith.constant 256 : i32
    %add3A_80 = arith.addi %mul3A_35, %add3A_79 : i32
    %multiple_of3A_81 = tpu.assume_multiple %add3A_80, 8 : i32
    %dma_start3A_82 = tpu.memref_slice %arg3[%multiple_of3A_81] : memref<640000xi32, #tpu.memory_space<hbm>> -> memref<128xi32, #tpu.memory_space<hbm>>
    %dma_start3A_83 = tpu.memref_slice %arg3[%multiple_of3A_81] : memref<640000xi32, #tpu.memory_space<hbm>> -> memref<128xi32, #tpu.memory_space<hbm>>
    tpu.enqueue_dma source(%dma_start3A_83 : memref<128xi32, #tpu.memory_space<hbm>>) target(%arg6 : memref<128xi32, #tpu.memory_space<vmem>>) target_semaphore(%arg19 : memref<!tpu.dma_semaphore, #tpu.memory_space<semaphore_mem>>)
    %dma_start3A_84 = tpu.memref_slice %arg4[%multiple_of3A_81] : memref<640000xi32, #tpu.memory_space<hbm>> -> memref<128xi32, #tpu.memory_space<hbm>>
    %dma_start3A_85 = tpu.memref_slice %arg4[%multiple_of3A_81] : memref<640000xi32, #tpu.memory_space<hbm>> -> memref<128xi32, #tpu.memory_space<hbm>>
    tpu.enqueue_dma source(%dma_start3A_85 : memref<128xi32, #tpu.memory_space<hbm>>) target(%arg8 : memref<128xi32, #tpu.memory_space<vmem>>) target_semaphore(%arg19 : memref<!tpu.dma_semaphore, #tpu.memory_space<semaphore_mem>>)
    %dma_wait3A_86 = arith.constant 0 : i32
    %dma_wait3A_87 = arith.constant 0 : i32
    %dma_wait3A_88 = tpu.memref_slice %arg2[%dma_wait3A_86, %dma_wait3A_87] : memref<20000x128xf32, #tpu.memory_space<hbm>> -> memref<20000x128xf32, #tpu.memory_space<hbm>>
    tpu.wait_indirect_dma semaphore(%arg16 : memref<!tpu.dma_semaphore, #tpu.memory_space<semaphore_mem>>) src(%dma_wait3A_88 : memref<20000x128xf32, #tpu.memory_space<hbm>>) dst(%arg13 : memref<128x128xf32, #tpu.memory_space<vmem>>)
    %dma_start3A_89 = arith.constant 0 : i32
    %dma_start3A_90 = arith.constant 0 : i32
    %dma_start3A_91 = tpu.memref_slice %arg14[%dma_start3A_89, %dma_start3A_90] : memref<10000x128xf32, #tpu.memory_space<vmem_shared>> -> memref<10000x128xf32, #tpu.memory_space<vmem_shared>>
    tpu.enqueue_indirect_dma source(%arg13 : memref<128x128xf32, #tpu.memory_space<vmem>>) target(%dma_start3A_91 : memref<10000x128xf32, #tpu.memory_space<vmem_shared>>) offsets(%arg9 : memref<128xi32, #tpu.memory_space<vmem>>) semaphore(%arg18 : memref<!tpu.dma_semaphore, #tpu.memory_space<semaphore_mem>>) {add = true}
    %scan3A_92 = arith.constant 1 : i32
    %scan3A_93 = arith.constant 76 : i32
    %scan3A_94 = arith.addi %scan3A_92, %scan3A_93 : i32
    %scan3A_95 = arith.constant 1 : i32
    scf.for %scan3A_166 = %scan3A_92 to %scan3A_94 step %scan3A_95  : i32 {
      %mul3A_167 = arith.constant 2 : i32
      %mul3A_168 = arith.muli %mul3A_167, %scan3A_166 : i32
      %dma_wait3A_169 = arith.constant 0 : i32
      %dma_wait3A_170 = tpu.memref_slice %arg3[%dma_wait3A_169] : memref<640000xi32, #tpu.memory_space<hbm>> -> memref<128xi32, #tpu.memory_space<hbm>>
      %dma_wait3A_171 = arith.constant 0 : i32
      %dma_wait3A_172 = tpu.memref_slice %arg3[%dma_wait3A_171] : memref<640000xi32, #tpu.memory_space<hbm>> -> memref<128xi32, #tpu.memory_space<hbm>>
      tpu.wait_dma2 semaphore(%arg19 : memref<!tpu.dma_semaphore, #tpu.memory_space<semaphore_mem>>) src(%dma_wait3A_172 : memref<128xi32, #tpu.memory_space<hbm>>) dst(%arg6 : memref<128xi32, #tpu.memory_space<vmem>>)
      %dma_wait3A_173 = arith.constant 0 : i32
      %dma_wait3A_174 = tpu.memref_slice %arg4[%dma_wait3A_173] : memref<640000xi32, #tpu.memory_space<hbm>> -> memref<128xi32, #tpu.memory_space<hbm>>
      %dma_wait3A_175 = arith.constant 0 : i32
      %dma_wait3A_176 = tpu.memref_slice %arg4[%dma_wait3A_175] : memref<640000xi32, #tpu.memory_space<hbm>> -> memref<128xi32, #tpu.memory_space<hbm>>
      tpu.wait_dma2 semaphore(%arg19 : memref<!tpu.dma_semaphore, #tpu.memory_space<semaphore_mem>>) src(%dma_wait3A_176 : memref<128xi32, #tpu.memory_space<hbm>>) dst(%arg8 : memref<128xi32, #tpu.memory_space<vmem>>)
      %dma_start3A_177 = arith.constant 0 : i32
      %dma_start3A_178 = arith.constant 0 : i32
      %dma_start3A_179 = tpu.memref_slice %arg2[%dma_start3A_177, %dma_start3A_178] : memref<20000x128xf32, #tpu.memory_space<hbm>> -> memref<20000x128xf32, #tpu.memory_space<hbm>>
      tpu.enqueue_indirect_dma source(%dma_start3A_179 : memref<20000x128xf32, #tpu.memory_space<hbm>>) target(%arg12 : memref<128x128xf32, #tpu.memory_space<vmem>>) offsets(%arg6 : memref<128xi32, #tpu.memory_space<vmem>>) semaphore(%arg15 : memref<!tpu.dma_semaphore, #tpu.memory_space<semaphore_mem>>)
      %dma_wait3A_180 = arith.constant 0 : i32
      %dma_wait3A_181 = arith.constant 0 : i32
      %dma_wait3A_182 = tpu.memref_slice %arg2[%dma_wait3A_180, %dma_wait3A_181] : memref<20000x128xf32, #tpu.memory_space<hbm>> -> memref<20000x128xf32, #tpu.memory_space<hbm>>
      tpu.wait_indirect_dma semaphore(%arg15 : memref<!tpu.dma_semaphore, #tpu.memory_space<semaphore_mem>>) src(%dma_wait3A_182 : memref<20000x128xf32, #tpu.memory_space<hbm>>) dst(%arg12 : memref<128x128xf32, #tpu.memory_space<vmem>>)
      %dma_wait3A_183 = arith.constant 0 : i32
      %dma_wait3A_184 = arith.constant 0 : i32
      %dma_wait3A_185 = tpu.memref_slice %arg14[%dma_wait3A_183, %dma_wait3A_184] : memref<10000x128xf32, #tpu.memory_space<vmem_shared>> -> memref<10000x128xf32, #tpu.memory_space<vmem_shared>>
      tpu.wait_indirect_dma semaphore(%arg18 : memref<!tpu.dma_semaphore, #tpu.memory_space<semaphore_mem>>) src(%arg13 : memref<128x128xf32, #tpu.memory_space<vmem>>) dst(%dma_wait3A_185 : memref<10000x128xf32, #tpu.memory_space<vmem_shared>>)
      %dma_start3A_186 = arith.constant 0 : i32
      %dma_start3A_187 = arith.constant 0 : i32
      %dma_start3A_188 = tpu.memref_slice %arg14[%dma_start3A_186, %dma_start3A_187] : memref<10000x128xf32, #tpu.memory_space<vmem_shared>> -> memref<10000x128xf32, #tpu.memory_space<vmem_shared>>
      tpu.enqueue_indirect_dma source(%arg12 : memref<128x128xf32, #tpu.memory_space<vmem>>) target(%dma_start3A_188 : memref<10000x128xf32, #tpu.memory_space<vmem_shared>>) offsets(%arg8 : memref<128xi32, #tpu.memory_space<vmem>>) semaphore(%arg17 : memref<!tpu.dma_semaphore, #tpu.memory_space<semaphore_mem>>) {add = true}
      %add3A_189 = arith.constant 1 : i32
      %add3A_190 = arith.addi %mul3A_168, %add3A_189 : i32
      %mul3A_191 = arith.constant 128 : i32
      %mul3A_192 = arith.muli %add3A_190, %mul3A_191 : i32
      %add3A_193 = arith.addi %mul3A_35, %mul3A_192 : i32
      %multiple_of3A_194 = tpu.assume_multiple %add3A_193, 8 : i32
      %dma_start3A_195 = tpu.memref_slice %arg3[%multiple_of3A_194] : memref<640000xi32, #tpu.memory_space<hbm>> -> memref<128xi32, #tpu.memory_space<hbm>>
      %dma_start3A_196 = tpu.memref_slice %arg3[%multiple_of3A_194] : memref<640000xi32, #tpu.memory_space<hbm>> -> memref<128xi32, #tpu.memory_space<hbm>>
      tpu.enqueue_dma source(%dma_start3A_196 : memref<128xi32, #tpu.memory_space<hbm>>) target(%arg7 : memref<128xi32, #tpu.memory_space<vmem>>) target_semaphore(%arg20 : memref<!tpu.dma_semaphore, #tpu.memory_space<semaphore_mem>>)
      %dma_start3A_197 = tpu.memref_slice %arg4[%multiple_of3A_194] : memref<640000xi32, #tpu.memory_space<hbm>> -> memref<128xi32, #tpu.memory_space<hbm>>
      %dma_start3A_198 = tpu.memref_slice %arg4[%multiple_of3A_194] : memref<640000xi32, #tpu.memory_space<hbm>> -> memref<128xi32, #tpu.memory_space<hbm>>
      tpu.enqueue_dma source(%dma_start3A_198 : memref<128xi32, #tpu.memory_space<hbm>>) target(%arg9 : memref<128xi32, #tpu.memory_space<vmem>>) target_semaphore(%arg20 : memref<!tpu.dma_semaphore, #tpu.memory_space<semaphore_mem>>)
      %dma_wait3A_199 = arith.constant 0 : i32
      %dma_wait3A_200 = tpu.memref_slice %arg3[%dma_wait3A_199] : memref<640000xi32, #tpu.memory_space<hbm>> -> memref<128xi32, #tpu.memory_space<hbm>>
      %dma_wait3A_201 = arith.constant 0 : i32
      %dma_wait3A_202 = tpu.memref_slice %arg3[%dma_wait3A_201] : memref<640000xi32, #tpu.memory_space<hbm>> -> memref<128xi32, #tpu.memory_space<hbm>>
      tpu.wait_dma2 semaphore(%arg20 : memref<!tpu.dma_semaphore, #tpu.memory_space<semaphore_mem>>) src(%dma_wait3A_202 : memref<128xi32, #tpu.memory_space<hbm>>) dst(%arg7 : memref<128xi32, #tpu.memory_space<vmem>>)
      %dma_wait3A_203 = arith.constant 0 : i32
      %dma_wait3A_204 = tpu.memref_slice %arg4[%dma_wait3A_203] : memref<640000xi32, #tpu.memory_space<hbm>> -> memref<128xi32, #tpu.memory_space<hbm>>
      %dma_wait3A_205 = arith.constant 0 : i32
      %dma_wait3A_206 = tpu.memref_slice %arg4[%dma_wait3A_205] : memref<640000xi32, #tpu.memory_space<hbm>> -> memref<128xi32, #tpu.memory_space<hbm>>
      tpu.wait_dma2 semaphore(%arg20 : memref<!tpu.dma_semaphore, #tpu.memory_space<semaphore_mem>>) src(%dma_wait3A_206 : memref<128xi32, #tpu.memory_space<hbm>>) dst(%arg9 : memref<128xi32, #tpu.memory_space<vmem>>)
      %dma_start3A_207 = arith.constant 0 : i32
      %dma_start3A_208 = arith.constant 0 : i32
      %dma_start3A_209 = tpu.memref_slice %arg2[%dma_start3A_207, %dma_start3A_208] : memref<20000x128xf32, #tpu.memory_space<hbm>> -> memref<20000x128xf32, #tpu.memory_space<hbm>>
      tpu.enqueue_indirect_dma source(%dma_start3A_209 : memref<20000x128xf32, #tpu.memory_space<hbm>>) target(%arg13 : memref<128x128xf32, #tpu.memory_space<vmem>>) offsets(%arg7 : memref<128xi32, #tpu.memory_space<vmem>>) semaphore(%arg16 : memref<!tpu.dma_semaphore, #tpu.memory_space<semaphore_mem>>)
      %dma_wait3A_210 = arith.constant 0 : i32
      %dma_wait3A_211 = arith.constant 0 : i32
      %dma_wait3A_212 = tpu.memref_slice %arg14[%dma_wait3A_210, %dma_wait3A_211] : memref<10000x128xf32, #tpu.memory_space<vmem_shared>> -> memref<10000x128xf32, #tpu.memory_space<vmem_shared>>
      tpu.wait_indirect_dma semaphore(%arg17 : memref<!tpu.dma_semaphore, #tpu.memory_space<semaphore_mem>>) src(%arg12 : memref<128x128xf32, #tpu.memory_space<vmem>>) dst(%dma_wait3A_212 : memref<10000x128xf32, #tpu.memory_space<vmem_shared>>)
      %add3A_213 = arith.constant 2 : i32
      %add3A_214 = arith.addi %mul3A_168, %add3A_213 : i32
      %mul3A_215 = arith.constant 128 : i32
      %mul3A_216 = arith.muli %add3A_214, %mul3A_215 : i32
      %add3A_217 = arith.addi %mul3A_35, %mul3A_216 : i32
      %multiple_of3A_218 = tpu.assume_multiple %add3A_217, 8 : i32
      %dma_start3A_219 = tpu.memref_slice %arg3[%multiple_of3A_218] : memref<640000xi32, #tpu.memory_space<hbm>> -> memref<128xi32, #tpu.memory_space<hbm>>
      %dma_start3A_220 = tpu.memref_slice %arg3[%multiple_of3A_218] : memref<640000xi32, #tpu.memory_space<hbm>> -> memref<128xi32, #tpu.memory_space<hbm>>
      tpu.enqueue_dma source(%dma_start3A_220 : memref<128xi32, #tpu.memory_space<hbm>>) target(%arg6 : memref<128xi32, #tpu.memory_space<vmem>>) target_semaphore(%arg19 : memref<!tpu.dma_semaphore, #tpu.memory_space<semaphore_mem>>)
      %dma_start3A_221 = tpu.memref_slice %arg4[%multiple_of3A_218] : memref<640000xi32, #tpu.memory_space<hbm>> -> memref<128xi32, #tpu.memory_space<hbm>>
      %dma_start3A_222 = tpu.memref_slice %arg4[%multiple_of3A_218] : memref<640000xi32, #tpu.memory_space<hbm>> -> memref<128xi32, #tpu.memory_space<hbm>>
      tpu.enqueue_dma source(%dma_start3A_222 : memref<128xi32, #tpu.memory_space<hbm>>) target(%arg8 : memref<128xi32, #tpu.memory_space<vmem>>) target_semaphore(%arg19 : memref<!tpu.dma_semaphore, #tpu.memory_space<semaphore_mem>>)
      %dma_wait3A_223 = arith.constant 0 : i32
      %dma_wait3A_224 = arith.constant 0 : i32
      %dma_wait3A_225 = tpu.memref_slice %arg2[%dma_wait3A_223, %dma_wait3A_224] : memref<20000x128xf32, #tpu.memory_space<hbm>> -> memref<20000x128xf32, #tpu.memory_space<hbm>>
      tpu.wait_indirect_dma semaphore(%arg16 : memref<!tpu.dma_semaphore, #tpu.memory_space<semaphore_mem>>) src(%dma_wait3A_225 : memref<20000x128xf32, #tpu.memory_space<hbm>>) dst(%arg13 : memref<128x128xf32, #tpu.memory_space<vmem>>)
      %dma_start3A_226 = arith.constant 0 : i32
      %dma_start3A_227 = arith.constant 0 : i32
      %dma_start3A_228 = tpu.memref_slice %arg14[%dma_start3A_226, %dma_start3A_227] : memref<10000x128xf32, #tpu.memory_space<vmem_shared>> -> memref<10000x128xf32, #tpu.memory_space<vmem_shared>>
      tpu.enqueue_indirect_dma source(%arg13 : memref<128x128xf32, #tpu.memory_space<vmem>>) target(%dma_start3A_228 : memref<10000x128xf32, #tpu.memory_space<vmem_shared>>) offsets(%arg9 : memref<128xi32, #tpu.memory_space<vmem>>) semaphore(%arg18 : memref<!tpu.dma_semaphore, #tpu.memory_space<semaphore_mem>>) {add = true}
    }
    %scan3A_96 = arith.constant 76 : i32
    %dma_wait3A_97 = arith.constant 0 : i32
    %dma_wait3A_98 = tpu.memref_slice %arg3[%dma_wait3A_97] : memref<640000xi32, #tpu.memory_space<hbm>> -> memref<128xi32, #tpu.memory_space<hbm>>
    %dma_wait3A_99 = arith.constant 0 : i32
    %dma_wait3A_100 = tpu.memref_slice %arg3[%dma_wait3A_99] : memref<640000xi32, #tpu.memory_space<hbm>> -> memref<128xi32, #tpu.memory_space<hbm>>
    tpu.wait_dma2 semaphore(%arg19 : memref<!tpu.dma_semaphore, #tpu.memory_space<semaphore_mem>>) src(%dma_wait3A_100 : memref<128xi32, #tpu.memory_space<hbm>>) dst(%arg6 : memref<128xi32, #tpu.memory_space<vmem>>)
    %dma_wait3A_101 = arith.constant 0 : i32
    %dma_wait3A_102 = tpu.memref_slice %arg4[%dma_wait3A_101] : memref<640000xi32, #tpu.memory_space<hbm>> -> memref<128xi32, #tpu.memory_space<hbm>>
    %dma_wait3A_103 = arith.constant 0 : i32
    %dma_wait3A_104 = tpu.memref_slice %arg4[%dma_wait3A_103] : memref<640000xi32, #tpu.memory_space<hbm>> -> memref<128xi32, #tpu.memory_space<hbm>>
    tpu.wait_dma2 semaphore(%arg19 : memref<!tpu.dma_semaphore, #tpu.memory_space<semaphore_mem>>) src(%dma_wait3A_104 : memref<128xi32, #tpu.memory_space<hbm>>) dst(%arg8 : memref<128xi32, #tpu.memory_space<vmem>>)
    %dma_start3A_105 = arith.constant 0 : i32
    %dma_start3A_106 = arith.constant 0 : i32
    %dma_start3A_107 = tpu.memref_slice %arg2[%dma_start3A_105, %dma_start3A_106] : memref<20000x128xf32, #tpu.memory_space<hbm>> -> memref<20000x128xf32, #tpu.memory_space<hbm>>
    tpu.enqueue_indirect_dma source(%dma_start3A_107 : memref<20000x128xf32, #tpu.memory_space<hbm>>) target(%arg12 : memref<128x128xf32, #tpu.memory_space<vmem>>) offsets(%arg6 : memref<128xi32, #tpu.memory_space<vmem>>) semaphore(%arg15 : memref<!tpu.dma_semaphore, #tpu.memory_space<semaphore_mem>>)
    %dma_wait3A_108 = arith.constant 0 : i32
    %dma_wait3A_109 = arith.constant 0 : i32
    %dma_wait3A_110 = tpu.memref_slice %arg2[%dma_wait3A_108, %dma_wait3A_109] : memref<20000x128xf32, #tpu.memory_space<hbm>> -> memref<20000x128xf32, #tpu.memory_space<hbm>>
    tpu.wait_indirect_dma semaphore(%arg15 : memref<!tpu.dma_semaphore, #tpu.memory_space<semaphore_mem>>) src(%dma_wait3A_110 : memref<20000x128xf32, #tpu.memory_space<hbm>>) dst(%arg12 : memref<128x128xf32, #tpu.memory_space<vmem>>)
    %dma_wait3A_111 = arith.constant 0 : i32
    %dma_wait3A_112 = arith.constant 0 : i32
    %dma_wait3A_113 = tpu.memref_slice %arg14[%dma_wait3A_111, %dma_wait3A_112] : memref<10000x128xf32, #tpu.memory_space<vmem_shared>> -> memref<10000x128xf32, #tpu.memory_space<vmem_shared>>
    tpu.wait_indirect_dma semaphore(%arg18 : memref<!tpu.dma_semaphore, #tpu.memory_space<semaphore_mem>>) src(%arg13 : memref<128x128xf32, #tpu.memory_space<vmem>>) dst(%dma_wait3A_113 : memref<10000x128xf32, #tpu.memory_space<vmem_shared>>)
    %dma_start3A_114 = arith.constant 0 : i32
    %dma_start3A_115 = arith.constant 0 : i32
    %dma_start3A_116 = tpu.memref_slice %arg14[%dma_start3A_114, %dma_start3A_115] : memref<10000x128xf32, #tpu.memory_space<vmem_shared>> -> memref<10000x128xf32, #tpu.memory_space<vmem_shared>>
    tpu.enqueue_indirect_dma source(%arg12 : memref<128x128xf32, #tpu.memory_space<vmem>>) target(%dma_start3A_116 : memref<10000x128xf32, #tpu.memory_space<vmem_shared>>) offsets(%arg8 : memref<128xi32, #tpu.memory_space<vmem>>) semaphore(%arg17 : memref<!tpu.dma_semaphore, #tpu.memory_space<semaphore_mem>>) {add = true}
    %add3A_117 = arith.constant 19840 : i32
    %add3A_118 = arith.addi %mul3A_35, %add3A_117 : i32
    %multiple_of3A_119 = tpu.assume_multiple %add3A_118, 8 : i32
    %dma_start3A_120 = tpu.memref_slice %arg3[%multiple_of3A_119] : memref<640000xi32, #tpu.memory_space<hbm>> -> memref<128xi32, #tpu.memory_space<hbm>>
    %dma_start3A_121 = tpu.memref_slice %arg3[%multiple_of3A_119] : memref<640000xi32, #tpu.memory_space<hbm>> -> memref<128xi32, #tpu.memory_space<hbm>>
    tpu.enqueue_dma source(%dma_start3A_121 : memref<128xi32, #tpu.memory_space<hbm>>) target(%arg7 : memref<128xi32, #tpu.memory_space<vmem>>) target_semaphore(%arg20 : memref<!tpu.dma_semaphore, #tpu.memory_space<semaphore_mem>>)
    %dma_start3A_122 = tpu.memref_slice %arg4[%multiple_of3A_119] : memref<640000xi32, #tpu.memory_space<hbm>> -> memref<128xi32, #tpu.memory_space<hbm>>
    %dma_start3A_123 = tpu.memref_slice %arg4[%multiple_of3A_119] : memref<640000xi32, #tpu.memory_space<hbm>> -> memref<128xi32, #tpu.memory_space<hbm>>
    tpu.enqueue_dma source(%dma_start3A_123 : memref<128xi32, #tpu.memory_space<hbm>>) target(%arg9 : memref<128xi32, #tpu.memory_space<vmem>>) target_semaphore(%arg20 : memref<!tpu.dma_semaphore, #tpu.memory_space<semaphore_mem>>)
    %dma_wait3A_124 = arith.constant 0 : i32
    %dma_wait3A_125 = tpu.memref_slice %arg3[%dma_wait3A_124] : memref<640000xi32, #tpu.memory_space<hbm>> -> memref<128xi32, #tpu.memory_space<hbm>>
    %dma_wait3A_126 = arith.constant 0 : i32
    %dma_wait3A_127 = tpu.memref_slice %arg3[%dma_wait3A_126] : memref<640000xi32, #tpu.memory_space<hbm>> -> memref<128xi32, #tpu.memory_space<hbm>>
    tpu.wait_dma2 semaphore(%arg20 : memref<!tpu.dma_semaphore, #tpu.memory_space<semaphore_mem>>) src(%dma_wait3A_127 : memref<128xi32, #tpu.memory_space<hbm>>) dst(%arg7 : memref<128xi32, #tpu.memory_space<vmem>>)
    %dma_wait3A_128 = arith.constant 0 : i32
    %dma_wait3A_129 = tpu.memref_slice %arg4[%dma_wait3A_128] : memref<640000xi32, #tpu.memory_space<hbm>> -> memref<128xi32, #tpu.memory_space<hbm>>
    %dma_wait3A_130 = arith.constant 0 : i32
    %dma_wait3A_131 = tpu.memref_slice %arg4[%dma_wait3A_130] : memref<640000xi32, #tpu.memory_space<hbm>> -> memref<128xi32, #tpu.memory_space<hbm>>
    tpu.wait_dma2 semaphore(%arg20 : memref<!tpu.dma_semaphore, #tpu.memory_space<semaphore_mem>>) src(%dma_wait3A_131 : memref<128xi32, #tpu.memory_space<hbm>>) dst(%arg9 : memref<128xi32, #tpu.memory_space<vmem>>)
    %dma_start3A_132 = arith.constant 0 : i32
    %dma_start3A_133 = arith.constant 0 : i32
    %dma_start3A_134 = tpu.memref_slice %arg2[%dma_start3A_132, %dma_start3A_133] : memref<20000x128xf32, #tpu.memory_space<hbm>> -> memref<20000x128xf32, #tpu.memory_space<hbm>>
    tpu.enqueue_indirect_dma source(%dma_start3A_134 : memref<20000x128xf32, #tpu.memory_space<hbm>>) target(%arg13 : memref<128x128xf32, #tpu.memory_space<vmem>>) offsets(%arg7 : memref<128xi32, #tpu.memory_space<vmem>>) semaphore(%arg16 : memref<!tpu.dma_semaphore, #tpu.memory_space<semaphore_mem>>)
    %dma_wait3A_135 = arith.constant 0 : i32
    %dma_wait3A_136 = arith.constant 0 : i32
    %dma_wait3A_137 = tpu.memref_slice %arg14[%dma_wait3A_135, %dma_wait3A_136] : memref<10000x128xf32, #tpu.memory_space<vmem_shared>> -> memref<10000x128xf32, #tpu.memory_space<vmem_shared>>
    tpu.wait_indirect_dma semaphore(%arg17 : memref<!tpu.dma_semaphore, #tpu.memory_space<semaphore_mem>>) src(%arg12 : memref<128x128xf32, #tpu.memory_space<vmem>>) dst(%dma_wait3A_137 : memref<10000x128xf32, #tpu.memory_space<vmem_shared>>)
    %add3A_138 = arith.constant 19968 : i32
    %add3A_139 = arith.addi %mul3A_35, %add3A_138 : i32
    %multiple_of3A_140 = tpu.assume_multiple %add3A_139, 8 : i32
    "tpu.region"() ({
      %run_scoped3A = tpu.sem_alloc : memref<!tpu.dma_semaphore, #tpu.memory_space<semaphore_mem>>
      %dma_start3A_166 = tpu.memref_slice %arg3[%multiple_of3A_140] : memref<640000xi32, #tpu.memory_space<hbm>> -> memref<32xi32, #tpu.memory_space<hbm>>
      %dma_start3A_167 = tpu.memref_slice %arg3[%multiple_of3A_140] : memref<640000xi32, #tpu.memory_space<hbm>> -> memref<32xi32, #tpu.memory_space<hbm>>
      tpu.enqueue_dma source(%dma_start3A_167 : memref<32xi32, #tpu.memory_space<hbm>>) target(%arg10 : memref<32xi32, #tpu.memory_space<vmem>>) target_semaphore(%run_scoped3A : memref<!tpu.dma_semaphore, #tpu.memory_space<semaphore_mem>>)
      %dma_wait3A_168 = tpu.memref_slice %arg3[%multiple_of3A_140] : memref<640000xi32, #tpu.memory_space<hbm>> -> memref<32xi32, #tpu.memory_space<hbm>>
      %dma_wait3A_169 = tpu.memref_slice %arg3[%multiple_of3A_140] : memref<640000xi32, #tpu.memory_space<hbm>> -> memref<32xi32, #tpu.memory_space<hbm>>
      tpu.wait_dma2 semaphore(%run_scoped3A : memref<!tpu.dma_semaphore, #tpu.memory_space<semaphore_mem>>) src(%dma_wait3A_169 : memref<32xi32, #tpu.memory_space<hbm>>) dst(%arg10 : memref<32xi32, #tpu.memory_space<vmem>>)
      tpu.yield
    }) : () -> ()
    "tpu.region"() ({
      %run_scoped3A = tpu.sem_alloc : memref<!tpu.dma_semaphore, #tpu.memory_space<semaphore_mem>>
      %dma_start3A_166 = tpu.memref_slice %arg4[%multiple_of3A_140] : memref<640000xi32, #tpu.memory_space<hbm>> -> memref<32xi32, #tpu.memory_space<hbm>>
      %dma_start3A_167 = tpu.memref_slice %arg4[%multiple_of3A_140] : memref<640000xi32, #tpu.memory_space<hbm>> -> memref<32xi32, #tpu.memory_space<hbm>>
      tpu.enqueue_dma source(%dma_start3A_167 : memref<32xi32, #tpu.memory_space<hbm>>) target(%arg11 : memref<32xi32, #tpu.memory_space<vmem>>) target_semaphore(%run_scoped3A : memref<!tpu.dma_semaphore, #tpu.memory_space<semaphore_mem>>)
      %dma_wait3A_168 = tpu.memref_slice %arg4[%multiple_of3A_140] : memref<640000xi32, #tpu.memory_space<hbm>> -> memref<32xi32, #tpu.memory_space<hbm>>
      %dma_wait3A_169 = tpu.memref_slice %arg4[%multiple_of3A_140] : memref<640000xi32, #tpu.memory_space<hbm>> -> memref<32xi32, #tpu.memory_space<hbm>>
      tpu.wait_dma2 semaphore(%run_scoped3A : memref<!tpu.dma_semaphore, #tpu.memory_space<semaphore_mem>>) src(%dma_wait3A_169 : memref<32xi32, #tpu.memory_space<hbm>>) dst(%arg11 : memref<32xi32, #tpu.memory_space<vmem>>)
      tpu.yield
    }) : () -> ()
    "tpu.region"() ({
      %run_scoped3A = tpu.sem_alloc : memref<!tpu.dma_semaphore, #tpu.memory_space<semaphore_mem>>
      %dma_start3A_166 = arith.constant 0 : i32
      %dma_start3A_167 = arith.constant 0 : i32
      %dma_start3A_168 = tpu.memref_slice %arg12[%dma_start3A_166, %dma_start3A_167] : memref<128x128xf32, #tpu.memory_space<vmem>> -> memref<32x128xf32, #tpu.memory_space<vmem>>
      %dma_start3A_169 = arith.constant 0 : i32
      %dma_start3A_170 = arith.constant 0 : i32
      %dma_start3A_171 = tpu.memref_slice %arg2[%dma_start3A_169, %dma_start3A_170] : memref<20000x128xf32, #tpu.memory_space<hbm>> -> memref<20000x128xf32, #tpu.memory_space<hbm>>
      tpu.enqueue_indirect_dma source(%dma_start3A_171 : memref<20000x128xf32, #tpu.memory_space<hbm>>) target(%dma_start3A_168 : memref<32x128xf32, #tpu.memory_space<vmem>>) offsets(%arg10 : memref<32xi32, #tpu.memory_space<vmem>>) semaphore(%run_scoped3A : memref<!tpu.dma_semaphore, #tpu.memory_space<semaphore_mem>>)
      %dma_wait3A_172 = arith.constant 0 : i32
      %dma_wait3A_173 = arith.constant 0 : i32
      %dma_wait3A_174 = tpu.memref_slice %arg12[%dma_wait3A_172, %dma_wait3A_173] : memref<128x128xf32, #tpu.memory_space<vmem>> -> memref<32x128xf32, #tpu.memory_space<vmem>>
      %dma_wait3A_175 = arith.constant 0 : i32
      %dma_wait3A_176 = arith.constant 0 : i32
      %dma_wait3A_177 = tpu.memref_slice %arg2[%dma_wait3A_175, %dma_wait3A_176] : memref<20000x128xf32, #tpu.memory_space<hbm>> -> memref<20000x128xf32, #tpu.memory_space<hbm>>
      tpu.wait_indirect_dma semaphore(%run_scoped3A : memref<!tpu.dma_semaphore, #tpu.memory_space<semaphore_mem>>) src(%dma_wait3A_177 : memref<20000x128xf32, #tpu.memory_space<hbm>>) dst(%dma_wait3A_174 : memref<32x128xf32, #tpu.memory_space<vmem>>)
      tpu.yield
    }) : () -> ()
    %dma_wait3A_141 = arith.constant 0 : i32
    %dma_wait3A_142 = arith.constant 0 : i32
    %dma_wait3A_143 = tpu.memref_slice %arg2[%dma_wait3A_141, %dma_wait3A_142] : memref<20000x128xf32, #tpu.memory_space<hbm>> -> memref<20000x128xf32, #tpu.memory_space<hbm>>
    tpu.wait_indirect_dma semaphore(%arg16 : memref<!tpu.dma_semaphore, #tpu.memory_space<semaphore_mem>>) src(%dma_wait3A_143 : memref<20000x128xf32, #tpu.memory_space<hbm>>) dst(%arg13 : memref<128x128xf32, #tpu.memory_space<vmem>>)
    %dma_start3A_144 = arith.constant 0 : i32
    %dma_start3A_145 = arith.constant 0 : i32
    %dma_start3A_146 = tpu.memref_slice %arg14[%dma_start3A_144, %dma_start3A_145] : memref<10000x128xf32, #tpu.memory_space<vmem_shared>> -> memref<10000x128xf32, #tpu.memory_space<vmem_shared>>
    tpu.enqueue_indirect_dma source(%arg13 : memref<128x128xf32, #tpu.memory_space<vmem>>) target(%dma_start3A_146 : memref<10000x128xf32, #tpu.memory_space<vmem_shared>>) offsets(%arg9 : memref<128xi32, #tpu.memory_space<vmem>>) semaphore(%arg18 : memref<!tpu.dma_semaphore, #tpu.memory_space<semaphore_mem>>) {add = true}
    "tpu.region"() ({
      %run_scoped3A = tpu.sem_alloc : memref<!tpu.dma_semaphore, #tpu.memory_space<semaphore_mem>>
      %dma_start3A_166 = arith.constant 0 : i32
      %dma_start3A_167 = arith.constant 0 : i32
      %dma_start3A_168 = tpu.memref_slice %arg12[%dma_start3A_166, %dma_start3A_167] : memref<128x128xf32, #tpu.memory_space<vmem>> -> memref<32x128xf32, #tpu.memory_space<vmem>>
      %dma_start3A_169 = arith.constant 0 : i32
      %dma_start3A_170 = arith.constant 0 : i32
      %dma_start3A_171 = tpu.memref_slice %arg14[%dma_start3A_169, %dma_start3A_170] : memref<10000x128xf32, #tpu.memory_space<vmem_shared>> -> memref<10000x128xf32, #tpu.memory_space<vmem_shared>>
      tpu.enqueue_indirect_dma source(%dma_start3A_168 : memref<32x128xf32, #tpu.memory_space<vmem>>) target(%dma_start3A_171 : memref<10000x128xf32, #tpu.memory_space<vmem_shared>>) offsets(%arg11 : memref<32xi32, #tpu.memory_space<vmem>>) semaphore(%run_scoped3A : memref<!tpu.dma_semaphore, #tpu.memory_space<semaphore_mem>>) {add = true}
      %dma_wait3A_172 = arith.constant 0 : i32
      %dma_wait3A_173 = arith.constant 0 : i32
      %dma_wait3A_174 = tpu.memref_slice %arg12[%dma_wait3A_172, %dma_wait3A_173] : memref<128x128xf32, #tpu.memory_space<vmem>> -> memref<32x128xf32, #tpu.memory_space<vmem>>
      %dma_wait3A_175 = arith.constant 0 : i32
      %dma_wait3A_176 = arith.constant 0 : i32
      %dma_wait3A_177 = tpu.memref_slice %arg14[%dma_wait3A_175, %dma_wait3A_176] : memref<10000x128xf32, #tpu.memory_space<vmem_shared>> -> memref<10000x128xf32, #tpu.memory_space<vmem_shared>>
      tpu.wait_indirect_dma semaphore(%run_scoped3A : memref<!tpu.dma_semaphore, #tpu.memory_space<semaphore_mem>>) src(%dma_wait3A_174 : memref<32x128xf32, #tpu.memory_space<vmem>>) dst(%dma_wait3A_177 : memref<10000x128xf32, #tpu.memory_space<vmem_shared>>)
      tpu.yield
    }) : () -> ()
    %dma_wait3A_147 = arith.constant 0 : i32
    %dma_wait3A_148 = arith.constant 0 : i32
    %dma_wait3A_149 = tpu.memref_slice %arg14[%dma_wait3A_147, %dma_wait3A_148] : memref<10000x128xf32, #tpu.memory_space<vmem_shared>> -> memref<10000x128xf32, #tpu.memory_space<vmem_shared>>
    tpu.wait_indirect_dma semaphore(%arg18 : memref<!tpu.dma_semaphore, #tpu.memory_space<semaphore_mem>>) src(%arg13 : memref<128x128xf32, #tpu.memory_space<vmem>>) dst(%dma_wait3A_149 : memref<10000x128xf32, #tpu.memory_space<vmem_shared>>)
    %barrier3A_150 = arith.constant 0 : index
    tpu.barrier barrier_id(%barrier3A_150)
    %add3A_151 = arith.constant 0 : i32
    %add3A_152 = arith.addi %multiple_of3A, %add3A_151 : i32
    %multiple_of3A_153 = tpu.assume_multiple %add3A_152, 8 : i32
    "tpu.region"() ({
      %run_scoped3A = tpu.sem_alloc : memref<!tpu.dma_semaphore, #tpu.memory_space<semaphore_mem>>
      %dma_start3A_166 = arith.constant 0 : i32
      %dma_start3A_167 = tpu.memref_slice %arg14[%multiple_of3A_153, %dma_start3A_166] : memref<10000x128xf32, #tpu.memory_space<vmem_shared>> -> memref<128x128xf32, #tpu.memory_space<vmem_shared>>
      %dma_start3A_168 = arith.constant 0 : i32
      %dma_start3A_169 = tpu.memref_slice %arg14[%multiple_of3A_153, %dma_start3A_168] : memref<10000x128xf32, #tpu.memory_space<vmem_shared>> -> memref<128x128xf32, #tpu.memory_space<vmem_shared>>
      tpu.enqueue_dma source(%dma_start3A_169 : memref<128x128xf32, #tpu.memory_space<vmem_shared>>) target(%arg12 : memref<128x128xf32, #tpu.memory_space<vmem>>) target_semaphore(%run_scoped3A : memref<!tpu.dma_semaphore, #tpu.memory_space<semaphore_mem>>)
      %dma_wait3A_170 = arith.constant 0 : i32
      %dma_wait3A_171 = tpu.memref_slice %arg14[%multiple_of3A_153, %dma_wait3A_170] : memref<10000x128xf32, #tpu.memory_space<vmem_shared>> -> memref<128x128xf32, #tpu.memory_space<vmem_shared>>
      %dma_wait3A_172 = arith.constant 0 : i32
      %dma_wait3A_173 = tpu.memref_slice %arg14[%multiple_of3A_153, %dma_wait3A_172] : memref<10000x128xf32, #tpu.memory_space<vmem_shared>> -> memref<128x128xf32, #tpu.memory_space<vmem_shared>>
      tpu.wait_dma2 semaphore(%run_scoped3A : memref<!tpu.dma_semaphore, #tpu.memory_space<semaphore_mem>>) src(%dma_wait3A_173 : memref<128x128xf32, #tpu.memory_space<vmem_shared>>) dst(%arg12 : memref<128x128xf32, #tpu.memory_space<vmem>>)
      tpu.yield
    }) : () -> ()
    "tpu.region"() ({
      %run_scoped3A = tpu.sem_alloc : memref<!tpu.dma_semaphore, #tpu.memory_space<semaphore_mem>>
      %dma_start3A_166 = arith.constant 0 : i32
      %dma_start3A_167 = tpu.memref_slice %arg5[%arg0, %multiple_of3A_153, %dma_start3A_166] : memref<2x10000x128xf32, #tpu.memory_space<hbm>> -> memref<1x128x128xf32, #tpu.memory_space<hbm>>
      %dma_start3A_168 = tpu.memref_squeeze %dma_start3A_167 : memref<1x128x128xf32, #tpu.memory_space<hbm>> -> memref<128x128xf32, #tpu.memory_space<hbm>>
      %dma_start3A_169 = arith.constant 0 : i32
      %dma_start3A_170 = tpu.memref_slice %arg5[%arg0, %multiple_of3A_153, %dma_start3A_169] : memref<2x10000x128xf32, #tpu.memory_space<hbm>> -> memref<1x128x128xf32, #tpu.memory_space<hbm>>
      %dma_start3A_171 = tpu.memref_squeeze %dma_start3A_170 : memref<1x128x128xf32, #tpu.memory_space<hbm>> -> memref<128x128xf32, #tpu.memory_space<hbm>>
      tpu.enqueue_dma source(%arg12 : memref<128x128xf32, #tpu.memory_space<vmem>>) target(%dma_start3A_171 : memref<128x128xf32, #tpu.memory_space<hbm>>) target_semaphore(%run_scoped3A : memref<!tpu.dma_semaphore, #tpu.memory_space<semaphore_mem>>)
      %dma_wait3A_172 = arith.constant 0 : i32
      %dma_wait3A_173 = tpu.memref_slice %arg5[%arg0, %multiple_of3A_153, %dma_wait3A_172] : memref<2x10000x128xf32, #tpu.memory_space<hbm>> -> memref<1x128x128xf32, #tpu.memory_space<hbm>>
      %dma_wait3A_174 = tpu.memref_squeeze %dma_wait3A_173 : memref<1x128x128xf32, #tpu.memory_space<hbm>> -> memref<128x128xf32, #tpu.memory_space<hbm>>
      %dma_wait3A_175 = arith.constant 0 : i32
      %dma_wait3A_176 = tpu.memref_slice %arg5[%arg0, %multiple_of3A_153, %dma_wait3A_175] : memref<2x10000x128xf32, #tpu.memory_space<hbm>> -> memref<1x128x128xf32, #tpu.memory_space<hbm>>
      %dma_wait3A_177 = tpu.memref_squeeze %dma_wait3A_176 : memref<1x128x128xf32, #tpu.memory_space<hbm>> -> memref<128x128xf32, #tpu.memory_space<hbm>>
      tpu.wait_dma2 semaphore(%run_scoped3A : memref<!tpu.dma_semaphore, #tpu.memory_space<semaphore_mem>>) src(%arg12 : memref<128x128xf32, #tpu.memory_space<vmem>>) dst(%dma_wait3A_177 : memref<128x128xf32, #tpu.memory_space<hbm>>)
      tpu.yield
    }) : () -> ()
    %add3A_154 = arith.constant 128 : i32
    %add3A_155 = arith.addi %multiple_of3A, %add3A_154 : i32
    %multiple_of3A_156 = tpu.assume_multiple %add3A_155, 8 : i32
    "tpu.region"() ({
      %run_scoped3A = tpu.sem_alloc : memref<!tpu.dma_semaphore, #tpu.memory_space<semaphore_mem>>
      %dma_start3A_166 = arith.constant 0 : i32
      %dma_start3A_167 = tpu.memref_slice %arg14[%multiple_of3A_156, %dma_start3A_166] : memref<10000x128xf32, #tpu.memory_space<vmem_shared>> -> memref<128x128xf32, #tpu.memory_space<vmem_shared>>
      %dma_start3A_168 = arith.constant 0 : i32
      %dma_start3A_169 = tpu.memref_slice %arg14[%multiple_of3A_156, %dma_start3A_168] : memref<10000x128xf32, #tpu.memory_space<vmem_shared>> -> memref<128x128xf32, #tpu.memory_space<vmem_shared>>
      tpu.enqueue_dma source(%dma_start3A_169 : memref<128x128xf32, #tpu.memory_space<vmem_shared>>) target(%arg12 : memref<128x128xf32, #tpu.memory_space<vmem>>) target_semaphore(%run_scoped3A : memref<!tpu.dma_semaphore, #tpu.memory_space<semaphore_mem>>)
      %dma_wait3A_170 = arith.constant 0 : i32
      %dma_wait3A_171 = tpu.memref_slice %arg14[%multiple_of3A_156, %dma_wait3A_170] : memref<10000x128xf32, #tpu.memory_space<vmem_shared>> -> memref<128x128xf32, #tpu.memory_space<vmem_shared>>
      %dma_wait3A_172 = arith.constant 0 : i32
      %dma_wait3A_173 = tpu.memref_slice %arg14[%multiple_of3A_156, %dma_wait3A_172] : memref<10000x128xf32, #tpu.memory_space<vmem_shared>> -> memref<128x128xf32, #tpu.memory_space<vmem_shared>>
      tpu.wait_dma2 semaphore(%run_scoped3A : memref<!tpu.dma_semaphore, #tpu.memory_space<semaphore_mem>>) src(%dma_wait3A_173 : memref<128x128xf32, #tpu.memory_space<vmem_shared>>) dst(%arg12 : memref<128x128xf32, #tpu.memory_space<vmem>>)
      tpu.yield
    }) : () -> ()
    "tpu.region"() ({
      %run_scoped3A = tpu.sem_alloc : memref<!tpu.dma_semaphore, #tpu.memory_space<semaphore_mem>>
      %dma_start3A_166 = arith.constant 0 : i32
      %dma_start3A_167 = tpu.memref_slice %arg5[%arg0, %multiple_of3A_156, %dma_start3A_166] : memref<2x10000x128xf32, #tpu.memory_space<hbm>> -> memref<1x128x128xf32, #tpu.memory_space<hbm>>
      %dma_start3A_168 = tpu.memref_squeeze %dma_start3A_167 : memref<1x128x128xf32, #tpu.memory_space<hbm>> -> memref<128x128xf32, #tpu.memory_space<hbm>>
      %dma_start3A_169 = arith.constant 0 : i32
      %dma_start3A_170 = tpu.memref_slice %arg5[%arg0, %multiple_of3A_156, %dma_start3A_169] : memref<2x10000x128xf32, #tpu.memory_space<hbm>> -> memref<1x128x128xf32, #tpu.memory_space<hbm>>
      %dma_start3A_171 = tpu.memref_squeeze %dma_start3A_170 : memref<1x128x128xf32, #tpu.memory_space<hbm>> -> memref<128x128xf32, #tpu.memory_space<hbm>>
      tpu.enqueue_dma source(%arg12 : memref<128x128xf32, #tpu.memory_space<vmem>>) target(%dma_start3A_171 : memref<128x128xf32, #tpu.memory_space<hbm>>) target_semaphore(%run_scoped3A : memref<!tpu.dma_semaphore, #tpu.memory_space<semaphore_mem>>)
      %dma_wait3A_172 = arith.constant 0 : i32
      %dma_wait3A_173 = tpu.memref_slice %arg5[%arg0, %multiple_of3A_156, %dma_wait3A_172] : memref<2x10000x128xf32, #tpu.memory_space<hbm>> -> memref<1x128x128xf32, #tpu.memory_space<hbm>>
      %dma_wait3A_174 = tpu.memref_squeeze %dma_wait3A_173 : memref<1x128x128xf32, #tpu.memory_space<hbm>> -> memref<128x128xf32, #tpu.memory_space<hbm>>
      %dma_wait3A_175 = arith.constant 0 : i32
      %dma_wait3A_176 = tpu.memref_slice %arg5[%arg0, %multiple_of3A_156, %dma_wait3A_175] : memref<2x10000x128xf32, #tpu.memory_space<hbm>> -> memref<1x128x128xf32, #tpu.memory_space<hbm>>
      %dma_wait3A_177 = tpu.memref_squeeze %dma_wait3A_176 : memref<1x128x128xf32, #tpu.memory_space<hbm>> -> memref<128x128xf32, #tpu.memory_space<hbm>>
      tpu.wait_dma2 semaphore(%run_scoped3A : memref<!tpu.dma_semaphore, #tpu.memory_space<semaphore_mem>>) src(%arg12 : memref<128x128xf32, #tpu.memory_space<vmem>>) dst(%dma_wait3A_177 : memref<128x128xf32, #tpu.memory_space<hbm>>)
      tpu.yield
    }) : () -> ()
    %add3A_157 = arith.constant 256 : i32
    %add3A_158 = arith.addi %multiple_of3A, %add3A_157 : i32
    %multiple_of3A_159 = tpu.assume_multiple %add3A_158, 8 : i32
    "tpu.region"() ({
      %run_scoped3A = tpu.sem_alloc : memref<!tpu.dma_semaphore, #tpu.memory_space<semaphore_mem>>
      %dma_start3A_166 = arith.constant 0 : i32
      %dma_start3A_167 = tpu.memref_slice %arg14[%multiple_of3A_159, %dma_start3A_166] : memref<10000x128xf32, #tpu.memory_space<vmem_shared>> -> memref<128x128xf32, #tpu.memory_space<vmem_shared>>
      %dma_start3A_168 = arith.constant 0 : i32
      %dma_start3A_169 = tpu.memref_slice %arg14[%multiple_of3A_159, %dma_start3A_168] : memref<10000x128xf32, #tpu.memory_space<vmem_shared>> -> memref<128x128xf32, #tpu.memory_space<vmem_shared>>
      tpu.enqueue_dma source(%dma_start3A_169 : memref<128x128xf32, #tpu.memory_space<vmem_shared>>) target(%arg12 : memref<128x128xf32, #tpu.memory_space<vmem>>) target_semaphore(%run_scoped3A : memref<!tpu.dma_semaphore, #tpu.memory_space<semaphore_mem>>)
      %dma_wait3A_170 = arith.constant 0 : i32
      %dma_wait3A_171 = tpu.memref_slice %arg14[%multiple_of3A_159, %dma_wait3A_170] : memref<10000x128xf32, #tpu.memory_space<vmem_shared>> -> memref<128x128xf32, #tpu.memory_space<vmem_shared>>
      %dma_wait3A_172 = arith.constant 0 : i32
      %dma_wait3A_173 = tpu.memref_slice %arg14[%multiple_of3A_159, %dma_wait3A_172] : memref<10000x128xf32, #tpu.memory_space<vmem_shared>> -> memref<128x128xf32, #tpu.memory_space<vmem_shared>>
      tpu.wait_dma2 semaphore(%run_scoped3A : memref<!tpu.dma_semaphore, #tpu.memory_space<semaphore_mem>>) src(%dma_wait3A_173 : memref<128x128xf32, #tpu.memory_space<vmem_shared>>) dst(%arg12 : memref<128x128xf32, #tpu.memory_space<vmem>>)
      tpu.yield
    }) : () -> ()
    "tpu.region"() ({
      %run_scoped3A = tpu.sem_alloc : memref<!tpu.dma_semaphore, #tpu.memory_space<semaphore_mem>>
      %dma_start3A_166 = arith.constant 0 : i32
      %dma_start3A_167 = tpu.memref_slice %arg5[%arg0, %multiple_of3A_159, %dma_start3A_166] : memref<2x10000x128xf32, #tpu.memory_space<hbm>> -> memref<1x128x128xf32, #tpu.memory_space<hbm>>
      %dma_start3A_168 = tpu.memref_squeeze %dma_start3A_167 : memref<1x128x128xf32, #tpu.memory_space<hbm>> -> memref<128x128xf32, #tpu.memory_space<hbm>>
      %dma_start3A_169 = arith.constant 0 : i32
      %dma_start3A_170 = tpu.memref_slice %arg5[%arg0, %multiple_of3A_159, %dma_start3A_169] : memref<2x10000x128xf32, #tpu.memory_space<hbm>> -> memref<1x128x128xf32, #tpu.memory_space<hbm>>
      %dma_start3A_171 = tpu.memref_squeeze %dma_start3A_170 : memref<1x128x128xf32, #tpu.memory_space<hbm>> -> memref<128x128xf32, #tpu.memory_space<hbm>>
      tpu.enqueue_dma source(%arg12 : memref<128x128xf32, #tpu.memory_space<vmem>>) target(%dma_start3A_171 : memref<128x128xf32, #tpu.memory_space<hbm>>) target_semaphore(%run_scoped3A : memref<!tpu.dma_semaphore, #tpu.memory_space<semaphore_mem>>)
      %dma_wait3A_172 = arith.constant 0 : i32
      %dma_wait3A_173 = tpu.memref_slice %arg5[%arg0, %multiple_of3A_159, %dma_wait3A_172] : memref<2x10000x128xf32, #tpu.memory_space<hbm>> -> memref<1x128x128xf32, #tpu.memory_space<hbm>>
      %dma_wait3A_174 = tpu.memref_squeeze %dma_wait3A_173 : memref<1x128x128xf32, #tpu.memory_space<hbm>> -> memref<128x128xf32, #tpu.memory_space<hbm>>
      %dma_wait3A_175 = arith.constant 0 : i32
      %dma_wait3A_176 = tpu.memref_slice %arg5[%arg0, %multiple_of3A_159, %dma_wait3A_175] : memref<2x10000x128xf32, #tpu.memory_space<hbm>> -> memref<1x128x128xf32, #tpu.memory_space<hbm>>
      %dma_wait3A_177 = tpu.memref_squeeze %dma_wait3A_176 : memref<1x128x128xf32, #tpu.memory_space<hbm>> -> memref<128x128xf32, #tpu.memory_space<hbm>>
      tpu.wait_dma2 semaphore(%run_scoped3A : memref<!tpu.dma_semaphore, #tpu.memory_space<semaphore_mem>>) src(%arg12 : memref<128x128xf32, #tpu.memory_space<vmem>>) dst(%dma_wait3A_177 : memref<128x128xf32, #tpu.memory_space<hbm>>)
      tpu.yield
    }) : () -> ()
    %add3A_160 = arith.constant 384 : i32
    %add3A_161 = arith.addi %multiple_of3A, %add3A_160 : i32
    %multiple_of3A_162 = tpu.assume_multiple %add3A_161, 8 : i32
    "tpu.region"() ({
      %run_scoped3A = tpu.sem_alloc : memref<!tpu.dma_semaphore, #tpu.memory_space<semaphore_mem>>
      %dma_start3A_166 = arith.constant 0 : i32
      %dma_start3A_167 = tpu.memref_slice %arg14[%multiple_of3A_162, %dma_start3A_166] : memref<10000x128xf32, #tpu.memory_space<vmem_shared>> -> memref<128x128xf32, #tpu.memory_space<vmem_shared>>
      %dma_start3A_168 = arith.constant 0 : i32
      %dma_start3A_169 = tpu.memref_slice %arg14[%multiple_of3A_162, %dma_start3A_168] : memref<10000x128xf32, #tpu.memory_space<vmem_shared>> -> memref<128x128xf32, #tpu.memory_space<vmem_shared>>
      tpu.enqueue_dma source(%dma_start3A_169 : memref<128x128xf32, #tpu.memory_space<vmem_shared>>) target(%arg12 : memref<128x128xf32, #tpu.memory_space<vmem>>) target_semaphore(%run_scoped3A : memref<!tpu.dma_semaphore, #tpu.memory_space<semaphore_mem>>)
      %dma_wait3A_170 = arith.constant 0 : i32
      %dma_wait3A_171 = tpu.memref_slice %arg14[%multiple_of3A_162, %dma_wait3A_170] : memref<10000x128xf32, #tpu.memory_space<vmem_shared>> -> memref<128x128xf32, #tpu.memory_space<vmem_shared>>
      %dma_wait3A_172 = arith.constant 0 : i32
      %dma_wait3A_173 = tpu.memref_slice %arg14[%multiple_of3A_162, %dma_wait3A_172] : memref<10000x128xf32, #tpu.memory_space<vmem_shared>> -> memref<128x128xf32, #tpu.memory_space<vmem_shared>>
      tpu.wait_dma2 semaphore(%run_scoped3A : memref<!tpu.dma_semaphore, #tpu.memory_space<semaphore_mem>>) src(%dma_wait3A_173 : memref<128x128xf32, #tpu.memory_space<vmem_shared>>) dst(%arg12 : memref<128x128xf32, #tpu.memory_space<vmem>>)
      tpu.yield
    }) : () -> ()
    "tpu.region"() ({
      %run_scoped3A = tpu.sem_alloc : memref<!tpu.dma_semaphore, #tpu.memory_space<semaphore_mem>>
      %dma_start3A_166 = arith.constant 0 : i32
      %dma_start3A_167 = tpu.memref_slice %arg5[%arg0, %multiple_of3A_162, %dma_start3A_166] : memref<2x10000x128xf32, #tpu.memory_space<hbm>> -> memref<1x128x128xf32, #tpu.memory_space<hbm>>
      %dma_start3A_168 = tpu.memref_squeeze %dma_start3A_167 : memref<1x128x128xf32, #tpu.memory_space<hbm>> -> memref<128x128xf32, #tpu.memory_space<hbm>>
      %dma_start3A_169 = arith.constant 0 : i32
      %dma_start3A_170 = tpu.memref_slice %arg5[%arg0, %multiple_of3A_162, %dma_start3A_169] : memref<2x10000x128xf32, #tpu.memory_space<hbm>> -> memref<1x128x128xf32, #tpu.memory_space<hbm>>
      %dma_start3A_171 = tpu.memref_squeeze %dma_start3A_170 : memref<1x128x128xf32, #tpu.memory_space<hbm>> -> memref<128x128xf32, #tpu.memory_space<hbm>>
      tpu.enqueue_dma source(%arg12 : memref<128x128xf32, #tpu.memory_space<vmem>>) target(%dma_start3A_171 : memref<128x128xf32, #tpu.memory_space<hbm>>) target_semaphore(%run_scoped3A : memref<!tpu.dma_semaphore, #tpu.memory_space<semaphore_mem>>)
      %dma_wait3A_172 = arith.constant 0 : i32
      %dma_wait3A_173 = tpu.memref_slice %arg5[%arg0, %multiple_of3A_162, %dma_wait3A_172] : memref<2x10000x128xf32, #tpu.memory_space<hbm>> -> memref<1x128x128xf32, #tpu.memory_space<hbm>>
      %dma_wait3A_174 = tpu.memref_squeeze %dma_wait3A_173 : memref<1x128x128xf32, #tpu.memory_space<hbm>> -> memref<128x128xf32, #tpu.memory_space<hbm>>
      %dma_wait3A_175 = arith.constant 0 : i32
      %dma_wait3A_176 = tpu.memref_slice %arg5[%arg0, %multiple_of3A_162, %dma_wait3A_175] : memref<2x10000x128xf32, #tpu.memory_space<hbm>> -> memref<1x128x128xf32, #tpu.memory_space<hbm>>
      %dma_wait3A_177 = tpu.memref_squeeze %dma_wait3A_176 : memref<1x128x128xf32, #tpu.memory_space<hbm>> -> memref<128x128xf32, #tpu.memory_space<hbm>>
      tpu.wait_dma2 semaphore(%run_scoped3A : memref<!tpu.dma_semaphore, #tpu.memory_space<semaphore_mem>>) src(%arg12 : memref<128x128xf32, #tpu.memory_space<vmem>>) dst(%dma_wait3A_177 : memref<128x128xf32, #tpu.memory_space<hbm>>)
      tpu.yield
    }) : () -> ()
    %add3A_163 = arith.constant 512 : i32
    %add3A_164 = arith.addi %multiple_of3A, %add3A_163 : i32
    %multiple_of3A_165 = tpu.assume_multiple %add3A_164, 8 : i32
    "tpu.region"() ({
      %run_scoped3A = tpu.sem_alloc : memref<!tpu.dma_semaphore, #tpu.memory_space<semaphore_mem>>
      %dma_start3A_166 = arith.constant 0 : i32
      %dma_start3A_167 = arith.constant 0 : i32
      %dma_start3A_168 = tpu.memref_slice %arg12[%dma_start3A_166, %dma_start3A_167] : memref<128x128xf32, #tpu.memory_space<vmem>> -> memref<112x128xf32, #tpu.memory_space<vmem>>
      %dma_start3A_169 = arith.constant 0 : i32
      %dma_start3A_170 = tpu.memref_slice %arg14[%multiple_of3A_165, %dma_start3A_169] : memref<10000x128xf32, #tpu.memory_space<vmem_shared>> -> memref<112x128xf32, #tpu.memory_space<vmem_shared>>
      %dma_start3A_171 = arith.constant 0 : i32
      %dma_start3A_172 = arith.constant 0 : i32
      %dma_start3A_173 = tpu.memref_slice %arg12[%dma_start3A_171, %dma_start3A_172] : memref<128x128xf32, #tpu.memory_space<vmem>> -> memref<112x128xf32, #tpu.memory_space<vmem>>
      %dma_start3A_174 = arith.constant 0 : i32
      %dma_start3A_175 = tpu.memref_slice %arg14[%multiple_of3A_165, %dma_start3A_174] : memref<10000x128xf32, #tpu.memory_space<vmem_shared>> -> memref<112x128xf32, #tpu.memory_space<vmem_shared>>
      tpu.enqueue_dma source(%dma_start3A_175 : memref<112x128xf32, #tpu.memory_space<vmem_shared>>) target(%dma_start3A_173 : memref<112x128xf32, #tpu.memory_space<vmem>>) target_semaphore(%run_scoped3A : memref<!tpu.dma_semaphore, #tpu.memory_space<semaphore_mem>>)
      %dma_wait3A_176 = arith.constant 0 : i32
      %dma_wait3A_177 = arith.constant 0 : i32
      %dma_wait3A_178 = tpu.memref_slice %arg12[%dma_wait3A_176, %dma_wait3A_177] : memref<128x128xf32, #tpu.memory_space<vmem>> -> memref<112x128xf32, #tpu.memory_space<vmem>>
      %dma_wait3A_179 = arith.constant 0 : i32
      %dma_wait3A_180 = tpu.memref_slice %arg14[%multiple_of3A_165, %dma_wait3A_179] : memref<10000x128xf32, #tpu.memory_space<vmem_shared>> -> memref<112x128xf32, #tpu.memory_space<vmem_shared>>
      %dma_wait3A_181 = arith.constant 0 : i32
      %dma_wait3A_182 = arith.constant 0 : i32
      %dma_wait3A_183 = tpu.memref_slice %arg12[%dma_wait3A_181, %dma_wait3A_182] : memref<128x128xf32, #tpu.memory_space<vmem>> -> memref<112x128xf32, #tpu.memory_space<vmem>>
      %dma_wait3A_184 = arith.constant 0 : i32
      %dma_wait3A_185 = tpu.memref_slice %arg14[%multiple_of3A_165, %dma_wait3A_184] : memref<10000x128xf32, #tpu.memory_space<vmem_shared>> -> memref<112x128xf32, #tpu.memory_space<vmem_shared>>
      tpu.wait_dma2 semaphore(%run_scoped3A : memref<!tpu.dma_semaphore, #tpu.memory_space<semaphore_mem>>) src(%dma_wait3A_185 : memref<112x128xf32, #tpu.memory_space<vmem_shared>>) dst(%dma_wait3A_183 : memref<112x128xf32, #tpu.memory_space<vmem>>)
      tpu.yield
    }) : () -> ()
    "tpu.region"() ({
      %run_scoped3A = tpu.sem_alloc : memref<!tpu.dma_semaphore, #tpu.memory_space<semaphore_mem>>
      %dma_start3A_166 = arith.constant 0 : i32
      %dma_start3A_167 = arith.constant 0 : i32
      %dma_start3A_168 = tpu.memref_slice %arg12[%dma_start3A_166, %dma_start3A_167] : memref<128x128xf32, #tpu.memory_space<vmem>> -> memref<112x128xf32, #tpu.memory_space<vmem>>
      %dma_start3A_169 = arith.constant 0 : i32
      %dma_start3A_170 = tpu.memref_slice %arg5[%arg0, %multiple_of3A_165, %dma_start3A_169] : memref<2x10000x128xf32, #tpu.memory_space<hbm>> -> memref<1x112x128xf32, #tpu.memory_space<hbm>>
      %dma_start3A_171 = tpu.memref_squeeze %dma_start3A_170 : memref<1x112x128xf32, #tpu.memory_space<hbm>> -> memref<112x128xf32, #tpu.memory_space<hbm>>
      %dma_start3A_172 = arith.constant 0 : i32
      %dma_start3A_173 = tpu.memref_slice %arg5[%arg0, %multiple_of3A_165, %dma_start3A_172] : memref<2x10000x128xf32, #tpu.memory_space<hbm>> -> memref<1x112x128xf32, #tpu.memory_space<hbm>>
      %dma_start3A_174 = tpu.memref_squeeze %dma_start3A_173 : memref<1x112x128xf32, #tpu.memory_space<hbm>> -> memref<112x128xf32, #tpu.memory_space<hbm>>
      %dma_start3A_175 = arith.constant 0 : i32
      %dma_start3A_176 = arith.constant 0 : i32
      %dma_start3A_177 = tpu.memref_slice %arg12[%dma_start3A_175, %dma_start3A_176] : memref<128x128xf32, #tpu.memory_space<vmem>> -> memref<112x128xf32, #tpu.memory_space<vmem>>
      tpu.enqueue_dma source(%dma_start3A_177 : memref<112x128xf32, #tpu.memory_space<vmem>>) target(%dma_start3A_174 : memref<112x128xf32, #tpu.memory_space<hbm>>) target_semaphore(%run_scoped3A : memref<!tpu.dma_semaphore, #tpu.memory_space<semaphore_mem>>)
      %dma_wait3A_178 = arith.constant 0 : i32
      %dma_wait3A_179 = arith.constant 0 : i32
      %dma_wait3A_180 = tpu.memref_slice %arg12[%dma_wait3A_178, %dma_wait3A_179] : memref<128x128xf32, #tpu.memory_space<vmem>> -> memref<112x128xf32, #tpu.memory_space<vmem>>
      %dma_wait3A_181 = arith.constant 0 : i32
      %dma_wait3A_182 = tpu.memref_slice %arg5[%arg0, %multiple_of3A_165, %dma_wait3A_181] : memref<2x10000x128xf32, #tpu.memory_space<hbm>> -> memref<1x112x128xf32, #tpu.memory_space<hbm>>
      %dma_wait3A_183 = tpu.memref_squeeze %dma_wait3A_182 : memref<1x112x128xf32, #tpu.memory_space<hbm>> -> memref<112x128xf32, #tpu.memory_space<hbm>>
      %dma_wait3A_184 = arith.constant 0 : i32
      %dma_wait3A_185 = tpu.memref_slice %arg5[%arg0, %multiple_of3A_165, %dma_wait3A_184] : memref<2x10000x128xf32, #tpu.memory_space<hbm>> -> memref<1x112x128xf32, #tpu.memory_space<hbm>>
      %dma_wait3A_186 = tpu.memref_squeeze %dma_wait3A_185 : memref<1x112x128xf32, #tpu.memory_space<hbm>> -> memref<112x128xf32, #tpu.memory_space<hbm>>
      %dma_wait3A_187 = arith.constant 0 : i32
      %dma_wait3A_188 = arith.constant 0 : i32
      %dma_wait3A_189 = tpu.memref_slice %arg12[%dma_wait3A_187, %dma_wait3A_188] : memref<128x128xf32, #tpu.memory_space<vmem>> -> memref<112x128xf32, #tpu.memory_space<vmem>>
      tpu.wait_dma2 semaphore(%run_scoped3A : memref<!tpu.dma_semaphore, #tpu.memory_space<semaphore_mem>>) src(%dma_wait3A_189 : memref<112x128xf32, #tpu.memory_space<vmem>>) dst(%dma_wait3A_186 : memref<112x128xf32, #tpu.memory_space<hbm>>)
      tpu.yield
    }) : () -> ()
    "tpu.region"() ({
      %run_scoped3A = tpu.sem_alloc : memref<!tpu.dma_semaphore, #tpu.memory_space<semaphore_mem>>
      %dma_start3A_166 = arith.constant 0 : i32
      %dma_start3A_167 = arith.constant 0 : i32
      %dma_start3A_168 = tpu.memref_slice %arg12[%dma_start3A_166, %dma_start3A_167] : memref<128x128xf32, #tpu.memory_space<vmem>> -> memref<8x128xf32, #tpu.memory_space<vmem>>
      %dma_start3A_169 = arith.constant 0 : i32
      %dma_start3A_170 = tpu.memref_slice %arg14[%multiple_of3A_13, %dma_start3A_169] : memref<10000x128xf32, #tpu.memory_space<vmem_shared>> -> memref<8x128xf32, #tpu.memory_space<vmem_shared>>
      %dma_start3A_171 = arith.constant 0 : i32
      %dma_start3A_172 = arith.constant 0 : i32
      %dma_start3A_173 = tpu.memref_slice %arg12[%dma_start3A_171, %dma_start3A_172] : memref<128x128xf32, #tpu.memory_space<vmem>> -> memref<8x128xf32, #tpu.memory_space<vmem>>
      %dma_start3A_174 = arith.constant 0 : i32
      %dma_start3A_175 = tpu.memref_slice %arg14[%multiple_of3A_13, %dma_start3A_174] : memref<10000x128xf32, #tpu.memory_space<vmem_shared>> -> memref<8x128xf32, #tpu.memory_space<vmem_shared>>
      tpu.enqueue_dma source(%dma_start3A_175 : memref<8x128xf32, #tpu.memory_space<vmem_shared>>) target(%dma_start3A_173 : memref<8x128xf32, #tpu.memory_space<vmem>>) target_semaphore(%run_scoped3A : memref<!tpu.dma_semaphore, #tpu.memory_space<semaphore_mem>>)
      %dma_wait3A_176 = arith.constant 0 : i32
      %dma_wait3A_177 = arith.constant 0 : i32
      %dma_wait3A_178 = tpu.memref_slice %arg12[%dma_wait3A_176, %dma_wait3A_177] : memref<128x128xf32, #tpu.memory_space<vmem>> -> memref<8x128xf32, #tpu.memory_space<vmem>>
      %dma_wait3A_179 = arith.constant 0 : i32
      %dma_wait3A_180 = tpu.memref_slice %arg14[%multiple_of3A_13, %dma_wait3A_179] : memref<10000x128xf32, #tpu.memory_space<vmem_shared>> -> memref<8x128xf32, #tpu.memory_space<vmem_shared>>
      %dma_wait3A_181 = arith.constant 0 : i32
      %dma_wait3A_182 = arith.constant 0 : i32
      %dma_wait3A_183 = tpu.memref_slice %arg12[%dma_wait3A_181, %dma_wait3A_182] : memref<128x128xf32, #tpu.memory_space<vmem>> -> memref<8x128xf32, #tpu.memory_space<vmem>>
      %dma_wait3A_184 = arith.constant 0 : i32
      %dma_wait3A_185 = tpu.memref_slice %arg14[%multiple_of3A_13, %dma_wait3A_184] : memref<10000x128xf32, #tpu.memory_space<vmem_shared>> -> memref<8x128xf32, #tpu.memory_space<vmem_shared>>
      tpu.wait_dma2 semaphore(%run_scoped3A : memref<!tpu.dma_semaphore, #tpu.memory_space<semaphore_mem>>) src(%dma_wait3A_185 : memref<8x128xf32, #tpu.memory_space<vmem_shared>>) dst(%dma_wait3A_183 : memref<8x128xf32, #tpu.memory_space<vmem>>)
      tpu.yield
    }) : () -> ()
    "tpu.region"() ({
      %run_scoped3A = tpu.sem_alloc : memref<!tpu.dma_semaphore, #tpu.memory_space<semaphore_mem>>
      %dma_start3A_166 = arith.constant 0 : i32
      %dma_start3A_167 = arith.constant 0 : i32
      %dma_start3A_168 = tpu.memref_slice %arg12[%dma_start3A_166, %dma_start3A_167] : memref<128x128xf32, #tpu.memory_space<vmem>> -> memref<8x128xf32, #tpu.memory_space<vmem>>
      %dma_start3A_169 = arith.constant 0 : i32
      %dma_start3A_170 = tpu.memref_slice %arg5[%arg0, %multiple_of3A_13, %dma_start3A_169] : memref<2x10000x128xf32, #tpu.memory_space<hbm>> -> memref<1x8x128xf32, #tpu.memory_space<hbm>>
      %dma_start3A_171 = tpu.memref_squeeze %dma_start3A_170 : memref<1x8x128xf32, #tpu.memory_space<hbm>> -> memref<8x128xf32, #tpu.memory_space<hbm>>
      %dma_start3A_172 = arith.constant 0 : i32
      %dma_start3A_173 = tpu.memref_slice %arg5[%arg0, %multiple_of3A_13, %dma_start3A_172] : memref<2x10000x128xf32, #tpu.memory_space<hbm>> -> memref<1x8x128xf32, #tpu.memory_space<hbm>>
      %dma_start3A_174 = tpu.memref_squeeze %dma_start3A_173 : memref<1x8x128xf32, #tpu.memory_space<hbm>> -> memref<8x128xf32, #tpu.memory_space<hbm>>
      %dma_start3A_175 = arith.constant 0 : i32
      %dma_start3A_176 = arith.constant 0 : i32
      %dma_start3A_177 = tpu.memref_slice %arg12[%dma_start3A_175, %dma_start3A_176] : memref<128x128xf32, #tpu.memory_space<vmem>> -> memref<8x128xf32, #tpu.memory_space<vmem>>
      tpu.enqueue_dma source(%dma_start3A_177 : memref<8x128xf32, #tpu.memory_space<vmem>>) target(%dma_start3A_174 : memref<8x128xf32, #tpu.memory_space<hbm>>) target_semaphore(%run_scoped3A : memref<!tpu.dma_semaphore, #tpu.memory_space<semaphore_mem>>)
      %dma_wait3A_178 = arith.constant 0 : i32
      %dma_wait3A_179 = arith.constant 0 : i32
      %dma_wait3A_180 = tpu.memref_slice %arg12[%dma_wait3A_178, %dma_wait3A_179] : memref<128x128xf32, #tpu.memory_space<vmem>> -> memref<8x128xf32, #tpu.memory_space<vmem>>
      %dma_wait3A_181 = arith.constant 0 : i32
      %dma_wait3A_182 = tpu.memref_slice %arg5[%arg0, %multiple_of3A_13, %dma_wait3A_181] : memref<2x10000x128xf32, #tpu.memory_space<hbm>> -> memref<1x8x128xf32, #tpu.memory_space<hbm>>
      %dma_wait3A_183 = tpu.memref_squeeze %dma_wait3A_182 : memref<1x8x128xf32, #tpu.memory_space<hbm>> -> memref<8x128xf32, #tpu.memory_space<hbm>>
      %dma_wait3A_184 = arith.constant 0 : i32
      %dma_wait3A_185 = tpu.memref_slice %arg5[%arg0, %multiple_of3A_13, %dma_wait3A_184] : memref<2x10000x128xf32, #tpu.memory_space<hbm>> -> memref<1x8x128xf32, #tpu.memory_space<hbm>>
      %dma_wait3A_186 = tpu.memref_squeeze %dma_wait3A_185 : memref<1x8x128xf32, #tpu.memory_space<hbm>> -> memref<8x128xf32, #tpu.memory_space<hbm>>
      %dma_wait3A_187 = arith.constant 0 : i32
      %dma_wait3A_188 = arith.constant 0 : i32
      %dma_wait3A_189 = tpu.memref_slice %arg12[%dma_wait3A_187, %dma_wait3A_188] : memref<128x128xf32, #tpu.memory_space<vmem>> -> memref<8x128xf32, #tpu.memory_space<vmem>>
      tpu.wait_dma2 semaphore(%run_scoped3A : memref<!tpu.dma_semaphore, #tpu.memory_space<semaphore_mem>>) src(%dma_wait3A_189 : memref<8x128xf32, #tpu.memory_space<vmem>>) dst(%dma_wait3A_186 : memref<8x128xf32, #tpu.memory_space<hbm>>)
      tpu.yield
    }) : () -> ()
    return
  }
}

module attributes {stable_mosaic.version = 14 : i64} {
  func.func @_enc_kernel(%arg0: i32, %arg1: memref<1000x128xf32, #tpu.memory_space<vmem>>, %arg2: memref<1x128x128xf32, #tpu.memory_space<vmem>>, %arg3: memref<1x1x128xf32, #tpu.memory_space<vmem>>, %arg4: memref<1000x128xf32, #tpu.memory_space<vmem>>) attributes {dimension_semantics = [#tpu.dimension_semantics<arbitrary>], iteration_bounds = array<i64: 20>, scalar_prefetch = 0 : i64, scratch_operands = 0 : i64, tpu.core_type = #tpu.core_type<tc>, window_params = [{transform_indices = @transform_0, window_bounds = array<i64: 1000, 128>}, {transform_indices = @transform_1, window_bounds = array<i64: 1, 128, 128>}, {transform_indices = @transform_2, window_bounds = array<i64: 1, 1, 128>}, {transform_indices = @transform_3, window_bounds = array<i64: 1000, 128>}]} {
    %get3A = arith.constant 0 : index
    %get3A_0 = arith.constant 0 : index
    %get3A_1 = vector.load %arg1[%get3A, %get3A_0] : memref<1000x128xf32, #tpu.memory_space<vmem>>, vector<1000x128xf32>
    %get3A_2 = arith.constant 0 : index
    %get3A_3 = arith.constant 0 : index
    %get3A_4 = arith.constant 0 : index
    %get3A_5 = vector.load %arg2[%get3A_2, %get3A_3, %get3A_4] : memref<1x128x128xf32, #tpu.memory_space<vmem>>, vector<1x128x128xf32>
    %get3A_6 = vector.shape_cast %get3A_5 : vector<1x128x128xf32> to vector<128x128xf32>
    %dot_general3A = arith.constant dense<0.000000e+00> : vector<1000x128xf32>
    %dot_general3A_7 = tpu.matmul %get3A_1, %get3A_6, %dot_general3A {dimension_numbers = #tpu.dot_dimension_numbers<[1], [0], [0], [1], [0, 0, 1, 1], [], []>, transpose_lhs_hint = false} : vector<1000x128xf32>, vector<128x128xf32>, vector<1000x128xf32> -> vector<1000x128xf32>
    %get3A_8 = arith.constant 0 : index
    %get3A_9 = arith.constant 0 : index
    %get3A_10 = arith.constant 0 : index
    %get3A_11 = vector.load %arg3[%get3A_8, %get3A_9, %get3A_10] : memref<1x1x128xf32, #tpu.memory_space<vmem>>, vector<1x1x128xf32>
    %get3A_12 = vector.shape_cast %get3A_11 : vector<1x1x128xf32> to vector<1x128xf32>
    %add3A = vector.broadcast %get3A_12 : vector<1x128xf32> to vector<1000x128xf32>
    %add3A_13 = arith.addf %dot_general3A_7, %add3A : vector<1000x128xf32>
    %max3A = arith.constant 0.000000e+00 : f32
    %max3A_14 = vector.broadcast %max3A : f32 to vector<1000x128xf32>
    %max3A_15 = arith.maximumf %add3A_13, %max3A_14 : vector<1000x128xf32>
    %swap3A = arith.constant 0 : index
    %swap3A_16 = arith.constant 0 : index
    %swap3A_17 = vector.load %arg4[%swap3A, %swap3A_16] : memref<1000x128xf32, #tpu.memory_space<vmem>>, vector<1000x128xf32>
    tpu.vector_store %arg4[%swap3A, %swap3A_16], %max3A_15 {strides = array<i32>} : memref<1000x128xf32, #tpu.memory_space<vmem>>, vector<1000x128xf32>,
    return
  }
  func.func @transform_0(%arg0: i32) -> (i32, i32) {
    %c0_i32 = arith.constant 0 : i32
    %c0_i32_0 = arith.constant 0 : i32
    return %arg0, %c0_i32 : i32, i32
  }
  func.func @transform_1(%arg0: i32) -> (i32, i32, i32) {
    %jit3A = arith.constant 10 : i32
    %div3A = arith.divsi %arg0, %jit3A : i32
    %sign3A = arith.constant 0 : i32
    %sign3A_0 = arith.cmpi sgt, %arg0, %sign3A : i32
    %sign3A_1 = arith.extui %sign3A_0 : i1 to i32
    %sign3A_2 = arith.constant 0 : i32
    %sign3A_3 = arith.cmpi slt, %arg0, %sign3A_2 : i32
    %sign3A_4 = arith.extui %sign3A_3 : i1 to i32
    %sign3A_5 = arith.subi %sign3A_1, %sign3A_4 : i32
    %sign3A_6 = arith.constant 0 : i32
    %sign3A_7 = arith.cmpi sgt, %jit3A, %sign3A_6 : i32
    %sign3A_8 = arith.extui %sign3A_7 : i1 to i32
    %sign3A_9 = arith.constant 0 : i32
    %sign3A_10 = arith.cmpi slt, %jit3A, %sign3A_9 : i32
    %sign3A_11 = arith.extui %sign3A_10 : i1 to i32
    %sign3A_12 = arith.subi %sign3A_8, %sign3A_11 : i32
    %ne3A = arith.cmpi ne, %sign3A_5, %sign3A_12 : i32
    %rem3A = arith.remsi %arg0, %jit3A : i32
    %ne3A_13 = arith.constant 0 : i32
    %ne3A_14 = arith.cmpi ne, %rem3A, %ne3A_13 : i32
    %and3A = arith.andi %ne3A, %ne3A_14 : i1
    %sub3A = arith.constant 1 : i32
    %sub3A_15 = arith.subi %div3A, %sub3A : i32
    %select_n3A = arith.select %and3A, %sub3A_15, %div3A : i32
    %c0_i32 = arith.constant 0 : i32
    %c0_i32_16 = arith.constant 0 : i32
    %c0_i32_17 = arith.constant 0 : i32
    return %select_n3A, %c0_i32, %c0_i32_16 : i32, i32, i32
  }
  func.func @transform_2(%arg0: i32) -> (i32, i32, i32) {
    %jit3A = arith.constant 10 : i32
    %div3A = arith.divsi %arg0, %jit3A : i32
    %sign3A = arith.constant 0 : i32
    %sign3A_0 = arith.cmpi sgt, %arg0, %sign3A : i32
    %sign3A_1 = arith.extui %sign3A_0 : i1 to i32
    %sign3A_2 = arith.constant 0 : i32
    %sign3A_3 = arith.cmpi slt, %arg0, %sign3A_2 : i32
    %sign3A_4 = arith.extui %sign3A_3 : i1 to i32
    %sign3A_5 = arith.subi %sign3A_1, %sign3A_4 : i32
    %sign3A_6 = arith.constant 0 : i32
    %sign3A_7 = arith.cmpi sgt, %jit3A, %sign3A_6 : i32
    %sign3A_8 = arith.extui %sign3A_7 : i1 to i32
    %sign3A_9 = arith.constant 0 : i32
    %sign3A_10 = arith.cmpi slt, %jit3A, %sign3A_9 : i32
    %sign3A_11 = arith.extui %sign3A_10 : i1 to i32
    %sign3A_12 = arith.subi %sign3A_8, %sign3A_11 : i32
    %ne3A = arith.cmpi ne, %sign3A_5, %sign3A_12 : i32
    %rem3A = arith.remsi %arg0, %jit3A : i32
    %ne3A_13 = arith.constant 0 : i32
    %ne3A_14 = arith.cmpi ne, %rem3A, %ne3A_13 : i32
    %and3A = arith.andi %ne3A, %ne3A_14 : i1
    %sub3A = arith.constant 1 : i32
    %sub3A_15 = arith.subi %div3A, %sub3A : i32
    %select_n3A = arith.select %and3A, %sub3A_15, %div3A : i32
    %c0_i32 = arith.constant 0 : i32
    %c0_i32_16 = arith.constant 0 : i32
    %c0_i32_17 = arith.constant 0 : i32
    return %select_n3A, %c0_i32, %c0_i32_16 : i32, i32, i32
  }
  func.func @transform_3(%arg0: i32) -> (i32, i32) {
    %c0_i32 = arith.constant 0 : i32
    %c0_i32_0 = arith.constant 0 : i32
    return %arg0, %c0_i32 : i32, i32
  }
}

module attributes {stable_mosaic.version = 14 : i64} {
  func.func @_sage_kernel(%arg0: i32, %arg1: memref<1x1000x128xf32, #tpu.memory_space<vmem>>, %arg2: memref<1x1000x128xf32, #tpu.memory_space<vmem>>, %arg3: memref<1000x128xf32, #tpu.memory_space<vmem>>, %arg4: memref<1x128x128xf32, #tpu.memory_space<vmem>>, %arg5: memref<1x1x128xf32, #tpu.memory_space<vmem>>, %arg6: memref<1x128x128xf32, #tpu.memory_space<vmem>>, %arg7: memref<1000x128xf32, #tpu.memory_space<vmem>>) attributes {dimension_semantics = [#tpu.dimension_semantics<arbitrary>], iteration_bounds = array<i64: 20>, scalar_prefetch = 0 : i64, scratch_operands = 0 : i64, tpu.core_type = #tpu.core_type<tc>, window_params = [{transform_indices = @transform_0, window_bounds = array<i64: 1, 1000, 128>}, {transform_indices = @transform_1, window_bounds = array<i64: 1, 1000, 128>}, {transform_indices = @transform_2, window_bounds = array<i64: 1000, 128>}, {transform_indices = @transform_3, window_bounds = array<i64: 1, 128, 128>}, {transform_indices = @transform_4, window_bounds = array<i64: 1, 1, 128>}, {transform_indices = @transform_5, window_bounds = array<i64: 1, 128, 128>}, {transform_indices = @transform_6, window_bounds = array<i64: 1000, 128>}]} {
    %get3A = arith.constant 0 : index
    %get3A_0 = arith.constant 0 : index
    %get3A_1 = arith.constant 0 : index
    %get3A_2 = vector.load %arg2[%get3A, %get3A_0, %get3A_1] : memref<1x1000x128xf32, #tpu.memory_space<vmem>>, vector<1x1000x1xf32>
    %get3A_3 = vector.shape_cast %get3A_2 : vector<1x1000x1xf32> to vector<1000x1xf32>
    %get3A_4 = arith.constant 0 : index
    %get3A_5 = arith.constant 0 : index
    %get3A_6 = arith.constant 0 : index
    %get3A_7 = vector.load %arg1[%get3A_4, %get3A_5, %get3A_6] : memref<1x1000x128xf32, #tpu.memory_space<vmem>>, vector<1x1000x128xf32>
    %get3A_8 = vector.shape_cast %get3A_7 : vector<1x1000x128xf32> to vector<1000x128xf32>
    %max3A = arith.constant 1.000000e+00 : f32
    %max3A_9 = vector.broadcast %max3A : f32 to vector<1000x1xf32>
    %max3A_10 = arith.maximumf %get3A_3, %max3A_9 : vector<1000x1xf32>
    %div3A = vector.broadcast %max3A_10 : vector<1000x1xf32> to vector<1000x128xf32>
    %div3A_11 = arith.divf %get3A_8, %div3A : vector<1000x128xf32>
    %get3A_12 = arith.constant 0 : index
    %get3A_13 = arith.constant 0 : index
    %get3A_14 = vector.load %arg3[%get3A_12, %get3A_13] : memref<1000x128xf32, #tpu.memory_space<vmem>>, vector<1000x128xf32>
    %get3A_15 = arith.constant 0 : index
    %get3A_16 = arith.constant 0 : index
    %get3A_17 = arith.constant 0 : index
    %get3A_18 = vector.load %arg4[%get3A_15, %get3A_16, %get3A_17] : memref<1x128x128xf32, #tpu.memory_space<vmem>>, vector<1x128x128xf32>
    %get3A_19 = vector.shape_cast %get3A_18 : vector<1x128x128xf32> to vector<128x128xf32>
    %dot_general3A = arith.constant dense<0.000000e+00> : vector<1000x128xf32>
    %dot_general3A_20 = tpu.matmul %div3A_11, %get3A_19, %dot_general3A {dimension_numbers = #tpu.dot_dimension_numbers<[1], [0], [0], [1], [0, 0, 1, 1], [], []>, transpose_lhs_hint = false} : vector<1000x128xf32>, vector<128x128xf32>, vector<1000x128xf32> -> vector<1000x128xf32>
    %get3A_21 = arith.constant 0 : index
    %get3A_22 = arith.constant 0 : index
    %get3A_23 = arith.constant 0 : index
    %get3A_24 = vector.load %arg5[%get3A_21, %get3A_22, %get3A_23] : memref<1x1x128xf32, #tpu.memory_space<vmem>>, vector<1x1x128xf32>
    %get3A_25 = vector.shape_cast %get3A_24 : vector<1x1x128xf32> to vector<1x128xf32>
    %add3A = vector.broadcast %get3A_25 : vector<1x128xf32> to vector<1000x128xf32>
    %add3A_26 = arith.addf %dot_general3A_20, %add3A : vector<1000x128xf32>
    %get3A_27 = arith.constant 0 : index
    %get3A_28 = arith.constant 0 : index
    %get3A_29 = arith.constant 0 : index
    %get3A_30 = vector.load %arg6[%get3A_27, %get3A_28, %get3A_29] : memref<1x128x128xf32, #tpu.memory_space<vmem>>, vector<1x128x128xf32>
    %get3A_31 = vector.shape_cast %get3A_30 : vector<1x128x128xf32> to vector<128x128xf32>
    %dot_general3A_32 = arith.constant dense<0.000000e+00> : vector<1000x128xf32>
    %dot_general3A_33 = tpu.matmul %get3A_14, %get3A_31, %dot_general3A_32 {dimension_numbers = #tpu.dot_dimension_numbers<[1], [0], [0], [1], [0, 0, 1, 1], [], []>, transpose_lhs_hint = false} : vector<1000x128xf32>, vector<128x128xf32>, vector<1000x128xf32> -> vector<1000x128xf32>
    %add3A_34 = arith.addf %add3A_26, %dot_general3A_33 : vector<1000x128xf32>
    %mul3A = arith.mulf %add3A_34, %add3A_34 : vector<1000x128xf32>
    %reduce_sum3A = arith.constant dense<0.000000e+00> : vector<1000xf32>
    %reduce_sum3A_35 = vector.multi_reduction <add>, %mul3A, %reduce_sum3A [1] : vector<1000x128xf32> to vector<1000xf32>
    %broadcast_in_dim3A = vector.shape_cast %reduce_sum3A_35 : vector<1000xf32> to vector<1000x1xf32>
    %sqrt3A = math.sqrt %broadcast_in_dim3A : vector<1000x1xf32>
    %max3A_36 = arith.constant 9.99999996E-13 : f32
    %max3A_37 = vector.broadcast %max3A_36 : f32 to vector<1000x1xf32>
    %max3A_38 = arith.maximumf %sqrt3A, %max3A_37 : vector<1000x1xf32>
    %div3A_39 = vector.broadcast %max3A_38 : vector<1000x1xf32> to vector<1000x128xf32>
    %div3A_40 = arith.divf %add3A_34, %div3A_39 : vector<1000x128xf32>
    %max3A_41 = arith.constant 0.000000e+00 : f32
    %max3A_42 = vector.broadcast %max3A_41 : f32 to vector<1000x128xf32>
    %max3A_43 = arith.maximumf %div3A_40, %max3A_42 : vector<1000x128xf32>
    %add3A_44 = arith.addf %max3A_43, %get3A_14 : vector<1000x128xf32>
    %swap3A = arith.constant 0 : index
    %swap3A_45 = arith.constant 0 : index
    %swap3A_46 = vector.load %arg7[%swap3A, %swap3A_45] : memref<1000x128xf32, #tpu.memory_space<vmem>>, vector<1000x128xf32>
    tpu.vector_store %arg7[%swap3A, %swap3A_45], %add3A_44 {strides = array<i32>} : memref<1000x128xf32, #tpu.memory_space<vmem>>, vector<1000x128xf32>,
    return
  }
  func.func @transform_0(%arg0: i32) -> (i32, i32, i32) {
    %jit3A = arith.constant 10 : i32
    %div3A = arith.divsi %arg0, %jit3A : i32
    %sign3A = arith.constant 0 : i32
    %sign3A_0 = arith.cmpi sgt, %arg0, %sign3A : i32
    %sign3A_1 = arith.extui %sign3A_0 : i1 to i32
    %sign3A_2 = arith.constant 0 : i32
    %sign3A_3 = arith.cmpi slt, %arg0, %sign3A_2 : i32
    %sign3A_4 = arith.extui %sign3A_3 : i1 to i32
    %sign3A_5 = arith.subi %sign3A_1, %sign3A_4 : i32
    %sign3A_6 = arith.constant 0 : i32
    %sign3A_7 = arith.cmpi sgt, %jit3A, %sign3A_6 : i32
    %sign3A_8 = arith.extui %sign3A_7 : i1 to i32
    %sign3A_9 = arith.constant 0 : i32
    %sign3A_10 = arith.cmpi slt, %jit3A, %sign3A_9 : i32
    %sign3A_11 = arith.extui %sign3A_10 : i1 to i32
    %sign3A_12 = arith.subi %sign3A_8, %sign3A_11 : i32
    %ne3A = arith.cmpi ne, %sign3A_5, %sign3A_12 : i32
    %rem3A = arith.remsi %arg0, %jit3A : i32
    %ne3A_13 = arith.constant 0 : i32
    %ne3A_14 = arith.cmpi ne, %rem3A, %ne3A_13 : i32
    %and3A = arith.andi %ne3A, %ne3A_14 : i1
    %sub3A = arith.constant 1 : i32
    %sub3A_15 = arith.subi %div3A, %sub3A : i32
    %select_n3A = arith.select %and3A, %sub3A_15, %div3A : i32
    %jit3A_16 = arith.constant 10 : i32
    %eq3A = arith.constant 0 : i32
    %eq3A_17 = arith.cmpi eq, %jit3A_16, %eq3A : i32
    %jit3A_18 = arith.constant 1 : i32
    %select_n3A_19 = arith.select %eq3A_17, %jit3A_18, %jit3A_16 : i32
    %rem3A_20 = arith.remsi %arg0, %select_n3A_19 : i32
    %ne3A_21 = arith.constant 0 : i32
    %ne3A_22 = arith.cmpi ne, %rem3A_20, %ne3A_21 : i32
    %lt3A = arith.constant 0 : i32
    %lt3A_23 = arith.cmpi slt, %rem3A_20, %lt3A : i32
    %lt3A_24 = arith.constant 0 : i32
    %lt3A_25 = arith.cmpi slt, %select_n3A_19, %lt3A_24 : i32
    %ne3A_26 = arith.xori %lt3A_23, %lt3A_25 : i1
    %and3A_27 = arith.andi %ne3A_26, %ne3A_22 : i1
    %add3A = arith.addi %rem3A_20, %select_n3A_19 : i32
    %select_n3A_28 = arith.select %and3A_27, %add3A, %rem3A_20 : i32
    %c0_i32 = arith.constant 0 : i32
    %c0_i32_29 = arith.constant 0 : i32
    return %select_n3A, %select_n3A_28, %c0_i32 : i32, i32, i32
  }
  func.func @transform_1(%arg0: i32) -> (i32, i32, i32) {
    %jit3A = arith.constant 10 : i32
    %div3A = arith.divsi %arg0, %jit3A : i32
    %sign3A = arith.constant 0 : i32
    %sign3A_0 = arith.cmpi sgt, %arg0, %sign3A : i32
    %sign3A_1 = arith.extui %sign3A_0 : i1 to i32
    %sign3A_2 = arith.constant 0 : i32
    %sign3A_3 = arith.cmpi slt, %arg0, %sign3A_2 : i32
    %sign3A_4 = arith.extui %sign3A_3 : i1 to i32
    %sign3A_5 = arith.subi %sign3A_1, %sign3A_4 : i32
    %sign3A_6 = arith.constant 0 : i32
    %sign3A_7 = arith.cmpi sgt, %jit3A, %sign3A_6 : i32
    %sign3A_8 = arith.extui %sign3A_7 : i1 to i32
    %sign3A_9 = arith.constant 0 : i32
    %sign3A_10 = arith.cmpi slt, %jit3A, %sign3A_9 : i32
    %sign3A_11 = arith.extui %sign3A_10 : i1 to i32
    %sign3A_12 = arith.subi %sign3A_8, %sign3A_11 : i32
    %ne3A = arith.cmpi ne, %sign3A_5, %sign3A_12 : i32
    %rem3A = arith.remsi %arg0, %jit3A : i32
    %ne3A_13 = arith.constant 0 : i32
    %ne3A_14 = arith.cmpi ne, %rem3A, %ne3A_13 : i32
    %and3A = arith.andi %ne3A, %ne3A_14 : i1
    %sub3A = arith.constant 1 : i32
    %sub3A_15 = arith.subi %div3A, %sub3A : i32
    %select_n3A = arith.select %and3A, %sub3A_15, %div3A : i32
    %jit3A_16 = arith.constant 10 : i32
    %eq3A = arith.constant 0 : i32
    %eq3A_17 = arith.cmpi eq, %jit3A_16, %eq3A : i32
    %jit3A_18 = arith.constant 1 : i32
    %select_n3A_19 = arith.select %eq3A_17, %jit3A_18, %jit3A_16 : i32
    %rem3A_20 = arith.remsi %arg0, %select_n3A_19 : i32
    %ne3A_21 = arith.constant 0 : i32
    %ne3A_22 = arith.cmpi ne, %rem3A_20, %ne3A_21 : i32
    %lt3A = arith.constant 0 : i32
    %lt3A_23 = arith.cmpi slt, %rem3A_20, %lt3A : i32
    %lt3A_24 = arith.constant 0 : i32
    %lt3A_25 = arith.cmpi slt, %select_n3A_19, %lt3A_24 : i32
    %ne3A_26 = arith.xori %lt3A_23, %lt3A_25 : i1
    %and3A_27 = arith.andi %ne3A_26, %ne3A_22 : i1
    %add3A = arith.addi %rem3A_20, %select_n3A_19 : i32
    %select_n3A_28 = arith.select %and3A_27, %add3A, %rem3A_20 : i32
    %c0_i32 = arith.constant 0 : i32
    %c0_i32_29 = arith.constant 0 : i32
    return %select_n3A, %select_n3A_28, %c0_i32 : i32, i32, i32
  }
  func.func @transform_2(%arg0: i32) -> (i32, i32) {
    %c0_i32 = arith.constant 0 : i32
    %c0_i32_0 = arith.constant 0 : i32
    return %arg0, %c0_i32 : i32, i32
  }
  func.func @transform_3(%arg0: i32) -> (i32, i32, i32) {
    %jit3A = arith.constant 10 : i32
    %div3A = arith.divsi %arg0, %jit3A : i32
    %sign3A = arith.constant 0 : i32
    %sign3A_0 = arith.cmpi sgt, %arg0, %sign3A : i32
    %sign3A_1 = arith.extui %sign3A_0 : i1 to i32
    %sign3A_2 = arith.constant 0 : i32
    %sign3A_3 = arith.cmpi slt, %arg0, %sign3A_2 : i32
    %sign3A_4 = arith.extui %sign3A_3 : i1 to i32
    %sign3A_5 = arith.subi %sign3A_1, %sign3A_4 : i32
    %sign3A_6 = arith.constant 0 : i32
    %sign3A_7 = arith.cmpi sgt, %jit3A, %sign3A_6 : i32
    %sign3A_8 = arith.extui %sign3A_7 : i1 to i32
    %sign3A_9 = arith.constant 0 : i32
    %sign3A_10 = arith.cmpi slt, %jit3A, %sign3A_9 : i32
    %sign3A_11 = arith.extui %sign3A_10 : i1 to i32
    %sign3A_12 = arith.subi %sign3A_8, %sign3A_11 : i32
    %ne3A = arith.cmpi ne, %sign3A_5, %sign3A_12 : i32
    %rem3A = arith.remsi %arg0, %jit3A : i32
    %ne3A_13 = arith.constant 0 : i32
    %ne3A_14 = arith.cmpi ne, %rem3A, %ne3A_13 : i32
    %and3A = arith.andi %ne3A, %ne3A_14 : i1
    %sub3A = arith.constant 1 : i32
    %sub3A_15 = arith.subi %div3A, %sub3A : i32
    %select_n3A = arith.select %and3A, %sub3A_15, %div3A : i32
    %c0_i32 = arith.constant 0 : i32
    %c0_i32_16 = arith.constant 0 : i32
    %c0_i32_17 = arith.constant 0 : i32
    return %select_n3A, %c0_i32, %c0_i32_16 : i32, i32, i32
  }
  func.func @transform_4(%arg0: i32) -> (i32, i32, i32) {
    %jit3A = arith.constant 10 : i32
    %div3A = arith.divsi %arg0, %jit3A : i32
    %sign3A = arith.constant 0 : i32
    %sign3A_0 = arith.cmpi sgt, %arg0, %sign3A : i32
    %sign3A_1 = arith.extui %sign3A_0 : i1 to i32
    %sign3A_2 = arith.constant 0 : i32
    %sign3A_3 = arith.cmpi slt, %arg0, %sign3A_2 : i32
    %sign3A_4 = arith.extui %sign3A_3 : i1 to i32
    %sign3A_5 = arith.subi %sign3A_1, %sign3A_4 : i32
    %sign3A_6 = arith.constant 0 : i32
    %sign3A_7 = arith.cmpi sgt, %jit3A, %sign3A_6 : i32
    %sign3A_8 = arith.extui %sign3A_7 : i1 to i32
    %sign3A_9 = arith.constant 0 : i32
    %sign3A_10 = arith.cmpi slt, %jit3A, %sign3A_9 : i32
    %sign3A_11 = arith.extui %sign3A_10 : i1 to i32
    %sign3A_12 = arith.subi %sign3A_8, %sign3A_11 : i32
    %ne3A = arith.cmpi ne, %sign3A_5, %sign3A_12 : i32
    %rem3A = arith.remsi %arg0, %jit3A : i32
    %ne3A_13 = arith.constant 0 : i32
    %ne3A_14 = arith.cmpi ne, %rem3A, %ne3A_13 : i32
    %and3A = arith.andi %ne3A, %ne3A_14 : i1
    %sub3A = arith.constant 1 : i32
    %sub3A_15 = arith.subi %div3A, %sub3A : i32
    %select_n3A = arith.select %and3A, %sub3A_15, %div3A : i32
    %c0_i32 = arith.constant 0 : i32
    %c0_i32_16 = arith.constant 0 : i32
    %c0_i32_17 = arith.constant 0 : i32
    return %select_n3A, %c0_i32, %c0_i32_16 : i32, i32, i32
  }
  func.func @transform_5(%arg0: i32) -> (i32, i32, i32) {
    %jit3A = arith.constant 10 : i32
    %div3A = arith.divsi %arg0, %jit3A : i32
    %sign3A = arith.constant 0 : i32
    %sign3A_0 = arith.cmpi sgt, %arg0, %sign3A : i32
    %sign3A_1 = arith.extui %sign3A_0 : i1 to i32
    %sign3A_2 = arith.constant 0 : i32
    %sign3A_3 = arith.cmpi slt, %arg0, %sign3A_2 : i32
    %sign3A_4 = arith.extui %sign3A_3 : i1 to i32
    %sign3A_5 = arith.subi %sign3A_1, %sign3A_4 : i32
    %sign3A_6 = arith.constant 0 : i32
    %sign3A_7 = arith.cmpi sgt, %jit3A, %sign3A_6 : i32
    %sign3A_8 = arith.extui %sign3A_7 : i1 to i32
    %sign3A_9 = arith.constant 0 : i32
    %sign3A_10 = arith.cmpi slt, %jit3A, %sign3A_9 : i32
    %sign3A_11 = arith.extui %sign3A_10 : i1 to i32
    %sign3A_12 = arith.subi %sign3A_8, %sign3A_11 : i32
    %ne3A = arith.cmpi ne, %sign3A_5, %sign3A_12 : i32
    %rem3A = arith.remsi %arg0, %jit3A : i32
    %ne3A_13 = arith.constant 0 : i32
    %ne3A_14 = arith.cmpi ne, %rem3A, %ne3A_13 : i32
    %and3A = arith.andi %ne3A, %ne3A_14 : i1
    %sub3A = arith.constant 1 : i32
    %sub3A_15 = arith.subi %div3A, %sub3A : i32
    %select_n3A = arith.select %and3A, %sub3A_15, %div3A : i32
    %c0_i32 = arith.constant 0 : i32
    %c0_i32_16 = arith.constant 0 : i32
    %c0_i32_17 = arith.constant 0 : i32
    return %select_n3A, %c0_i32, %c0_i32_16 : i32, i32, i32
  }
  func.func @transform_6(%arg0: i32) -> (i32, i32) {
    %c0_i32 = arith.constant 0 : i32
    %c0_i32_0 = arith.constant 0 : i32
    return %arg0, %c0_i32 : i32, i32
  }
}

module attributes {stable_mosaic.version = 14 : i64} {
  func.func @_sage_head_kernel(%arg0: i32, %arg1: memref<1x1000x128xf32, #tpu.memory_space<vmem>>, %arg2: memref<1x1000x128xf32, #tpu.memory_space<vmem>>, %arg3: memref<1000x128xf32, #tpu.memory_space<vmem>>, %arg4: memref<1x128x128xf32, #tpu.memory_space<vmem>>, %arg5: memref<1x1x128xf32, #tpu.memory_space<vmem>>, %arg6: memref<1x128x128xf32, #tpu.memory_space<vmem>>, %arg7: memref<128x64xf32, #tpu.memory_space<vmem>>, %arg8: memref<1x64xf32, #tpu.memory_space<vmem>>, %arg9: memref<64x16xf32, #tpu.memory_space<vmem>>, %arg10: memref<1x16xf32, #tpu.memory_space<vmem>>, %arg11: memref<1000x16xf32, #tpu.memory_space<vmem>>) attributes {dimension_semantics = [#tpu.dimension_semantics<arbitrary>], iteration_bounds = array<i64: 20>, scalar_prefetch = 0 : i64, scratch_operands = 0 : i64, tpu.core_type = #tpu.core_type<tc>, window_params = [{transform_indices = @transform_0, window_bounds = array<i64: 1, 1000, 128>}, {transform_indices = @transform_1, window_bounds = array<i64: 1, 1000, 128>}, {transform_indices = @transform_2, window_bounds = array<i64: 1000, 128>}, {transform_indices = @transform_3, window_bounds = array<i64: 1, 128, 128>}, {transform_indices = @transform_4, window_bounds = array<i64: 1, 1, 128>}, {transform_indices = @transform_5, window_bounds = array<i64: 1, 128, 128>}, {pipeline_mode = #tpu.pipeline_mode<synchronous>, transform_indices = @transform_6, window_bounds = array<i64: 128, 64>}, {pipeline_mode = #tpu.pipeline_mode<synchronous>, transform_indices = @transform_7, window_bounds = array<i64: 1, 64>}, {pipeline_mode = #tpu.pipeline_mode<synchronous>, transform_indices = @transform_8, window_bounds = array<i64: 64, 16>}, {pipeline_mode = #tpu.pipeline_mode<synchronous>, transform_indices = @transform_9, window_bounds = array<i64: 1, 16>}, {transform_indices = @transform_10, window_bounds = array<i64: 1000, 16>}]} {
    %get3A = arith.constant 0 : index
    %get3A_0 = arith.constant 0 : index
    %get3A_1 = arith.constant 0 : index
    %get3A_2 = vector.load %arg2[%get3A, %get3A_0, %get3A_1] : memref<1x1000x128xf32, #tpu.memory_space<vmem>>, vector<1x1000x1xf32>
    %get3A_3 = vector.shape_cast %get3A_2 : vector<1x1000x1xf32> to vector<1000x1xf32>
    %get3A_4 = arith.constant 0 : index
    %get3A_5 = arith.constant 0 : index
    %get3A_6 = arith.constant 0 : index
    %get3A_7 = vector.load %arg1[%get3A_4, %get3A_5, %get3A_6] : memref<1x1000x128xf32, #tpu.memory_space<vmem>>, vector<1x1000x128xf32>
    %get3A_8 = vector.shape_cast %get3A_7 : vector<1x1000x128xf32> to vector<1000x128xf32>
    %max3A = arith.constant 1.000000e+00 : f32
    %max3A_9 = vector.broadcast %max3A : f32 to vector<1000x1xf32>
    %max3A_10 = arith.maximumf %get3A_3, %max3A_9 : vector<1000x1xf32>
    %div3A = vector.broadcast %max3A_10 : vector<1000x1xf32> to vector<1000x128xf32>
    %div3A_11 = arith.divf %get3A_8, %div3A : vector<1000x128xf32>
    %get3A_12 = arith.constant 0 : index
    %get3A_13 = arith.constant 0 : index
    %get3A_14 = vector.load %arg3[%get3A_12, %get3A_13] : memref<1000x128xf32, #tpu.memory_space<vmem>>, vector<1000x128xf32>
    %get3A_15 = arith.constant 0 : index
    %get3A_16 = arith.constant 0 : index
    %get3A_17 = arith.constant 0 : index
    %get3A_18 = vector.load %arg4[%get3A_15, %get3A_16, %get3A_17] : memref<1x128x128xf32, #tpu.memory_space<vmem>>, vector<1x128x128xf32>
    %get3A_19 = vector.shape_cast %get3A_18 : vector<1x128x128xf32> to vector<128x128xf32>
    %dot_general3A = arith.constant dense<0.000000e+00> : vector<1000x128xf32>
    %dot_general3A_20 = tpu.matmul %div3A_11, %get3A_19, %dot_general3A {dimension_numbers = #tpu.dot_dimension_numbers<[1], [0], [0], [1], [0, 0, 1, 1], [], []>, transpose_lhs_hint = false} : vector<1000x128xf32>, vector<128x128xf32>, vector<1000x128xf32> -> vector<1000x128xf32>
    %get3A_21 = arith.constant 0 : index
    %get3A_22 = arith.constant 0 : index
    %get3A_23 = arith.constant 0 : index
    %get3A_24 = vector.load %arg5[%get3A_21, %get3A_22, %get3A_23] : memref<1x1x128xf32, #tpu.memory_space<vmem>>, vector<1x1x128xf32>
    %get3A_25 = vector.shape_cast %get3A_24 : vector<1x1x128xf32> to vector<1x128xf32>
    %add3A = vector.broadcast %get3A_25 : vector<1x128xf32> to vector<1000x128xf32>
    %add3A_26 = arith.addf %dot_general3A_20, %add3A : vector<1000x128xf32>
    %get3A_27 = arith.constant 0 : index
    %get3A_28 = arith.constant 0 : index
    %get3A_29 = arith.constant 0 : index
    %get3A_30 = vector.load %arg6[%get3A_27, %get3A_28, %get3A_29] : memref<1x128x128xf32, #tpu.memory_space<vmem>>, vector<1x128x128xf32>
    %get3A_31 = vector.shape_cast %get3A_30 : vector<1x128x128xf32> to vector<128x128xf32>
    %dot_general3A_32 = arith.constant dense<0.000000e+00> : vector<1000x128xf32>
    %dot_general3A_33 = tpu.matmul %get3A_14, %get3A_31, %dot_general3A_32 {dimension_numbers = #tpu.dot_dimension_numbers<[1], [0], [0], [1], [0, 0, 1, 1], [], []>, transpose_lhs_hint = false} : vector<1000x128xf32>, vector<128x128xf32>, vector<1000x128xf32> -> vector<1000x128xf32>
    %add3A_34 = arith.addf %add3A_26, %dot_general3A_33 : vector<1000x128xf32>
    %mul3A = arith.mulf %add3A_34, %add3A_34 : vector<1000x128xf32>
    %reduce_sum3A = arith.constant dense<0.000000e+00> : vector<1000xf32>
    %reduce_sum3A_35 = vector.multi_reduction <add>, %mul3A, %reduce_sum3A [1] : vector<1000x128xf32> to vector<1000xf32>
    %broadcast_in_dim3A = vector.shape_cast %reduce_sum3A_35 : vector<1000xf32> to vector<1000x1xf32>
    %sqrt3A = math.sqrt %broadcast_in_dim3A : vector<1000x1xf32>
    %max3A_36 = arith.constant 9.99999996E-13 : f32
    %max3A_37 = vector.broadcast %max3A_36 : f32 to vector<1000x1xf32>
    %max3A_38 = arith.maximumf %sqrt3A, %max3A_37 : vector<1000x1xf32>
    %div3A_39 = vector.broadcast %max3A_38 : vector<1000x1xf32> to vector<1000x128xf32>
    %div3A_40 = arith.divf %add3A_34, %div3A_39 : vector<1000x128xf32>
    %max3A_41 = arith.constant 0.000000e+00 : f32
    %max3A_42 = vector.broadcast %max3A_41 : f32 to vector<1000x128xf32>
    %max3A_43 = arith.maximumf %div3A_40, %max3A_42 : vector<1000x128xf32>
    %add3A_44 = arith.addf %max3A_43, %get3A_14 : vector<1000x128xf32>
    %get3A_45 = arith.constant 0 : index
    %get3A_46 = arith.constant 0 : index
    %get3A_47 = vector.load %arg7[%get3A_45, %get3A_46] : memref<128x64xf32, #tpu.memory_space<vmem>>, vector<128x64xf32>
    %dot_general3A_48 = arith.constant dense<0.000000e+00> : vector<1000x64xf32>
    %dot_general3A_49 = tpu.matmul %add3A_44, %get3A_47, %dot_general3A_48 {dimension_numbers = #tpu.dot_dimension_numbers<[1], [0], [0], [1], [0, 0, 1, 1], [], []>, transpose_lhs_hint = false} : vector<1000x128xf32>, vector<128x64xf32>, vector<1000x64xf32> -> vector<1000x64xf32>
    %get3A_50 = arith.constant 0 : index
    %get3A_51 = arith.constant 0 : index
    %get3A_52 = vector.load %arg8[%get3A_50, %get3A_51] : memref<1x64xf32, #tpu.memory_space<vmem>>, vector<1x64xf32>
    %add3A_53 = vector.broadcast %get3A_52 : vector<1x64xf32> to vector<1000x64xf32>
    %add3A_54 = arith.addf %dot_general3A_49, %add3A_53 : vector<1000x64xf32>
    %max3A_55 = arith.constant 0.000000e+00 : f32
    %max3A_56 = vector.broadcast %max3A_55 : f32 to vector<1000x64xf32>
    %max3A_57 = arith.maximumf %add3A_54, %max3A_56 : vector<1000x64xf32>
    %get3A_58 = arith.constant 0 : index
    %get3A_59 = arith.constant 0 : index
    %get3A_60 = vector.load %arg9[%get3A_58, %get3A_59] : memref<64x16xf32, #tpu.memory_space<vmem>>, vector<64x16xf32>
    %dot_general3A_61 = arith.constant dense<0.000000e+00> : vector<1000x16xf32>
    %dot_general3A_62 = tpu.matmul %max3A_57, %get3A_60, %dot_general3A_61 {dimension_numbers = #tpu.dot_dimension_numbers<[1], [0], [0], [1], [0, 0, 1, 1], [], []>, transpose_lhs_hint = false} : vector<1000x64xf32>, vector<64x16xf32>, vector<1000x16xf32> -> vector<1000x16xf32>
    %get3A_63 = arith.constant 0 : index
    %get3A_64 = arith.constant 0 : index
    %get3A_65 = vector.load %arg10[%get3A_63, %get3A_64] : memref<1x16xf32, #tpu.memory_space<vmem>>, vector<1x16xf32>
    %add3A_66 = vector.broadcast %get3A_65 : vector<1x16xf32> to vector<1000x16xf32>
    %add3A_67 = arith.addf %dot_general3A_62, %add3A_66 : vector<1000x16xf32>
    %swap3A = arith.constant 0 : index
    %swap3A_68 = arith.constant 0 : index
    %swap3A_69 = vector.load %arg11[%swap3A, %swap3A_68] : memref<1000x16xf32, #tpu.memory_space<vmem>>, vector<1000x16xf32>
    tpu.vector_store %arg11[%swap3A, %swap3A_68], %add3A_67 {strides = array<i32>} : memref<1000x16xf32, #tpu.memory_space<vmem>>, vector<1000x16xf32>,
    return
  }
  func.func @transform_0(%arg0: i32) -> (i32, i32, i32) {
    %jit3A = arith.constant 10 : i32
    %div3A = arith.divsi %arg0, %jit3A : i32
    %sign3A = arith.constant 0 : i32
    %sign3A_0 = arith.cmpi sgt, %arg0, %sign3A : i32
    %sign3A_1 = arith.extui %sign3A_0 : i1 to i32
    %sign3A_2 = arith.constant 0 : i32
    %sign3A_3 = arith.cmpi slt, %arg0, %sign3A_2 : i32
    %sign3A_4 = arith.extui %sign3A_3 : i1 to i32
    %sign3A_5 = arith.subi %sign3A_1, %sign3A_4 : i32
    %sign3A_6 = arith.constant 0 : i32
    %sign3A_7 = arith.cmpi sgt, %jit3A, %sign3A_6 : i32
    %sign3A_8 = arith.extui %sign3A_7 : i1 to i32
    %sign3A_9 = arith.constant 0 : i32
    %sign3A_10 = arith.cmpi slt, %jit3A, %sign3A_9 : i32
    %sign3A_11 = arith.extui %sign3A_10 : i1 to i32
    %sign3A_12 = arith.subi %sign3A_8, %sign3A_11 : i32
    %ne3A = arith.cmpi ne, %sign3A_5, %sign3A_12 : i32
    %rem3A = arith.remsi %arg0, %jit3A : i32
    %ne3A_13 = arith.constant 0 : i32
    %ne3A_14 = arith.cmpi ne, %rem3A, %ne3A_13 : i32
    %and3A = arith.andi %ne3A, %ne3A_14 : i1
    %sub3A = arith.constant 1 : i32
    %sub3A_15 = arith.subi %div3A, %sub3A : i32
    %select_n3A = arith.select %and3A, %sub3A_15, %div3A : i32
    %jit3A_16 = arith.constant 10 : i32
    %eq3A = arith.constant 0 : i32
    %eq3A_17 = arith.cmpi eq, %jit3A_16, %eq3A : i32
    %jit3A_18 = arith.constant 1 : i32
    %select_n3A_19 = arith.select %eq3A_17, %jit3A_18, %jit3A_16 : i32
    %rem3A_20 = arith.remsi %arg0, %select_n3A_19 : i32
    %ne3A_21 = arith.constant 0 : i32
    %ne3A_22 = arith.cmpi ne, %rem3A_20, %ne3A_21 : i32
    %lt3A = arith.constant 0 : i32
    %lt3A_23 = arith.cmpi slt, %rem3A_20, %lt3A : i32
    %lt3A_24 = arith.constant 0 : i32
    %lt3A_25 = arith.cmpi slt, %select_n3A_19, %lt3A_24 : i32
    %ne3A_26 = arith.xori %lt3A_23, %lt3A_25 : i1
    %and3A_27 = arith.andi %ne3A_26, %ne3A_22 : i1
    %add3A = arith.addi %rem3A_20, %select_n3A_19 : i32
    %select_n3A_28 = arith.select %and3A_27, %add3A, %rem3A_20 : i32
    %c0_i32 = arith.constant 0 : i32
    %c0_i32_29 = arith.constant 0 : i32
    return %select_n3A, %select_n3A_28, %c0_i32 : i32, i32, i32
  }
  func.func @transform_1(%arg0: i32) -> (i32, i32, i32) {
    %jit3A = arith.constant 10 : i32
    %div3A = arith.divsi %arg0, %jit3A : i32
    %sign3A = arith.constant 0 : i32
    %sign3A_0 = arith.cmpi sgt, %arg0, %sign3A : i32
    %sign3A_1 = arith.extui %sign3A_0 : i1 to i32
    %sign3A_2 = arith.constant 0 : i32
    %sign3A_3 = arith.cmpi slt, %arg0, %sign3A_2 : i32
    %sign3A_4 = arith.extui %sign3A_3 : i1 to i32
    %sign3A_5 = arith.subi %sign3A_1, %sign3A_4 : i32
    %sign3A_6 = arith.constant 0 : i32
    %sign3A_7 = arith.cmpi sgt, %jit3A, %sign3A_6 : i32
    %sign3A_8 = arith.extui %sign3A_7 : i1 to i32
    %sign3A_9 = arith.constant 0 : i32
    %sign3A_10 = arith.cmpi slt, %jit3A, %sign3A_9 : i32
    %sign3A_11 = arith.extui %sign3A_10 : i1 to i32
    %sign3A_12 = arith.subi %sign3A_8, %sign3A_11 : i32
    %ne3A = arith.cmpi ne, %sign3A_5, %sign3A_12 : i32
    %rem3A = arith.remsi %arg0, %jit3A : i32
    %ne3A_13 = arith.constant 0 : i32
    %ne3A_14 = arith.cmpi ne, %rem3A, %ne3A_13 : i32
    %and3A = arith.andi %ne3A, %ne3A_14 : i1
    %sub3A = arith.constant 1 : i32
    %sub3A_15 = arith.subi %div3A, %sub3A : i32
    %select_n3A = arith.select %and3A, %sub3A_15, %div3A : i32
    %jit3A_16 = arith.constant 10 : i32
    %eq3A = arith.constant 0 : i32
    %eq3A_17 = arith.cmpi eq, %jit3A_16, %eq3A : i32
    %jit3A_18 = arith.constant 1 : i32
    %select_n3A_19 = arith.select %eq3A_17, %jit3A_18, %jit3A_16 : i32
    %rem3A_20 = arith.remsi %arg0, %select_n3A_19 : i32
    %ne3A_21 = arith.constant 0 : i32
    %ne3A_22 = arith.cmpi ne, %rem3A_20, %ne3A_21 : i32
    %lt3A = arith.constant 0 : i32
    %lt3A_23 = arith.cmpi slt, %rem3A_20, %lt3A : i32
    %lt3A_24 = arith.constant 0 : i32
    %lt3A_25 = arith.cmpi slt, %select_n3A_19, %lt3A_24 : i32
    %ne3A_26 = arith.xori %lt3A_23, %lt3A_25 : i1
    %and3A_27 = arith.andi %ne3A_26, %ne3A_22 : i1
    %add3A = arith.addi %rem3A_20, %select_n3A_19 : i32
    %select_n3A_28 = arith.select %and3A_27, %add3A, %rem3A_20 : i32
    %c0_i32 = arith.constant 0 : i32
    %c0_i32_29 = arith.constant 0 : i32
    return %select_n3A, %select_n3A_28, %c0_i32 : i32, i32, i32
  }
  func.func @transform_2(%arg0: i32) -> (i32, i32) {
    %c0_i32 = arith.constant 0 : i32
    %c0_i32_0 = arith.constant 0 : i32
    return %arg0, %c0_i32 : i32, i32
  }
  func.func @transform_3(%arg0: i32) -> (i32, i32, i32) {
    %jit3A = arith.constant 10 : i32
    %div3A = arith.divsi %arg0, %jit3A : i32
    %sign3A = arith.constant 0 : i32
    %sign3A_0 = arith.cmpi sgt, %arg0, %sign3A : i32
    %sign3A_1 = arith.extui %sign3A_0 : i1 to i32
    %sign3A_2 = arith.constant 0 : i32
    %sign3A_3 = arith.cmpi slt, %arg0, %sign3A_2 : i32
    %sign3A_4 = arith.extui %sign3A_3 : i1 to i32
    %sign3A_5 = arith.subi %sign3A_1, %sign3A_4 : i32
    %sign3A_6 = arith.constant 0 : i32
    %sign3A_7 = arith.cmpi sgt, %jit3A, %sign3A_6 : i32
    %sign3A_8 = arith.extui %sign3A_7 : i1 to i32
    %sign3A_9 = arith.constant 0 : i32
    %sign3A_10 = arith.cmpi slt, %jit3A, %sign3A_9 : i32
    %sign3A_11 = arith.extui %sign3A_10 : i1 to i32
    %sign3A_12 = arith.subi %sign3A_8, %sign3A_11 : i32
    %ne3A = arith.cmpi ne, %sign3A_5, %sign3A_12 : i32
    %rem3A = arith.remsi %arg0, %jit3A : i32
    %ne3A_13 = arith.constant 0 : i32
    %ne3A_14 = arith.cmpi ne, %rem3A, %ne3A_13 : i32
    %and3A = arith.andi %ne3A, %ne3A_14 : i1
    %sub3A = arith.constant 1 : i32
    %sub3A_15 = arith.subi %div3A, %sub3A : i32
    %select_n3A = arith.select %and3A, %sub3A_15, %div3A : i32
    %c0_i32 = arith.constant 0 : i32
    %c0_i32_16 = arith.constant 0 : i32
    %c0_i32_17 = arith.constant 0 : i32
    return %select_n3A, %c0_i32, %c0_i32_16 : i32, i32, i32
  }
  func.func @transform_4(%arg0: i32) -> (i32, i32, i32) {
    %jit3A = arith.constant 10 : i32
    %div3A = arith.divsi %arg0, %jit3A : i32
    %sign3A = arith.constant 0 : i32
    %sign3A_0 = arith.cmpi sgt, %arg0, %sign3A : i32
    %sign3A_1 = arith.extui %sign3A_0 : i1 to i32
    %sign3A_2 = arith.constant 0 : i32
    %sign3A_3 = arith.cmpi slt, %arg0, %sign3A_2 : i32
    %sign3A_4 = arith.extui %sign3A_3 : i1 to i32
    %sign3A_5 = arith.subi %sign3A_1, %sign3A_4 : i32
    %sign3A_6 = arith.constant 0 : i32
    %sign3A_7 = arith.cmpi sgt, %jit3A, %sign3A_6 : i32
    %sign3A_8 = arith.extui %sign3A_7 : i1 to i32
    %sign3A_9 = arith.constant 0 : i32
    %sign3A_10 = arith.cmpi slt, %jit3A, %sign3A_9 : i32
    %sign3A_11 = arith.extui %sign3A_10 : i1 to i32
    %sign3A_12 = arith.subi %sign3A_8, %sign3A_11 : i32
    %ne3A = arith.cmpi ne, %sign3A_5, %sign3A_12 : i32
    %rem3A = arith.remsi %arg0, %jit3A : i32
    %ne3A_13 = arith.constant 0 : i32
    %ne3A_14 = arith.cmpi ne, %rem3A, %ne3A_13 : i32
    %and3A = arith.andi %ne3A, %ne3A_14 : i1
    %sub3A = arith.constant 1 : i32
    %sub3A_15 = arith.subi %div3A, %sub3A : i32
    %select_n3A = arith.select %and3A, %sub3A_15, %div3A : i32
    %c0_i32 = arith.constant 0 : i32
    %c0_i32_16 = arith.constant 0 : i32
    %c0_i32_17 = arith.constant 0 : i32
    return %select_n3A, %c0_i32, %c0_i32_16 : i32, i32, i32
  }
  func.func @transform_5(%arg0: i32) -> (i32, i32, i32) {
    %jit3A = arith.constant 10 : i32
    %div3A = arith.divsi %arg0, %jit3A : i32
    %sign3A = arith.constant 0 : i32
    %sign3A_0 = arith.cmpi sgt, %arg0, %sign3A : i32
    %sign3A_1 = arith.extui %sign3A_0 : i1 to i32
    %sign3A_2 = arith.constant 0 : i32
    %sign3A_3 = arith.cmpi slt, %arg0, %sign3A_2 : i32
    %sign3A_4 = arith.extui %sign3A_3 : i1 to i32
    %sign3A_5 = arith.subi %sign3A_1, %sign3A_4 : i32
    %sign3A_6 = arith.constant 0 : i32
    %sign3A_7 = arith.cmpi sgt, %jit3A, %sign3A_6 : i32
    %sign3A_8 = arith.extui %sign3A_7 : i1 to i32
    %sign3A_9 = arith.constant 0 : i32
    %sign3A_10 = arith.cmpi slt, %jit3A, %sign3A_9 : i32
    %sign3A_11 = arith.extui %sign3A_10 : i1 to i32
    %sign3A_12 = arith.subi %sign3A_8, %sign3A_11 : i32
    %ne3A = arith.cmpi ne, %sign3A_5, %sign3A_12 : i32
    %rem3A = arith.remsi %arg0, %jit3A : i32
    %ne3A_13 = arith.constant 0 : i32
    %ne3A_14 = arith.cmpi ne, %rem3A, %ne3A_13 : i32
    %and3A = arith.andi %ne3A, %ne3A_14 : i1
    %sub3A = arith.constant 1 : i32
    %sub3A_15 = arith.subi %div3A, %sub3A : i32
    %select_n3A = arith.select %and3A, %sub3A_15, %div3A : i32
    %c0_i32 = arith.constant 0 : i32
    %c0_i32_16 = arith.constant 0 : i32
    %c0_i32_17 = arith.constant 0 : i32
    return %select_n3A, %c0_i32, %c0_i32_16 : i32, i32, i32
  }
  func.func @transform_6(%arg0: i32) -> (i32, i32) {
    %c0_i32 = arith.constant 0 : i32
    %c0_i32_0 = arith.constant 0 : i32
    %c0_i32_1 = arith.constant 0 : i32
    return %c0_i32, %c0_i32_0 : i32, i32
  }
  func.func @transform_7(%arg0: i32) -> (i32, i32) {
    %c0_i32 = arith.constant 0 : i32
    %c0_i32_0 = arith.constant 0 : i32
    %c0_i32_1 = arith.constant 0 : i32
    return %c0_i32, %c0_i32_0 : i32, i32
  }
  func.func @transform_8(%arg0: i32) -> (i32, i32) {
    %c0_i32 = arith.constant 0 : i32
    %c0_i32_0 = arith.constant 0 : i32
    %c0_i32_1 = arith.constant 0 : i32
    return %c0_i32, %c0_i32_0 : i32, i32
  }
  func.func @transform_9(%arg0: i32) -> (i32, i32) {
    %c0_i32 = arith.constant 0 : i32
    %c0_i32_0 = arith.constant 0 : i32
    %c0_i32_1 = arith.constant 0 : i32
    return %c0_i32, %c0_i32_0 : i32, i32
  }
  func.func @transform_10(%arg0: i32) -> (i32, i32) {
    %c0_i32 = arith.constant 0 : i32
    %c0_i32_0 = arith.constant 0 : i32
    return %arg0, %c0_i32 : i32, i32
  }
}

</mosaic_0001>

<sc_bundles>
// kernel: kernel.10.cloned.1.call-start
scs
__scs_entry_jumppad:
0x0: {  	(pc) =	sbr.rel $0x88, $3  }
0x1: {  	(tag) =	ssettag $0x0;
	lr =	simm.s32 $0x1  }
0x2: {  	[smem:$0x3F89] =	sst lr;
	_ =	strace $0xD0000000  }
0x3: {  	_ = 	snop  }
0x4: {  	_ = 	snop  }
0x5: {  	_ = 	snop  }
0x6: {  	_ = 	snop  }
0x7: {  	_ = 	snop  }
__scs_overlays_trampoline_lowered:
0x8: {  	[smem:$0x3F98] =	sst s0  }
0x9: {  	[smem:$0x3F99] =	sst s1  }
0xa: {  	[smem:$0x3F9A] =	sst s2  }
0xb: {  	[smem:$0x3F9B] =	sst s3  }
0xc: {  	[smem:$0x3F9C] =	sst s4  }
0xd: {  	[smem:$0x3F9D] =	sst s5  }
0xe: {  	[smem:$0x3F9E] =	sst s6  }
0xf: {  	[smem:$0x3F9F] =	sst s7  }
0x10: {  	[smem:$0x3FA0] =	sst s8  }
0x11: {  	[smem:$0x3FA1] =	sst s9;
	s0 =	simm.s32 @!p0 $0x0  }
0x12: {  	s1 =	sld [smem:$0x3F87];
	s0 =	simm.s32 @p0 $0x1  }
0x13: {  	[smem:$0x3FA2] =	sst s0;
	s0 =	simm.s32 @!p1 $0x0  }
0x14: {  	s2 =	sld [smem:$0x3F86];
	s0 =	simm.s32 @p1 $0x1  }
0x15: {  	[smem:$0x3FA3] =	sst s0;
	s0 =	simm.s32 @!p2 $0x0  }
0x16: {  	s3 =	sld [smem:$0x3FDB];
	s0 =	simm.s32 @p2 $0x1  }
0x17: {  	s4 =	simm.s32 $0x1BF5;
	[smem:$0x3FA5] =	sst s0  }
0x18: {  	s0 =	sld [smem:$0x3F88];
	_ =	swait.ge [sflag:s4], $0x0  }
0x19: {  	s7 =	sld [smem:$0x3F89]  }
0x1a: {  	s8 =	sadd.s32 $0xFFFFE003, lr  }
0x1b: {  	s9 =	sadd.s32 $0xFFFFFEF7, lr;
	s5 =	simm.s32 $0xFFFFFFFF;
	p2 =	slt.u32 s8, $0xFFFFF086  }
0x1c: {  	p1 =	slt.u32 s9, $0xF7A;
	s5 =	simm.s32 @!p2 $0x0  }
0x1d: {  	s5 =	simm.s32 @p1 $0x1;
	p0 =	seq.s32 s7, s2  }
0x1e: {  	s7 =	smul.u32 @!p0 $0xF7A, s2;
	p2 =	seq.s32 @!p0 s5, $0x0  }
0x1f: {  	s9 =	smul.u32 $0xF7A, s1;
	s8 =	simm.s32 @!p0 $0x1BF5;
	p2 =	por !p2, p0  }
0x20: {  	[sflag:s8] =	ssyncset.s32 @!p0 $0xFFFFF086;
	s6 =	sadd.s32 @!p0 s3, s7;
	s7 =	simm.s32 @!p0 $0x108  }
0x21: {  	s3 =	sadd.s32 s3, s9;
	s6 =	sadd.s32 @!p0 $0x88, s6;
	s7 =	simm.s32 @p2 $0x1082  }
0x22: {  	[simem:s7], [sflag:s8] =	dma.local @!p0 [hbm:s6], $0xF7A  }
0x23: {  	s9 =	sor.u32 $0xD0000000, s2;
	s6 =	simm.s32 $0x108;
	_ =	swait.ge @!p0 [sflag:s8], $0x0  }
0x24: {  	s3 =	sadd.s32 $0x88, s3;
	s6 =	simm.s32 @!p1 $0x1082;
	[sflag:s4] =	ssyncset.s32 $0xFFFFF086  }
0x25: {  	[simem:s6], [sflag:s4] =	dma.local [hbm:s3], $0xF7A  }
0x26: {  	[smem:$0x3F89] =	sst s1;
	(tag) =	ssettag s2;
	_ =	strace s9  }
0x27: {  	s1 =	sld [smem:$0x3F99]  }
0x28: {  	s2 =	sld [smem:$0x3F9A]  }
0x29: {  	s4 =	sld [smem:$0x3F9C]  }
0x2a: {  	p0 =	seq.s32 s5, $0x0;
	s5 =	sld [smem:$0x3F9D]  }
0x2b: {  	s6 =	sld [smem:$0x3F9E]  }
0x2c: {  	s7 =	sld [smem:$0x3F9F]  }
0x2d: {  	s3 =	simm.s32 $0x108;
	s8 =	sld [smem:$0x3FA0]  }
0x2e: {  	s3 =	simm.s32 @!p0 $0x1082;
	s9 =	sld [smem:$0x3FA1]  }
0x2f: {  	lr =	sadd.s32 s0, s3;
	s0 =	sld [smem:$0x3F98]  }
0x30: {  	s3 =	sld [smem:$0x3F9B]  }
0x31: {  	[smem:$0x3FA4] =	sst s10  }
0x32: {  	s10 =	sld [smem:$0x3FA2];
	_ =	sdelay $0x3  }
0x33: {  	p0 =	seq.s32 s10, $0x1;
	s10 =	sld [smem:$0x3FA4];
	_ =	sdelay $0x3  }
0x34: {  	[smem:$0x3FA4] =	sst s10  }
0x35: {  	s10 =	sld [smem:$0x3FA3];
	_ =	sdelay $0x3  }
0x36: {  	p1 =	seq.s32 s10, $0x1;
	s10 =	sld [smem:$0x3FA4];
	_ =	sdelay $0x3  }
0x37: {  	[smem:$0x3FA4] =	sst s10  }
0x38: {  	s10 =	sld [smem:$0x3FA5]  }
0x39: {  	_ = 	snop;
	(pc) =	sbr.ind lr, $3  }
0x3a: {  	_ = 	snop  }
0x3b: {  	_ = 	snop  }
0x3c: {  	p2 =	seq.s32 s10, $0x1;
	s10 =	sld [smem:$0x3FA4]  }
0x3d: {  	_ =	shalt  }
0x3e: {  	_ =	shalt  }
0x3f: {  	_ =	shalt  }
0x40: {  	_ =	shalt  }
0x41: {  	_ =	shalt  }
0x42: {  	_ =	shalt  }
0x43: {  	_ =	shalt  }
0x44: {  	_ =	shalt  }
0x45: {  	_ =	shalt  }
0x46: {  	_ =	shalt  }
0x47: {  	_ =	shalt  }
0x48: {  	_ =	shalt  }
0x49: {  	_ =	shalt  }
0x4a: {  	_ =	shalt  }
0x4b: {  	_ =	shalt  }
0x4c: {  	_ =	shalt  }
0x4d: {  	_ =	shalt  }
0x4e: {  	_ =	shalt  }
0x4f: {  	_ =	shalt  }
0x50: {  	_ =	shalt  }
0x51: {  	_ =	shalt  }
0x52: {  	_ =	shalt  }
0x53: {  	_ =	shalt  }
0x54: {  	_ =	shalt  }
0x55: {  	_ =	shalt  }
0x56: {  	_ =	shalt  }
0x57: {  	_ =	shalt  }
0x58: {  	_ =	shalt  }
0x59: {  	_ =	shalt  }
0x5a: {  	_ =	shalt  }
0x5b: {  	_ =	shalt  }
0x5c: {  	_ =	shalt  }
0x5d: {  	_ =	shalt  }
0x5e: {  	_ =	shalt  }
0x5f: {  	_ =	shalt  }
0x60: {  	_ =	shalt  }
0x61: {  	_ =	shalt  }
0x62: {  	_ =	shalt  }
0x63: {  	_ =	shalt  }
0x64: {  	_ =	shalt  }
0x65: {  	_ =	shalt  }
0x66: {  	_ =	shalt  }
0x67: {  	_ =	shalt  }
0x68: {  	_ =	shalt  }
0x69: {  	_ =	shalt  }
0x6a: {  	_ =	shalt  }
0x6b: {  	_ =	shalt  }
0x6c: {  	_ =	shalt  }
0x6d: {  	_ =	shalt  }
0x6e: {  	_ =	shalt  }
0x6f: {  	_ =	shalt  }
0x70: {  	_ =	shalt  }
0x71: {  	_ =	shalt  }
0x72: {  	_ =	shalt  }
0x73: {  	_ =	shalt  }
0x74: {  	_ =	shalt  }
0x75: {  	_ =	shalt  }
0x76: {  	_ =	shalt  }
0x77: {  	_ =	shalt  }
0x78: {  	_ =	shalt  }
0x79: {  	_ =	shalt  }
0x7a: {  	_ =	shalt  }
0x7b: {  	_ =	shalt  }
0x7c: {  	_ =	shalt  }
0x7d: {  	_ =	shalt  }
0x7e: {  	_ =	shalt  }
0x7f: {  	_ =	shalt  }
0x80: {  	_ =	shalt  }
0x81: {  	_ =	shalt  }
0x82: {  	_ =	shalt  }
0x83: {  	_ =	shalt  }
0x84: {  	_ =	shalt  }
0x85: {  	_ =	shalt  }
0x86: {  	_ =	shalt  }
0x87: {  	_ =	shalt  }
.Lfunc_end0:
.L_simem_size_0:
called_computation.1_lowered:
.L_overlay_start_0:
0x88: {  	s2 =	sld [smem:$0x3FD9]  }
0x89: {  	s3 =	sld [smem:$0x3FFE];
	_ =	sdelay $0x1  }
0x8a: {  	s1 =	srdreg.scid  }
0x8b: {  	s0 =	sand.u32 $0x1, s1  }
0x8c: {  	s16 =	sshll.u32 s0, $0xA;
	s2 =	sadd.s32 s3, s2  }
0x8d: {  	s2 =	sadd.s32 s2, s16  }
0x8e: {  	[smem:$0x3FB0] =	sst s2  }
0x8f: {  	_ = 	snop  }
0x90: {  	(tm) =	ssettm $0x1  }
0x91: {  	s17 =	sld [smem:$0x3FFB];
	_ =	sdelay $0x3  }
0x92: {  	_ =	strace s17  }
0x93: {  	s2 =	sld [smem:$0x3FFC];
	_ =	sdelay $0x3  }
0x94: {  	_ =	strace s2  }
0x95: {  	s2 =	sld [smem:$0x3FFD];
	_ =	sdelay $0x3  }
0x96: {  	_ =	strace s2  }
0x97: {  	_ =	strace $0x8FFFFFFF  }
0x98: {  	s18 =	sld [smem:$0x3FDB];
	_ =	sdelay $0x1  }
0x99: {  	s19 =	simm.s32 $_scs_section_size  }
0x9a: {  	s4 =	simm.s32 $_size__tile_overlayer_lowered;
	s5 =	simm.s32 $_tile_overlayer_lowered  }
0x9b: {  	s22 =	simm.s32 $0x1BFF;
	s21 =	sshll.u32 s5, $0x1;
	s2 =	sadd.s32 s19, s18  }
0x9c: {  	s6 =	simm.s32 $0x0;
	s20 =	sshll.u32 s4, $0x1;
	s4 =	sadd.s32 s21, s2  }
0x9d: {  	[timem:s6], [sflag:s22] =	dma.local [hbm:s4], s20  }
0x9e: {  	_ =	swait.ge [sflag:s22], s20  }
0x9f: {  	s3 =	ssub.s32 $0x0, s20;
	[sflag:s22] =	ssyncset.done $0x0  }
0xa0: {  	[sflag:s22] =	ssyncadd.s32 s3;
	_ =	sdelay $0x1  }
0xa1: {  	s23 =	simm.s32 $0x1B8B  }
0xa2: {  	_ =	swait.ge [sflag:s23], $0x1  }
0xa3: {  	[sflag:s23] =	ssyncset.done $0x0  }
0xa4: {  	s25 =	simm.s32 $0x1B8E;
	s24 =	sld [smem:$0x3FFE];
	[sflag:s23] =	ssyncadd.s32 $0xFFFFFFFF  }
0xa5: {  	s26 =	simm.s32 $execute0_lowered;
	[smem:$0x3FD2] =	sst s25  }
0xa6: {  	s4 =	sshll.u32 s26, $0x1;
	_ =	strace $0x80000049;
	[dreg:$0x1] =	wrdreg $0xFFFFFFFF  }
0xa7: {  	s28 =	simm.s32 $_size_execute0_lowered;
	s2 =	sadd.s32 s2, s4;
	[dreg:$0x0] =	wrdreg $0x0  }
0xa8: {  	s4 =	sshll.u32 s28, $0x1;
	[dreg:$0x2] =	wrdreg s2  }
0xa9: {  	[dreg:$0x3] =	wrdreg s4  }
0xaa: {  	[dreg:$0x4] =	wrdreg $0xC0  }
0xab: {  	_ =	task [dreg:s6], $0x5FFFF  }
0xac: {  	[dreg:$0x1] =	wrdreg $0xFFFFFFFF  }
0xad: {  	[dreg:$0x0] =	wrdreg $0x60  }
0xae: {  	[dreg:$0x2] =	wrdreg s24  }
0xaf: {  	[dreg:$0x3] =	wrdreg $0x83000  }
0xb0: {  	[dreg:$0x4] =	wrdreg $0x9  }
0xb1: {  	_ =	task.clear_ibuf [dreg:s6], $0x5FFFF;
	_ =	strace $0x90000049  }
0xb2: {  	s29 =	simm.s32 $0x9;
	_ =	strace $0x8000004B  }
0xb3: {  	_ =	swait.ge [sflag:s29], $0x1  }
0xb4: {  	[sflag:s29] =	ssyncadd.s32 $0xFFFFFFFF  }
0xb5: {  	_ =	strace $0x9000004B  }
0xb6: {  	_ =	sfence  }
0xb7: {  	s30 =	sld [smem:$0x0];
	_ =	sdelay $0x2  }
0xb8: {  	s31 =	sshll.u32 s1, $0xD;
	s1 =	sshrl.u32 s1, $0x2  }
0xb9: {  	s3 =	sand.u32 $0x4000, s31;
	s1 =	sadd.s32 s1, s30  }
0xba: {  	s0 =	sor.u32 s3, s0;
	s1 =	sshll.u32 s1, $0x11  }
0xbb: {  	s0 =	sor.u32 s1, s0  }
0xbc: {  	s0 =	sadd.s32 $0x8F2B, s0  }
0xbd: {  	[sflag:s0] =	ssyncadd.remote.s32 $0x1  }
0xbe: {  	_ =	sfence.sel $0xFFFF  }
0xbf: {  	[dreg:$0x0] =	wrdreg $0xFFFFFFFF;
	(pc) =	sbr.abs _section_cstart, $3  }
0xc0: {  	[dreg:$0x1] =	wrdreg $0xFFFFFFFF  }
0xc1: {  	_ =	task.clear_ibuf [dreg:s6], $0x2FFFF;
	_ =	strace $0x9FFFFFFF  }
0xc2: {  	(tm) =	ssettm $0x7FFFFFFF  }
0xc3: {  	_ =	shalt  }
tec
execute0_lowered:
.L_overlay_start_1:
0x0: {  	(tag) =	ssettag $0x1  }
0x1: {  	s1 =	rddreg [dreg:$0x0]  }
0x2: {  	s0 =	simm.s32 $0x0;
	s2 =	srdreg.scid;
	s18 =	stileid.u32  }
0x3: {  	[smem:$0x7FF] =	sst s0;
	s3 =	sadd.s32 $0x51600, s1;
	s4 =	sadd.s32 $0x65000, s1  }
0x4: {  	s5 =	sand.u32 $0x1, s2;
	s6 =	sadd.s32 $0x78A00, s1;
	s8 =	smul.u32 $0x13800, s18  }
0x5: {  	s22 =	sshll.u32 s18, $0xA;
	s2 =	ssub.s32 $0x2, s5;
	s13 =	smul.u32 $0x138800, s5  }
0x6: {  	s9 =	sshll.u32 s5, $0x4;
	s5 =	smul.u32 $0x4E200, s5;
	s7 =	sshrl.u32 s2, $0x1  }
0x7: {  	s9 =	sor.u32 s18, s9;
	s10 =	sadd.s32 $0x4000, s8;
	s11 =	sadd.s32 $0x8000, s8  }
0x8: {  	s12 =	sadd.s32 $0xC000, s8;
	s14 =	sadd.s32 $0x10000, s8;
	s2 =	ssub.s32 s2, s7  }
0x9: {  	s7 =	sand.u32 $0x400, s22;
	s9 =	smul.u32 $0x4E20, s9;
	s8 =	sadd.s32 s8, s13  }
0xa: {  	s25 =	sadd.s32 s13, s10;
	s26 =	sadd.s32 s13, s11;
	s17 =	sadd.s32 s13, s12  }
0xb: {  	s21 =	sadd.s32 s13, s14;
	s22 =	smul.u32 $0x4E20, s18;
	s8 =	sshrl.u32 s8, $0x3  }
0xc: {  	s7 =	sor.u32 $0x138000, s7;
	s17 =	sshrl.u32 s17, $0x3;
	s8 =	sadd.s32 s6, s8  }
0xd: {  	s9 =	sshrl.u32 s9, $0x3;
	s20 =	sadd.s32 s6, s17;
	[dreg:$0x7] =	wrdreg s8  }
0xe: {  	s15 =	sadd.s32 s3, s9;
	s23 =	sadd.s32 $0x10, s9;
	[dreg:$0xa] =	wrdreg s20  }
0xf: {  	s13 =	sadd.s32 s13, s7;
	[dreg:$0x3] =	wrdreg s15;
	s16 =	sadd.s32 s3, s23  }
0x10: {  	s8 =	sshrl.u32 s25, $0x3;
	s15 =	sadd.s32 s4, s23;
	[dreg:$0x4] =	wrdreg s16  }
0x11: {  	s8 =	sadd.s32 s6, s8;
	s23 =	sadd.s32 $0x9B0, s9;
	[dreg:$0x5] =	wrdreg s15  }
0x12: {  	s16 =	sadd.s32 $0x20, s9;
	[dreg:$0x8] =	wrdreg s8;
	s25 =	sadd.s32 s3, s23  }
0x13: {  	s15 =	sshrl.u32 s26, $0x3;
	s26 =	sadd.s32 s4, s9;
	[dreg:$0xe] =	wrdreg s25  }
0x14: {  	s5 =	sadd.s32 s22, s5;
	s24 =	sadd.s32 s3, s16;
	[dreg:$0x10] =	wrdreg s26  }
0x15: {  	s8 =	sshrl.u32 s21, $0x3;
	s19 =	sadd.s32 s6, s15;
	[dreg:$0x6] =	wrdreg s24  }
0x16: {  	s13 =	sshrl.u32 s13, $0x3;
	s8 =	sadd.s32 s6, s8;
	[dreg:$0x9] =	wrdreg s19  }
0x17: {  	s6 =	sadd.s32 s6, s13;
	s13 =	sadd.s32 $0x200, s5;
	[dreg:$0xb] =	wrdreg s8  }
0x18: {  	s5 =	sadd.s32 $0x180, s5;
	[dreg:$0xc] =	wrdreg s6;
	s24 =	sadd.s32 s4, s16  }
0x19: {  	s6 =	sadd.s32 s4, s23;
	s8 =	sadd.s32 $0x9C0, s9;
	s15 =	sshrl.u32 s13, $0x3  }
0x1a: {  	s5 =	sshrl.u32 s5, $0x3;
	s19 =	rddreg [dreg:$0x1];
	s16 =	smul.u32 $0x4E000, s18  }
0x1b: {  	s18 =	smax.u32 s2, $0x1;
	s2 =	simm.s32 $0x7;
	[dreg:$0xd] =	wrdreg s24  }
0x1c: {  	[dreg:$0xf] =	wrdreg s6;
	s9 =	sadd.s32 s3, s8;
	s6 =	sadd.s32 s4, s8  }
0x1d: {  	s20 =	sadd.s32 s15, s4;
	s21 =	sadd.s32 s15, s3;
	s22 =	sadd.s32 s5, s4  }
0x1e: {  	s23 =	sadd.s32 s5, s3;
	s24 =	sadd.s32 $0x3400, s1;
	s26 =	sadd.s32 s10, s19  }
0x1f: {  	s28 =	sadd.s32 s11, s19;
	s29 =	sadd.s32 s12, s19;
	s30 =	sadd.s32 s14, s19  }
0x20: {  	s31 =	sadd.s32 s7, s19;
	s1 =	simm.s32 $0x300;
	s3 =	simm.s32 $0x100  }
0x21: {  	s4 =	simm.s32 $0x80;
	s5 =	simm.s32 $0x180;
	s7 =	simm.s32 $0x1  }
0x22: {  	s8 =	simm.s32 $0x6;
	s10 =	simm.s32 $0x3;
	s11 =	simm.s32 $0x2  }
0x23: {  	s12 =	simm.s32 $0x4;
	s14 =	simm.s32 $0x280;
	[dreg:$0x11] =	wrdreg s9  }
0x24: {  	s15 =	simm.s32 $0x20;
	[dreg:$0x12] =	wrdreg s6;
	s17 =	sshrl.u32 s16, $0x2  }
0x25: {  	s6 =	simm.s32 $0x5;
	s9 =	simm.s32 $0x4300;
	s16 =	simm.s32 $0x0  }
0x26: {  	v0 =	vimm.f32 $0.0e+00;
	_ =	strace $0x8000004A;
	s25 =	sadd.s32 s17, s19;
	[dreg:$0x13] =	wrdreg s18  }
.LBB2_1:
0x27: {  	s17 =	simm.s32 $0x0;
	s18 =	simm.s32 $0x200  }
.LBB2_2:
0x28: {  	p0 =	sne.s32 s18, $0xFE00;
	[tilespmem:s17+$0x370] =	vst v0  }
0x29: {  	[tilespmem:s17+$0x300] =	vst v0  }
0x2a: {  	[tilespmem:s17+$0x310] =	vst v0  }
.Ltmp0:
0x2b: {  	[tilespmem:s17+$0x320] =	vst v0;
	(pc) =	sbr.rel @p0 .LBB2_2-.Ltmp0, $4  }
0x2c: {  	[tilespmem:s17+$0x330] =	vst v0  }
0x2d: {  	[tilespmem:s17+$0x340] =	vst v0  }
0x2e: {  	[tilespmem:s17+$0x350] =	vst v0  }
0x2f: {  	[tilespmem:s17+$0x360] =	vst v0;
	s17 =	sshra.s32 s18, $0x2;
	s18 =	sadd.s32 $0x200, s18  }
0x30: {  	[tilespmem:s17+$0x370] =	vst v0  }
0x31: {  	[tilespmem:s17+$0x300] =	vst v0  }
0x32: {  	[tilespmem:s17+$0x310] =	vst v0  }
0x33: {  	[tilespmem:s17+$0x320] =	vst v0  }
0x34: {  	[tilespmem:s17+$0x330] =	vst v0  }
0x35: {  	[tilespmem:s17+$0x340] =	vst v0  }
0x36: {  	[tilespmem:s17+$0x350] =	vst v0  }
0x37: {  	[tilespmem:s17+$0x360] =	vst v0  }
0x38: {  	[spmem:s25] =	stream.linear.scatter [tilespmem:s1], [sflag:$0x7], $0x4000, $0x38;
	[tilespmem:$0x1BB80] =	vst v63  }
0x39: {  	_ =	swait.ge [sflag:s2], $0x4000  }
0x3a: {  	[sflag:s2] =	ssyncset.done $0x0  }
0x3b: {  	[sflag:s2] =	ssyncadd.s32 $0xFFFFC000  }
0x3c: {  	[spmem:s26] =	stream.linear.scatter [tilespmem:s1], [sflag:$0x7], $0x4000, $0x38;
	[tilespmem:$0x1BB80] =	vst v63  }
0x3d: {  	_ =	swait.ge [sflag:s2], $0x4000  }
0x3e: {  	[sflag:s2] =	ssyncset.done $0x0  }
0x3f: {  	[sflag:s2] =	ssyncadd.s32 $0xFFFFC000  }
0x40: {  	[spmem:s28] =	stream.linear.scatter [tilespmem:s1], [sflag:$0x7], $0x4000, $0x38;
	[tilespmem:$0x1BB80] =	vst v63  }
0x41: {  	_ =	swait.ge [sflag:s2], $0x4000  }
0x42: {  	[sflag:s2] =	ssyncset.done $0x0  }
0x43: {  	[sflag:s2] =	ssyncadd.s32 $0xFFFFC000  }
0x44: {  	[spmem:s29] =	stream.linear.scatter [tilespmem:s1], [sflag:$0x7], $0x4000, $0x38;
	[tilespmem:$0x1BB80] =	vst v63  }
0x45: {  	_ =	swait.ge [sflag:s2], $0x4000  }
0x46: {  	[sflag:s2] =	ssyncset.done $0x0  }
0x47: {  	[sflag:s2] =	ssyncadd.s32 $0xFFFFC000  }
0x48: {  	[spmem:s30] =	stream.linear.scatter [tilespmem:s1], [sflag:$0x7], $0x3800, $0x38;
	[tilespmem:$0x1BB80] =	vst v63  }
0x49: {  	_ =	swait.ge [sflag:s2], $0x3800  }
0x4a: {  	[sflag:s2] =	ssyncset.done $0x0  }
0x4b: {  	[sflag:s2] =	ssyncadd.s32 $0xFFFFC800  }
0x4c: {  	[spmem:s31] =	stream.linear.scatter [tilespmem:s1], [sflag:$0x7], $0x400, $0x38;
	[tilespmem:$0x1BB80] =	vst v63  }
0x4d: {  	_ =	swait.ge [sflag:s2], $0x400  }
0x4e: {  	[sflag:s2] =	ssyncset.done $0x0  }
0x4f: {  	[sflag:s2] =	ssyncadd.s32 $0xFFFFFC00  }
0x50: {  	[bflag:$0x0] =	sbarrier.arrive $0xFFFF  }
0x51: {  	s17 =	simm.s32 $0x0;
	s13 =	rddreg [dreg:$0x3]  }
0x52: {  	[tilespmem:s17], [sflag:$0x5] =	stream.linear.gather [hbm4b:s13+s17], $0x80, $0x38;
	[tilespmem:$0x1BB80] =	vst v63  }
0x53: {  	s18 =	rddreg [dreg:$0x10]  }
0x54: {  	[tilespmem:s3], [sflag:$0x5] =	stream.linear.gather [hbm4b:s18+s17], $0x80, $0x38;
	[tilespmem:$0x1BB80] =	vst v63  }
0x55: {  	s18 =	rddreg [dreg:$0x4]  }
0x56: {  	[tilespmem:s4], [sflag:$0x6] =	stream.linear.gather [hbm4b:s18+s17], $0x80, $0x38;
	[tilespmem:$0x1BB80] =	vst v63  }
0x57: {  	s18 =	rddreg [dreg:$0x5]  }
0x58: {  	[tilespmem:s5], [sflag:$0x6] =	stream.linear.gather [hbm4b:s18+s17], $0x80, $0x38;
	[tilespmem:$0x1BB80] =	vst v63  }
0x59: {  	_ =	swait.ge [sflag:s6], $0x80  }
0x5a: {  	[sflag:s6] =	ssyncset.done $0x0  }
0x5b: {  	[sflag:s6] =	ssyncadd.s32 $0xFFFFFF80  }
0x5c: {  	_ =	swait.ge [sflag:s6], $0x80  }
0x5d: {  	[sflag:s6] =	ssyncset.done $0x0  }
0x5e: {  	[sflag:s6] =	ssyncadd.s32 $0xFFFFFF80  }
0x5f: {  	[tilespmem:s1], [sflag:$0x1] =	stream.indirect.gather [hbm4b:s24+s4], $0x80, s17, s4, $0xb8;
	[tilespmem:$0x1BB80] =	vst v63  }
0x60: {  	_ =	swait.ge [sflag:s7], $0x4000  }
0x61: {  	[sflag:s7] =	ssyncset.done $0x0  }
0x62: {  	[sflag:s7] =	ssyncadd.s32 $0xFFFFC000  }
0x63: {  	[spmem:s19] =	stream.indirect.scatter.add.f32 [tilespmem:s1], [sflag:$0x3], $0x80, s3, s4, $0xb8;
	[tilespmem:$0x1BB80] =	vst v63  }
0x64: {  	_ =	swait.ge [sflag:s8], $0x80  }
0x65: {  	[sflag:s8] =	ssyncset.done $0x0  }
0x66: {  	[sflag:s8] =	ssyncadd.s32 $0xFFFFFF80  }
0x67: {  	_ =	swait.ge [sflag:s8], $0x80  }
0x68: {  	[sflag:s8] =	ssyncset.done $0x0  }
0x69: {  	[sflag:s8] =	ssyncadd.s32 $0xFFFFFF80  }
0x6a: {  	[tilespmem:s9], [sflag:$0x2] =	stream.indirect.gather [hbm4b:s24+s4], $0x80, s4, s4, $0xb8;
	[tilespmem:$0x1BB80] =	vst v63  }
0x6b: {  	_ =	swait.ge [sflag:s10], $0x4000  }
0x6c: {  	[sflag:s10] =	ssyncset.done $0x0  }
0x6d: {  	s18 =	rddreg [dreg:$0x6];
	[sflag:s10] =	ssyncadd.s32 $0xFFFFC000  }
0x6e: {  	[tilespmem:s17], [sflag:$0x5] =	stream.linear.gather [hbm4b:s18+s17], $0x80, $0x38;
	[tilespmem:$0x1BB80] =	vst v63  }
0x6f: {  	s18 =	rddreg [dreg:$0xd]  }
0x70: {  	[tilespmem:s3], [sflag:$0x5] =	stream.linear.gather [hbm4b:s18+s17], $0x80, $0x38;
	[tilespmem:$0x1BB80] =	vst v63  }
0x71: {  	_ =	swait.ge [sflag:s11], $0x4000  }
0x72: {  	[sflag:s11] =	ssyncset.done $0x0  }
0x73: {  	[sflag:s11] =	ssyncadd.s32 $0xFFFFC000  }
0x74: {  	[spmem:s19] =	stream.indirect.scatter.add.f32 [tilespmem:s9], [sflag:$0x4], $0x80, s5, s4, $0xb8;
	[tilespmem:$0x1BB80] =	vst v63  }
0x75: {  	_ =	swait.ge [sflag:s6], $0x80  }
0x76: {  	[sflag:s6] =	ssyncset.done $0x0  }
0x77: {  	[sflag:s6] =	ssyncadd.s32 $0xFFFFFF80  }
0x78: {  	_ =	swait.ge [sflag:s6], $0x80  }
0x79: {  	[sflag:s6] =	ssyncset.done $0x0  }
0x7a: {  	[sflag:s6] =	ssyncadd.s32 $0xFFFFFF80  }
0x7b: {  	[tilespmem:s1], [sflag:$0x1] =	stream.indirect.gather [hbm4b:s24+s4], $0x80, s0, s4, $0xb8;
	[tilespmem:$0x1BB80] =	vst v63  }
0x7c: {  	_ =	swait.ge [sflag:s7], $0x4000  }
0x7d: {  	[sflag:s7] =	ssyncset.done $0x0  }
0x7e: {  	[sflag:s7] =	ssyncadd.s32 $0xFFFFC000  }
0x7f: {  	_ =	swait.ge [sflag:s12], $0x4000  }
0x80: {  	[sflag:s12] =	ssyncset.done $0x0  }
0x81: {  	[sflag:s12] =	ssyncadd.s32 $0xFFFFC000  }
0x82: {  	[spmem:s19] =	stream.indirect.scatter.add.f32 [tilespmem:s1], [sflag:$0x3], $0x80, s3, s4, $0xb8;
	[tilespmem:$0x1BB80] =	vst v63  }
0x83: {  	s13 =	sadd.s32 $0x0, s23  }
0x84: {  	[tilespmem:s4], [sflag:$0x6] =	stream.linear.gather [hbm4b:s13+s0], $0x80, $0x38;
	[tilespmem:$0x1BB80] =	vst v63  }
0x85: {  	s18 =	sadd.s32 $0x0, s22  }
0x86: {  	[tilespmem:s5], [sflag:$0x6] =	stream.linear.gather [hbm4b:s18+s0], $0x80, $0x38;
	[tilespmem:$0x1BB80] =	vst v63  }
0x87: {  	_ =	swait.ge [sflag:s8], $0x80  }
0x88: {  	[sflag:s8] =	ssyncset.done $0x0  }
0x89: {  	[sflag:s8] =	ssyncadd.s32 $0xFFFFFF80  }
0x8a: {  	_ =	swait.ge [sflag:s8], $0x80  }
0x8b: {  	[sflag:s8] =	ssyncset.done $0x0  }
0x8c: {  	[sflag:s8] =	ssyncadd.s32 $0xFFFFFF80  }
0x8d: {  	[tilespmem:s9], [sflag:$0x2] =	stream.indirect.gather [hbm4b:s24+s4], $0x80, s4, s4, $0xb8;
	[tilespmem:$0x1BB80] =	vst v63  }
0x8e: {  	_ =	swait.ge [sflag:s10], $0x4000  }
0x8f: {  	[sflag:s10] =	ssyncset.done $0x0  }
0x90: {  	s13 =	sadd.s32 $0x0, s21;
	[sflag:s10] =	ssyncadd.s32 $0xFFFFC000  }
0x91: {  	[tilespmem:s0], [sflag:$0x5] =	stream.linear.gather [hbm4b:s13+s0], $0x80, $0x38;
	[tilespmem:$0x1BB80] =	vst v63  }
0x92: {  	s18 =	sadd.s32 $0x0, s20  }
0x93: {  	[tilespmem:s3], [sflag:$0x5] =	stream.linear.gather [hbm4b:s18+s0], $0x80, $0x38;
	[tilespmem:$0x1BB80] =	vst v63  }
0x94: {  	_ =	swait.ge [sflag:s11], $0x4000  }
0x95: {  	[sflag:s11] =	ssyncset.done $0x0  }
0x96: {  	s17 =	simm.s32 $0x20;
	[sflag:s11] =	ssyncadd.s32 $0xFFFFC000  }
.LBB2_4:
0x97: {  	[spmem:s19] =	stream.indirect.scatter.add.f32 [tilespmem:s9], [sflag:$0x4], $0x80, s5, s4, $0xb8;
	[tilespmem:$0x1BB80] =	vst v63  }
0x98: {  	s18 =	smov.u32 s17  }
0x99: {  	p0 =	sne.s32 s17, $0x960;
	s17 =	sadd.s32 $0x20, s17;
	_ =	swait.ge [sflag:s6], $0x80  }
0x9a: {  	[sflag:s6] =	ssyncset.done $0x0  }
0x9b: {  	[sflag:s6] =	ssyncadd.s32 $0xFFFFFF80  }
0x9c: {  	_ =	swait.ge [sflag:s6], $0x80  }
0x9d: {  	[sflag:s6] =	ssyncset.done $0x0  }
0x9e: {  	[sflag:s6] =	ssyncadd.s32 $0xFFFFFF80  }
0x9f: {  	[tilespmem:s1], [sflag:$0x1] =	stream.indirect.gather [hbm4b:s24+s4], $0x80, s0, s4, $0xb8;
	[tilespmem:$0x1BB80] =	vst v63  }
0xa0: {  	_ =	swait.ge [sflag:s7], $0x4000  }
0xa1: {  	[sflag:s7] =	ssyncset.done $0x0  }
0xa2: {  	[sflag:s7] =	ssyncadd.s32 $0xFFFFC000  }
0xa3: {  	_ =	swait.ge [sflag:s12], $0x4000  }
0xa4: {  	[sflag:s12] =	ssyncset.done $0x0  }
0xa5: {  	[sflag:s12] =	ssyncadd.s32 $0xFFFFC000  }
0xa6: {  	[spmem:s19] =	stream.indirect.scatter.add.f32 [tilespmem:s1], [sflag:$0x3], $0x80, s3, s4, $0xb8;
	[tilespmem:$0x1BB80] =	vst v63  }
0xa7: {  	s13 =	sadd.s32 s18, s23  }
0xa8: {  	[tilespmem:s4], [sflag:$0x6] =	stream.linear.gather [hbm4b:s13+s0], $0x80, $0x38;
	[tilespmem:$0x1BB80] =	vst v63  }
0xa9: {  	s13 =	sadd.s32 s18, s22  }
0xaa: {  	[tilespmem:s5], [sflag:$0x6] =	stream.linear.gather [hbm4b:s13+s0], $0x80, $0x38;
	[tilespmem:$0x1BB80] =	vst v63  }
0xab: {  	_ =	swait.ge [sflag:s8], $0x80  }
0xac: {  	[sflag:s8] =	ssyncset.done $0x0  }
0xad: {  	[sflag:s8] =	ssyncadd.s32 $0xFFFFFF80  }
0xae: {  	_ =	swait.ge [sflag:s8], $0x80  }
0xaf: {  	[sflag:s8] =	ssyncset.done $0x0  }
0xb0: {  	[sflag:s8] =	ssyncadd.s32 $0xFFFFFF80  }
0xb1: {  	[tilespmem:s9], [sflag:$0x2] =	stream.indirect.gather [hbm4b:s24+s4], $0x80, s4, s4, $0xb8;
	[tilespmem:$0x1BB80] =	vst v63  }
0xb2: {  	_ =	swait.ge [sflag:s10], $0x4000  }
0xb3: {  	[sflag:s10] =	ssyncset.done $0x0  }
0xb4: {  	s13 =	sadd.s32 s18, s21;
	[sflag:s10] =	ssyncadd.s32 $0xFFFFC000  }
0xb5: {  	[tilespmem:s0], [sflag:$0x5] =	stream.linear.gather [hbm4b:s13+s0], $0x80, $0x38;
	[tilespmem:$0x1BB80] =	vst v63  }
.Ltmp1:
0xb6: {  	s13 =	sadd.s32 s18, s20;
	(pc) =	sbr.rel @p0 .LBB2_4-.Ltmp1, $4  }
0xb7: {  	[tilespmem:s3], [sflag:$0x5] =	stream.linear.gather [hbm4b:s13+s0], $0x80, $0x38;
	[tilespmem:$0x1BB80] =	vst v63  }
0xb8: {  	_ =	swait.ge [sflag:s11], $0x4000  }
0xb9: {  	[sflag:s11] =	ssyncset.done $0x0  }
0xba: {  	[sflag:s11] =	ssyncadd.s32 $0xFFFFC000  }
0xbb: {  	[spmem:s19] =	stream.indirect.scatter.add.f32 [tilespmem:s9], [sflag:$0x4], $0x80, s5, s4, $0xb8;
	[tilespmem:$0x1BB80] =	vst v63  }
0xbc: {  	_ =	swait.ge [sflag:s6], $0x80  }
0xbd: {  	[sflag:s6] =	ssyncset.done $0x0  }
0xbe: {  	[sflag:s6] =	ssyncadd.s32 $0xFFFFFF80  }
0xbf: {  	_ =	swait.ge [sflag:s6], $0x80  }
0xc0: {  	[sflag:s6] =	ssyncset.done $0x0  }
0xc1: {  	[sflag:s6] =	ssyncadd.s32 $0xFFFFFF80  }
0xc2: {  	[tilespmem:s1], [sflag:$0x1] =	stream.indirect.gather [hbm4b:s24+s4], $0x80, s0, s4, $0xb8;
	[tilespmem:$0x1BB80] =	vst v63  }
0xc3: {  	_ =	swait.ge [sflag:s7], $0x4000  }
0xc4: {  	[sflag:s7] =	ssyncset.done $0x0  }
0xc5: {  	[sflag:s7] =	ssyncadd.s32 $0xFFFFC000  }
0xc6: {  	_ =	swait.ge [sflag:s12], $0x4000  }
0xc7: {  	[sflag:s12] =	ssyncset.done $0x0  }
0xc8: {  	[sflag:s12] =	ssyncadd.s32 $0xFFFFC000  }
0xc9: {  	[spmem:s19] =	stream.indirect.scatter.add.f32 [tilespmem:s1], [sflag:$0x3], $0x80, s3, s4, $0xb8;
	[tilespmem:$0x1BB80] =	vst v63  }
0xca: {  	s13 =	rddreg [dreg:$0xe]  }
0xcb: {  	[tilespmem:s4], [sflag:$0x6] =	stream.linear.gather [hbm4b:s13+s0], $0x80, $0x38;
	[tilespmem:$0x1BB80] =	vst v63  }
0xcc: {  	s17 =	rddreg [dreg:$0xf]  }
0xcd: {  	[tilespmem:s5], [sflag:$0x6] =	stream.linear.gather [hbm4b:s17+s0], $0x80, $0x38;
	[tilespmem:$0x1BB80] =	vst v63  }
0xce: {  	_ =	swait.ge [sflag:s8], $0x80  }
0xcf: {  	[sflag:s8] =	ssyncset.done $0x0  }
0xd0: {  	[sflag:s8] =	ssyncadd.s32 $0xFFFFFF80  }
0xd1: {  	_ =	swait.ge [sflag:s8], $0x80  }
0xd2: {  	[sflag:s8] =	ssyncset.done $0x0  }
0xd3: {  	[sflag:s8] =	ssyncadd.s32 $0xFFFFFF80  }
0xd4: {  	[tilespmem:s9], [sflag:$0x2] =	stream.indirect.gather [hbm4b:s24+s4], $0x80, s4, s4, $0xb8;
	[tilespmem:$0x1BB80] =	vst v63  }
0xd5: {  	_ =	swait.ge [sflag:s10], $0x4000  }
0xd6: {  	[sflag:s10] =	ssyncset.done $0x0  }
0xd7: {  	s17 =	simm.s32 $0x200;
	s18 =	rddreg [dreg:$0x11];
	[sflag:s10] =	ssyncadd.s32 $0xFFFFC000  }
0xd8: {  	[tilespmem:s17], [sflag:$0x7] =	stream.linear.gather [hbm4b:s18+s0], $0x20, $0x38;
	[tilespmem:$0x1BB80] =	vst v63  }
0xd9: {  	_ =	swait.ge [sflag:s2], $0x20  }
0xda: {  	[sflag:s2] =	ssyncset.done $0x0  }
0xdb: {  	s18 =	rddreg [dreg:$0x12];
	[sflag:s2] =	ssyncadd.s32 $0xFFFFFFE0  }
0xdc: {  	[tilespmem:s14], [sflag:$0x7] =	stream.linear.gather [hbm4b:s18+s0], $0x20, $0x38;
	[tilespmem:$0x1BB80] =	vst v63  }
0xdd: {  	_ =	swait.ge [sflag:s2], $0x20  }
0xde: {  	[sflag:s2] =	ssyncset.done $0x0  }
0xdf: {  	[sflag:s2] =	ssyncadd.s32 $0xFFFFFFE0  }
0xe0: {  	[tilespmem:s1], [sflag:$0x7] =	stream.indirect.gather [hbm4b:s24+s15], $0x80, s17, s15, $0xb8;
	[tilespmem:$0x1BB80] =	vst v63  }
0xe1: {  	_ =	swait.ge [sflag:s2], $0x1000  }
0xe2: {  	[sflag:s2] =	ssyncset.done $0x0  }
0xe3: {  	[sflag:s2] =	ssyncadd.s32 $0xFFFFF000  }
0xe4: {  	_ =	swait.ge [sflag:s11], $0x4000  }
0xe5: {  	[sflag:s11] =	ssyncset.done $0x0  }
0xe6: {  	[sflag:s11] =	ssyncadd.s32 $0xFFFFC000  }
0xe7: {  	[spmem:s19] =	stream.indirect.scatter.add.f32 [tilespmem:s9], [sflag:$0x4], $0x80, s5, s4, $0xb8;
	[tilespmem:$0x1BB80] =	vst v63  }
0xe8: {  	_ = 	snop  }
0xe9: {  	[spmem:s19] =	stream.indirect.scatter.add.f32 [tilespmem:s1], [sflag:$0x7], $0x80, s14, s15, $0xb8;
	[tilespmem:$0x1BB80] =	vst v63  }
0xea: {  	_ =	swait.ge [sflag:s2], $0x1000  }
0xeb: {  	[sflag:s2] =	ssyncset.done $0x0  }
0xec: {  	[sflag:s2] =	ssyncadd.s32 $0xFFFFF000  }
0xed: {  	_ =	swait.ge [sflag:s12], $0x4000  }
0xee: {  	[sflag:s12] =	ssyncset.done $0x0  }
0xef: {  	[sflag:s12] =	ssyncadd.s32 $0xFFFFC000  }
0xf0: {  	[bflag:$0x0] =	sbarrier.arrive $0xFFFF  }
0xf1: {  	[tilespmem:s1], [sflag:$0x7] =	stream.linear.gather [spmem:s25], $0x4000, $0x38;
	[tilespmem:$0x1BB80] =	vst v63  }
0xf2: {  	_ =	swait.ge [sflag:s2], $0x4000  }
0xf3: {  	[sflag:s2] =	ssyncset.done $0x0  }
0xf4: {  	s18 =	rddreg [dreg:$0x7];
	[sflag:s2] =	ssyncadd.s32 $0xFFFFC000  }
0xf5: {  	[hbm4b:s18+s0] =	stream.linear.scatter [tilespmem:s1], [sflag:$0x7], $0x4000, $0x38;
	[tilespmem:$0x1BB80] =	vst v63  }
0xf6: {  	_ =	swait.ge [sflag:s2], $0x4000  }
0xf7: {  	[sflag:s2] =	ssyncset.done $0x0  }
0xf8: {  	[sflag:s2] =	ssyncadd.s32 $0xFFFFC000  }
0xf9: {  	[tilespmem:s1], [sflag:$0x7] =	stream.linear.gather [spmem:s26], $0x4000, $0x38;
	[tilespmem:$0x1BB80] =	vst v63  }
0xfa: {  	_ =	swait.ge [sflag:s2], $0x4000  }
0xfb: {  	[sflag:s2] =	ssyncset.done $0x0  }
0xfc: {  	s17 =	rddreg [dreg:$0x8];
	[sflag:s2] =	ssyncadd.s32 $0xFFFFC000  }
0xfd: {  	[hbm4b:s17+s0] =	stream.linear.scatter [tilespmem:s1], [sflag:$0x7], $0x4000, $0x38;
	[tilespmem:$0x1BB80] =	vst v63  }
0xfe: {  	_ =	swait.ge [sflag:s2], $0x4000  }
0xff: {  	[sflag:s2] =	ssyncset.done $0x0  }
0x100: {  	[sflag:s2] =	ssyncadd.s32 $0xFFFFC000  }
0x101: {  	[tilespmem:s1], [sflag:$0x7] =	stream.linear.gather [spmem:s28], $0x4000, $0x38;
	[tilespmem:$0x1BB80] =	vst v63  }
0x102: {  	_ =	swait.ge [sflag:s2], $0x4000  }
0x103: {  	[sflag:s2] =	ssyncset.done $0x0  }
0x104: {  	s18 =	rddreg [dreg:$0x9];
	[sflag:s2] =	ssyncadd.s32 $0xFFFFC000  }
0x105: {  	[hbm4b:s18+s0] =	stream.linear.scatter [tilespmem:s1], [sflag:$0x7], $0x4000, $0x38;
	[tilespmem:$0x1BB80] =	vst v63  }
0x106: {  	_ =	swait.ge [sflag:s2], $0x4000  }
0x107: {  	[sflag:s2] =	ssyncset.done $0x0  }
0x108: {  	[sflag:s2] =	ssyncadd.s32 $0xFFFFC000  }
0x109: {  	[tilespmem:s1], [sflag:$0x7] =	stream.linear.gather [spmem:s29], $0x4000, $0x38;
	[tilespmem:$0x1BB80] =	vst v63  }
0x10a: {  	_ =	swait.ge [sflag:s2], $0x4000  }
0x10b: {  	[sflag:s2] =	ssyncset.done $0x0  }
0x10c: {  	s17 =	rddreg [dreg:$0xa];
	[sflag:s2] =	ssyncadd.s32 $0xFFFFC000  }
0x10d: {  	[hbm4b:s17+s0] =	stream.linear.scatter [tilespmem:s1], [sflag:$0x7], $0x4000, $0x38;
	[tilespmem:$0x1BB80] =	vst v63  }
0x10e: {  	_ =	swait.ge [sflag:s2], $0x4000  }
0x10f: {  	[sflag:s2] =	ssyncset.done $0x0  }
0x110: {  	[sflag:s2] =	ssyncadd.s32 $0xFFFFC000  }
0x111: {  	[tilespmem:s1], [sflag:$0x7] =	stream.linear.gather [spmem:s30], $0x3800, $0x38;
	[tilespmem:$0x1BB80] =	vst v63  }
0x112: {  	_ =	swait.ge [sflag:s2], $0x3800  }
0x113: {  	[sflag:s2] =	ssyncset.done $0x0  }
0x114: {  	s18 =	rddreg [dreg:$0xb];
	[sflag:s2] =	ssyncadd.s32 $0xFFFFC800  }
0x115: {  	[hbm4b:s18+s0] =	stream.linear.scatter [tilespmem:s1], [sflag:$0x7], $0x3800, $0x38;
	[tilespmem:$0x1BB80] =	vst v63  }
0x116: {  	_ =	swait.ge [sflag:s2], $0x3800  }
0x117: {  	[sflag:s2] =	ssyncset.done $0x0  }
0x118: {  	[sflag:s2] =	ssyncadd.s32 $0xFFFFC800  }
0x119: {  	[tilespmem:s1], [sflag:$0x7] =	stream.linear.gather [spmem:s31], $0x400, $0x38;
	[tilespmem:$0x1BB80] =	vst v63  }
0x11a: {  	_ =	swait.ge [sflag:s2], $0x400  }
0x11b: {  	[sflag:s2] =	ssyncset.done $0x0  }
0x11c: {  	s17 =	rddreg [dreg:$0xc];
	[sflag:s2] =	ssyncadd.s32 $0xFFFFFC00  }
0x11d: {  	[hbm4b:s17+s0] =	stream.linear.scatter [tilespmem:s1], [sflag:$0x7], $0x400, $0x38;
	[tilespmem:$0x1BB80] =	vst v63  }
0x11e: {  	_ =	swait.ge [sflag:s2], $0x400  }
0x11f: {  	s16 =	sadd.s32 $0x1, s16;
	s18 =	rddreg [dreg:$0x13]  }
0x120: {  	p0 =	sne.s32 s16, s18  }
.Ltmp2:
0x121: {  	_ = 	snop;
	(pc) =	sbr.rel @p0 .LBB2_1-.Ltmp2, $3  }
0x122: {  	_ =	sdelay $0x1  }
0x123: {  	[sflag:s2] =	ssyncset.done $0x0  }
0x124: {  	[sflag:s2] =	ssyncadd.s32 $0xFFFFFC00  }
0x125: {  	_ =	sfence.sel $0x180000  }
0x126: {  	[bflag:$0x0] =	sbarrier.arrive $0xFFFF  }
0x127: {  	_ =	strace $0x9000004A  }
0x128: {  	s0 =	stileid.u32;
	[bflag:$0x2] =	sbarrier.arrive $0xFFFF  }
0x129: {  	p0 =	sne.s32 s0, $0x0;
	s0 =	rddreg [dreg:$0x2]  }
0x12a: {  	s0 =	sadd.s32 @!p0 $0x100000, s0  }
0x12b: {  	[sflag:s0] =	ssyncadd.tile.s32 @!p0 $0x1;
	_ =	shalt  }
.Lfunc_end2:
_tile_overlayer_lowered:
.L_overlay_start_2:
0x12c: {  	(tag) =	ssettag $0x2  }
0x12d: {  	s0 =	rddreg [dreg:$0x0];
	s2 =	stileid.u32  }
0x12e: {  	s1 =	rddreg [dreg:$0x1];
	p0 =	sne.s32 s2, $0x0  }
0x12f: {  	s3 =	rddreg [dreg:$0x2];
	[bflag:$0x3] =	sbarrier.arrive $0xFFFF;
	s2 =	simm.s32 @!p0 $0x1C07  }
0x130: {  	[timem:s3], [sflag:s2] =	dma.local @!p0 [hbm:s0], s1  }
0x131: {  	s0 =	simm.s32 @!p0 $0x7  }
0x132: {  	_ =	swait.ge @!p0 [sflag:s0], s1  }
0x133: {  	s1 =	ssub.s32 @!p0 $0x0, s1;
	[sflag:s0] =	ssyncset.done @!p0 $0x0  }
0x134: {  	[sflag:s0] =	ssyncadd.s32 @!p0 s1  }
0x135: {  	[bflag:$0x3] =	sbarrier.arrive $0xFFFF  }
0x136: {  	_ =	shalt  }

// kernel: kernel.7.cloned.1.call-start
scs
__scs_entry_jumppad:
0x0: {  	(pc) =	sbr.rel $0x88, $3  }
0x1: {  	(tag) =	ssettag $0x0;
	lr =	simm.s32 $0x1  }
0x2: {  	[smem:$0x3F89] =	sst lr;
	_ =	strace $0xD0000000  }
0x3: {  	_ = 	snop  }
0x4: {  	_ = 	snop  }
0x5: {  	_ = 	snop  }
0x6: {  	_ = 	snop  }
0x7: {  	_ = 	snop  }
__scs_overlays_trampoline_lowered:
0x8: {  	[smem:$0x3F98] =	sst s0  }
0x9: {  	[smem:$0x3F99] =	sst s1  }
0xa: {  	[smem:$0x3F9A] =	sst s2  }
0xb: {  	[smem:$0x3F9B] =	sst s3  }
0xc: {  	[smem:$0x3F9C] =	sst s4  }
0xd: {  	[smem:$0x3F9D] =	sst s5  }
0xe: {  	[smem:$0x3F9E] =	sst s6  }
0xf: {  	[smem:$0x3F9F] =	sst s7  }
0x10: {  	[smem:$0x3FA0] =	sst s8  }
0x11: {  	[smem:$0x3FA1] =	sst s9;
	s0 =	simm.s32 @!p0 $0x0  }
0x12: {  	s1 =	sld [smem:$0x3F87];
	s0 =	simm.s32 @p0 $0x1  }
0x13: {  	[smem:$0x3FA2] =	sst s0;
	s0 =	simm.s32 @!p1 $0x0  }
0x14: {  	s2 =	sld [smem:$0x3F86];
	s0 =	simm.s32 @p1 $0x1  }
0x15: {  	[smem:$0x3FA3] =	sst s0;
	s0 =	simm.s32 @!p2 $0x0  }
0x16: {  	s3 =	sld [smem:$0x3FDB];
	s0 =	simm.s32 @p2 $0x1  }
0x17: {  	s4 =	simm.s32 $0x1BF5;
	[smem:$0x3FA5] =	sst s0  }
0x18: {  	s0 =	sld [smem:$0x3F88];
	_ =	swait.ge [sflag:s4], $0x0  }
0x19: {  	s7 =	sld [smem:$0x3F89]  }
0x1a: {  	s8 =	sadd.s32 $0xFFFFE003, lr  }
0x1b: {  	s9 =	sadd.s32 $0xFFFFFEF7, lr;
	s5 =	simm.s32 $0xFFFFFFFF;
	p2 =	slt.u32 s8, $0xFFFFF086  }
0x1c: {  	p1 =	slt.u32 s9, $0xF7A;
	s5 =	simm.s32 @!p2 $0x0  }
0x1d: {  	s5 =	simm.s32 @p1 $0x1;
	p0 =	seq.s32 s7, s2  }
0x1e: {  	s7 =	smul.u32 @!p0 $0xF7A, s2;
	p2 =	seq.s32 @!p0 s5, $0x0  }
0x1f: {  	s9 =	smul.u32 $0xF7A, s1;
	s8 =	simm.s32 @!p0 $0x1BF5;
	p2 =	por !p2, p0  }
0x20: {  	[sflag:s8] =	ssyncset.s32 @!p0 $0xFFFFF086;
	s6 =	sadd.s32 @!p0 s3, s7;
	s7 =	simm.s32 @!p0 $0x108  }
0x21: {  	s3 =	sadd.s32 s3, s9;
	s6 =	sadd.s32 @!p0 $0x88, s6;
	s7 =	simm.s32 @p2 $0x1082  }
0x22: {  	[simem:s7], [sflag:s8] =	dma.local @!p0 [hbm:s6], $0xF7A  }
0x23: {  	s9 =	sor.u32 $0xD0000000, s2;
	s6 =	simm.s32 $0x108;
	_ =	swait.ge @!p0 [sflag:s8], $0x0  }
0x24: {  	s3 =	sadd.s32 $0x88, s3;
	s6 =	simm.s32 @!p1 $0x1082;
	[sflag:s4] =	ssyncset.s32 $0xFFFFF086  }
0x25: {  	[simem:s6], [sflag:s4] =	dma.local [hbm:s3], $0xF7A  }
0x26: {  	[smem:$0x3F89] =	sst s1;
	(tag) =	ssettag s2;
	_ =	strace s9  }
0x27: {  	s1 =	sld [smem:$0x3F99]  }
0x28: {  	s2 =	sld [smem:$0x3F9A]  }
0x29: {  	s4 =	sld [smem:$0x3F9C]  }
0x2a: {  	p0 =	seq.s32 s5, $0x0;
	s5 =	sld [smem:$0x3F9D]  }
0x2b: {  	s6 =	sld [smem:$0x3F9E]  }
0x2c: {  	s7 =	sld [smem:$0x3F9F]  }
0x2d: {  	s3 =	simm.s32 $0x108;
	s8 =	sld [smem:$0x3FA0]  }
0x2e: {  	s3 =	simm.s32 @!p0 $0x1082;
	s9 =	sld [smem:$0x3FA1]  }
0x2f: {  	lr =	sadd.s32 s0, s3;
	s0 =	sld [smem:$0x3F98]  }
0x30: {  	s3 =	sld [smem:$0x3F9B]  }
0x31: {  	[smem:$0x3FA4] =	sst s10  }
0x32: {  	s10 =	sld [smem:$0x3FA2];
	_ =	sdelay $0x3  }
0x33: {  	p0 =	seq.s32 s10, $0x1;
	s10 =	sld [smem:$0x3FA4];
	_ =	sdelay $0x3  }
0x34: {  	[smem:$0x3FA4] =	sst s10  }
0x35: {  	s10 =	sld [smem:$0x3FA3];
	_ =	sdelay $0x3  }
0x36: {  	p1 =	seq.s32 s10, $0x1;
	s10 =	sld [smem:$0x3FA4];
	_ =	sdelay $0x3  }
0x37: {  	[smem:$0x3FA4] =	sst s10  }
0x38: {  	s10 =	sld [smem:$0x3FA5]  }
0x39: {  	_ = 	snop;
	(pc) =	sbr.ind lr, $3  }
0x3a: {  	_ = 	snop  }
0x3b: {  	_ = 	snop  }
0x3c: {  	p2 =	seq.s32 s10, $0x1;
	s10 =	sld [smem:$0x3FA4]  }
0x3d: {  	_ =	shalt  }
0x3e: {  	_ =	shalt  }
0x3f: {  	_ =	shalt  }
0x40: {  	_ =	shalt  }
0x41: {  	_ =	shalt  }
0x42: {  	_ =	shalt  }
0x43: {  	_ =	shalt  }
0x44: {  	_ =	shalt  }
0x45: {  	_ =	shalt  }
0x46: {  	_ =	shalt  }
0x47: {  	_ =	shalt  }
0x48: {  	_ =	shalt  }
0x49: {  	_ =	shalt  }
0x4a: {  	_ =	shalt  }
0x4b: {  	_ =	shalt  }
0x4c: {  	_ =	shalt  }
0x4d: {  	_ =	shalt  }
0x4e: {  	_ =	shalt  }
0x4f: {  	_ =	shalt  }
0x50: {  	_ =	shalt  }
0x51: {  	_ =	shalt  }
0x52: {  	_ =	shalt  }
0x53: {  	_ =	shalt  }
0x54: {  	_ =	shalt  }
0x55: {  	_ =	shalt  }
0x56: {  	_ =	shalt  }
0x57: {  	_ =	shalt  }
0x58: {  	_ =	shalt  }
0x59: {  	_ =	shalt  }
0x5a: {  	_ =	shalt  }
0x5b: {  	_ =	shalt  }
0x5c: {  	_ =	shalt  }
0x5d: {  	_ =	shalt  }
0x5e: {  	_ =	shalt  }
0x5f: {  	_ =	shalt  }
0x60: {  	_ =	shalt  }
0x61: {  	_ =	shalt  }
0x62: {  	_ =	shalt  }
0x63: {  	_ =	shalt  }
0x64: {  	_ =	shalt  }
0x65: {  	_ =	shalt  }
0x66: {  	_ =	shalt  }
0x67: {  	_ =	shalt  }
0x68: {  	_ =	shalt  }
0x69: {  	_ =	shalt  }
0x6a: {  	_ =	shalt  }
0x6b: {  	_ =	shalt  }
0x6c: {  	_ =	shalt  }
0x6d: {  	_ =	shalt  }
0x6e: {  	_ =	shalt  }
0x6f: {  	_ =	shalt  }
0x70: {  	_ =	shalt  }
0x71: {  	_ =	shalt  }
0x72: {  	_ =	shalt  }
0x73: {  	_ =	shalt  }
0x74: {  	_ =	shalt  }
0x75: {  	_ =	shalt  }
0x76: {  	_ =	shalt  }
0x77: {  	_ =	shalt  }
0x78: {  	_ =	shalt  }
0x79: {  	_ =	shalt  }
0x7a: {  	_ =	shalt  }
0x7b: {  	_ =	shalt  }
0x7c: {  	_ =	shalt  }
0x7d: {  	_ =	shalt  }
0x7e: {  	_ =	shalt  }
0x7f: {  	_ =	shalt  }
0x80: {  	_ =	shalt  }
0x81: {  	_ =	shalt  }
0x82: {  	_ =	shalt  }
0x83: {  	_ =	shalt  }
0x84: {  	_ =	shalt  }
0x85: {  	_ =	shalt  }
0x86: {  	_ =	shalt  }
0x87: {  	_ =	shalt  }
.Lfunc_end0:
.L_simem_size_0:
called_computation_lowered:
.L_overlay_start_0:
0x88: {  	s2 =	sld [smem:$0x3FD9]  }
0x89: {  	s3 =	sld [smem:$0x3FFE];
	_ =	sdelay $0x1  }
0x8a: {  	s1 =	srdreg.scid  }
0x8b: {  	s0 =	sand.u32 $0x1, s1  }
0x8c: {  	s16 =	sshll.u32 s0, $0xA;
	s2 =	sadd.s32 s3, s2  }
0x8d: {  	s2 =	sadd.s32 s2, s16  }
0x8e: {  	[smem:$0x3FB0] =	sst s2  }
0x8f: {  	_ = 	snop  }
0x90: {  	(tm) =	ssettm $0x1  }
0x91: {  	s17 =	sld [smem:$0x3FFB];
	_ =	sdelay $0x3  }
0x92: {  	_ =	strace s17  }
0x93: {  	s2 =	sld [smem:$0x3FFC];
	_ =	sdelay $0x3  }
0x94: {  	_ =	strace s2  }
0x95: {  	s2 =	sld [smem:$0x3FFD];
	_ =	sdelay $0x3  }
0x96: {  	_ =	strace s2  }
0x97: {  	_ =	strace $0x8FFFFFFF  }
0x98: {  	s18 =	sld [smem:$0x3FDB];
	_ =	sdelay $0x1  }
0x99: {  	s19 =	simm.s32 $_scs_section_size  }
0x9a: {  	s4 =	simm.s32 $_size__tile_overlayer_lowered;
	s5 =	simm.s32 $_tile_overlayer_lowered  }
0x9b: {  	s22 =	simm.s32 $0x1BFF;
	s21 =	sshll.u32 s5, $0x1;
	s2 =	sadd.s32 s19, s18  }
0x9c: {  	s6 =	simm.s32 $0x0;
	s20 =	sshll.u32 s4, $0x1;
	s4 =	sadd.s32 s21, s2  }
0x9d: {  	[timem:s6], [sflag:s22] =	dma.local [hbm:s4], s20  }
0x9e: {  	_ =	swait.ge [sflag:s22], s20  }
0x9f: {  	s3 =	ssub.s32 $0x0, s20;
	[sflag:s22] =	ssyncset.done $0x0  }
0xa0: {  	[sflag:s22] =	ssyncadd.s32 s3;
	_ =	sdelay $0x1  }
0xa1: {  	s23 =	simm.s32 $0x1B8B  }
0xa2: {  	_ =	swait.ge [sflag:s23], $0x1  }
0xa3: {  	[sflag:s23] =	ssyncset.done $0x0  }
0xa4: {  	s25 =	simm.s32 $0x1B8E;
	s24 =	sld [smem:$0x3FFE];
	[sflag:s23] =	ssyncadd.s32 $0xFFFFFFFF  }
0xa5: {  	s26 =	simm.s32 $execute0_lowered;
	[smem:$0x3FD2] =	sst s25  }
0xa6: {  	s4 =	sshll.u32 s26, $0x1;
	_ =	strace $0x80000046;
	[dreg:$0x1] =	wrdreg $0xFFFFFFFF  }
0xa7: {  	s28 =	simm.s32 $_size_execute0_lowered;
	s2 =	sadd.s32 s2, s4;
	[dreg:$0x0] =	wrdreg $0x0  }
0xa8: {  	s4 =	sshll.u32 s28, $0x1;
	[dreg:$0x2] =	wrdreg s2  }
0xa9: {  	[dreg:$0x3] =	wrdreg s4  }
0xaa: {  	[dreg:$0x4] =	wrdreg $0xC0  }
0xab: {  	_ =	task [dreg:s6], $0x5FFFF  }
0xac: {  	[dreg:$0x1] =	wrdreg $0xFFFFFFFF  }
0xad: {  	[dreg:$0x0] =	wrdreg $0x60  }
0xae: {  	[dreg:$0x2] =	wrdreg s24  }
0xaf: {  	[dreg:$0x3] =	wrdreg $0xC3000  }
0xb0: {  	[dreg:$0x4] =	wrdreg $0x9  }
0xb1: {  	_ =	task.clear_ibuf [dreg:s6], $0x5FFFF;
	_ =	strace $0x90000046  }
0xb2: {  	s29 =	simm.s32 $0x9;
	_ =	strace $0x80000048  }
0xb3: {  	_ =	swait.ge [sflag:s29], $0x1  }
0xb4: {  	[sflag:s29] =	ssyncadd.s32 $0xFFFFFFFF  }
0xb5: {  	_ =	strace $0x90000048  }
0xb6: {  	_ =	sfence  }
0xb7: {  	s30 =	sld [smem:$0x0];
	_ =	sdelay $0x2  }
0xb8: {  	s31 =	sshll.u32 s1, $0xD;
	s1 =	sshrl.u32 s1, $0x2  }
0xb9: {  	s3 =	sand.u32 $0x4000, s31;
	s1 =	sadd.s32 s1, s30  }
0xba: {  	s0 =	sor.u32 s3, s0;
	s1 =	sshll.u32 s1, $0x11  }
0xbb: {  	s0 =	sor.u32 s1, s0  }
0xbc: {  	s0 =	sadd.s32 $0x8F2B, s0  }
0xbd: {  	[sflag:s0] =	ssyncadd.remote.s32 $0x1  }
0xbe: {  	_ =	sfence.sel $0xFFFF  }
0xbf: {  	[dreg:$0x0] =	wrdreg $0xFFFFFFFF;
	(pc) =	sbr.abs _section_cstart, $3  }
0xc0: {  	[dreg:$0x1] =	wrdreg $0xFFFFFFFF  }
0xc1: {  	_ =	task.clear_ibuf [dreg:s6], $0x2FFFF;
	_ =	strace $0x9FFFFFFF  }
0xc2: {  	(tm) =	ssettm $0x7FFFFFFF  }
0xc3: {  	_ =	shalt  }
tec
execute0_lowered:
.L_overlay_start_1:
0x0: {  	(tag) =	ssettag $0x1  }
0x1: {  	s1 =	rddreg [dreg:$0x0];
	s3 =	srdreg.scid  }
0x2: {  	s0 =	simm.s32 $0x0;
	s19 =	stileid.u32;
	s28 =	rddreg [dreg:$0x1]  }
0x3: {  	[smem:$0x7FF] =	sst s0;
	s2 =	sadd.s32 $0x65000, s1;
	s9 =	sand.u32 $0x1, s3  }
0x4: {  	s10 =	sadd.s32 $0xC6C00, s1;
	s11 =	sadd.s32 $0x78A00, s1;
	s7 =	sshll.u32 s19, $0xA  }
0x5: {  	s12 =	smul.u32 $0x13800, s19;
	s31 =	sadd.s32 $0x3400, s1;
	s3 =	ssub.s32 $0x2, s9  }
0x6: {  	s5 =	sshll.u32 s9, $0x4;
	s8 =	sand.u32 $0x400, s7;
	s14 =	smul.u32 $0x138800, s9  }
0x7: {  	s9 =	smul.u32 $0x4E200, s9;
	s4 =	sshrl.u32 s3, $0x1;
	s5 =	sor.u32 s19, s5  }
0x8: {  	s7 =	sadd.s32 $0x10000, s12;
	s8 =	sor.u32 $0x138000, s8;
	s6 =	ssub.s32 s3, s4  }
0x9: {  	s13 =	smul.u32 $0x4E20, s5;
	s3 =	sadd.s32 $0x4000, s12;
	s4 =	sadd.s32 $0x8000, s12  }
0xa: {  	s5 =	sadd.s32 $0xC000, s12;
	s12 =	sadd.s32 s12, s14;
	s18 =	sadd.s32 s14, s7  }
0xb: {  	s15 =	sadd.s32 s14, s3;
	s12 =	sshrl.u32 s12, $0x3;
	s16 =	sadd.s32 s14, s4  }
0xc: {  	s24 =	sadd.s32 s14, s5;
	s18 =	sshrl.u32 s18, $0x3;
	s14 =	sadd.s32 s14, s8  }
0xd: {  	s6 =	smax.u32 s6, $0x1;
	s13 =	sshrl.u32 s13, $0x3;
	s17 =	sadd.s32 s10, s12  }
0xe: {  	s15 =	sshrl.u32 s15, $0x3;
	s25 =	sadd.s32 s10, s18;
	[dreg:$0x3] =	wrdreg s17  }
0xf: {  	s16 =	sshrl.u32 s16, $0x3;
	s26 =	sadd.s32 s11, s12;
	[dreg:$0x7] =	wrdreg s25  }
0x10: {  	s14 =	sshrl.u32 s14, $0x3;
	s22 =	sadd.s32 s10, s15;
	[dreg:$0x9] =	wrdreg s26  }
0x11: {  	s23 =	sadd.s32 s10, s16;
	s17 =	sshrl.u32 s24, $0x3;
	[dreg:$0x4] =	wrdreg s22  }
0x12: {  	s12 =	sadd.s32 s11, s15;
	s15 =	sadd.s32 s11, s16;
	[dreg:$0x5] =	wrdreg s23  }
0x13: {  	s16 =	smul.u32 $0x4E20, s19;
	s21 =	sadd.s32 s2, s13;
	[dreg:$0xa] =	wrdreg s12  }
0x14: {  	s24 =	sadd.s32 $0x9B0, s13;
	s25 =	sadd.s32 $0x9C0, s13;
	[dreg:$0xb] =	wrdreg s15  }
0x15: {  	s20 =	sadd.s32 s10, s17;
	s10 =	sadd.s32 s10, s14;
	[dreg:$0xf] =	wrdreg s21  }
0x16: {  	s17 =	sadd.s32 s11, s17;
	s22 =	sadd.s32 $0x10, s13;
	[dreg:$0x6] =	wrdreg s20  }
0x17: {  	s23 =	sadd.s32 $0x20, s13;
	s21 =	sadd.s32 s2, s25;
	[dreg:$0x8] =	wrdreg s10  }
0x18: {  	s12 =	simm.s32 $0x80;
	s15 =	simm.s32 $0x6;
	[dreg:$0xc] =	wrdreg s17  }
0x19: {  	s20 =	sadd.s32 s11, s18;
	s11 =	sadd.s32 s11, s14;
	[dreg:$0x17] =	wrdreg s21  }
0x1a: {  	s9 =	sadd.s32 s16, s9;
	s26 =	sadd.s32 s2, s22;
	[dreg:$0xd] =	wrdreg s20  }
0x1b: {  	s17 =	sadd.s32 s2, s24;
	s21 =	simm.s32 $0x20;
	[dreg:$0xe] =	wrdreg s11  }
0x1c: {  	s14 =	simm.s32 $0x2;
	s11 =	sadd.s32 $0x51600, s1;
	[dreg:$0x11] =	wrdreg s26  }
0x1d: {  	[dreg:$0x15] =	wrdreg s17;
	s20 =	sadd.s32 $0x200, s9;
	s9 =	sadd.s32 $0x180, s9  }
0x1e: {  	s1 =	sadd.s32 s3, s28;
	s3 =	sadd.s32 s5, s28;
	s13 =	sadd.s32 s11, s13  }
0x1f: {  	s5 =	sadd.s32 s8, s28;
	s10 =	sadd.s32 s11, s22;
	[dreg:$0x10] =	wrdreg s13  }
0x20: {  	s8 =	simm.s32 $0x7;
	s16 =	sadd.s32 s11, s23;
	[dreg:$0x12] =	wrdreg s10  }
0x21: {  	s17 =	simm.s32 $0x3;
	s18 =	sadd.s32 s11, s24;
	[dreg:$0x14] =	wrdreg s16  }
0x22: {  	s22 =	sadd.s32 s11, s25;
	s9 =	sshrl.u32 s9, $0x3;
	[dreg:$0x16] =	wrdreg s18  }
0x23: {  	s13 =	sadd.s32 s2, s23;
	s10 =	sshrl.u32 s20, $0x3;
	[dreg:$0x18] =	wrdreg s22  }
0x24: {  	s26 =	sadd.s32 s9, s2;
	s23 =	smul.u32 $0x4E000, s19;
	s30 =	sadd.s32 s9, s11  }
0x25: {  	s9 =	simm.s32 $0x100;
	s19 =	simm.s32 $0x4;
	s16 =	simm.s32 $0x0  }
0x26: {  	[dreg:$0x13] =	wrdreg s13;
	s25 =	sadd.s32 s10, s2;
	s29 =	sadd.s32 s10, s11  }
0x27: {  	s2 =	sadd.s32 s4, s28;
	s4 =	sadd.s32 s7, s28;
	s7 =	simm.s32 $0x300  }
0x28: {  	s10 =	simm.s32 $0x180;
	s11 =	simm.s32 $0x5;
	s13 =	simm.s32 $0x8300  }
0x29: {  	_ =	strace $0x80000047;
	s24 =	sshrl.u32 s23, $0x2;
	[dreg:$0x19] =	wrdreg s6  }
0x2a: {  	v0 =	vimm.f32 $0.0e+00;
	v1 =	vimm.f32 $1.000000000e+00;
	s6 =	simm.s32 $0x1;
	s23 =	simm.s32 $0x4300;
	s24 =	sadd.s32 s24, s28  }
.LBB2_1:
0x2b: {  	s18 =	simm.s32 $0x0;
	s20 =	simm.s32 $0x200  }
.LBB2_2:
0x2c: {  	p0 =	sne.s32 s20, $0xFE00;
	[tilespmem:s18+$0x8370] =	vst v1  }
0x2d: {  	[tilespmem:s18+$0x300] =	vst v0  }
0x2e: {  	[tilespmem:s18+$0x8300] =	vst v1  }
0x2f: {  	[tilespmem:s18+$0x310] =	vst v0  }
0x30: {  	[tilespmem:s18+$0x8310] =	vst v1  }
0x31: {  	[tilespmem:s18+$0x320] =	vst v0  }
0x32: {  	[tilespmem:s18+$0x8320] =	vst v1  }
0x33: {  	[tilespmem:s18+$0x330] =	vst v0  }
0x34: {  	[tilespmem:s18+$0x8330] =	vst v1  }
0x35: {  	[tilespmem:s18+$0x340] =	vst v0  }
0x36: {  	[tilespmem:s18+$0x8340] =	vst v1  }
.Ltmp0:
0x37: {  	[tilespmem:s18+$0x350] =	vst v0;
	(pc) =	sbr.rel @p0 .LBB2_2-.Ltmp0, $4  }
0x38: {  	[tilespmem:s18+$0x8350] =	vst v1  }
0x39: {  	[tilespmem:s18+$0x360] =	vst v0  }
0x3a: {  	[tilespmem:s18+$0x8360] =	vst v1  }
0x3b: {  	[tilespmem:s18+$0x370] =	vst v0;
	s18 =	sshra.s32 s20, $0x2;
	s20 =	sadd.s32 $0x200, s20  }
0x3c: {  	[tilespmem:s18+$0x8370] =	vst v1  }
0x3d: {  	[tilespmem:s18+$0x300] =	vst v0  }
0x3e: {  	[tilespmem:s18+$0x8300] =	vst v1  }
0x3f: {  	[tilespmem:s18+$0x310] =	vst v0  }
0x40: {  	[tilespmem:s18+$0x8310] =	vst v1  }
0x41: {  	[tilespmem:s18+$0x320] =	vst v0  }
0x42: {  	[tilespmem:s18+$0x8320] =	vst v1  }
0x43: {  	[tilespmem:s18+$0x330] =	vst v0  }
0x44: {  	[tilespmem:s18+$0x8330] =	vst v1  }
0x45: {  	[tilespmem:s18+$0x340] =	vst v0  }
0x46: {  	[tilespmem:s18+$0x8340] =	vst v1  }
0x47: {  	[tilespmem:s18+$0x350] =	vst v0  }
0x48: {  	[tilespmem:s18+$0x8350] =	vst v1  }
0x49: {  	[tilespmem:s18+$0x360] =	vst v0  }
0x4a: {  	[tilespmem:s18+$0x8360] =	vst v1  }
0x4b: {  	[tilespmem:s18+$0x370] =	vst v0  }
0x4c: {  	[spmem:s24] =	stream.linear.scatter [tilespmem:s7], [sflag:$0x7], $0x4000, $0x38;
	[tilespmem:$0x1FB80] =	vst v63  }
0x4d: {  	_ =	swait.ge [sflag:s8], $0x4000  }
0x4e: {  	[sflag:s8] =	ssyncset.done $0x0  }
0x4f: {  	[sflag:s8] =	ssyncadd.s32 $0xFFFFC000  }
0x50: {  	[spmem:s1] =	stream.linear.scatter [tilespmem:s7], [sflag:$0x7], $0x4000, $0x38;
	[tilespmem:$0x1FB80] =	vst v63  }
0x51: {  	_ =	swait.ge [sflag:s8], $0x4000  }
0x52: {  	[sflag:s8] =	ssyncset.done $0x0  }
0x53: {  	[sflag:s8] =	ssyncadd.s32 $0xFFFFC000  }
0x54: {  	[spmem:s2] =	stream.linear.scatter [tilespmem:s7], [sflag:$0x7], $0x4000, $0x38;
	[tilespmem:$0x1FB80] =	vst v63  }
0x55: {  	_ =	swait.ge [sflag:s8], $0x4000  }
0x56: {  	[sflag:s8] =	ssyncset.done $0x0  }
0x57: {  	[sflag:s8] =	ssyncadd.s32 $0xFFFFC000  }
0x58: {  	[spmem:s3] =	stream.linear.scatter [tilespmem:s7], [sflag:$0x7], $0x4000, $0x38;
	[tilespmem:$0x1FB80] =	vst v63  }
0x59: {  	_ =	swait.ge [sflag:s8], $0x4000  }
0x5a: {  	[sflag:s8] =	ssyncset.done $0x0  }
0x5b: {  	[sflag:s8] =	ssyncadd.s32 $0xFFFFC000  }
0x5c: {  	[spmem:s4] =	stream.linear.scatter [tilespmem:s7], [sflag:$0x7], $0x3800, $0x38;
	[tilespmem:$0x1FB80] =	vst v63  }
0x5d: {  	_ =	swait.ge [sflag:s8], $0x3800  }
0x5e: {  	[sflag:s8] =	ssyncset.done $0x0  }
0x5f: {  	[sflag:s8] =	ssyncadd.s32 $0xFFFFC800  }
0x60: {  	[spmem:s5] =	stream.linear.scatter [tilespmem:s7], [sflag:$0x7], $0x400, $0x38;
	[tilespmem:$0x1FB80] =	vst v63  }
0x61: {  	_ =	swait.ge [sflag:s8], $0x400  }
0x62: {  	[sflag:s8] =	ssyncset.done $0x0  }
0x63: {  	[sflag:s8] =	ssyncadd.s32 $0xFFFFFC00  }
0x64: {  	[bflag:$0x0] =	sbarrier.arrive $0xFFFF  }
0x65: {  	s18 =	simm.s32 $0x0;
	s20 =	rddreg [dreg:$0xf]  }
0x66: {  	[tilespmem:s9], [sflag:$0x5] =	stream.linear.gather [hbm4b:s20+s18], $0x80, $0x38;
	[tilespmem:$0x1FB80] =	vst v63  }
0x67: {  	s22 =	rddreg [dreg:$0x11]  }
0x68: {  	[tilespmem:s10], [sflag:$0x6] =	stream.linear.gather [hbm4b:s22+s18], $0x80, $0x38;
	[tilespmem:$0x1FB80] =	vst v63  }
0x69: {  	_ =	swait.ge [sflag:s11], $0x80  }
0x6a: {  	[sflag:s11] =	ssyncset.done $0x0  }
0x6b: {  	[sflag:s11] =	ssyncadd.s32 $0xFFFFFF80  }
0x6c: {  	[spmem:s28] =	stream.indirect.scatter.add.f32 [tilespmem:s13], [sflag:$0x3], $0x80, s9, s12, $0xb8;
	[tilespmem:$0x1FB80] =	vst v63  }
0x6d: {  	_ =	swait.ge [sflag:s15], $0x80  }
0x6e: {  	[sflag:s15] =	ssyncset.done $0x0  }
0x6f: {  	[sflag:s15] =	ssyncadd.s32 $0xFFFFFF80  }
0x70: {  	_ =	swait.ge [sflag:s17], $0x4000  }
0x71: {  	[sflag:s17] =	ssyncset.done $0x0  }
0x72: {  	s22 =	rddreg [dreg:$0x13];
	[sflag:s17] =	ssyncadd.s32 $0xFFFFC000  }
0x73: {  	[tilespmem:s9], [sflag:$0x5] =	stream.linear.gather [hbm4b:s22+s18], $0x80, $0x38;
	[tilespmem:$0x1FB80] =	vst v63  }
0x74: {  	_ = 	snop  }
0x75: {  	[spmem:s28] =	stream.indirect.scatter.add.f32 [tilespmem:s13], [sflag:$0x4], $0x80, s10, s12, $0xb8;
	[tilespmem:$0x1FB80] =	vst v63  }
0x76: {  	_ =	swait.ge [sflag:s11], $0x80  }
0x77: {  	[sflag:s11] =	ssyncset.done $0x0  }
0x78: {  	[sflag:s11] =	ssyncadd.s32 $0xFFFFFF80  }
0x79: {  	_ =	swait.ge [sflag:s19], $0x4000  }
0x7a: {  	[sflag:s19] =	ssyncset.done $0x0  }
0x7b: {  	[sflag:s19] =	ssyncadd.s32 $0xFFFFC000  }
0x7c: {  	[spmem:s28] =	stream.indirect.scatter.add.f32 [tilespmem:s13], [sflag:$0x3], $0x80, s9, s12, $0xb8;
	[tilespmem:$0x1FB80] =	vst v63  }
0x7d: {  	s20 =	sadd.s32 $0x0, s26  }
0x7e: {  	[tilespmem:s10], [sflag:$0x6] =	stream.linear.gather [hbm4b:s20+s0], $0x80, $0x38;
	[tilespmem:$0x1FB80] =	vst v63  }
0x7f: {  	_ =	swait.ge [sflag:s15], $0x80  }
0x80: {  	[sflag:s15] =	ssyncset.done $0x0  }
0x81: {  	[sflag:s15] =	ssyncadd.s32 $0xFFFFFF80  }
0x82: {  	_ =	swait.ge [sflag:s17], $0x4000  }
0x83: {  	[sflag:s17] =	ssyncset.done $0x0  }
0x84: {  	s22 =	sadd.s32 $0x0, s25;
	s18 =	simm.s32 $0x20;
	[sflag:s17] =	ssyncadd.s32 $0xFFFFC000  }
0x85: {  	[tilespmem:s9], [sflag:$0x5] =	stream.linear.gather [hbm4b:s22+s0], $0x80, $0x38;
	[tilespmem:$0x1FB80] =	vst v63  }
.LBB2_4:
0x86: {  	[spmem:s28] =	stream.indirect.scatter.add.f32 [tilespmem:s13], [sflag:$0x4], $0x80, s10, s12, $0xb8;
	[tilespmem:$0x1FB80] =	vst v63  }
0x87: {  	s20 =	smov.u32 s18  }
0x88: {  	p0 =	sne.s32 s18, $0x960;
	s18 =	sadd.s32 $0x20, s18;
	_ =	swait.ge [sflag:s11], $0x80  }
0x89: {  	[sflag:s11] =	ssyncset.done $0x0  }
0x8a: {  	[sflag:s11] =	ssyncadd.s32 $0xFFFFFF80  }
0x8b: {  	_ =	swait.ge [sflag:s19], $0x4000  }
0x8c: {  	[sflag:s19] =	ssyncset.done $0x0  }
0x8d: {  	[sflag:s19] =	ssyncadd.s32 $0xFFFFC000  }
0x8e: {  	[spmem:s28] =	stream.indirect.scatter.add.f32 [tilespmem:s13], [sflag:$0x3], $0x80, s9, s12, $0xb8;
	[tilespmem:$0x1FB80] =	vst v63  }
0x8f: {  	s22 =	sadd.s32 s20, s26  }
0x90: {  	[tilespmem:s10], [sflag:$0x6] =	stream.linear.gather [hbm4b:s22+s0], $0x80, $0x38;
	[tilespmem:$0x1FB80] =	vst v63  }
0x91: {  	_ =	swait.ge [sflag:s15], $0x80  }
0x92: {  	[sflag:s15] =	ssyncset.done $0x0  }
.Ltmp1:
0x93: {  	[sflag:s15] =	ssyncadd.s32 $0xFFFFFF80;
	(pc) =	sbr.rel @p0 .LBB2_4-.Ltmp1, $4  }
0x94: {  	_ =	swait.ge [sflag:s17], $0x4000  }
0x95: {  	[sflag:s17] =	ssyncset.done $0x0  }
0x96: {  	s20 =	sadd.s32 s20, s25;
	[sflag:s17] =	ssyncadd.s32 $0xFFFFC000  }
0x97: {  	[tilespmem:s9], [sflag:$0x5] =	stream.linear.gather [hbm4b:s20+s0], $0x80, $0x38;
	[tilespmem:$0x1FB80] =	vst v63  }
0x98: {  	[spmem:s28] =	stream.indirect.scatter.add.f32 [tilespmem:s13], [sflag:$0x4], $0x80, s10, s12, $0xb8;
	[tilespmem:$0x1FB80] =	vst v63  }
0x99: {  	_ =	swait.ge [sflag:s11], $0x80  }
0x9a: {  	[sflag:s11] =	ssyncset.done $0x0  }
0x9b: {  	[sflag:s11] =	ssyncadd.s32 $0xFFFFFF80  }
0x9c: {  	_ =	swait.ge [sflag:s19], $0x4000  }
0x9d: {  	[sflag:s19] =	ssyncset.done $0x0  }
0x9e: {  	[sflag:s19] =	ssyncadd.s32 $0xFFFFC000  }
0x9f: {  	[spmem:s28] =	stream.indirect.scatter.add.f32 [tilespmem:s13], [sflag:$0x3], $0x80, s9, s12, $0xb8;
	[tilespmem:$0x1FB80] =	vst v63  }
0xa0: {  	s18 =	simm.s32 $0x0;
	s20 =	rddreg [dreg:$0x15]  }
0xa1: {  	[tilespmem:s10], [sflag:$0x6] =	stream.linear.gather [hbm4b:s20+s18], $0x80, $0x38;
	[tilespmem:$0x1FB80] =	vst v63  }
0xa2: {  	_ =	swait.ge [sflag:s15], $0x80  }
0xa3: {  	[sflag:s15] =	ssyncset.done $0x0  }
0xa4: {  	[sflag:s15] =	ssyncadd.s32 $0xFFFFFF80  }
0xa5: {  	_ =	swait.ge [sflag:s17], $0x4000  }
0xa6: {  	[sflag:s17] =	ssyncset.done $0x0  }
0xa7: {  	s22 =	simm.s32 $0x280;
	s20 =	rddreg [dreg:$0x17];
	[sflag:s17] =	ssyncadd.s32 $0xFFFFC000  }
0xa8: {  	[tilespmem:s22], [sflag:$0x7] =	stream.linear.gather [hbm4b:s20+s18], $0x20, $0x38;
	[tilespmem:$0x1FB80] =	vst v63  }
0xa9: {  	_ =	swait.ge [sflag:s8], $0x20  }
0xaa: {  	[sflag:s8] =	ssyncset.done $0x0  }
0xab: {  	[sflag:s8] =	ssyncadd.s32 $0xFFFFFFE0  }
0xac: {  	[spmem:s28] =	stream.indirect.scatter.add.f32 [tilespmem:s13], [sflag:$0x4], $0x80, s10, s12, $0xb8;
	[tilespmem:$0x1FB80] =	vst v63  }
0xad: {  	_ = 	snop  }
0xae: {  	[spmem:s28] =	stream.indirect.scatter.add.f32 [tilespmem:s13], [sflag:$0x7], $0x80, s22, s21, $0xb8;
	[tilespmem:$0x1FB80] =	vst v63  }
0xaf: {  	_ =	swait.ge [sflag:s8], $0x1000  }
0xb0: {  	[sflag:s8] =	ssyncset.done $0x0  }
0xb1: {  	[sflag:s8] =	ssyncadd.s32 $0xFFFFF000  }
0xb2: {  	_ =	swait.ge [sflag:s19], $0x4000  }
0xb3: {  	[sflag:s19] =	ssyncset.done $0x0  }
0xb4: {  	[sflag:s19] =	ssyncadd.s32 $0xFFFFC000  }
0xb5: {  	[bflag:$0x0] =	sbarrier.arrive $0xFFFF  }
0xb6: {  	[tilespmem:s7], [sflag:$0x7] =	stream.linear.gather [spmem:s24], $0x4000, $0x38;
	[tilespmem:$0x1FB80] =	vst v63  }
0xb7: {  	_ =	swait.ge [sflag:s8], $0x4000  }
0xb8: {  	[sflag:s8] =	ssyncset.done $0x0  }
0xb9: {  	s21 =	rddreg [dreg:$0x3];
	[sflag:s8] =	ssyncadd.s32 $0xFFFFC000  }
0xba: {  	[hbm4b:s21+s18] =	stream.linear.scatter [tilespmem:s7], [sflag:$0x7], $0x4000, $0x38;
	[tilespmem:$0x1FB80] =	vst v63  }
0xbb: {  	_ =	swait.ge [sflag:s8], $0x4000  }
0xbc: {  	[sflag:s8] =	ssyncset.done $0x0  }
0xbd: {  	[sflag:s8] =	ssyncadd.s32 $0xFFFFC000  }
0xbe: {  	[tilespmem:s7], [sflag:$0x7] =	stream.linear.gather [spmem:s1], $0x4000, $0x38;
	[tilespmem:$0x1FB80] =	vst v63  }
0xbf: {  	_ =	swait.ge [sflag:s8], $0x4000  }
0xc0: {  	[sflag:s8] =	ssyncset.done $0x0  }
0xc1: {  	s22 =	rddreg [dreg:$0x4];
	[sflag:s8] =	ssyncadd.s32 $0xFFFFC000  }
0xc2: {  	[hbm4b:s22+s18] =	stream.linear.scatter [tilespmem:s7], [sflag:$0x7], $0x4000, $0x38;
	[tilespmem:$0x1FB80] =	vst v63  }
0xc3: {  	_ =	swait.ge [sflag:s8], $0x4000  }
0xc4: {  	[sflag:s8] =	ssyncset.done $0x0  }
0xc5: {  	[sflag:s8] =	ssyncadd.s32 $0xFFFFC000  }
0xc6: {  	[tilespmem:s7], [sflag:$0x7] =	stream.linear.gather [spmem:s2], $0x4000, $0x38;
	[tilespmem:$0x1FB80] =	vst v63  }
0xc7: {  	_ =	swait.ge [sflag:s8], $0x4000  }
0xc8: {  	[sflag:s8] =	ssyncset.done $0x0  }
0xc9: {  	s21 =	rddreg [dreg:$0x5];
	[sflag:s8] =	ssyncadd.s32 $0xFFFFC000  }
0xca: {  	[hbm4b:s21+s18] =	stream.linear.scatter [tilespmem:s7], [sflag:$0x7], $0x4000, $0x38;
	[tilespmem:$0x1FB80] =	vst v63  }
0xcb: {  	_ =	swait.ge [sflag:s8], $0x4000  }
0xcc: {  	[sflag:s8] =	ssyncset.done $0x0  }
0xcd: {  	[sflag:s8] =	ssyncadd.s32 $0xFFFFC000  }
0xce: {  	[tilespmem:s7], [sflag:$0x7] =	stream.linear.gather [spmem:s3], $0x4000, $0x38;
	[tilespmem:$0x1FB80] =	vst v63  }
0xcf: {  	_ =	swait.ge [sflag:s8], $0x4000  }
0xd0: {  	[sflag:s8] =	ssyncset.done $0x0  }
0xd1: {  	s22 =	rddreg [dreg:$0x6];
	[sflag:s8] =	ssyncadd.s32 $0xFFFFC000  }
0xd2: {  	[hbm4b:s22+s18] =	stream.linear.scatter [tilespmem:s7], [sflag:$0x7], $0x4000, $0x38;
	[tilespmem:$0x1FB80] =	vst v63  }
0xd3: {  	_ =	swait.ge [sflag:s8], $0x4000  }
0xd4: {  	[sflag:s8] =	ssyncset.done $0x0  }
0xd5: {  	[sflag:s8] =	ssyncadd.s32 $0xFFFFC000  }
0xd6: {  	[tilespmem:s7], [sflag:$0x7] =	stream.linear.gather [spmem:s4], $0x3800, $0x38;
	[tilespmem:$0x1FB80] =	vst v63  }
0xd7: {  	_ =	swait.ge [sflag:s8], $0x3800  }
0xd8: {  	[sflag:s8] =	ssyncset.done $0x0  }
0xd9: {  	s21 =	rddreg [dreg:$0x7];
	[sflag:s8] =	ssyncadd.s32 $0xFFFFC800  }
0xda: {  	[hbm4b:s21+s18] =	stream.linear.scatter [tilespmem:s7], [sflag:$0x7], $0x3800, $0x38;
	[tilespmem:$0x1FB80] =	vst v63  }
0xdb: {  	_ =	swait.ge [sflag:s8], $0x3800  }
0xdc: {  	[sflag:s8] =	ssyncset.done $0x0  }
0xdd: {  	[sflag:s8] =	ssyncadd.s32 $0xFFFFC800  }
0xde: {  	[tilespmem:s7], [sflag:$0x7] =	stream.linear.gather [spmem:s5], $0x400, $0x38;
	[tilespmem:$0x1FB80] =	vst v63  }
0xdf: {  	_ =	swait.ge [sflag:s8], $0x400  }
0xe0: {  	[sflag:s8] =	ssyncset.done $0x0  }
0xe1: {  	s22 =	rddreg [dreg:$0x8];
	[sflag:s8] =	ssyncadd.s32 $0xFFFFFC00  }
0xe2: {  	[hbm4b:s22+s18] =	stream.linear.scatter [tilespmem:s7], [sflag:$0x7], $0x400, $0x38;
	[tilespmem:$0x1FB80] =	vst v63  }
0xe3: {  	_ =	swait.ge [sflag:s8], $0x400  }
0xe4: {  	[sflag:s8] =	ssyncset.done $0x0  }
0xe5: {  	[sflag:s8] =	ssyncadd.s32 $0xFFFFFC00  }
0xe6: {  	s20 =	simm.s32 $0x200;
	s18 =	simm.s32 $0x0;
	[bflag:$0x0] =	sbarrier.arrive $0xFFFF  }
.LBB2_6:
0xe7: {  	p0 =	sne.s32 s20, $0xFE00;
	[tilespmem:s18+$0x370] =	vst v0  }
0xe8: {  	[tilespmem:s18+$0x300] =	vst v0  }
0xe9: {  	[tilespmem:s18+$0x310] =	vst v0  }
.Ltmp2:
0xea: {  	[tilespmem:s18+$0x320] =	vst v0;
	(pc) =	sbr.rel @p0 .LBB2_6-.Ltmp2, $4  }
0xeb: {  	[tilespmem:s18+$0x330] =	vst v0  }
0xec: {  	[tilespmem:s18+$0x340] =	vst v0  }
0xed: {  	[tilespmem:s18+$0x350] =	vst v0  }
0xee: {  	[tilespmem:s18+$0x360] =	vst v0;
	s18 =	sshra.s32 s20, $0x2;
	s20 =	sadd.s32 $0x200, s20  }
0xef: {  	[tilespmem:s18+$0x370] =	vst v0  }
0xf0: {  	[tilespmem:s18+$0x300] =	vst v0  }
0xf1: {  	[tilespmem:s18+$0x310] =	vst v0  }
0xf2: {  	[tilespmem:s18+$0x320] =	vst v0  }
0xf3: {  	[tilespmem:s18+$0x330] =	vst v0  }
0xf4: {  	[tilespmem:s18+$0x340] =	vst v0  }
0xf5: {  	[tilespmem:s18+$0x350] =	vst v0  }
0xf6: {  	[tilespmem:s18+$0x360] =	vst v0  }
0xf7: {  	[spmem:s24] =	stream.linear.scatter [tilespmem:s7], [sflag:$0x7], $0x4000, $0x38;
	[tilespmem:$0x1FB80] =	vst v63  }
0xf8: {  	_ =	swait.ge [sflag:s8], $0x4000  }
0xf9: {  	[sflag:s8] =	ssyncset.done $0x0  }
0xfa: {  	[sflag:s8] =	ssyncadd.s32 $0xFFFFC000  }
0xfb: {  	[spmem:s1] =	stream.linear.scatter [tilespmem:s7], [sflag:$0x7], $0x4000, $0x38;
	[tilespmem:$0x1FB80] =	vst v63  }
0xfc: {  	_ =	swait.ge [sflag:s8], $0x4000  }
0xfd: {  	[sflag:s8] =	ssyncset.done $0x0  }
0xfe: {  	[sflag:s8] =	ssyncadd.s32 $0xFFFFC000  }
0xff: {  	[spmem:s2] =	stream.linear.scatter [tilespmem:s7], [sflag:$0x7], $0x4000, $0x38;
	[tilespmem:$0x1FB80] =	vst v63  }
0x100: {  	_ =	swait.ge [sflag:s8], $0x4000  }
0x101: {  	[sflag:s8] =	ssyncset.done $0x0  }
0x102: {  	[sflag:s8] =	ssyncadd.s32 $0xFFFFC000  }
0x103: {  	[spmem:s3] =	stream.linear.scatter [tilespmem:s7], [sflag:$0x7], $0x4000, $0x38;
	[tilespmem:$0x1FB80] =	vst v63  }
0x104: {  	_ =	swait.ge [sflag:s8], $0x4000  }
0x105: {  	[sflag:s8] =	ssyncset.done $0x0  }
0x106: {  	[sflag:s8] =	ssyncadd.s32 $0xFFFFC000  }
0x107: {  	[spmem:s4] =	stream.linear.scatter [tilespmem:s7], [sflag:$0x7], $0x3800, $0x38;
	[tilespmem:$0x1FB80] =	vst v63  }
0x108: {  	_ =	swait.ge [sflag:s8], $0x3800  }
0x109: {  	[sflag:s8] =	ssyncset.done $0x0  }
0x10a: {  	[sflag:s8] =	ssyncadd.s32 $0xFFFFC800  }
0x10b: {  	[spmem:s5] =	stream.linear.scatter [tilespmem:s7], [sflag:$0x7], $0x400, $0x38;
	[tilespmem:$0x1FB80] =	vst v63  }
0x10c: {  	_ =	swait.ge [sflag:s8], $0x400  }
0x10d: {  	[sflag:s8] =	ssyncset.done $0x0  }
0x10e: {  	[sflag:s8] =	ssyncadd.s32 $0xFFFFFC00  }
0x10f: {  	[bflag:$0x0] =	sbarrier.arrive $0xFFFF  }
0x110: {  	s18 =	simm.s32 $0x0;
	s20 =	rddreg [dreg:$0x10]  }
0x111: {  	[tilespmem:s18], [sflag:$0x5] =	stream.linear.gather [hbm4b:s20+s18], $0x80, $0x38;
	[tilespmem:$0x1FB80] =	vst v63  }
0x112: {  	s21 =	rddreg [dreg:$0xf]  }
0x113: {  	[tilespmem:s9], [sflag:$0x5] =	stream.linear.gather [hbm4b:s21+s18], $0x80, $0x38;
	[tilespmem:$0x1FB80] =	vst v63  }
0x114: {  	s22 =	rddreg [dreg:$0x12]  }
0x115: {  	[tilespmem:s12], [sflag:$0x6] =	stream.linear.gather [hbm4b:s22+s18], $0x80, $0x38;
	[tilespmem:$0x1FB80] =	vst v63  }
0x116: {  	s21 =	rddreg [dreg:$0x11]  }
0x117: {  	[tilespmem:s10], [sflag:$0x6] =	stream.linear.gather [hbm4b:s21+s18], $0x80, $0x38;
	[tilespmem:$0x1FB80] =	vst v63  }
0x118: {  	_ =	swait.ge [sflag:s11], $0x80  }
0x119: {  	[sflag:s11] =	ssyncset.done $0x0  }
0x11a: {  	[sflag:s11] =	ssyncadd.s32 $0xFFFFFF80  }
0x11b: {  	_ =	swait.ge [sflag:s11], $0x80  }
0x11c: {  	[sflag:s11] =	ssyncset.done $0x0  }
0x11d: {  	[sflag:s11] =	ssyncadd.s32 $0xFFFFFF80  }
0x11e: {  	[tilespmem:s7], [sflag:$0x1] =	stream.indirect.gather [hbm4b:s31+s12], $0x80, s18, s12, $0xb8;
	[tilespmem:$0x1FB80] =	vst v63  }
0x11f: {  	_ =	swait.ge [sflag:s6], $0x4000  }
0x120: {  	[sflag:s6] =	ssyncset.done $0x0  }
0x121: {  	[sflag:s6] =	ssyncadd.s32 $0xFFFFC000  }
0x122: {  	[spmem:s28] =	stream.indirect.scatter.add.f32 [tilespmem:s7], [sflag:$0x3], $0x80, s9, s12, $0xb8;
	[tilespmem:$0x1FB80] =	vst v63  }
0x123: {  	_ =	swait.ge [sflag:s15], $0x80  }
0x124: {  	[sflag:s15] =	ssyncset.done $0x0  }
0x125: {  	[sflag:s15] =	ssyncadd.s32 $0xFFFFFF80  }
0x126: {  	_ =	swait.ge [sflag:s15], $0x80  }
0x127: {  	[sflag:s15] =	ssyncset.done $0x0  }
0x128: {  	[sflag:s15] =	ssyncadd.s32 $0xFFFFFF80  }
0x129: {  	[tilespmem:s23], [sflag:$0x2] =	stream.indirect.gather [hbm4b:s31+s12], $0x80, s12, s12, $0xb8;
	[tilespmem:$0x1FB80] =	vst v63  }
0x12a: {  	_ =	swait.ge [sflag:s17], $0x4000  }
0x12b: {  	[sflag:s17] =	ssyncset.done $0x0  }
0x12c: {  	s22 =	rddreg [dreg:$0x14];
	[sflag:s17] =	ssyncadd.s32 $0xFFFFC000  }
0x12d: {  	[tilespmem:s18], [sflag:$0x5] =	stream.linear.gather [hbm4b:s22+s18], $0x80, $0x38;
	[tilespmem:$0x1FB80] =	vst v63  }
0x12e: {  	s21 =	rddreg [dreg:$0x13]  }
0x12f: {  	[tilespmem:s9], [sflag:$0x5] =	stream.linear.gather [hbm4b:s21+s18], $0x80, $0x38;
	[tilespmem:$0x1FB80] =	vst v63  }
0x130: {  	_ =	swait.ge [sflag:s14], $0x4000  }
0x131: {  	[sflag:s14] =	ssyncset.done $0x0  }
0x132: {  	[sflag:s14] =	ssyncadd.s32 $0xFFFFC000  }
0x133: {  	[spmem:s28] =	stream.indirect.scatter.add.f32 [tilespmem:s23], [sflag:$0x4], $0x80, s10, s12, $0xb8;
	[tilespmem:$0x1FB80] =	vst v63  }
0x134: {  	_ =	swait.ge [sflag:s11], $0x80  }
0x135: {  	[sflag:s11] =	ssyncset.done $0x0  }
0x136: {  	[sflag:s11] =	ssyncadd.s32 $0xFFFFFF80  }
0x137: {  	_ =	swait.ge [sflag:s11], $0x80  }
0x138: {  	[sflag:s11] =	ssyncset.done $0x0  }
0x139: {  	[sflag:s11] =	ssyncadd.s32 $0xFFFFFF80  }
0x13a: {  	[tilespmem:s7], [sflag:$0x1] =	stream.indirect.gather [hbm4b:s31+s12], $0x80, s0, s12, $0xb8;
	[tilespmem:$0x1FB80] =	vst v63  }
0x13b: {  	_ =	swait.ge [sflag:s6], $0x4000  }
0x13c: {  	[sflag:s6] =	ssyncset.done $0x0  }
0x13d: {  	[sflag:s6] =	ssyncadd.s32 $0xFFFFC000  }
0x13e: {  	_ =	swait.ge [sflag:s19], $0x4000  }
0x13f: {  	[sflag:s19] =	ssyncset.done $0x0  }
0x140: {  	[sflag:s19] =	ssyncadd.s32 $0xFFFFC000  }
0x141: {  	[spmem:s28] =	stream.indirect.scatter.add.f32 [tilespmem:s7], [sflag:$0x3], $0x80, s9, s12, $0xb8;
	[tilespmem:$0x1FB80] =	vst v63  }
0x142: {  	s22 =	sadd.s32 $0x0, s30  }
0x143: {  	[tilespmem:s12], [sflag:$0x6] =	stream.linear.gather [hbm4b:s22+s0], $0x80, $0x38;
	[tilespmem:$0x1FB80] =	vst v63  }
0x144: {  	s20 =	sadd.s32 $0x0, s26  }
0x145: {  	[tilespmem:s10], [sflag:$0x6] =	stream.linear.gather [hbm4b:s20+s0], $0x80, $0x38;
	[tilespmem:$0x1FB80] =	vst v63  }
0x146: {  	_ =	swait.ge [sflag:s15], $0x80  }
0x147: {  	[sflag:s15] =	ssyncset.done $0x0  }
0x148: {  	[sflag:s15] =	ssyncadd.s32 $0xFFFFFF80  }
0x149: {  	_ =	swait.ge [sflag:s15], $0x80  }
0x14a: {  	[sflag:s15] =	ssyncset.done $0x0  }
0x14b: {  	[sflag:s15] =	ssyncadd.s32 $0xFFFFFF80  }
0x14c: {  	[tilespmem:s23], [sflag:$0x2] =	stream.indirect.gather [hbm4b:s31+s12], $0x80, s12, s12, $0xb8;
	[tilespmem:$0x1FB80] =	vst v63  }
0x14d: {  	_ =	swait.ge [sflag:s17], $0x4000  }
0x14e: {  	[sflag:s17] =	ssyncset.done $0x0  }
0x14f: {  	s21 =	sadd.s32 $0x0, s29;
	[sflag:s17] =	ssyncadd.s32 $0xFFFFC000  }
0x150: {  	[tilespmem:s0], [sflag:$0x5] =	stream.linear.gather [hbm4b:s21+s0], $0x80, $0x38;
	[tilespmem:$0x1FB80] =	vst v63  }
0x151: {  	s22 =	sadd.s32 $0x0, s25  }
0x152: {  	[tilespmem:s9], [sflag:$0x5] =	stream.linear.gather [hbm4b:s22+s0], $0x80, $0x38;
	[tilespmem:$0x1FB80] =	vst v63  }
0x153: {  	_ =	swait.ge [sflag:s14], $0x4000  }
0x154: {  	[sflag:s14] =	ssyncset.done $0x0  }
0x155: {  	s18 =	simm.s32 $0x20;
	[sflag:s14] =	ssyncadd.s32 $0xFFFFC000  }
.LBB2_8:
0x156: {  	[spmem:s28] =	stream.indirect.scatter.add.f32 [tilespmem:s23], [sflag:$0x4], $0x80, s10, s12, $0xb8;
	[tilespmem:$0x1FB80] =	vst v63  }
0x157: {  	s20 =	smov.u32 s18  }
0x158: {  	p0 =	sne.s32 s18, $0x960;
	s18 =	sadd.s32 $0x20, s18;
	_ =	swait.ge [sflag:s11], $0x80  }
0x159: {  	[sflag:s11] =	ssyncset.done $0x0  }
0x15a: {  	[sflag:s11] =	ssyncadd.s32 $0xFFFFFF80  }
0x15b: {  	_ =	swait.ge [sflag:s11], $0x80  }
0x15c: {  	[sflag:s11] =	ssyncset.done $0x0  }
0x15d: {  	[sflag:s11] =	ssyncadd.s32 $0xFFFFFF80  }
0x15e: {  	[tilespmem:s7], [sflag:$0x1] =	stream.indirect.gather [hbm4b:s31+s12], $0x80, s0, s12, $0xb8;
	[tilespmem:$0x1FB80] =	vst v63  }
0x15f: {  	_ =	swait.ge [sflag:s6], $0x4000  }
0x160: {  	[sflag:s6] =	ssyncset.done $0x0  }
0x161: {  	[sflag:s6] =	ssyncadd.s32 $0xFFFFC000  }
0x162: {  	_ =	swait.ge [sflag:s19], $0x4000  }
0x163: {  	[sflag:s19] =	ssyncset.done $0x0  }
0x164: {  	[sflag:s19] =	ssyncadd.s32 $0xFFFFC000  }
0x165: {  	[spmem:s28] =	stream.indirect.scatter.add.f32 [tilespmem:s7], [sflag:$0x3], $0x80, s9, s12, $0xb8;
	[tilespmem:$0x1FB80] =	vst v63  }
0x166: {  	s22 =	sadd.s32 s20, s30  }
0x167: {  	[tilespmem:s12], [sflag:$0x6] =	stream.linear.gather [hbm4b:s22+s0], $0x80, $0x38;
	[tilespmem:$0x1FB80] =	vst v63  }
0x168: {  	s22 =	sadd.s32 s20, s26  }
0x169: {  	[tilespmem:s10], [sflag:$0x6] =	stream.linear.gather [hbm4b:s22+s0], $0x80, $0x38;
	[tilespmem:$0x1FB80] =	vst v63  }
0x16a: {  	_ =	swait.ge [sflag:s15], $0x80  }
0x16b: {  	[sflag:s15] =	ssyncset.done $0x0  }
0x16c: {  	[sflag:s15] =	ssyncadd.s32 $0xFFFFFF80  }
0x16d: {  	_ =	swait.ge [sflag:s15], $0x80  }
0x16e: {  	[sflag:s15] =	ssyncset.done $0x0  }
0x16f: {  	[sflag:s15] =	ssyncadd.s32 $0xFFFFFF80  }
0x170: {  	[tilespmem:s23], [sflag:$0x2] =	stream.indirect.gather [hbm4b:s31+s12], $0x80, s12, s12, $0xb8;
	[tilespmem:$0x1FB80] =	vst v63  }
0x171: {  	_ =	swait.ge [sflag:s17], $0x4000  }
0x172: {  	[sflag:s17] =	ssyncset.done $0x0  }
0x173: {  	s22 =	sadd.s32 s20, s29;
	[sflag:s17] =	ssyncadd.s32 $0xFFFFC000  }
0x174: {  	[tilespmem:s0], [sflag:$0x5] =	stream.linear.gather [hbm4b:s22+s0], $0x80, $0x38;
	[tilespmem:$0x1FB80] =	vst v63  }
.Ltmp3:
0x175: {  	s20 =	sadd.s32 s20, s25;
	(pc) =	sbr.rel @p0 .LBB2_8-.Ltmp3, $4  }
0x176: {  	[tilespmem:s9], [sflag:$0x5] =	stream.linear.gather [hbm4b:s20+s0], $0x80, $0x38;
	[tilespmem:$0x1FB80] =	vst v63  }
0x177: {  	_ =	swait.ge [sflag:s14], $0x4000  }
0x178: {  	[sflag:s14] =	ssyncset.done $0x0  }
0x179: {  	[sflag:s14] =	ssyncadd.s32 $0xFFFFC000  }
0x17a: {  	[spmem:s28] =	stream.indirect.scatter.add.f32 [tilespmem:s23], [sflag:$0x4], $0x80, s10, s12, $0xb8;
	[tilespmem:$0x1FB80] =	vst v63  }
0x17b: {  	_ =	swait.ge [sflag:s11], $0x80  }
0x17c: {  	[sflag:s11] =	ssyncset.done $0x0  }
0x17d: {  	[sflag:s11] =	ssyncadd.s32 $0xFFFFFF80  }
0x17e: {  	_ =	swait.ge [sflag:s11], $0x80  }
0x17f: {  	[sflag:s11] =	ssyncset.done $0x0  }
0x180: {  	[sflag:s11] =	ssyncadd.s32 $0xFFFFFF80  }
0x181: {  	[tilespmem:s7], [sflag:$0x1] =	stream.indirect.gather [hbm4b:s31+s12], $0x80, s0, s12, $0xb8;
	[tilespmem:$0x1FB80] =	vst v63  }
0x182: {  	_ =	swait.ge [sflag:s6], $0x4000  }
0x183: {  	[sflag:s6] =	ssyncset.done $0x0  }
0x184: {  	[sflag:s6] =	ssyncadd.s32 $0xFFFFC000  }
0x185: {  	_ =	swait.ge [sflag:s19], $0x4000  }
0x186: {  	[sflag:s19] =	ssyncset.done $0x0  }
0x187: {  	[sflag:s19] =	ssyncadd.s32 $0xFFFFC000  }
0x188: {  	[spmem:s28] =	stream.indirect.scatter.add.f32 [tilespmem:s7], [sflag:$0x3], $0x80, s9, s12, $0xb8;
	[tilespmem:$0x1FB80] =	vst v63  }
0x189: {  	s18 =	rddreg [dreg:$0x16]  }
0x18a: {  	[tilespmem:s12], [sflag:$0x6] =	stream.linear.gather [hbm4b:s18+s0], $0x80, $0x38;
	[tilespmem:$0x1FB80] =	vst v63  }
0x18b: {  	s22 =	rddreg [dreg:$0x15]  }
0x18c: {  	[tilespmem:s10], [sflag:$0x6] =	stream.linear.gather [hbm4b:s22+s0], $0x80, $0x38;
	[tilespmem:$0x1FB80] =	vst v63  }
0x18d: {  	_ =	swait.ge [sflag:s15], $0x80  }
0x18e: {  	[sflag:s15] =	ssyncset.done $0x0  }
0x18f: {  	[sflag:s15] =	ssyncadd.s32 $0xFFFFFF80  }
0x190: {  	_ =	swait.ge [sflag:s15], $0x80  }
0x191: {  	[sflag:s15] =	ssyncset.done $0x0  }
0x192: {  	[sflag:s15] =	ssyncadd.s32 $0xFFFFFF80  }
0x193: {  	[tilespmem:s23], [sflag:$0x2] =	stream.indirect.gather [hbm4b:s31+s12], $0x80, s12, s12, $0xb8;
	[tilespmem:$0x1FB80] =	vst v63  }
0x194: {  	_ =	swait.ge [sflag:s17], $0x4000  }
0x195: {  	[sflag:s17] =	ssyncset.done $0x0  }
0x196: {  	s21 =	simm.s32 $0x200;
	s20 =	rddreg [dreg:$0x18];
	[sflag:s17] =	ssyncadd.s32 $0xFFFFC000  }
0x197: {  	[tilespmem:s21], [sflag:$0x7] =	stream.linear.gather [hbm4b:s20+s0], $0x20, $0x38;
	[tilespmem:$0x1FB80] =	vst v63  }
0x198: {  	_ =	swait.ge [sflag:s8], $0x20  }
0x199: {  	[sflag:s8] =	ssyncset.done $0x0  }
0x19a: {  	s20 =	simm.s32 $0x280;
	s22 =	rddreg [dreg:$0x17];
	[sflag:s8] =	ssyncadd.s32 $0xFFFFFFE0  }
0x19b: {  	[tilespmem:s20], [sflag:$0x7] =	stream.linear.gather [hbm4b:s22+s0], $0x20, $0x38;
	[tilespmem:$0x1FB80] =	vst v63  }
0x19c: {  	_ =	swait.ge [sflag:s8], $0x20  }
0x19d: {  	[sflag:s8] =	ssyncset.done $0x0  }
0x19e: {  	s22 =	simm.s32 $0x20;
	[sflag:s8] =	ssyncadd.s32 $0xFFFFFFE0  }
0x19f: {  	[tilespmem:s7], [sflag:$0x7] =	stream.indirect.gather [hbm4b:s31+s22], $0x80, s21, s22, $0xb8;
	[tilespmem:$0x1FB80] =	vst v63  }
0x1a0: {  	_ =	swait.ge [sflag:s8], $0x1000  }
0x1a1: {  	[sflag:s8] =	ssyncset.done $0x0  }
0x1a2: {  	[sflag:s8] =	ssyncadd.s32 $0xFFFFF000  }
0x1a3: {  	_ =	swait.ge [sflag:s14], $0x4000  }
0x1a4: {  	[sflag:s14] =	ssyncset.done $0x0  }
0x1a5: {  	[sflag:s14] =	ssyncadd.s32 $0xFFFFC000  }
0x1a6: {  	[spmem:s28] =	stream.indirect.scatter.add.f32 [tilespmem:s23], [sflag:$0x4], $0x80, s10, s12, $0xb8;
	[tilespmem:$0x1FB80] =	vst v63  }
0x1a7: {  	_ = 	snop  }
0x1a8: {  	[spmem:s28] =	stream.indirect.scatter.add.f32 [tilespmem:s7], [sflag:$0x7], $0x80, s20, s22, $0xb8;
	[tilespmem:$0x1FB80] =	vst v63  }
0x1a9: {  	_ =	swait.ge [sflag:s8], $0x1000  }
0x1aa: {  	[sflag:s8] =	ssyncset.done $0x0  }
0x1ab: {  	[sflag:s8] =	ssyncadd.s32 $0xFFFFF000  }
0x1ac: {  	_ =	swait.ge [sflag:s19], $0x4000  }
0x1ad: {  	[sflag:s19] =	ssyncset.done $0x0  }
0x1ae: {  	[sflag:s19] =	ssyncadd.s32 $0xFFFFC000  }
0x1af: {  	[bflag:$0x0] =	sbarrier.arrive $0xFFFF  }
0x1b0: {  	[tilespmem:s7], [sflag:$0x7] =	stream.linear.gather [spmem:s24], $0x4000, $0x38;
	[tilespmem:$0x1FB80] =	vst v63  }
0x1b1: {  	_ =	swait.ge [sflag:s8], $0x4000  }
0x1b2: {  	[sflag:s8] =	ssyncset.done $0x0  }
0x1b3: {  	s22 =	rddreg [dreg:$0x9];
	[sflag:s8] =	ssyncadd.s32 $0xFFFFC000  }
0x1b4: {  	[hbm4b:s22+s0] =	stream.linear.scatter [tilespmem:s7], [sflag:$0x7], $0x4000, $0x38;
	[tilespmem:$0x1FB80] =	vst v63  }
0x1b5: {  	_ =	swait.ge [sflag:s8], $0x4000  }
0x1b6: {  	[sflag:s8] =	ssyncset.done $0x0  }
0x1b7: {  	[sflag:s8] =	ssyncadd.s32 $0xFFFFC000  }
0x1b8: {  	[tilespmem:s7], [sflag:$0x7] =	stream.linear.gather [spmem:s1], $0x4000, $0x38;
	[tilespmem:$0x1FB80] =	vst v63  }
0x1b9: {  	_ =	swait.ge [sflag:s8], $0x4000  }
0x1ba: {  	[sflag:s8] =	ssyncset.done $0x0  }
0x1bb: {  	s20 =	rddreg [dreg:$0xa];
	[sflag:s8] =	ssyncadd.s32 $0xFFFFC000  }
0x1bc: {  	[hbm4b:s20+s0] =	stream.linear.scatter [tilespmem:s7], [sflag:$0x7], $0x4000, $0x38;
	[tilespmem:$0x1FB80] =	vst v63  }
0x1bd: {  	_ =	swait.ge [sflag:s8], $0x4000  }
0x1be: {  	[sflag:s8] =	ssyncset.done $0x0  }
0x1bf: {  	[sflag:s8] =	ssyncadd.s32 $0xFFFFC000  }
0x1c0: {  	[tilespmem:s7], [sflag:$0x7] =	stream.linear.gather [spmem:s2], $0x4000, $0x38;
	[tilespmem:$0x1FB80] =	vst v63  }
0x1c1: {  	_ =	swait.ge [sflag:s8], $0x4000  }
0x1c2: {  	[sflag:s8] =	ssyncset.done $0x0  }
0x1c3: {  	s22 =	rddreg [dreg:$0xb];
	[sflag:s8] =	ssyncadd.s32 $0xFFFFC000  }
0x1c4: {  	[hbm4b:s22+s0] =	stream.linear.scatter [tilespmem:s7], [sflag:$0x7], $0x4000, $0x38;
	[tilespmem:$0x1FB80] =	vst v63  }
0x1c5: {  	_ =	swait.ge [sflag:s8], $0x4000  }
0x1c6: {  	[sflag:s8] =	ssyncset.done $0x0  }
0x1c7: {  	[sflag:s8] =	ssyncadd.s32 $0xFFFFC000  }
0x1c8: {  	[tilespmem:s7], [sflag:$0x7] =	stream.linear.gather [spmem:s3], $0x4000, $0x38;
	[tilespmem:$0x1FB80] =	vst v63  }
0x1c9: {  	_ =	swait.ge [sflag:s8], $0x4000  }
0x1ca: {  	[sflag:s8] =	ssyncset.done $0x0  }
0x1cb: {  	s20 =	rddreg [dreg:$0xc];
	[sflag:s8] =	ssyncadd.s32 $0xFFFFC000  }
0x1cc: {  	[hbm4b:s20+s0] =	stream.linear.scatter [tilespmem:s7], [sflag:$0x7], $0x4000, $0x38;
	[tilespmem:$0x1FB80] =	vst v63  }
0x1cd: {  	_ =	swait.ge [sflag:s8], $0x4000  }
0x1ce: {  	[sflag:s8] =	ssyncset.done $0x0  }
0x1cf: {  	[sflag:s8] =	ssyncadd.s32 $0xFFFFC000  }
0x1d0: {  	[tilespmem:s7], [sflag:$0x7] =	stream.linear.gather [spmem:s4], $0x3800, $0x38;
	[tilespmem:$0x1FB80] =	vst v63  }
0x1d1: {  	_ =	swait.ge [sflag:s8], $0x3800  }
0x1d2: {  	[sflag:s8] =	ssyncset.done $0x0  }
0x1d3: {  	s22 =	rddreg [dreg:$0xd];
	[sflag:s8] =	ssyncadd.s32 $0xFFFFC800  }
0x1d4: {  	[hbm4b:s22+s0] =	stream.linear.scatter [tilespmem:s7], [sflag:$0x7], $0x3800, $0x38;
	[tilespmem:$0x1FB80] =	vst v63  }
0x1d5: {  	_ =	swait.ge [sflag:s8], $0x3800  }
0x1d6: {  	[sflag:s8] =	ssyncset.done $0x0  }
0x1d7: {  	[sflag:s8] =	ssyncadd.s32 $0xFFFFC800  }
0x1d8: {  	[tilespmem:s7], [sflag:$0x7] =	stream.linear.gather [spmem:s5], $0x400, $0x38;
	[tilespmem:$0x1FB80] =	vst v63  }
0x1d9: {  	_ =	swait.ge [sflag:s8], $0x400  }
0x1da: {  	[sflag:s8] =	ssyncset.done $0x0  }
0x1db: {  	s20 =	rddreg [dreg:$0xe];
	[sflag:s8] =	ssyncadd.s32 $0xFFFFFC00  }
0x1dc: {  	[hbm4b:s20+s0] =	stream.linear.scatter [tilespmem:s7], [sflag:$0x7], $0x400, $0x38;
	[tilespmem:$0x1FB80] =	vst v63  }
0x1dd: {  	_ =	swait.ge [sflag:s8], $0x400  }
0x1de: {  	s16 =	sadd.s32 $0x1, s16;
	s22 =	rddreg [dreg:$0x19]  }
0x1df: {  	p0 =	sne.s32 s16, s22  }
.Ltmp4:
0x1e0: {  	_ = 	snop;
	(pc) =	sbr.rel @p0 .LBB2_1-.Ltmp4, $3  }
0x1e1: {  	_ =	sdelay $0x1  }
0x1e2: {  	[sflag:s8] =	ssyncset.done $0x0  }
0x1e3: {  	s21 =	simm.s32 $0x20;
	[sflag:s8] =	ssyncadd.s32 $0xFFFFFC00  }
0x1e4: {  	_ =	sfence.sel $0x180000  }
0x1e5: {  	[bflag:$0x0] =	sbarrier.arrive $0xFFFF  }
0x1e6: {  	_ =	strace $0x90000047  }
0x1e7: {  	s0 =	stileid.u32;
	[bflag:$0x2] =	sbarrier.arrive $0xFFFF  }
0x1e8: {  	p0 =	sne.s32 s0, $0x0;
	s0 =	rddreg [dreg:$0x2]  }
0x1e9: {  	s0 =	sadd.s32 @!p0 $0x100000, s0  }
0x1ea: {  	[sflag:s0] =	ssyncadd.tile.s32 @!p0 $0x1;
	_ =	shalt  }
.Lfunc_end2:
_tile_overlayer_lowered:
.L_overlay_start_2:
0x1eb: {  	(tag) =	ssettag $0x2  }
0x1ec: {  	s0 =	rddreg [dreg:$0x0];
	s2 =	stileid.u32  }
0x1ed: {  	s1 =	rddreg [dreg:$0x1];
	p0 =	sne.s32 s2, $0x0  }
0x1ee: {  	s3 =	rddreg [dreg:$0x2];
	[bflag:$0x3] =	sbarrier.arrive $0xFFFF;
	s2 =	simm.s32 @!p0 $0x1C07  }
0x1ef: {  	[timem:s3], [sflag:s2] =	dma.local @!p0 [hbm:s0], s1  }
0x1f0: {  	s0 =	simm.s32 @!p0 $0x7  }
0x1f1: {  	_ =	swait.ge @!p0 [sflag:s0], s1  }
0x1f2: {  	s1 =	ssub.s32 @!p0 $0x0, s1;
	[sflag:s0] =	ssyncset.done @!p0 $0x0  }
0x1f3: {  	[sflag:s0] =	ssyncadd.s32 @!p0 s1  }
0x1f4: {  	[bflag:$0x3] =	sbarrier.arrive $0xFFFF  }
0x1f5: {  	_ =	shalt  }

</sc_bundles>
